<compile_context>
chip_gen: v7x
topology: tpu7x:2x2x1
jax: 0.10.2.dev20260603
libtpu: 0.0.44.dev20260713+nightly
codegen_flags: <defaults>
</compile_context>

<pallas_src>
import functools

import jax
import jax.numpy as jnp
from jax import lax
from jax.experimental import pallas as pl
from jax.experimental.pallas import tpu as pltpu
from jax.experimental.pallas import tpu_sc as plsc

N = 8192
B = 4
NPC = 2048
K = 16
NB = 7
C = 64
INC = 9
NCLS = 13
FUSE = C * NB
EPS = 1e-5


_RB = 512


def _mm_stats_body(x_ref, w_ref, b_ref, z_ref, st_ref, acc_ref):
    i = pl.program_id(0)
    z = jnp.dot(x_ref[...], w_ref[...], preferred_element_type=jnp.float32)
    z = z + b_ref[...]
    z_ref[...] = z

    @pl.when(i == 0)
    def _():
        acc_ref[...] = jnp.zeros_like(acc_ref)

    acc_ref[0, :] += jnp.sum(z, axis=0)
    acc_ref[1, :] += jnp.sum(z * z, axis=0)

    @pl.when(i == pl.num_programs(0) - 1)
    def _():
        st_ref[...] = acc_ref[...]


def _mm_stats(x, w, b):
    n, din = x.shape
    dout = w.shape[1]
    grid = n // _RB
    z, st = pl.pallas_call(
        _mm_stats_body,
        grid=(grid,),
        in_specs=[
            pl.BlockSpec((_RB, din), lambda i: (i, 0)),
            pl.BlockSpec((din, dout), lambda i: (0, 0)),
            pl.BlockSpec((dout,), lambda i: (0,)),
        ],
        out_specs=[
            pl.BlockSpec((_RB, dout), lambda i: (i, 0)),
            pl.BlockSpec((2, dout), lambda i: (0, 0)),
        ],
        out_shape=[
            jax.ShapeDtypeStruct((n, dout), jnp.float32),
            jax.ShapeDtypeStruct((2, dout), jnp.float32),
        ],
        scratch_shapes=[pltpu.VMEM((2, dout), jnp.float32)],
    )(x, w, b)
    return z, st


def _bn_coeffs(st, n_rows, g, be):
    mean = st[0] / n_rows
    var = st[1] / n_rows - mean * mean
    inv = g * lax.rsqrt(var + EPS)
    return inv, be - mean * inv


def _segmax_body(z_ref, a_ref, c_ref, o_ref):
    i = pl.program_id(0)
    zn = jnp.maximum(z_ref[...] * a_ref[...] + c_ref[...], 0.0)
    o_ref[pl.ds(i, 1), :] = jnp.max(zn, axis=0, keepdims=True)


def _bn_relu_segmax(z, st, g, be):
    n, dout = z.shape
    a, c = _bn_coeffs(st, n, g, be)
    a = a.reshape(1, dout)
    c = c.reshape(1, dout)
    return pl.pallas_call(
        _segmax_body,
        grid=(B,),
        in_specs=[
            pl.BlockSpec((NPC, dout), lambda i: (i, 0)),
            pl.BlockSpec((1, dout), lambda i: (0, 0)),
            pl.BlockSpec((1, dout), lambda i: (0, 0)),
        ],
        out_specs=pl.BlockSpec((B, dout), lambda i: (0, 0)),
        out_shape=jax.ShapeDtypeStruct((B, dout), jnp.float32),
    )(z, a, c)


def _fuse1_body(f_ref, fs_ref, wt_ref, wb_ref, b_ref, z_ref, st_ref, acc_ref):
    i = pl.program_id(0)
    j = pl.program_id(1)
    z = jnp.dot(f_ref[...], wb_ref[...], preferred_element_type=jnp.float32)
    fs = fs_ref[pl.ds(i, 1), :]
    z = z + jnp.dot(fs, wt_ref[...], preferred_element_type=jnp.float32)
    z = z + b_ref[...]
    z_ref[...] = z

    @pl.when(jnp.logical_and(i == 0, j == 0))
    def _():
        acc_ref[...] = jnp.zeros_like(acc_ref)

    acc_ref[0, :] += jnp.sum(z, axis=0)
    acc_ref[1, :] += jnp.sum(z * z, axis=0)

    @pl.when(jnp.logical_and(i == pl.num_programs(0) - 1,
                             j == pl.num_programs(1) - 1))
    def _():
        st_ref[...] = acc_ref[...]


def _fuse1(F, fu_seg, W1, b1):
    dtop = fu_seg.shape[1]
    dout = W1.shape[1]
    W1t = W1[:dtop]
    W1b = W1[dtop:]
    z, st = pl.pallas_call(
        _fuse1_body,
        grid=(B, NPC // _RB),
        in_specs=[
            pl.BlockSpec((_RB, FUSE), lambda i, j: (i * (NPC // _RB) + j, 0)),
            pl.BlockSpec((B, dtop), lambda i, j: (0, 0)),
            pl.BlockSpec((dtop, dout), lambda i, j: (0, 0)),
            pl.BlockSpec((FUSE, dout), lambda i, j: (0, 0)),
            pl.BlockSpec((dout,), lambda i, j: (0,)),
        ],
        out_specs=[
            pl.BlockSpec((_RB, dout), lambda i, j: (i * (NPC // _RB) + j, 0)),
            pl.BlockSpec((2, dout), lambda i, j: (0, 0)),
        ],
        out_shape=[
            jax.ShapeDtypeStruct((N, dout), jnp.float32),
            jax.ShapeDtypeStruct((2, dout), jnp.float32),
        ],
        scratch_shapes=[pltpu.VMEM((2, dout), jnp.float32)],
    )(F, fu_seg, W1t, W1b, b1)
    return z, st


def _act_mm_body(z_ref, a_ref, c_ref, w_ref, b_ref, o_ref, st_ref, acc_ref):
    i = pl.program_id(0)
    zn = jnp.maximum(z_ref[...] * a_ref[...] + c_ref[...], 0.0)
    o = jnp.dot(zn, w_ref[...], preferred_element_type=jnp.float32) + b_ref[...]
    o_ref[...] = o

    @pl.when(i == 0)
    def _():
        acc_ref[...] = jnp.zeros_like(acc_ref)

    acc_ref[0, :] += jnp.sum(o, axis=0)
    acc_ref[1, :] += jnp.sum(o * o, axis=0)

    @pl.when(i == pl.num_programs(0) - 1)
    def _():
        st_ref[...] = acc_ref[...]


def _act_mm(z, st, g, be, w, b):
    n, din = z.shape
    dout = w.shape[1]
    a, c = _bn_coeffs(st, n, g, be)
    a = a.reshape(1, din)
    c = c.reshape(1, din)
    o, st2 = pl.pallas_call(
        _act_mm_body,
        grid=(n // _RB,),
        in_specs=[
            pl.BlockSpec((_RB, din), lambda i: (i, 0)),
            pl.BlockSpec((1, din), lambda i: (0, 0)),
            pl.BlockSpec((1, din), lambda i: (0, 0)),
            pl.BlockSpec((din, dout), lambda i: (0, 0)),
            pl.BlockSpec((dout,), lambda i: (0,)),
        ],
        out_specs=[
            pl.BlockSpec((_RB, dout), lambda i: (i, 0)),
            pl.BlockSpec((2, dout), lambda i: (0, 0)),
        ],
        out_shape=[
            jax.ShapeDtypeStruct((n, dout), jnp.float32),
            jax.ShapeDtypeStruct((2, dout), jnp.float32),
        ],
        scratch_shapes=[pltpu.VMEM((2, dout), jnp.float32)],
    )(z, a, c, w, b)
    return o, st2



_SC_CHUNK = 512


def _sc_gather(table, idx_flat):
    n_idx = idx_flat.shape[0]
    dim = table.shape[1]
    info = plsc.get_sparse_core_info()
    nw = info.num_cores * info.num_subcores
    per_w = n_idx // nw
    steps = per_w // _SC_CHUNK
    mesh = plsc.VectorSubcoreMesh(core_axis_name="c", subcore_axis_name="s")

    @functools.partial(
        pl.kernel, mesh=mesh,
        out_type=jax.ShapeDtypeStruct((n_idx, dim), jnp.float32),
        scratch_types=[
            pltpu.VMEM((_SC_CHUNK,), jnp.int32),
            pltpu.VMEM((_SC_CHUNK, dim), jnp.float32),
            pltpu.SemaphoreType.DMA,
        ],
    )
    def k(table_hbm, idx_hbm, out_hbm, idx_v, rows_v, sem):
        wid = lax.axis_index("s") * info.num_cores + lax.axis_index("c")
        base = wid * per_w

        def step(i, carry):
            off = base + i * _SC_CHUNK
            pltpu.sync_copy(idx_hbm.at[pl.ds(off, _SC_CHUNK)], idx_v)
            pltpu.async_copy(table_hbm.at[idx_v], rows_v, sem).wait()
            pltpu.sync_copy(rows_v, out_hbm.at[pl.ds(off, _SC_CHUNK)])
            return carry

        lax.fori_loop(0, steps, step, 0)

    return k(table, idx_flat)


def _edge_gather(x, idx):
    dim = x.shape[1]
    kk = idx.shape[1]
    if dim != 128:
        xp = jnp.pad(x, ((0, 0), (0, 128 - dim)))
    else:
        xp = x
    rows = _sc_gather(xp, idx.reshape(-1))
    return rows[:, :dim].reshape(N, kk, dim)





_KROWS = 128


def _knn_body(kk, dil, fr_ref, fc_ref, sqr_ref, sqc_ref, o_ref,
              dist_ref, idx_ref):
    r = pl.program_id(1)
    g = jax.lax.dot_general(fr_ref[...], fc_ref[...], (((1,), (1,)), ((), ())),
                            preferred_element_type=jnp.float32)
    t1 = sqr_ref[...].reshape(_KROWS, 1) + sqc_ref[...].reshape(1, NPC)
    dist = t1 - 2.0 * g
    colv = lax.broadcasted_iota(jnp.int32, (_KROWS, NPC), 1)
    rowv = lax.broadcasted_iota(jnp.int32, (_KROWS, NPC), 0) + r * _KROWS
    dist = jnp.where(colv == rowv, jnp.inf, dist)
    dist_ref[...] = dist
    colf = colv.astype(jnp.float32)

    def step(t, aprev):
        dcur = jnp.where(colf == aprev[:, None], jnp.inf, dist_ref[...])
        dist_ref[...] = dcur
        vmin = jnp.min(dcur, axis=1, keepdims=True)
        tie = jnp.where(dcur == vmin, colf, float(NPC))
        amin = jnp.min(tie, axis=1)
        idx_ref[pl.ds(t, 1), :] = amin.astype(jnp.int32).reshape(1, _KROWS)
        return amin

    lax.fori_loop(0, kk, step, jnp.full((_KROWS,), float(NPC), jnp.float32))
    o_ref[...] = jnp.concatenate(
        [idx_ref[i * dil:i * dil + 1, :] for i in range(K)], axis=0)


def _knn_pallas(f, kk, dil):
    dim = f.shape[1]
    fb = f.reshape(B, NPC, dim)
    sq = jnp.sum(fb * fb, axis=-1).reshape(N)
    body = functools.partial(_knn_body, kk, dil)
    out = pl.pallas_call(
        body,
        grid=(B, NPC // _KROWS),
        in_specs=[
            pl.BlockSpec((_KROWS, dim), lambda b, r: (b * (NPC // _KROWS) + r, 0)),
            pl.BlockSpec((NPC, dim), lambda b, r: (b, 0)),
            pl.BlockSpec((_KROWS,), lambda b, r: (b * (NPC // _KROWS) + r,)),
            pl.BlockSpec((NPC,), lambda b, r: (b,)),
        ],
        out_specs=pl.BlockSpec((K, _KROWS),
                               lambda b, r: (0, b * (NPC // _KROWS) + r)),
        out_shape=jax.ShapeDtypeStruct((K, N), jnp.int32),
        scratch_shapes=[pltpu.VMEM((_KROWS, NPC), jnp.float32),
                        pltpu.VMEM((kk, _KROWS), jnp.int32)],
    )(f, f, sq, sq)
    base = jnp.repeat(jnp.arange(B, dtype=jnp.int32), NPC) * NPC
    return out.T + base[:, None]


def _edge_layer(x, idx, W, b, g, be, res):
    kk = idx.shape[1]
    xi = jnp.broadcast_to(x[:, None, :], (N, kk, x.shape[1]))
    xj = _edge_gather(x, idx)
    e = jnp.concatenate([xi, xj - xi], axis=-1).reshape(N * kk, -1)
    ez = e @ W + b
    m_ = jnp.mean(ez, axis=0)
    v_ = jnp.var(ez, axis=0)
    en = jax.nn.relu((ez - m_) / jnp.sqrt(v_ + 1e-5) * g + be)
    out = jnp.max(en.reshape(N, kk, -1), axis=1)
    if res is not None:
        out = out + res
    return out


def kernel(pos, x, W_head, b_head, g_head, be_head, Wb, bb, gb, beb,
           Wf, bf, gf, bef, W1, b1, g1, be1, W2, b2, g2, be2, W3, b3, batch):
    h0 = jnp.concatenate([pos, x], axis=1)
    idx0 = _knn_pallas(h0[:, 0:3], K, 1)
    feats = [_edge_layer(h0, idx0, W_head, b_head, g_head, be_head, None)]
    for i in range(NB - 1):
        d = i + 1
        idx = _knn_pallas(feats[-1], 15 * d + 1, d)
        feats.append(_edge_layer(feats[-1], idx, Wb[i], bb[i], gb[i], beb[i],
                                 feats[-1]))
    F = jnp.concatenate(feats, axis=1)

    zf, stf = _mm_stats(F, Wf, bf)
    fu_seg = _bn_relu_segmax(zf, stf, gf, bef)
    z1, st1 = _fuse1(F, fu_seg, W1, b1)
    z2, st2 = _act_mm(z1, st1, g1, be1, W2, b2)
    out, _ = _act_mm(z2, st2, g2, be2, W3, b3)
    return out

# --- scband reference (transcript-rebuilt; emitter-appended) ---
"""Pipeline reference for scband-sparse-deep-gcn-24515673326022 (READ-ONLY COPY).

The authoritative reference and input builder live on the scoring server;
editing this copy changes nothing except your own understanding.
"""

import jax, jax.numpy as jnp
import numpy as np

N = 8192
B = 4
NPC = 2048
K = 16
NB = 7
C = 64
INC = 9
NCLS = 13


def _bn(x, g, b):
    m = jnp.mean(x, axis=0)
    v = jnp.var(x, axis=0)
    return (x - m) / jnp.sqrt(v + 1e-5) * g + b


def _knn_idx(f, kk):
    # batched knn within each cloud (clouds are contiguous, equal size NPC)
    fb = f.reshape(B, NPC, -1)
    sq = jnp.sum(fb * fb, axis=-1)
    dist = sq[:, :, None] + sq[:, None, :] - 2.0 * jnp.einsum('bnd,bmd->bnm', fb, fb)
    dist = jnp.where(jnp.eye(NPC, dtype=bool)[None, :, :], jnp.inf, dist)
    idx = jax.lax.top_k(-dist, kk)[1]
    idx = idx + (jnp.arange(B) * NPC)[:, None, None]
    return idx.reshape(N, kk)


def _edge_conv(x, idx, W, b, g, be):
    # EdgeConv: max_j MLP([x_i, x_j - x_i]) with Linear+BN+ReLU applied per edge
    kk = idx.shape[1]
    xi = jnp.broadcast_to(x[:, None, :], (N, kk, x.shape[1]))
    xj = x[idx]
    e = jnp.concatenate([xi, xj - xi], axis=-1).reshape(N * kk, -1)
    e = jax.nn.relu(_bn(e @ W + b, g, be))
    return jnp.max(e.reshape(N, kk, -1), axis=1)


def setup_inputs(seed: int = 0):
    key = jax.random.key(seed)
    ks = jax.random.split(key, 16)

    def km(k_, shp):
        return jax.random.normal(k_, shp, dtype=jnp.float32) * np.sqrt(2.0 / shp[-2])

    pos = jax.random.uniform(ks[0], (N, 3), dtype=jnp.float32)
    x = jax.random.uniform(ks[1], (N, 6), dtype=jnp.float32)
    batch = jnp.repeat(jnp.arange(B, dtype=jnp.int32), NPC)
    FUSE = C * NB
    return dict(
        pos=pos, x=x,
        W_head=km(ks[2], (2 * INC, C)), b_head=jnp.zeros((C,), jnp.float32),
        g_head=jnp.ones((C,), jnp.float32), be_head=jnp.zeros((C,), jnp.float32),
        Wb=km(ks[3], (NB - 1, 2 * C, C)), bb=jnp.zeros((NB - 1, C), jnp.float32),
        gb=jnp.ones((NB - 1, C), jnp.float32), beb=jnp.zeros((NB - 1, C), jnp.float32),
        Wf=km(ks[4], (FUSE, 1024)), bf=jnp.zeros((1024,), jnp.float32),
        gf=jnp.ones((1024,), jnp.float32), bef=jnp.zeros((1024,), jnp.float32),
        W1=km(ks[5], (FUSE + 1024, 512)), b1=jnp.zeros((512,), jnp.float32),
        g1=jnp.ones((512,), jnp.float32), be1=jnp.zeros((512,), jnp.float32),
        W2=km(ks[6], (512, 256)), b2=jnp.zeros((256,), jnp.float32),
        g2=jnp.ones((256,), jnp.float32), be2=jnp.zeros((256,), jnp.float32),
        W3=km(ks[7], (256, NCLS)), b3=jnp.zeros((NCLS,), jnp.float32),
        batch=batch)


def reference(pos, x, W_head, b_head, g_head, be_head, Wb, bb, gb, beb,
              Wf, bf, gf, bef, W1, b1, g1, be1, W2, b2, g2, be2, W3, b3, batch):
    h0 = jnp.concatenate([pos, x], axis=1)
    idx0 = _knn_idx(h0[:, 0:3], K)
    feats = [_edge_conv(h0, idx0, W_head, b_head, g_head, be_head)]
    for i in range(NB - 1):
        d = i + 1
        idx = _knn_idx(feats[-1], K * d)[:, ::d]  # dilated knn on features (dynamic graph)
        feats.append(_edge_conv(feats[-1], idx, Wb[i], bb[i], gb[i], beb[i]) + feats[-1])
    F = jnp.concatenate(feats, axis=1)
    fu = jax.nn.relu(_bn(F @ Wf + bf, gf, bef))
    fu = jax.ops.segment_max(fu, batch, num_segments=B)
    fu = jnp.repeat(fu, N // B, axis=0)
    h = jnp.concatenate([fu, F], axis=1)
    h = jax.nn.relu(_bn(h @ W1 + b1, g1, be1))
    h = jax.nn.relu(_bn(h @ W2 + b2, g2, be2))
    # dropout is identity in deterministic reference
    return h @ W3 + b3

if __name__ == "__main__":
    import jax
    _d = setup_inputs()
    print(jax.jit(kernel)(*tuple(_d.values())))

</pallas_src>

<mosaic_0001>
#map = affine_map<(d0, d1) -> (0, 0)>
#map1 = affine_map<(d0, d1) -> (0)>
module attributes {stable_mosaic.version = 14 : i64} {
  func.func @k(%arg0: i32, %arg1: i32, %arg2: memref<8192x128xf32, #tpu.memory_space<hbm>>, %arg3: memref<131072xi32, #tpu.memory_space<hbm>>, %arg4: memref<131072x128xf32, #tpu.memory_space<hbm>>, %arg5: memref<512xi32, #tpu.memory_space<vmem>>, %arg6: memref<512x128xf32, #tpu.memory_space<vmem>>, %arg7: memref<!tpu.dma_semaphore, #tpu.memory_space<semaphore_mem>>) attributes {dimension_semantics = [#tpu.dimension_semantics<core_parallel>, #tpu.dimension_semantics<subcore_parallel>], iteration_bounds = array<i64: 2, 16>, scalar_prefetch = 0 : i64, scratch_operands = 3 : i64, tpu.core_type = #tpu.core_type<sc_vector_subcore>, window_params = [{transform_indices = #map}, {transform_indices = #map1}, {transform_indices = #map}]} {
    %mul3A = arith.constant 2 : i32
    %mul3A_0 = arith.muli %arg1, %mul3A : i32
    %add3A = arith.addi %mul3A_0, %arg0 : i32
    %mul3A_1 = arith.constant 4096 : i32
    %mul3A_2 = arith.muli %add3A, %mul3A_1 : i32
    %scan3A = arith.constant 0 : i32
    %scan3A_3 = arith.constant 0 : i32
    %scan3A_4 = arith.constant 8 : i32
    %scan3A_5 = arith.addi %scan3A_3, %scan3A_4 : i32
    %scan3A_6 = arith.constant 1 : i32
    scf.for %scan3A_8 = %scan3A_3 to %scan3A_5 step %scan3A_6  : i32 {
      %mul3A_9 = arith.constant 512 : i32
      %mul3A_10 = arith.muli %scan3A_8, %mul3A_9 : i32
      %add3A_11 = arith.addi %mul3A_2, %mul3A_10 : i32
      "tpu.region"() ({
        %run_scoped3A = tpu.sem_alloc : memref<!tpu.dma_semaphore, #tpu.memory_space<semaphore_mem>>
        %dma_start3A_16 = tpu.memref_slice %arg3[%add3A_11] : memref<131072xi32, #tpu.memory_space<hbm>> -> memref<512xi32, #tpu.memory_space<hbm>>
        %dma_start3A_17 = tpu.memref_slice %arg3[%add3A_11] : memref<131072xi32, #tpu.memory_space<hbm>> -> memref<512xi32, #tpu.memory_space<hbm>>
        tpu.enqueue_dma source(%dma_start3A_17 : memref<512xi32, #tpu.memory_space<hbm>>) target(%arg5 : memref<512xi32, #tpu.memory_space<vmem>>) target_semaphore(%run_scoped3A : memref<!tpu.dma_semaphore, #tpu.memory_space<semaphore_mem>>)
        %dma_wait3A_18 = tpu.memref_slice %arg3[%add3A_11] : memref<131072xi32, #tpu.memory_space<hbm>> -> memref<512xi32, #tpu.memory_space<hbm>>
        %dma_wait3A_19 = tpu.memref_slice %arg3[%add3A_11] : memref<131072xi32, #tpu.memory_space<hbm>> -> memref<512xi32, #tpu.memory_space<hbm>>
        tpu.wait_dma2 semaphore(%run_scoped3A : memref<!tpu.dma_semaphore, #tpu.memory_space<semaphore_mem>>) src(%dma_wait3A_19 : memref<512xi32, #tpu.memory_space<hbm>>) dst(%arg5 : memref<512xi32, #tpu.memory_space<vmem>>)
        tpu.yield
      }) : () -> ()
      %dma_start3A = arith.constant 0 : i32
      %dma_start3A_12 = arith.constant 0 : i32
      %dma_start3A_13 = tpu.memref_slice %arg2[%dma_start3A, %dma_start3A_12] : memref<8192x128xf32, #tpu.memory_space<hbm>> -> memref<8192x128xf32, #tpu.memory_space<hbm>>
      tpu.enqueue_indirect_dma source(%dma_start3A_13 : memref<8192x128xf32, #tpu.memory_space<hbm>>) target(%arg6 : memref<512x128xf32, #tpu.memory_space<vmem>>) offsets(%arg5 : memref<512xi32, #tpu.memory_space<vmem>>) semaphore(%arg7 : memref<!tpu.dma_semaphore, #tpu.memory_space<semaphore_mem>>)
      %dma_wait3A = arith.constant 0 : i32
      %dma_wait3A_14 = arith.constant 0 : i32
      %dma_wait3A_15 = tpu.memref_slice %arg2[%dma_wait3A, %dma_wait3A_14] : memref<8192x128xf32, #tpu.memory_space<hbm>> -> memref<8192x128xf32, #tpu.memory_space<hbm>>
      tpu.wait_indirect_dma semaphore(%arg7 : memref<!tpu.dma_semaphore, #tpu.memory_space<semaphore_mem>>) src(%dma_wait3A_15 : memref<8192x128xf32, #tpu.memory_space<hbm>>) dst(%arg6 : memref<512x128xf32, #tpu.memory_space<vmem>>)
      "tpu.region"() ({
        %run_scoped3A = tpu.sem_alloc : memref<!tpu.dma_semaphore, #tpu.memory_space<semaphore_mem>>
        %dma_start3A_16 = arith.constant 0 : i32
        %dma_start3A_17 = tpu.memref_slice %arg4[%add3A_11, %dma_start3A_16] : memref<131072x128xf32, #tpu.memory_space<hbm>> -> memref<512x128xf32, #tpu.memory_space<hbm>>
        %dma_start3A_18 = arith.constant 0 : i32
        %dma_start3A_19 = tpu.memref_slice %arg4[%add3A_11, %dma_start3A_18] : memref<131072x128xf32, #tpu.memory_space<hbm>> -> memref<512x128xf32, #tpu.memory_space<hbm>>
        tpu.enqueue_dma source(%arg6 : memref<512x128xf32, #tpu.memory_space<vmem>>) target(%dma_start3A_19 : memref<512x128xf32, #tpu.memory_space<hbm>>) target_semaphore(%run_scoped3A : memref<!tpu.dma_semaphore, #tpu.memory_space<semaphore_mem>>)
        %dma_wait3A_20 = arith.constant 0 : i32
        %dma_wait3A_21 = tpu.memref_slice %arg4[%add3A_11, %dma_wait3A_20] : memref<131072x128xf32, #tpu.memory_space<hbm>> -> memref<512x128xf32, #tpu.memory_space<hbm>>
        %dma_wait3A_22 = arith.constant 0 : i32
        %dma_wait3A_23 = tpu.memref_slice %arg4[%add3A_11, %dma_wait3A_22] : memref<131072x128xf32, #tpu.memory_space<hbm>> -> memref<512x128xf32, #tpu.memory_space<hbm>>
        tpu.wait_dma2 semaphore(%run_scoped3A : memref<!tpu.dma_semaphore, #tpu.memory_space<semaphore_mem>>) src(%arg6 : memref<512x128xf32, #tpu.memory_space<vmem>>) dst(%dma_wait3A_23 : memref<512x128xf32, #tpu.memory_space<hbm>>)
        tpu.yield
      }) : () -> ()
    }
    %scan3A_7 = arith.constant 8 : i32
    return
  }
}

#map = affine_map<(d0, d1) -> (0, 0)>
#map1 = affine_map<(d0, d1) -> (0)>
module attributes {stable_mosaic.version = 14 : i64} {
  func.func @k(%arg0: i32, %arg1: i32, %arg2: memref<8192x128xf32, #tpu.memory_space<hbm>>, %arg3: memref<131072xi32, #tpu.memory_space<hbm>>, %arg4: memref<131072x128xf32, #tpu.memory_space<hbm>>, %arg5: memref<512xi32, #tpu.memory_space<vmem>>, %arg6: memref<512x128xf32, #tpu.memory_space<vmem>>, %arg7: memref<!tpu.dma_semaphore, #tpu.memory_space<semaphore_mem>>) attributes {dimension_semantics = [#tpu.dimension_semantics<core_parallel>, #tpu.dimension_semantics<subcore_parallel>], iteration_bounds = array<i64: 2, 16>, scalar_prefetch = 0 : i64, scratch_operands = 3 : i64, tpu.core_type = #tpu.core_type<sc_vector_subcore>, window_params = [{transform_indices = #map}, {transform_indices = #map1}, {transform_indices = #map}]} {
    %mul3A = arith.constant 2 : i32
    %mul3A_0 = arith.muli %arg1, %mul3A : i32
    %add3A = arith.addi %mul3A_0, %arg0 : i32
    %mul3A_1 = arith.constant 4096 : i32
    %mul3A_2 = arith.muli %add3A, %mul3A_1 : i32
    %scan3A = arith.constant 0 : i32
    %scan3A_3 = arith.constant 0 : i32
    %scan3A_4 = arith.constant 8 : i32
    %scan3A_5 = arith.addi %scan3A_3, %scan3A_4 : i32
    %scan3A_6 = arith.constant 1 : i32
    scf.for %scan3A_8 = %scan3A_3 to %scan3A_5 step %scan3A_6  : i32 {
      %mul3A_9 = arith.constant 512 : i32
      %mul3A_10 = arith.muli %scan3A_8, %mul3A_9 : i32
      %add3A_11 = arith.addi %mul3A_2, %mul3A_10 : i32
      "tpu.region"() ({
        %run_scoped3A = tpu.sem_alloc : memref<!tpu.dma_semaphore, #tpu.memory_space<semaphore_mem>>
        %dma_start3A_16 = tpu.memref_slice %arg3[%add3A_11] : memref<131072xi32, #tpu.memory_space<hbm>> -> memref<512xi32, #tpu.memory_space<hbm>>
        %dma_start3A_17 = tpu.memref_slice %arg3[%add3A_11] : memref<131072xi32, #tpu.memory_space<hbm>> -> memref<512xi32, #tpu.memory_space<hbm>>
        tpu.enqueue_dma source(%dma_start3A_17 : memref<512xi32, #tpu.memory_space<hbm>>) target(%arg5 : memref<512xi32, #tpu.memory_space<vmem>>) target_semaphore(%run_scoped3A : memref<!tpu.dma_semaphore, #tpu.memory_space<semaphore_mem>>)
        %dma_wait3A_18 = tpu.memref_slice %arg3[%add3A_11] : memref<131072xi32, #tpu.memory_space<hbm>> -> memref<512xi32, #tpu.memory_space<hbm>>
        %dma_wait3A_19 = tpu.memref_slice %arg3[%add3A_11] : memref<131072xi32, #tpu.memory_space<hbm>> -> memref<512xi32, #tpu.memory_space<hbm>>
        tpu.wait_dma2 semaphore(%run_scoped3A : memref<!tpu.dma_semaphore, #tpu.memory_space<semaphore_mem>>) src(%dma_wait3A_19 : memref<512xi32, #tpu.memory_space<hbm>>) dst(%arg5 : memref<512xi32, #tpu.memory_space<vmem>>)
        tpu.yield
      }) : () -> ()
      %dma_start3A = arith.constant 0 : i32
      %dma_start3A_12 = arith.constant 0 : i32
      %dma_start3A_13 = tpu.memref_slice %arg2[%dma_start3A, %dma_start3A_12] : memref<8192x128xf32, #tpu.memory_space<hbm>> -> memref<8192x128xf32, #tpu.memory_space<hbm>>
      tpu.enqueue_indirect_dma source(%dma_start3A_13 : memref<8192x128xf32, #tpu.memory_space<hbm>>) target(%arg6 : memref<512x128xf32, #tpu.memory_space<vmem>>) offsets(%arg5 : memref<512xi32, #tpu.memory_space<vmem>>) semaphore(%arg7 : memref<!tpu.dma_semaphore, #tpu.memory_space<semaphore_mem>>)
      %dma_wait3A = arith.constant 0 : i32
      %dma_wait3A_14 = arith.constant 0 : i32
      %dma_wait3A_15 = tpu.memref_slice %arg2[%dma_wait3A, %dma_wait3A_14] : memref<8192x128xf32, #tpu.memory_space<hbm>> -> memref<8192x128xf32, #tpu.memory_space<hbm>>
      tpu.wait_indirect_dma semaphore(%arg7 : memref<!tpu.dma_semaphore, #tpu.memory_space<semaphore_mem>>) src(%dma_wait3A_15 : memref<8192x128xf32, #tpu.memory_space<hbm>>) dst(%arg6 : memref<512x128xf32, #tpu.memory_space<vmem>>)
      "tpu.region"() ({
        %run_scoped3A = tpu.sem_alloc : memref<!tpu.dma_semaphore, #tpu.memory_space<semaphore_mem>>
        %dma_start3A_16 = arith.constant 0 : i32
        %dma_start3A_17 = tpu.memref_slice %arg4[%add3A_11, %dma_start3A_16] : memref<131072x128xf32, #tpu.memory_space<hbm>> -> memref<512x128xf32, #tpu.memory_space<hbm>>
        %dma_start3A_18 = arith.constant 0 : i32
        %dma_start3A_19 = tpu.memref_slice %arg4[%add3A_11, %dma_start3A_18] : memref<131072x128xf32, #tpu.memory_space<hbm>> -> memref<512x128xf32, #tpu.memory_space<hbm>>
        tpu.enqueue_dma source(%arg6 : memref<512x128xf32, #tpu.memory_space<vmem>>) target(%dma_start3A_19 : memref<512x128xf32, #tpu.memory_space<hbm>>) target_semaphore(%run_scoped3A : memref<!tpu.dma_semaphore, #tpu.memory_space<semaphore_mem>>)
        %dma_wait3A_20 = arith.constant 0 : i32
        %dma_wait3A_21 = tpu.memref_slice %arg4[%add3A_11, %dma_wait3A_20] : memref<131072x128xf32, #tpu.memory_space<hbm>> -> memref<512x128xf32, #tpu.memory_space<hbm>>
        %dma_wait3A_22 = arith.constant 0 : i32
        %dma_wait3A_23 = tpu.memref_slice %arg4[%add3A_11, %dma_wait3A_22] : memref<131072x128xf32, #tpu.memory_space<hbm>> -> memref<512x128xf32, #tpu.memory_space<hbm>>
        tpu.wait_dma2 semaphore(%run_scoped3A : memref<!tpu.dma_semaphore, #tpu.memory_space<semaphore_mem>>) src(%arg6 : memref<512x128xf32, #tpu.memory_space<vmem>>) dst(%dma_wait3A_23 : memref<512x128xf32, #tpu.memory_space<hbm>>)
        tpu.yield
      }) : () -> ()
    }
    %scan3A_7 = arith.constant 8 : i32
    return
  }
}

#map = affine_map<(d0, d1) -> (0, 0)>
#map1 = affine_map<(d0, d1) -> (0)>
module attributes {stable_mosaic.version = 14 : i64} {
  func.func @k(%arg0: i32, %arg1: i32, %arg2: memref<8192x128xf32, #tpu.memory_space<hbm>>, %arg3: memref<131072xi32, #tpu.memory_space<hbm>>, %arg4: memref<131072x128xf32, #tpu.memory_space<hbm>>, %arg5: memref<512xi32, #tpu.memory_space<vmem>>, %arg6: memref<512x128xf32, #tpu.memory_space<vmem>>, %arg7: memref<!tpu.dma_semaphore, #tpu.memory_space<semaphore_mem>>) attributes {dimension_semantics = [#tpu.dimension_semantics<core_parallel>, #tpu.dimension_semantics<subcore_parallel>], iteration_bounds = array<i64: 2, 16>, scalar_prefetch = 0 : i64, scratch_operands = 3 : i64, tpu.core_type = #tpu.core_type<sc_vector_subcore>, window_params = [{transform_indices = #map}, {transform_indices = #map1}, {transform_indices = #map}]} {
    %mul3A = arith.constant 2 : i32
    %mul3A_0 = arith.muli %arg1, %mul3A : i32
    %add3A = arith.addi %mul3A_0, %arg0 : i32
    %mul3A_1 = arith.constant 4096 : i32
    %mul3A_2 = arith.muli %add3A, %mul3A_1 : i32
    %scan3A = arith.constant 0 : i32
    %scan3A_3 = arith.constant 0 : i32
    %scan3A_4 = arith.constant 8 : i32
    %scan3A_5 = arith.addi %scan3A_3, %scan3A_4 : i32
    %scan3A_6 = arith.constant 1 : i32
    scf.for %scan3A_8 = %scan3A_3 to %scan3A_5 step %scan3A_6  : i32 {
      %mul3A_9 = arith.constant 512 : i32
      %mul3A_10 = arith.muli %scan3A_8, %mul3A_9 : i32
      %add3A_11 = arith.addi %mul3A_2, %mul3A_10 : i32
      "tpu.region"() ({
        %run_scoped3A = tpu.sem_alloc : memref<!tpu.dma_semaphore, #tpu.memory_space<semaphore_mem>>
        %dma_start3A_16 = tpu.memref_slice %arg3[%add3A_11] : memref<131072xi32, #tpu.memory_space<hbm>> -> memref<512xi32, #tpu.memory_space<hbm>>
        %dma_start3A_17 = tpu.memref_slice %arg3[%add3A_11] : memref<131072xi32, #tpu.memory_space<hbm>> -> memref<512xi32, #tpu.memory_space<hbm>>
        tpu.enqueue_dma source(%dma_start3A_17 : memref<512xi32, #tpu.memory_space<hbm>>) target(%arg5 : memref<512xi32, #tpu.memory_space<vmem>>) target_semaphore(%run_scoped3A : memref<!tpu.dma_semaphore, #tpu.memory_space<semaphore_mem>>)
        %dma_wait3A_18 = tpu.memref_slice %arg3[%add3A_11] : memref<131072xi32, #tpu.memory_space<hbm>> -> memref<512xi32, #tpu.memory_space<hbm>>
        %dma_wait3A_19 = tpu.memref_slice %arg3[%add3A_11] : memref<131072xi32, #tpu.memory_space<hbm>> -> memref<512xi32, #tpu.memory_space<hbm>>
        tpu.wait_dma2 semaphore(%run_scoped3A : memref<!tpu.dma_semaphore, #tpu.memory_space<semaphore_mem>>) src(%dma_wait3A_19 : memref<512xi32, #tpu.memory_space<hbm>>) dst(%arg5 : memref<512xi32, #tpu.memory_space<vmem>>)
        tpu.yield
      }) : () -> ()
      %dma_start3A = arith.constant 0 : i32
      %dma_start3A_12 = arith.constant 0 : i32
      %dma_start3A_13 = tpu.memref_slice %arg2[%dma_start3A, %dma_start3A_12] : memref<8192x128xf32, #tpu.memory_space<hbm>> -> memref<8192x128xf32, #tpu.memory_space<hbm>>
      tpu.enqueue_indirect_dma source(%dma_start3A_13 : memref<8192x128xf32, #tpu.memory_space<hbm>>) target(%arg6 : memref<512x128xf32, #tpu.memory_space<vmem>>) offsets(%arg5 : memref<512xi32, #tpu.memory_space<vmem>>) semaphore(%arg7 : memref<!tpu.dma_semaphore, #tpu.memory_space<semaphore_mem>>)
      %dma_wait3A = arith.constant 0 : i32
      %dma_wait3A_14 = arith.constant 0 : i32
      %dma_wait3A_15 = tpu.memref_slice %arg2[%dma_wait3A, %dma_wait3A_14] : memref<8192x128xf32, #tpu.memory_space<hbm>> -> memref<8192x128xf32, #tpu.memory_space<hbm>>
      tpu.wait_indirect_dma semaphore(%arg7 : memref<!tpu.dma_semaphore, #tpu.memory_space<semaphore_mem>>) src(%dma_wait3A_15 : memref<8192x128xf32, #tpu.memory_space<hbm>>) dst(%arg6 : memref<512x128xf32, #tpu.memory_space<vmem>>)
      "tpu.region"() ({
        %run_scoped3A = tpu.sem_alloc : memref<!tpu.dma_semaphore, #tpu.memory_space<semaphore_mem>>
        %dma_start3A_16 = arith.constant 0 : i32
        %dma_start3A_17 = tpu.memref_slice %arg4[%add3A_11, %dma_start3A_16] : memref<131072x128xf32, #tpu.memory_space<hbm>> -> memref<512x128xf32, #tpu.memory_space<hbm>>
        %dma_start3A_18 = arith.constant 0 : i32
        %dma_start3A_19 = tpu.memref_slice %arg4[%add3A_11, %dma_start3A_18] : memref<131072x128xf32, #tpu.memory_space<hbm>> -> memref<512x128xf32, #tpu.memory_space<hbm>>
        tpu.enqueue_dma source(%arg6 : memref<512x128xf32, #tpu.memory_space<vmem>>) target(%dma_start3A_19 : memref<512x128xf32, #tpu.memory_space<hbm>>) target_semaphore(%run_scoped3A : memref<!tpu.dma_semaphore, #tpu.memory_space<semaphore_mem>>)
        %dma_wait3A_20 = arith.constant 0 : i32
        %dma_wait3A_21 = tpu.memref_slice %arg4[%add3A_11, %dma_wait3A_20] : memref<131072x128xf32, #tpu.memory_space<hbm>> -> memref<512x128xf32, #tpu.memory_space<hbm>>
        %dma_wait3A_22 = arith.constant 0 : i32
        %dma_wait3A_23 = tpu.memref_slice %arg4[%add3A_11, %dma_wait3A_22] : memref<131072x128xf32, #tpu.memory_space<hbm>> -> memref<512x128xf32, #tpu.memory_space<hbm>>
        tpu.wait_dma2 semaphore(%run_scoped3A : memref<!tpu.dma_semaphore, #tpu.memory_space<semaphore_mem>>) src(%arg6 : memref<512x128xf32, #tpu.memory_space<vmem>>) dst(%dma_wait3A_23 : memref<512x128xf32, #tpu.memory_space<hbm>>)
        tpu.yield
      }) : () -> ()
    }
    %scan3A_7 = arith.constant 8 : i32
    return
  }
}

#map = affine_map<(d0, d1) -> (0, 0)>
#map1 = affine_map<(d0, d1) -> (0)>
module attributes {stable_mosaic.version = 14 : i64} {
  func.func @k(%arg0: i32, %arg1: i32, %arg2: memref<8192x128xf32, #tpu.memory_space<hbm>>, %arg3: memref<131072xi32, #tpu.memory_space<hbm>>, %arg4: memref<131072x128xf32, #tpu.memory_space<hbm>>, %arg5: memref<512xi32, #tpu.memory_space<vmem>>, %arg6: memref<512x128xf32, #tpu.memory_space<vmem>>, %arg7: memref<!tpu.dma_semaphore, #tpu.memory_space<semaphore_mem>>) attributes {dimension_semantics = [#tpu.dimension_semantics<core_parallel>, #tpu.dimension_semantics<subcore_parallel>], iteration_bounds = array<i64: 2, 16>, scalar_prefetch = 0 : i64, scratch_operands = 3 : i64, tpu.core_type = #tpu.core_type<sc_vector_subcore>, window_params = [{transform_indices = #map}, {transform_indices = #map1}, {transform_indices = #map}]} {
    %mul3A = arith.constant 2 : i32
    %mul3A_0 = arith.muli %arg1, %mul3A : i32
    %add3A = arith.addi %mul3A_0, %arg0 : i32
    %mul3A_1 = arith.constant 4096 : i32
    %mul3A_2 = arith.muli %add3A, %mul3A_1 : i32
    %scan3A = arith.constant 0 : i32
    %scan3A_3 = arith.constant 0 : i32
    %scan3A_4 = arith.constant 8 : i32
    %scan3A_5 = arith.addi %scan3A_3, %scan3A_4 : i32
    %scan3A_6 = arith.constant 1 : i32
    scf.for %scan3A_8 = %scan3A_3 to %scan3A_5 step %scan3A_6  : i32 {
      %mul3A_9 = arith.constant 512 : i32
      %mul3A_10 = arith.muli %scan3A_8, %mul3A_9 : i32
      %add3A_11 = arith.addi %mul3A_2, %mul3A_10 : i32
      "tpu.region"() ({
        %run_scoped3A = tpu.sem_alloc : memref<!tpu.dma_semaphore, #tpu.memory_space<semaphore_mem>>
        %dma_start3A_16 = tpu.memref_slice %arg3[%add3A_11] : memref<131072xi32, #tpu.memory_space<hbm>> -> memref<512xi32, #tpu.memory_space<hbm>>
        %dma_start3A_17 = tpu.memref_slice %arg3[%add3A_11] : memref<131072xi32, #tpu.memory_space<hbm>> -> memref<512xi32, #tpu.memory_space<hbm>>
        tpu.enqueue_dma source(%dma_start3A_17 : memref<512xi32, #tpu.memory_space<hbm>>) target(%arg5 : memref<512xi32, #tpu.memory_space<vmem>>) target_semaphore(%run_scoped3A : memref<!tpu.dma_semaphore, #tpu.memory_space<semaphore_mem>>)
        %dma_wait3A_18 = tpu.memref_slice %arg3[%add3A_11] : memref<131072xi32, #tpu.memory_space<hbm>> -> memref<512xi32, #tpu.memory_space<hbm>>
        %dma_wait3A_19 = tpu.memref_slice %arg3[%add3A_11] : memref<131072xi32, #tpu.memory_space<hbm>> -> memref<512xi32, #tpu.memory_space<hbm>>
        tpu.wait_dma2 semaphore(%run_scoped3A : memref<!tpu.dma_semaphore, #tpu.memory_space<semaphore_mem>>) src(%dma_wait3A_19 : memref<512xi32, #tpu.memory_space<hbm>>) dst(%arg5 : memref<512xi32, #tpu.memory_space<vmem>>)
        tpu.yield
      }) : () -> ()
      %dma_start3A = arith.constant 0 : i32
      %dma_start3A_12 = arith.constant 0 : i32
      %dma_start3A_13 = tpu.memref_slice %arg2[%dma_start3A, %dma_start3A_12] : memref<8192x128xf32, #tpu.memory_space<hbm>> -> memref<8192x128xf32, #tpu.memory_space<hbm>>
      tpu.enqueue_indirect_dma source(%dma_start3A_13 : memref<8192x128xf32, #tpu.memory_space<hbm>>) target(%arg6 : memref<512x128xf32, #tpu.memory_space<vmem>>) offsets(%arg5 : memref<512xi32, #tpu.memory_space<vmem>>) semaphore(%arg7 : memref<!tpu.dma_semaphore, #tpu.memory_space<semaphore_mem>>)
      %dma_wait3A = arith.constant 0 : i32
      %dma_wait3A_14 = arith.constant 0 : i32
      %dma_wait3A_15 = tpu.memref_slice %arg2[%dma_wait3A, %dma_wait3A_14] : memref<8192x128xf32, #tpu.memory_space<hbm>> -> memref<8192x128xf32, #tpu.memory_space<hbm>>
      tpu.wait_indirect_dma semaphore(%arg7 : memref<!tpu.dma_semaphore, #tpu.memory_space<semaphore_mem>>) src(%dma_wait3A_15 : memref<8192x128xf32, #tpu.memory_space<hbm>>) dst(%arg6 : memref<512x128xf32, #tpu.memory_space<vmem>>)
      "tpu.region"() ({
        %run_scoped3A = tpu.sem_alloc : memref<!tpu.dma_semaphore, #tpu.memory_space<semaphore_mem>>
        %dma_start3A_16 = arith.constant 0 : i32
        %dma_start3A_17 = tpu.memref_slice %arg4[%add3A_11, %dma_start3A_16] : memref<131072x128xf32, #tpu.memory_space<hbm>> -> memref<512x128xf32, #tpu.memory_space<hbm>>
        %dma_start3A_18 = arith.constant 0 : i32
        %dma_start3A_19 = tpu.memref_slice %arg4[%add3A_11, %dma_start3A_18] : memref<131072x128xf32, #tpu.memory_space<hbm>> -> memref<512x128xf32, #tpu.memory_space<hbm>>
        tpu.enqueue_dma source(%arg6 : memref<512x128xf32, #tpu.memory_space<vmem>>) target(%dma_start3A_19 : memref<512x128xf32, #tpu.memory_space<hbm>>) target_semaphore(%run_scoped3A : memref<!tpu.dma_semaphore, #tpu.memory_space<semaphore_mem>>)
        %dma_wait3A_20 = arith.constant 0 : i32
        %dma_wait3A_21 = tpu.memref_slice %arg4[%add3A_11, %dma_wait3A_20] : memref<131072x128xf32, #tpu.memory_space<hbm>> -> memref<512x128xf32, #tpu.memory_space<hbm>>
        %dma_wait3A_22 = arith.constant 0 : i32
        %dma_wait3A_23 = tpu.memref_slice %arg4[%add3A_11, %dma_wait3A_22] : memref<131072x128xf32, #tpu.memory_space<hbm>> -> memref<512x128xf32, #tpu.memory_space<hbm>>
        tpu.wait_dma2 semaphore(%run_scoped3A : memref<!tpu.dma_semaphore, #tpu.memory_space<semaphore_mem>>) src(%arg6 : memref<512x128xf32, #tpu.memory_space<vmem>>) dst(%dma_wait3A_23 : memref<512x128xf32, #tpu.memory_space<hbm>>)
        tpu.yield
      }) : () -> ()
    }
    %scan3A_7 = arith.constant 8 : i32
    return
  }
}

#map = affine_map<(d0, d1) -> (0, 0)>
#map1 = affine_map<(d0, d1) -> (0)>
module attributes {stable_mosaic.version = 14 : i64} {
  func.func @k(%arg0: i32, %arg1: i32, %arg2: memref<8192x128xf32, #tpu.memory_space<hbm>>, %arg3: memref<131072xi32, #tpu.memory_space<hbm>>, %arg4: memref<131072x128xf32, #tpu.memory_space<hbm>>, %arg5: memref<512xi32, #tpu.memory_space<vmem>>, %arg6: memref<512x128xf32, #tpu.memory_space<vmem>>, %arg7: memref<!tpu.dma_semaphore, #tpu.memory_space<semaphore_mem>>) attributes {dimension_semantics = [#tpu.dimension_semantics<core_parallel>, #tpu.dimension_semantics<subcore_parallel>], iteration_bounds = array<i64: 2, 16>, scalar_prefetch = 0 : i64, scratch_operands = 3 : i64, tpu.core_type = #tpu.core_type<sc_vector_subcore>, window_params = [{transform_indices = #map}, {transform_indices = #map1}, {transform_indices = #map}]} {
    %mul3A = arith.constant 2 : i32
    %mul3A_0 = arith.muli %arg1, %mul3A : i32
    %add3A = arith.addi %mul3A_0, %arg0 : i32
    %mul3A_1 = arith.constant 4096 : i32
    %mul3A_2 = arith.muli %add3A, %mul3A_1 : i32
    %scan3A = arith.constant 0 : i32
    %scan3A_3 = arith.constant 0 : i32
    %scan3A_4 = arith.constant 8 : i32
    %scan3A_5 = arith.addi %scan3A_3, %scan3A_4 : i32
    %scan3A_6 = arith.constant 1 : i32
    scf.for %scan3A_8 = %scan3A_3 to %scan3A_5 step %scan3A_6  : i32 {
      %mul3A_9 = arith.constant 512 : i32
      %mul3A_10 = arith.muli %scan3A_8, %mul3A_9 : i32
      %add3A_11 = arith.addi %mul3A_2, %mul3A_10 : i32
      "tpu.region"() ({
        %run_scoped3A = tpu.sem_alloc : memref<!tpu.dma_semaphore, #tpu.memory_space<semaphore_mem>>
        %dma_start3A_16 = tpu.memref_slice %arg3[%add3A_11] : memref<131072xi32, #tpu.memory_space<hbm>> -> memref<512xi32, #tpu.memory_space<hbm>>
        %dma_start3A_17 = tpu.memref_slice %arg3[%add3A_11] : memref<131072xi32, #tpu.memory_space<hbm>> -> memref<512xi32, #tpu.memory_space<hbm>>
        tpu.enqueue_dma source(%dma_start3A_17 : memref<512xi32, #tpu.memory_space<hbm>>) target(%arg5 : memref<512xi32, #tpu.memory_space<vmem>>) target_semaphore(%run_scoped3A : memref<!tpu.dma_semaphore, #tpu.memory_space<semaphore_mem>>)
        %dma_wait3A_18 = tpu.memref_slice %arg3[%add3A_11] : memref<131072xi32, #tpu.memory_space<hbm>> -> memref<512xi32, #tpu.memory_space<hbm>>
        %dma_wait3A_19 = tpu.memref_slice %arg3[%add3A_11] : memref<131072xi32, #tpu.memory_space<hbm>> -> memref<512xi32, #tpu.memory_space<hbm>>
        tpu.wait_dma2 semaphore(%run_scoped3A : memref<!tpu.dma_semaphore, #tpu.memory_space<semaphore_mem>>) src(%dma_wait3A_19 : memref<512xi32, #tpu.memory_space<hbm>>) dst(%arg5 : memref<512xi32, #tpu.memory_space<vmem>>)
        tpu.yield
      }) : () -> ()
      %dma_start3A = arith.constant 0 : i32
      %dma_start3A_12 = arith.constant 0 : i32
      %dma_start3A_13 = tpu.memref_slice %arg2[%dma_start3A, %dma_start3A_12] : memref<8192x128xf32, #tpu.memory_space<hbm>> -> memref<8192x128xf32, #tpu.memory_space<hbm>>
      tpu.enqueue_indirect_dma source(%dma_start3A_13 : memref<8192x128xf32, #tpu.memory_space<hbm>>) target(%arg6 : memref<512x128xf32, #tpu.memory_space<vmem>>) offsets(%arg5 : memref<512xi32, #tpu.memory_space<vmem>>) semaphore(%arg7 : memref<!tpu.dma_semaphore, #tpu.memory_space<semaphore_mem>>)
      %dma_wait3A = arith.constant 0 : i32
      %dma_wait3A_14 = arith.constant 0 : i32
      %dma_wait3A_15 = tpu.memref_slice %arg2[%dma_wait3A, %dma_wait3A_14] : memref<8192x128xf32, #tpu.memory_space<hbm>> -> memref<8192x128xf32, #tpu.memory_space<hbm>>
      tpu.wait_indirect_dma semaphore(%arg7 : memref<!tpu.dma_semaphore, #tpu.memory_space<semaphore_mem>>) src(%dma_wait3A_15 : memref<8192x128xf32, #tpu.memory_space<hbm>>) dst(%arg6 : memref<512x128xf32, #tpu.memory_space<vmem>>)
      "tpu.region"() ({
        %run_scoped3A = tpu.sem_alloc : memref<!tpu.dma_semaphore, #tpu.memory_space<semaphore_mem>>
        %dma_start3A_16 = arith.constant 0 : i32
        %dma_start3A_17 = tpu.memref_slice %arg4[%add3A_11, %dma_start3A_16] : memref<131072x128xf32, #tpu.memory_space<hbm>> -> memref<512x128xf32, #tpu.memory_space<hbm>>
        %dma_start3A_18 = arith.constant 0 : i32
        %dma_start3A_19 = tpu.memref_slice %arg4[%add3A_11, %dma_start3A_18] : memref<131072x128xf32, #tpu.memory_space<hbm>> -> memref<512x128xf32, #tpu.memory_space<hbm>>
        tpu.enqueue_dma source(%arg6 : memref<512x128xf32, #tpu.memory_space<vmem>>) target(%dma_start3A_19 : memref<512x128xf32, #tpu.memory_space<hbm>>) target_semaphore(%run_scoped3A : memref<!tpu.dma_semaphore, #tpu.memory_space<semaphore_mem>>)
        %dma_wait3A_20 = arith.constant 0 : i32
        %dma_wait3A_21 = tpu.memref_slice %arg4[%add3A_11, %dma_wait3A_20] : memref<131072x128xf32, #tpu.memory_space<hbm>> -> memref<512x128xf32, #tpu.memory_space<hbm>>
        %dma_wait3A_22 = arith.constant 0 : i32
        %dma_wait3A_23 = tpu.memref_slice %arg4[%add3A_11, %dma_wait3A_22] : memref<131072x128xf32, #tpu.memory_space<hbm>> -> memref<512x128xf32, #tpu.memory_space<hbm>>
        tpu.wait_dma2 semaphore(%run_scoped3A : memref<!tpu.dma_semaphore, #tpu.memory_space<semaphore_mem>>) src(%arg6 : memref<512x128xf32, #tpu.memory_space<vmem>>) dst(%dma_wait3A_23 : memref<512x128xf32, #tpu.memory_space<hbm>>)
        tpu.yield
      }) : () -> ()
    }
    %scan3A_7 = arith.constant 8 : i32
    return
  }
}

#map = affine_map<(d0, d1) -> (0, 0)>
#map1 = affine_map<(d0, d1) -> (0)>
module attributes {stable_mosaic.version = 14 : i64} {
  func.func @k(%arg0: i32, %arg1: i32, %arg2: memref<8192x128xf32, #tpu.memory_space<hbm>>, %arg3: memref<131072xi32, #tpu.memory_space<hbm>>, %arg4: memref<131072x128xf32, #tpu.memory_space<hbm>>, %arg5: memref<512xi32, #tpu.memory_space<vmem>>, %arg6: memref<512x128xf32, #tpu.memory_space<vmem>>, %arg7: memref<!tpu.dma_semaphore, #tpu.memory_space<semaphore_mem>>) attributes {dimension_semantics = [#tpu.dimension_semantics<core_parallel>, #tpu.dimension_semantics<subcore_parallel>], iteration_bounds = array<i64: 2, 16>, scalar_prefetch = 0 : i64, scratch_operands = 3 : i64, tpu.core_type = #tpu.core_type<sc_vector_subcore>, window_params = [{transform_indices = #map}, {transform_indices = #map1}, {transform_indices = #map}]} {
    %mul3A = arith.constant 2 : i32
    %mul3A_0 = arith.muli %arg1, %mul3A : i32
    %add3A = arith.addi %mul3A_0, %arg0 : i32
    %mul3A_1 = arith.constant 4096 : i32
    %mul3A_2 = arith.muli %add3A, %mul3A_1 : i32
    %scan3A = arith.constant 0 : i32
    %scan3A_3 = arith.constant 0 : i32
    %scan3A_4 = arith.constant 8 : i32
    %scan3A_5 = arith.addi %scan3A_3, %scan3A_4 : i32
    %scan3A_6 = arith.constant 1 : i32
    scf.for %scan3A_8 = %scan3A_3 to %scan3A_5 step %scan3A_6  : i32 {
      %mul3A_9 = arith.constant 512 : i32
      %mul3A_10 = arith.muli %scan3A_8, %mul3A_9 : i32
      %add3A_11 = arith.addi %mul3A_2, %mul3A_10 : i32
      "tpu.region"() ({
        %run_scoped3A = tpu.sem_alloc : memref<!tpu.dma_semaphore, #tpu.memory_space<semaphore_mem>>
        %dma_start3A_16 = tpu.memref_slice %arg3[%add3A_11] : memref<131072xi32, #tpu.memory_space<hbm>> -> memref<512xi32, #tpu.memory_space<hbm>>
        %dma_start3A_17 = tpu.memref_slice %arg3[%add3A_11] : memref<131072xi32, #tpu.memory_space<hbm>> -> memref<512xi32, #tpu.memory_space<hbm>>
        tpu.enqueue_dma source(%dma_start3A_17 : memref<512xi32, #tpu.memory_space<hbm>>) target(%arg5 : memref<512xi32, #tpu.memory_space<vmem>>) target_semaphore(%run_scoped3A : memref<!tpu.dma_semaphore, #tpu.memory_space<semaphore_mem>>)
        %dma_wait3A_18 = tpu.memref_slice %arg3[%add3A_11] : memref<131072xi32, #tpu.memory_space<hbm>> -> memref<512xi32, #tpu.memory_space<hbm>>
        %dma_wait3A_19 = tpu.memref_slice %arg3[%add3A_11] : memref<131072xi32, #tpu.memory_space<hbm>> -> memref<512xi32, #tpu.memory_space<hbm>>
        tpu.wait_dma2 semaphore(%run_scoped3A : memref<!tpu.dma_semaphore, #tpu.memory_space<semaphore_mem>>) src(%dma_wait3A_19 : memref<512xi32, #tpu.memory_space<hbm>>) dst(%arg5 : memref<512xi32, #tpu.memory_space<vmem>>)
        tpu.yield
      }) : () -> ()
      %dma_start3A = arith.constant 0 : i32
      %dma_start3A_12 = arith.constant 0 : i32
      %dma_start3A_13 = tpu.memref_slice %arg2[%dma_start3A, %dma_start3A_12] : memref<8192x128xf32, #tpu.memory_space<hbm>> -> memref<8192x128xf32, #tpu.memory_space<hbm>>
      tpu.enqueue_indirect_dma source(%dma_start3A_13 : memref<8192x128xf32, #tpu.memory_space<hbm>>) target(%arg6 : memref<512x128xf32, #tpu.memory_space<vmem>>) offsets(%arg5 : memref<512xi32, #tpu.memory_space<vmem>>) semaphore(%arg7 : memref<!tpu.dma_semaphore, #tpu.memory_space<semaphore_mem>>)
      %dma_wait3A = arith.constant 0 : i32
      %dma_wait3A_14 = arith.constant 0 : i32
      %dma_wait3A_15 = tpu.memref_slice %arg2[%dma_wait3A, %dma_wait3A_14] : memref<8192x128xf32, #tpu.memory_space<hbm>> -> memref<8192x128xf32, #tpu.memory_space<hbm>>
      tpu.wait_indirect_dma semaphore(%arg7 : memref<!tpu.dma_semaphore, #tpu.memory_space<semaphore_mem>>) src(%dma_wait3A_15 : memref<8192x128xf32, #tpu.memory_space<hbm>>) dst(%arg6 : memref<512x128xf32, #tpu.memory_space<vmem>>)
      "tpu.region"() ({
        %run_scoped3A = tpu.sem_alloc : memref<!tpu.dma_semaphore, #tpu.memory_space<semaphore_mem>>
        %dma_start3A_16 = arith.constant 0 : i32
        %dma_start3A_17 = tpu.memref_slice %arg4[%add3A_11, %dma_start3A_16] : memref<131072x128xf32, #tpu.memory_space<hbm>> -> memref<512x128xf32, #tpu.memory_space<hbm>>
        %dma_start3A_18 = arith.constant 0 : i32
        %dma_start3A_19 = tpu.memref_slice %arg4[%add3A_11, %dma_start3A_18] : memref<131072x128xf32, #tpu.memory_space<hbm>> -> memref<512x128xf32, #tpu.memory_space<hbm>>
        tpu.enqueue_dma source(%arg6 : memref<512x128xf32, #tpu.memory_space<vmem>>) target(%dma_start3A_19 : memref<512x128xf32, #tpu.memory_space<hbm>>) target_semaphore(%run_scoped3A : memref<!tpu.dma_semaphore, #tpu.memory_space<semaphore_mem>>)
        %dma_wait3A_20 = arith.constant 0 : i32
        %dma_wait3A_21 = tpu.memref_slice %arg4[%add3A_11, %dma_wait3A_20] : memref<131072x128xf32, #tpu.memory_space<hbm>> -> memref<512x128xf32, #tpu.memory_space<hbm>>
        %dma_wait3A_22 = arith.constant 0 : i32
        %dma_wait3A_23 = tpu.memref_slice %arg4[%add3A_11, %dma_wait3A_22] : memref<131072x128xf32, #tpu.memory_space<hbm>> -> memref<512x128xf32, #tpu.memory_space<hbm>>
        tpu.wait_dma2 semaphore(%run_scoped3A : memref<!tpu.dma_semaphore, #tpu.memory_space<semaphore_mem>>) src(%arg6 : memref<512x128xf32, #tpu.memory_space<vmem>>) dst(%dma_wait3A_23 : memref<512x128xf32, #tpu.memory_space<hbm>>)
        tpu.yield
      }) : () -> ()
    }
    %scan3A_7 = arith.constant 8 : i32
    return
  }
}

#map = affine_map<(d0, d1) -> (0, 0)>
#map1 = affine_map<(d0, d1) -> (0)>
module attributes {stable_mosaic.version = 14 : i64} {
  func.func @k(%arg0: i32, %arg1: i32, %arg2: memref<8192x128xf32, #tpu.memory_space<hbm>>, %arg3: memref<131072xi32, #tpu.memory_space<hbm>>, %arg4: memref<131072x128xf32, #tpu.memory_space<hbm>>, %arg5: memref<512xi32, #tpu.memory_space<vmem>>, %arg6: memref<512x128xf32, #tpu.memory_space<vmem>>, %arg7: memref<!tpu.dma_semaphore, #tpu.memory_space<semaphore_mem>>) attributes {dimension_semantics = [#tpu.dimension_semantics<core_parallel>, #tpu.dimension_semantics<subcore_parallel>], iteration_bounds = array<i64: 2, 16>, scalar_prefetch = 0 : i64, scratch_operands = 3 : i64, tpu.core_type = #tpu.core_type<sc_vector_subcore>, window_params = [{transform_indices = #map}, {transform_indices = #map1}, {transform_indices = #map}]} {
    %mul3A = arith.constant 2 : i32
    %mul3A_0 = arith.muli %arg1, %mul3A : i32
    %add3A = arith.addi %mul3A_0, %arg0 : i32
    %mul3A_1 = arith.constant 4096 : i32
    %mul3A_2 = arith.muli %add3A, %mul3A_1 : i32
    %scan3A = arith.constant 0 : i32
    %scan3A_3 = arith.constant 0 : i32
    %scan3A_4 = arith.constant 8 : i32
    %scan3A_5 = arith.addi %scan3A_3, %scan3A_4 : i32
    %scan3A_6 = arith.constant 1 : i32
    scf.for %scan3A_8 = %scan3A_3 to %scan3A_5 step %scan3A_6  : i32 {
      %mul3A_9 = arith.constant 512 : i32
      %mul3A_10 = arith.muli %scan3A_8, %mul3A_9 : i32
      %add3A_11 = arith.addi %mul3A_2, %mul3A_10 : i32
      "tpu.region"() ({
        %run_scoped3A = tpu.sem_alloc : memref<!tpu.dma_semaphore, #tpu.memory_space<semaphore_mem>>
        %dma_start3A_16 = tpu.memref_slice %arg3[%add3A_11] : memref<131072xi32, #tpu.memory_space<hbm>> -> memref<512xi32, #tpu.memory_space<hbm>>
        %dma_start3A_17 = tpu.memref_slice %arg3[%add3A_11] : memref<131072xi32, #tpu.memory_space<hbm>> -> memref<512xi32, #tpu.memory_space<hbm>>
        tpu.enqueue_dma source(%dma_start3A_17 : memref<512xi32, #tpu.memory_space<hbm>>) target(%arg5 : memref<512xi32, #tpu.memory_space<vmem>>) target_semaphore(%run_scoped3A : memref<!tpu.dma_semaphore, #tpu.memory_space<semaphore_mem>>)
        %dma_wait3A_18 = tpu.memref_slice %arg3[%add3A_11] : memref<131072xi32, #tpu.memory_space<hbm>> -> memref<512xi32, #tpu.memory_space<hbm>>
        %dma_wait3A_19 = tpu.memref_slice %arg3[%add3A_11] : memref<131072xi32, #tpu.memory_space<hbm>> -> memref<512xi32, #tpu.memory_space<hbm>>
        tpu.wait_dma2 semaphore(%run_scoped3A : memref<!tpu.dma_semaphore, #tpu.memory_space<semaphore_mem>>) src(%dma_wait3A_19 : memref<512xi32, #tpu.memory_space<hbm>>) dst(%arg5 : memref<512xi32, #tpu.memory_space<vmem>>)
        tpu.yield
      }) : () -> ()
      %dma_start3A = arith.constant 0 : i32
      %dma_start3A_12 = arith.constant 0 : i32
      %dma_start3A_13 = tpu.memref_slice %arg2[%dma_start3A, %dma_start3A_12] : memref<8192x128xf32, #tpu.memory_space<hbm>> -> memref<8192x128xf32, #tpu.memory_space<hbm>>
      tpu.enqueue_indirect_dma source(%dma_start3A_13 : memref<8192x128xf32, #tpu.memory_space<hbm>>) target(%arg6 : memref<512x128xf32, #tpu.memory_space<vmem>>) offsets(%arg5 : memref<512xi32, #tpu.memory_space<vmem>>) semaphore(%arg7 : memref<!tpu.dma_semaphore, #tpu.memory_space<semaphore_mem>>)
      %dma_wait3A = arith.constant 0 : i32
      %dma_wait3A_14 = arith.constant 0 : i32
      %dma_wait3A_15 = tpu.memref_slice %arg2[%dma_wait3A, %dma_wait3A_14] : memref<8192x128xf32, #tpu.memory_space<hbm>> -> memref<8192x128xf32, #tpu.memory_space<hbm>>
      tpu.wait_indirect_dma semaphore(%arg7 : memref<!tpu.dma_semaphore, #tpu.memory_space<semaphore_mem>>) src(%dma_wait3A_15 : memref<8192x128xf32, #tpu.memory_space<hbm>>) dst(%arg6 : memref<512x128xf32, #tpu.memory_space<vmem>>)
      "tpu.region"() ({
        %run_scoped3A = tpu.sem_alloc : memref<!tpu.dma_semaphore, #tpu.memory_space<semaphore_mem>>
        %dma_start3A_16 = arith.constant 0 : i32
        %dma_start3A_17 = tpu.memref_slice %arg4[%add3A_11, %dma_start3A_16] : memref<131072x128xf32, #tpu.memory_space<hbm>> -> memref<512x128xf32, #tpu.memory_space<hbm>>
        %dma_start3A_18 = arith.constant 0 : i32
        %dma_start3A_19 = tpu.memref_slice %arg4[%add3A_11, %dma_start3A_18] : memref<131072x128xf32, #tpu.memory_space<hbm>> -> memref<512x128xf32, #tpu.memory_space<hbm>>
        tpu.enqueue_dma source(%arg6 : memref<512x128xf32, #tpu.memory_space<vmem>>) target(%dma_start3A_19 : memref<512x128xf32, #tpu.memory_space<hbm>>) target_semaphore(%run_scoped3A : memref<!tpu.dma_semaphore, #tpu.memory_space<semaphore_mem>>)
        %dma_wait3A_20 = arith.constant 0 : i32
        %dma_wait3A_21 = tpu.memref_slice %arg4[%add3A_11, %dma_wait3A_20] : memref<131072x128xf32, #tpu.memory_space<hbm>> -> memref<512x128xf32, #tpu.memory_space<hbm>>
        %dma_wait3A_22 = arith.constant 0 : i32
        %dma_wait3A_23 = tpu.memref_slice %arg4[%add3A_11, %dma_wait3A_22] : memref<131072x128xf32, #tpu.memory_space<hbm>> -> memref<512x128xf32, #tpu.memory_space<hbm>>
        tpu.wait_dma2 semaphore(%run_scoped3A : memref<!tpu.dma_semaphore, #tpu.memory_space<semaphore_mem>>) src(%arg6 : memref<512x128xf32, #tpu.memory_space<vmem>>) dst(%dma_wait3A_23 : memref<512x128xf32, #tpu.memory_space<hbm>>)
        tpu.yield
      }) : () -> ()
    }
    %scan3A_7 = arith.constant 8 : i32
    return
  }
}

module attributes {stable_mosaic.version = 14 : i64} {
  func.func @_knn_body(%arg0: i32, %arg1: i32, %arg2: memref<128x3xf32, #tpu.memory_space<vmem>>, %arg3: memref<2048x3xf32, #tpu.memory_space<vmem>>, %arg4: memref<128xf32, #tpu.memory_space<vmem>>, %arg5: memref<2048xf32, #tpu.memory_space<vmem>>, %arg6: memref<16x128xi32, #tpu.memory_space<vmem>>, %arg7: memref<128x2048xf32, #tpu.memory_space<vmem>>, %arg8: memref<16x128xi32, #tpu.memory_space<vmem>>) attributes {dimension_semantics = [#tpu.dimension_semantics<arbitrary>, #tpu.dimension_semantics<arbitrary>], iteration_bounds = array<i64: 4, 16>, scalar_prefetch = 0 : i64, scratch_operands = 2 : i64, tpu.core_type = #tpu.core_type<tc>, window_params = [{transform_indices = @transform_0, window_bounds = array<i64: 128, 3>}, {transform_indices = @transform_1, window_bounds = array<i64: 2048, 3>}, {transform_indices = @transform_2, window_bounds = array<i64: 128>}, {transform_indices = @transform_3, window_bounds = array<i64: 2048>}, {transform_indices = @transform_4, window_bounds = array<i64: 16, 128>}]} {
    %get3A = arith.constant 0 : index
    %get3A_0 = arith.constant 0 : index
    %get3A_1 = vector.load %arg2[%get3A, %get3A_0] : memref<128x3xf32, #tpu.memory_space<vmem>>, vector<128x3xf32>
    %get3A_2 = arith.constant 0 : index
    %get3A_3 = arith.constant 0 : index
    %get3A_4 = vector.load %arg3[%get3A_2, %get3A_3] : memref<2048x3xf32, #tpu.memory_space<vmem>>, vector<2048x3xf32>
    %dot_general3A = arith.constant dense<0.000000e+00> : vector<128x2048xf32>
    %dot_general3A_5 = tpu.matmul %get3A_1, %get3A_4, %dot_general3A {dimension_numbers = #tpu.dot_dimension_numbers<[1], [1], [0], [0], [0, 0, 1, 0], [], []>, transpose_lhs_hint = false} : vector<128x3xf32>, vector<2048x3xf32>, vector<128x2048xf32> -> vector<128x2048xf32>
    %get3A_6 = arith.constant 0 : index
    %get3A_7 = vector.load %arg4[%get3A_6] : memref<128xf32, #tpu.memory_space<vmem>>, vector<128xf32>
    %reshape3A = vector.shape_cast %get3A_7 : vector<128xf32> to vector<128x1xf32>
    %get3A_8 = arith.constant 0 : index
    %get3A_9 = vector.load %arg5[%get3A_8] : memref<2048xf32, #tpu.memory_space<vmem>>, vector<2048xf32>
    %reshape3A_10 = vector.shape_cast %get3A_9 : vector<2048xf32> to vector<1x2048xf32>
    %add3A = vector.broadcast %reshape3A : vector<128x1xf32> to vector<128x2048xf32>
    %add3A_11 = vector.broadcast %reshape3A_10 : vector<1x2048xf32> to vector<128x2048xf32>
    %add3A_12 = arith.addf %add3A, %add3A_11 : vector<128x2048xf32>
    %mul3A = arith.constant 2.000000e+00 : f32
    %mul3A_13 = vector.broadcast %mul3A : f32 to vector<128x2048xf32>
    %mul3A_14 = arith.mulf %mul3A_13, %dot_general3A_5 : vector<128x2048xf32>
    %sub3A = arith.subf %add3A_12, %mul3A_14 : vector<128x2048xf32>
    %iota3A = tpu.iota {dimensions = array<i32: 1>} : vector<128x2048xi32>
    %iota3A_15 = tpu.iota {dimensions = array<i32: 0>} : vector<128x2048xi32>
    %mul3A_16 = arith.constant 128 : i32
    %mul3A_17 = arith.muli %arg1, %mul3A_16 : i32
    %add3A_18 = vector.broadcast %mul3A_17 : i32 to vector<128x2048xi32>
    %add3A_19 = arith.addi %iota3A_15, %add3A_18 : vector<128x2048xi32>
    %eq3A = arith.cmpi eq, %iota3A, %add3A_19 : vector<128x2048xi32>
    %jit3A = arith.constant 0x7F800000 : f32
    %broadcast_in_dim3A = vector.broadcast %jit3A : f32 to vector<128x2048xf32>
    %select_n3A = arith.select %eq3A, %broadcast_in_dim3A, %sub3A : vector<128x2048xi1>, vector<128x2048xf32>
    %swap3A = arith.constant 0 : index
    %swap3A_20 = arith.constant 0 : index
    %swap3A_21 = vector.load %arg7[%swap3A, %swap3A_20] : memref<128x2048xf32, #tpu.memory_space<vmem>>, vector<128x2048xf32>
    tpu.vector_store %arg7[%swap3A, %swap3A_20], %select_n3A {strides = array<i32>} : memref<128x2048xf32, #tpu.memory_space<vmem>>, vector<128x2048xf32>,
    %convert_element_type3A = arith.sitofp %iota3A : vector<128x2048xi32> to vector<128x2048xf32>
    %broadcast_in_dim3A_22 = arith.constant 2.048000e+03 : f32
    %broadcast_in_dim3A_23 = vector.broadcast %broadcast_in_dim3A_22 : f32 to vector<128xf32>
    %scan3A = arith.constant 0 : i32
    %scan3A_24 = arith.constant 16 : i32
    %scan3A_25 = arith.addi %scan3A, %scan3A_24 : i32
    %scan3A_26 = arith.constant 1 : i32
    %scan3A_27 = scf.for %scan3A_80 = %scan3A to %scan3A_25 step %scan3A_26 iter_args(%scan3A_81 = %broadcast_in_dim3A_23) -> (vector<128xf32>)  : i32 {
      %broadcast_in_dim3A_82 = vector.shape_cast %scan3A_81 : vector<128xf32> to vector<128x1xf32>
      %eq3A_83 = vector.broadcast %broadcast_in_dim3A_82 : vector<128x1xf32> to vector<128x2048xf32>
      %eq3A_84 = arith.cmpf oeq, %convert_element_type3A, %eq3A_83 : vector<128x2048xf32>
      %get3A_85 = arith.constant 0 : index
      %get3A_86 = arith.constant 0 : index
      %get3A_87 = vector.load %arg7[%get3A_85, %get3A_86] : memref<128x2048xf32, #tpu.memory_space<vmem>>, vector<128x2048xf32>
      %jit3A_88 = arith.constant 0x7F800000 : f32
      %broadcast_in_dim3A_89 = vector.broadcast %jit3A_88 : f32 to vector<128x2048xf32>
      %select_n3A_90 = arith.select %eq3A_84, %broadcast_in_dim3A_89, %get3A_87 : vector<128x2048xi1>, vector<128x2048xf32>
      %swap3A_91 = arith.constant 0 : index
      %swap3A_92 = arith.constant 0 : index
      %swap3A_93 = vector.load %arg7[%swap3A_91, %swap3A_92] : memref<128x2048xf32, #tpu.memory_space<vmem>>, vector<128x2048xf32>
      tpu.vector_store %arg7[%swap3A_91, %swap3A_92], %select_n3A_90 {strides = array<i32>} : memref<128x2048xf32, #tpu.memory_space<vmem>>, vector<128x2048xf32>,
      %reduce_min3A = arith.constant dense<0x7F800000> : vector<128xf32>
      %reduce_min3A_94 = vector.multi_reduction <minimumf>, %select_n3A_90, %reduce_min3A [1] : vector<128x2048xf32> to vector<128xf32>
      %broadcast_in_dim3A_95 = vector.shape_cast %reduce_min3A_94 : vector<128xf32> to vector<128x1xf32>
      %eq3A_96 = vector.broadcast %broadcast_in_dim3A_95 : vector<128x1xf32> to vector<128x2048xf32>
      %eq3A_97 = arith.cmpf oeq, %select_n3A_90, %eq3A_96 : vector<128x2048xf32>
      %jit3A_98 = arith.constant 2.048000e+03 : f32
      %broadcast_in_dim3A_99 = vector.broadcast %jit3A_98 : f32 to vector<128x2048xf32>
      %select_n3A_100 = arith.select %eq3A_97, %convert_element_type3A, %broadcast_in_dim3A_99 : vector<128x2048xi1>, vector<128x2048xf32>
      %reduce_min3A_101 = arith.constant dense<0x7F800000> : vector<128xf32>
      %reduce_min3A_102 = vector.multi_reduction <minimumf>, %select_n3A_100, %reduce_min3A_101 [1] : vector<128x2048xf32> to vector<128xf32>
      %convert_element_type3A_103 = arith.fptosi %reduce_min3A_102 : vector<128xf32> to vector<128xi32>
      %reshape3A_104 = vector.shape_cast %convert_element_type3A_103 : vector<128xi32> to vector<1x128xi32>
      %swap3A_105 = arith.index_cast %scan3A_80 : i32 to index
      %swap3A_106 = arith.constant 0 : index
      %swap3A_107 = vector.load %arg8[%swap3A_105, %swap3A_106] : memref<16x128xi32, #tpu.memory_space<vmem>>, vector<1x128xi32>
      tpu.vector_store %arg8[%swap3A_105, %swap3A_106], %reshape3A_104 {strides = array<i32>} : memref<16x128xi32, #tpu.memory_space<vmem>>, vector<1x128xi32>,
      scf.yield %reduce_min3A_102 : vector<128xf32>
    }
    %scan3A_28 = arith.constant 16 : i32
    %get3A_29 = arith.constant 0 : index
    %get3A_30 = arith.constant 0 : index
    %get3A_31 = vector.load %arg8[%get3A_29, %get3A_30] : memref<16x128xi32, #tpu.memory_space<vmem>>, vector<1x128xi32>
    %get3A_32 = arith.constant 1 : index
    %get3A_33 = arith.constant 0 : index
    %get3A_34 = vector.load %arg8[%get3A_32, %get3A_33] : memref<16x128xi32, #tpu.memory_space<vmem>>, vector<1x128xi32>
    %get3A_35 = arith.constant 2 : index
    %get3A_36 = arith.constant 0 : index
    %get3A_37 = vector.load %arg8[%get3A_35, %get3A_36] : memref<16x128xi32, #tpu.memory_space<vmem>>, vector<1x128xi32>
    %get3A_38 = arith.constant 3 : index
    %get3A_39 = arith.constant 0 : index
    %get3A_40 = vector.load %arg8[%get3A_38, %get3A_39] : memref<16x128xi32, #tpu.memory_space<vmem>>, vector<1x128xi32>
    %get3A_41 = arith.constant 4 : index
    %get3A_42 = arith.constant 0 : index
    %get3A_43 = vector.load %arg8[%get3A_41, %get3A_42] : memref<16x128xi32, #tpu.memory_space<vmem>>, vector<1x128xi32>
    %get3A_44 = arith.constant 5 : index
    %get3A_45 = arith.constant 0 : index
    %get3A_46 = vector.load %arg8[%get3A_44, %get3A_45] : memref<16x128xi32, #tpu.memory_space<vmem>>, vector<1x128xi32>
    %get3A_47 = arith.constant 6 : index
    %get3A_48 = arith.constant 0 : index
    %get3A_49 = vector.load %arg8[%get3A_47, %get3A_48] : memref<16x128xi32, #tpu.memory_space<vmem>>, vector<1x128xi32>
    %get3A_50 = arith.constant 7 : index
    %get3A_51 = arith.constant 0 : index
    %get3A_52 = vector.load %arg8[%get3A_50, %get3A_51] : memref<16x128xi32, #tpu.memory_space<vmem>>, vector<1x128xi32>
    %get3A_53 = arith.constant 8 : index
    %get3A_54 = arith.constant 0 : index
    %get3A_55 = vector.load %arg8[%get3A_53, %get3A_54] : memref<16x128xi32, #tpu.memory_space<vmem>>, vector<1x128xi32>
    %get3A_56 = arith.constant 9 : index
    %get3A_57 = arith.constant 0 : index
    %get3A_58 = vector.load %arg8[%get3A_56, %get3A_57] : memref<16x128xi32, #tpu.memory_space<vmem>>, vector<1x128xi32>
    %get3A_59 = arith.constant 10 : index
    %get3A_60 = arith.constant 0 : index
    %get3A_61 = vector.load %arg8[%get3A_59, %get3A_60] : memref<16x128xi32, #tpu.memory_space<vmem>>, vector<1x128xi32>
    %get3A_62 = arith.constant 11 : index
    %get3A_63 = arith.constant 0 : index
    %get3A_64 = vector.load %arg8[%get3A_62, %get3A_63] : memref<16x128xi32, #tpu.memory_space<vmem>>, vector<1x128xi32>
    %get3A_65 = arith.constant 12 : index
    %get3A_66 = arith.constant 0 : index
    %get3A_67 = vector.load %arg8[%get3A_65, %get3A_66] : memref<16x128xi32, #tpu.memory_space<vmem>>, vector<1x128xi32>
    %get3A_68 = arith.constant 13 : index
    %get3A_69 = arith.constant 0 : index
    %get3A_70 = vector.load %arg8[%get3A_68, %get3A_69] : memref<16x128xi32, #tpu.memory_space<vmem>>, vector<1x128xi32>
    %get3A_71 = arith.constant 14 : index
    %get3A_72 = arith.constant 0 : index
    %get3A_73 = vector.load %arg8[%get3A_71, %get3A_72] : memref<16x128xi32, #tpu.memory_space<vmem>>, vector<1x128xi32>
    %get3A_74 = arith.constant 15 : index
    %get3A_75 = arith.constant 0 : index
    %get3A_76 = vector.load %arg8[%get3A_74, %get3A_75] : memref<16x128xi32, #tpu.memory_space<vmem>>, vector<1x128xi32>
    %concatenate3A = tpu.concatenate %get3A_31, %get3A_34, %get3A_37, %get3A_40, %get3A_43, %get3A_46, %get3A_49, %get3A_52, %get3A_55, %get3A_58, %get3A_61, %get3A_64, %get3A_67, %get3A_70, %get3A_73, %get3A_76 in 0 : vector<1x128xi32>, vector<1x128xi32>, vector<1x128xi32>, vector<1x128xi32>, vector<1x128xi32>, vector<1x128xi32>, vector<1x128xi32>, vector<1x128xi32>, vector<1x128xi32>, vector<1x128xi32>, vector<1x128xi32>, vector<1x128xi32>, vector<1x128xi32>, vector<1x128xi32>, vector<1x128xi32>, vector<1x128xi32> -> vector<16x128xi32>
    %swap3A_77 = arith.constant 0 : index
    %swap3A_78 = arith.constant 0 : index
    %swap3A_79 = vector.load %arg6[%swap3A_77, %swap3A_78] : memref<16x128xi32, #tpu.memory_space<vmem>>, vector<16x128xi32>
    tpu.vector_store %arg6[%swap3A_77, %swap3A_78], %concatenate3A {strides = array<i32>} : memref<16x128xi32, #tpu.memory_space<vmem>>, vector<16x128xi32>,
    return
  }
  func.func @transform_0(%arg0: i32, %arg1: i32) -> (i32, i32) {
    %mul3A = arith.constant 16 : i32
    %mul3A_0 = arith.muli %arg0, %mul3A : i32
    %add3A = arith.addi %mul3A_0, %arg1 : i32
    %c0_i32 = arith.constant 0 : i32
    %c0_i32_1 = arith.constant 0 : i32
    return %add3A, %c0_i32 : i32, i32
  }
  func.func @transform_1(%arg0: i32, %arg1: i32) -> (i32, i32) {
    %c0_i32 = arith.constant 0 : i32
    %c0_i32_0 = arith.constant 0 : i32
    return %arg0, %c0_i32 : i32, i32
  }
  func.func @transform_2(%arg0: i32, %arg1: i32) -> i32 {
    %mul3A = arith.constant 16 : i32
    %mul3A_0 = arith.muli %arg0, %mul3A : i32
    %add3A = arith.addi %mul3A_0, %arg1 : i32
    %c0_i32 = arith.constant 0 : i32
    return %add3A : i32
  }
  func.func @transform_3(%arg0: i32, %arg1: i32) -> i32 {
    %c0_i32 = arith.constant 0 : i32
    return %arg0 : i32
  }
  func.func @transform_4(%arg0: i32, %arg1: i32) -> (i32, i32) {
    %mul3A = arith.constant 16 : i32
    %mul3A_0 = arith.muli %arg0, %mul3A : i32
    %add3A = arith.addi %mul3A_0, %arg1 : i32
    %c0_i32 = arith.constant 0 : i32
    %c0_i32_1 = arith.constant 0 : i32
    return %c0_i32, %add3A : i32, i32
  }
}

module attributes {stable_mosaic.version = 14 : i64} {
  func.func @_knn_body(%arg0: i32, %arg1: i32, %arg2: memref<128x64xf32, #tpu.memory_space<vmem>>, %arg3: memref<2048x64xf32, #tpu.memory_space<vmem>>, %arg4: memref<128xf32, #tpu.memory_space<vmem>>, %arg5: memref<2048xf32, #tpu.memory_space<vmem>>, %arg6: memref<16x128xi32, #tpu.memory_space<vmem>>, %arg7: memref<128x2048xf32, #tpu.memory_space<vmem>>, %arg8: memref<16x128xi32, #tpu.memory_space<vmem>>) attributes {dimension_semantics = [#tpu.dimension_semantics<arbitrary>, #tpu.dimension_semantics<arbitrary>], iteration_bounds = array<i64: 4, 16>, scalar_prefetch = 0 : i64, scratch_operands = 2 : i64, tpu.core_type = #tpu.core_type<tc>, window_params = [{transform_indices = @transform_0, window_bounds = array<i64: 128, 64>}, {transform_indices = @transform_1, window_bounds = array<i64: 2048, 64>}, {transform_indices = @transform_2, window_bounds = array<i64: 128>}, {transform_indices = @transform_3, window_bounds = array<i64: 2048>}, {transform_indices = @transform_4, window_bounds = array<i64: 16, 128>}]} {
    %get3A = arith.constant 0 : index
    %get3A_0 = arith.constant 0 : index
    %get3A_1 = vector.load %arg2[%get3A, %get3A_0] : memref<128x64xf32, #tpu.memory_space<vmem>>, vector<128x64xf32>
    %get3A_2 = arith.constant 0 : index
    %get3A_3 = arith.constant 0 : index
    %get3A_4 = vector.load %arg3[%get3A_2, %get3A_3] : memref<2048x64xf32, #tpu.memory_space<vmem>>, vector<2048x64xf32>
    %dot_general3A = arith.constant dense<0.000000e+00> : vector<128x2048xf32>
    %dot_general3A_5 = tpu.matmul %get3A_1, %get3A_4, %dot_general3A {dimension_numbers = #tpu.dot_dimension_numbers<[1], [1], [0], [0], [0, 0, 1, 0], [], []>, transpose_lhs_hint = false} : vector<128x64xf32>, vector<2048x64xf32>, vector<128x2048xf32> -> vector<128x2048xf32>
    %get3A_6 = arith.constant 0 : index
    %get3A_7 = vector.load %arg4[%get3A_6] : memref<128xf32, #tpu.memory_space<vmem>>, vector<128xf32>
    %reshape3A = vector.shape_cast %get3A_7 : vector<128xf32> to vector<128x1xf32>
    %get3A_8 = arith.constant 0 : index
    %get3A_9 = vector.load %arg5[%get3A_8] : memref<2048xf32, #tpu.memory_space<vmem>>, vector<2048xf32>
    %reshape3A_10 = vector.shape_cast %get3A_9 : vector<2048xf32> to vector<1x2048xf32>
    %add3A = vector.broadcast %reshape3A : vector<128x1xf32> to vector<128x2048xf32>
    %add3A_11 = vector.broadcast %reshape3A_10 : vector<1x2048xf32> to vector<128x2048xf32>
    %add3A_12 = arith.addf %add3A, %add3A_11 : vector<128x2048xf32>
    %mul3A = arith.constant 2.000000e+00 : f32
    %mul3A_13 = vector.broadcast %mul3A : f32 to vector<128x2048xf32>
    %mul3A_14 = arith.mulf %mul3A_13, %dot_general3A_5 : vector<128x2048xf32>
    %sub3A = arith.subf %add3A_12, %mul3A_14 : vector<128x2048xf32>
    %iota3A = tpu.iota {dimensions = array<i32: 1>} : vector<128x2048xi32>
    %iota3A_15 = tpu.iota {dimensions = array<i32: 0>} : vector<128x2048xi32>
    %mul3A_16 = arith.constant 128 : i32
    %mul3A_17 = arith.muli %arg1, %mul3A_16 : i32
    %add3A_18 = vector.broadcast %mul3A_17 : i32 to vector<128x2048xi32>
    %add3A_19 = arith.addi %iota3A_15, %add3A_18 : vector<128x2048xi32>
    %eq3A = arith.cmpi eq, %iota3A, %add3A_19 : vector<128x2048xi32>
    %jit3A = arith.constant 0x7F800000 : f32
    %broadcast_in_dim3A = vector.broadcast %jit3A : f32 to vector<128x2048xf32>
    %select_n3A = arith.select %eq3A, %broadcast_in_dim3A, %sub3A : vector<128x2048xi1>, vector<128x2048xf32>
    %swap3A = arith.constant 0 : index
    %swap3A_20 = arith.constant 0 : index
    %swap3A_21 = vector.load %arg7[%swap3A, %swap3A_20] : memref<128x2048xf32, #tpu.memory_space<vmem>>, vector<128x2048xf32>
    tpu.vector_store %arg7[%swap3A, %swap3A_20], %select_n3A {strides = array<i32>} : memref<128x2048xf32, #tpu.memory_space<vmem>>, vector<128x2048xf32>,
    %convert_element_type3A = arith.sitofp %iota3A : vector<128x2048xi32> to vector<128x2048xf32>
    %broadcast_in_dim3A_22 = arith.constant 2.048000e+03 : f32
    %broadcast_in_dim3A_23 = vector.broadcast %broadcast_in_dim3A_22 : f32 to vector<128xf32>
    %scan3A = arith.constant 0 : i32
    %scan3A_24 = arith.constant 16 : i32
    %scan3A_25 = arith.addi %scan3A, %scan3A_24 : i32
    %scan3A_26 = arith.constant 1 : i32
    %scan3A_27 = scf.for %scan3A_80 = %scan3A to %scan3A_25 step %scan3A_26 iter_args(%scan3A_81 = %broadcast_in_dim3A_23) -> (vector<128xf32>)  : i32 {
      %broadcast_in_dim3A_82 = vector.shape_cast %scan3A_81 : vector<128xf32> to vector<128x1xf32>
      %eq3A_83 = vector.broadcast %broadcast_in_dim3A_82 : vector<128x1xf32> to vector<128x2048xf32>
      %eq3A_84 = arith.cmpf oeq, %convert_element_type3A, %eq3A_83 : vector<128x2048xf32>
      %get3A_85 = arith.constant 0 : index
      %get3A_86 = arith.constant 0 : index
      %get3A_87 = vector.load %arg7[%get3A_85, %get3A_86] : memref<128x2048xf32, #tpu.memory_space<vmem>>, vector<128x2048xf32>
      %jit3A_88 = arith.constant 0x7F800000 : f32
      %broadcast_in_dim3A_89 = vector.broadcast %jit3A_88 : f32 to vector<128x2048xf32>
      %select_n3A_90 = arith.select %eq3A_84, %broadcast_in_dim3A_89, %get3A_87 : vector<128x2048xi1>, vector<128x2048xf32>
      %swap3A_91 = arith.constant 0 : index
      %swap3A_92 = arith.constant 0 : index
      %swap3A_93 = vector.load %arg7[%swap3A_91, %swap3A_92] : memref<128x2048xf32, #tpu.memory_space<vmem>>, vector<128x2048xf32>
      tpu.vector_store %arg7[%swap3A_91, %swap3A_92], %select_n3A_90 {strides = array<i32>} : memref<128x2048xf32, #tpu.memory_space<vmem>>, vector<128x2048xf32>,
      %reduce_min3A = arith.constant dense<0x7F800000> : vector<128xf32>
      %reduce_min3A_94 = vector.multi_reduction <minimumf>, %select_n3A_90, %reduce_min3A [1] : vector<128x2048xf32> to vector<128xf32>
      %broadcast_in_dim3A_95 = vector.shape_cast %reduce_min3A_94 : vector<128xf32> to vector<128x1xf32>
      %eq3A_96 = vector.broadcast %broadcast_in_dim3A_95 : vector<128x1xf32> to vector<128x2048xf32>
      %eq3A_97 = arith.cmpf oeq, %select_n3A_90, %eq3A_96 : vector<128x2048xf32>
      %jit3A_98 = arith.constant 2.048000e+03 : f32
      %broadcast_in_dim3A_99 = vector.broadcast %jit3A_98 : f32 to vector<128x2048xf32>
      %select_n3A_100 = arith.select %eq3A_97, %convert_element_type3A, %broadcast_in_dim3A_99 : vector<128x2048xi1>, vector<128x2048xf32>
      %reduce_min3A_101 = arith.constant dense<0x7F800000> : vector<128xf32>
      %reduce_min3A_102 = vector.multi_reduction <minimumf>, %select_n3A_100, %reduce_min3A_101 [1] : vector<128x2048xf32> to vector<128xf32>
      %convert_element_type3A_103 = arith.fptosi %reduce_min3A_102 : vector<128xf32> to vector<128xi32>
      %reshape3A_104 = vector.shape_cast %convert_element_type3A_103 : vector<128xi32> to vector<1x128xi32>
      %swap3A_105 = arith.index_cast %scan3A_80 : i32 to index
      %swap3A_106 = arith.constant 0 : index
      %swap3A_107 = vector.load %arg8[%swap3A_105, %swap3A_106] : memref<16x128xi32, #tpu.memory_space<vmem>>, vector<1x128xi32>
      tpu.vector_store %arg8[%swap3A_105, %swap3A_106], %reshape3A_104 {strides = array<i32>} : memref<16x128xi32, #tpu.memory_space<vmem>>, vector<1x128xi32>,
      scf.yield %reduce_min3A_102 : vector<128xf32>
    }
    %scan3A_28 = arith.constant 16 : i32
    %get3A_29 = arith.constant 0 : index
    %get3A_30 = arith.constant 0 : index
    %get3A_31 = vector.load %arg8[%get3A_29, %get3A_30] : memref<16x128xi32, #tpu.memory_space<vmem>>, vector<1x128xi32>
    %get3A_32 = arith.constant 1 : index
    %get3A_33 = arith.constant 0 : index
    %get3A_34 = vector.load %arg8[%get3A_32, %get3A_33] : memref<16x128xi32, #tpu.memory_space<vmem>>, vector<1x128xi32>
    %get3A_35 = arith.constant 2 : index
    %get3A_36 = arith.constant 0 : index
    %get3A_37 = vector.load %arg8[%get3A_35, %get3A_36] : memref<16x128xi32, #tpu.memory_space<vmem>>, vector<1x128xi32>
    %get3A_38 = arith.constant 3 : index
    %get3A_39 = arith.constant 0 : index
    %get3A_40 = vector.load %arg8[%get3A_38, %get3A_39] : memref<16x128xi32, #tpu.memory_space<vmem>>, vector<1x128xi32>
    %get3A_41 = arith.constant 4 : index
    %get3A_42 = arith.constant 0 : index
    %get3A_43 = vector.load %arg8[%get3A_41, %get3A_42] : memref<16x128xi32, #tpu.memory_space<vmem>>, vector<1x128xi32>
    %get3A_44 = arith.constant 5 : index
    %get3A_45 = arith.constant 0 : index
    %get3A_46 = vector.load %arg8[%get3A_44, %get3A_45] : memref<16x128xi32, #tpu.memory_space<vmem>>, vector<1x128xi32>
    %get3A_47 = arith.constant 6 : index
    %get3A_48 = arith.constant 0 : index
    %get3A_49 = vector.load %arg8[%get3A_47, %get3A_48] : memref<16x128xi32, #tpu.memory_space<vmem>>, vector<1x128xi32>
    %get3A_50 = arith.constant 7 : index
    %get3A_51 = arith.constant 0 : index
    %get3A_52 = vector.load %arg8[%get3A_50, %get3A_51] : memref<16x128xi32, #tpu.memory_space<vmem>>, vector<1x128xi32>
    %get3A_53 = arith.constant 8 : index
    %get3A_54 = arith.constant 0 : index
    %get3A_55 = vector.load %arg8[%get3A_53, %get3A_54] : memref<16x128xi32, #tpu.memory_space<vmem>>, vector<1x128xi32>
    %get3A_56 = arith.constant 9 : index
    %get3A_57 = arith.constant 0 : index
    %get3A_58 = vector.load %arg8[%get3A_56, %get3A_57] : memref<16x128xi32, #tpu.memory_space<vmem>>, vector<1x128xi32>
    %get3A_59 = arith.constant 10 : index
    %get3A_60 = arith.constant 0 : index
    %get3A_61 = vector.load %arg8[%get3A_59, %get3A_60] : memref<16x128xi32, #tpu.memory_space<vmem>>, vector<1x128xi32>
    %get3A_62 = arith.constant 11 : index
    %get3A_63 = arith.constant 0 : index
    %get3A_64 = vector.load %arg8[%get3A_62, %get3A_63] : memref<16x128xi32, #tpu.memory_space<vmem>>, vector<1x128xi32>
    %get3A_65 = arith.constant 12 : index
    %get3A_66 = arith.constant 0 : index
    %get3A_67 = vector.load %arg8[%get3A_65, %get3A_66] : memref<16x128xi32, #tpu.memory_space<vmem>>, vector<1x128xi32>
    %get3A_68 = arith.constant 13 : index
    %get3A_69 = arith.constant 0 : index
    %get3A_70 = vector.load %arg8[%get3A_68, %get3A_69] : memref<16x128xi32, #tpu.memory_space<vmem>>, vector<1x128xi32>
    %get3A_71 = arith.constant 14 : index
    %get3A_72 = arith.constant 0 : index
    %get3A_73 = vector.load %arg8[%get3A_71, %get3A_72] : memref<16x128xi32, #tpu.memory_space<vmem>>, vector<1x128xi32>
    %get3A_74 = arith.constant 15 : index
    %get3A_75 = arith.constant 0 : index
    %get3A_76 = vector.load %arg8[%get3A_74, %get3A_75] : memref<16x128xi32, #tpu.memory_space<vmem>>, vector<1x128xi32>
    %concatenate3A = tpu.concatenate %get3A_31, %get3A_34, %get3A_37, %get3A_40, %get3A_43, %get3A_46, %get3A_49, %get3A_52, %get3A_55, %get3A_58, %get3A_61, %get3A_64, %get3A_67, %get3A_70, %get3A_73, %get3A_76 in 0 : vector<1x128xi32>, vector<1x128xi32>, vector<1x128xi32>, vector<1x128xi32>, vector<1x128xi32>, vector<1x128xi32>, vector<1x128xi32>, vector<1x128xi32>, vector<1x128xi32>, vector<1x128xi32>, vector<1x128xi32>, vector<1x128xi32>, vector<1x128xi32>, vector<1x128xi32>, vector<1x128xi32>, vector<1x128xi32> -> vector<16x128xi32>
    %swap3A_77 = arith.constant 0 : index
    %swap3A_78 = arith.constant 0 : index
    %swap3A_79 = vector.load %arg6[%swap3A_77, %swap3A_78] : memref<16x128xi32, #tpu.memory_space<vmem>>, vector<16x128xi32>
    tpu.vector_store %arg6[%swap3A_77, %swap3A_78], %concatenate3A {strides = array<i32>} : memref<16x128xi32, #tpu.memory_space<vmem>>, vector<16x128xi32>,
    return
  }
  func.func @transform_0(%arg0: i32, %arg1: i32) -> (i32, i32) {
    %mul3A = arith.constant 16 : i32
    %mul3A_0 = arith.muli %arg0, %mul3A : i32
    %add3A = arith.addi %mul3A_0, %arg1 : i32
    %c0_i32 = arith.constant 0 : i32
    %c0_i32_1 = arith.constant 0 : i32
    return %add3A, %c0_i32 : i32, i32
  }
  func.func @transform_1(%arg0: i32, %arg1: i32) -> (i32, i32) {
    %c0_i32 = arith.constant 0 : i32
    %c0_i32_0 = arith.constant 0 : i32
    return %arg0, %c0_i32 : i32, i32
  }
  func.func @transform_2(%arg0: i32, %arg1: i32) -> i32 {
    %mul3A = arith.constant 16 : i32
    %mul3A_0 = arith.muli %arg0, %mul3A : i32
    %add3A = arith.addi %mul3A_0, %arg1 : i32
    %c0_i32 = arith.constant 0 : i32
    return %add3A : i32
  }
  func.func @transform_3(%arg0: i32, %arg1: i32) -> i32 {
    %c0_i32 = arith.constant 0 : i32
    return %arg0 : i32
  }
  func.func @transform_4(%arg0: i32, %arg1: i32) -> (i32, i32) {
    %mul3A = arith.constant 16 : i32
    %mul3A_0 = arith.muli %arg0, %mul3A : i32
    %add3A = arith.addi %mul3A_0, %arg1 : i32
    %c0_i32 = arith.constant 0 : i32
    %c0_i32_1 = arith.constant 0 : i32
    return %c0_i32, %add3A : i32, i32
  }
}

module attributes {stable_mosaic.version = 14 : i64} {
  func.func @_knn_body(%arg0: i32, %arg1: i32, %arg2: memref<128x64xf32, #tpu.memory_space<vmem>>, %arg3: memref<2048x64xf32, #tpu.memory_space<vmem>>, %arg4: memref<128xf32, #tpu.memory_space<vmem>>, %arg5: memref<2048xf32, #tpu.memory_space<vmem>>, %arg6: memref<16x128xi32, #tpu.memory_space<vmem>>, %arg7: memref<128x2048xf32, #tpu.memory_space<vmem>>, %arg8: memref<31x128xi32, #tpu.memory_space<vmem>>) attributes {dimension_semantics = [#tpu.dimension_semantics<arbitrary>, #tpu.dimension_semantics<arbitrary>], iteration_bounds = array<i64: 4, 16>, scalar_prefetch = 0 : i64, scratch_operands = 2 : i64, tpu.core_type = #tpu.core_type<tc>, window_params = [{transform_indices = @transform_0, window_bounds = array<i64: 128, 64>}, {transform_indices = @transform_1, window_bounds = array<i64: 2048, 64>}, {transform_indices = @transform_2, window_bounds = array<i64: 128>}, {transform_indices = @transform_3, window_bounds = array<i64: 2048>}, {transform_indices = @transform_4, window_bounds = array<i64: 16, 128>}]} {
    %get3A = arith.constant 0 : index
    %get3A_0 = arith.constant 0 : index
    %get3A_1 = vector.load %arg2[%get3A, %get3A_0] : memref<128x64xf32, #tpu.memory_space<vmem>>, vector<128x64xf32>
    %get3A_2 = arith.constant 0 : index
    %get3A_3 = arith.constant 0 : index
    %get3A_4 = vector.load %arg3[%get3A_2, %get3A_3] : memref<2048x64xf32, #tpu.memory_space<vmem>>, vector<2048x64xf32>
    %dot_general3A = arith.constant dense<0.000000e+00> : vector<128x2048xf32>
    %dot_general3A_5 = tpu.matmul %get3A_1, %get3A_4, %dot_general3A {dimension_numbers = #tpu.dot_dimension_numbers<[1], [1], [0], [0], [0, 0, 1, 0], [], []>, transpose_lhs_hint = false} : vector<128x64xf32>, vector<2048x64xf32>, vector<128x2048xf32> -> vector<128x2048xf32>
    %get3A_6 = arith.constant 0 : index
    %get3A_7 = vector.load %arg4[%get3A_6] : memref<128xf32, #tpu.memory_space<vmem>>, vector<128xf32>
    %reshape3A = vector.shape_cast %get3A_7 : vector<128xf32> to vector<128x1xf32>
    %get3A_8 = arith.constant 0 : index
    %get3A_9 = vector.load %arg5[%get3A_8] : memref<2048xf32, #tpu.memory_space<vmem>>, vector<2048xf32>
    %reshape3A_10 = vector.shape_cast %get3A_9 : vector<2048xf32> to vector<1x2048xf32>
    %add3A = vector.broadcast %reshape3A : vector<128x1xf32> to vector<128x2048xf32>
    %add3A_11 = vector.broadcast %reshape3A_10 : vector<1x2048xf32> to vector<128x2048xf32>
    %add3A_12 = arith.addf %add3A, %add3A_11 : vector<128x2048xf32>
    %mul3A = arith.constant 2.000000e+00 : f32
    %mul3A_13 = vector.broadcast %mul3A : f32 to vector<128x2048xf32>
    %mul3A_14 = arith.mulf %mul3A_13, %dot_general3A_5 : vector<128x2048xf32>
    %sub3A = arith.subf %add3A_12, %mul3A_14 : vector<128x2048xf32>
    %iota3A = tpu.iota {dimensions = array<i32: 1>} : vector<128x2048xi32>
    %iota3A_15 = tpu.iota {dimensions = array<i32: 0>} : vector<128x2048xi32>
    %mul3A_16 = arith.constant 128 : i32
    %mul3A_17 = arith.muli %arg1, %mul3A_16 : i32
    %add3A_18 = vector.broadcast %mul3A_17 : i32 to vector<128x2048xi32>
    %add3A_19 = arith.addi %iota3A_15, %add3A_18 : vector<128x2048xi32>
    %eq3A = arith.cmpi eq, %iota3A, %add3A_19 : vector<128x2048xi32>
    %jit3A = arith.constant 0x7F800000 : f32
    %broadcast_in_dim3A = vector.broadcast %jit3A : f32 to vector<128x2048xf32>
    %select_n3A = arith.select %eq3A, %broadcast_in_dim3A, %sub3A : vector<128x2048xi1>, vector<128x2048xf32>
    %swap3A = arith.constant 0 : index
    %swap3A_20 = arith.constant 0 : index
    %swap3A_21 = vector.load %arg7[%swap3A, %swap3A_20] : memref<128x2048xf32, #tpu.memory_space<vmem>>, vector<128x2048xf32>
    tpu.vector_store %arg7[%swap3A, %swap3A_20], %select_n3A {strides = array<i32>} : memref<128x2048xf32, #tpu.memory_space<vmem>>, vector<128x2048xf32>,
    %convert_element_type3A = arith.sitofp %iota3A : vector<128x2048xi32> to vector<128x2048xf32>
    %broadcast_in_dim3A_22 = arith.constant 2.048000e+03 : f32
    %broadcast_in_dim3A_23 = vector.broadcast %broadcast_in_dim3A_22 : f32 to vector<128xf32>
    %scan3A = arith.constant 0 : i32
    %scan3A_24 = arith.constant 31 : i32
    %scan3A_25 = arith.addi %scan3A, %scan3A_24 : i32
    %scan3A_26 = arith.constant 1 : i32
    %scan3A_27 = scf.for %scan3A_80 = %scan3A to %scan3A_25 step %scan3A_26 iter_args(%scan3A_81 = %broadcast_in_dim3A_23) -> (vector<128xf32>)  : i32 {
      %broadcast_in_dim3A_82 = vector.shape_cast %scan3A_81 : vector<128xf32> to vector<128x1xf32>
      %eq3A_83 = vector.broadcast %broadcast_in_dim3A_82 : vector<128x1xf32> to vector<128x2048xf32>
      %eq3A_84 = arith.cmpf oeq, %convert_element_type3A, %eq3A_83 : vector<128x2048xf32>
      %get3A_85 = arith.constant 0 : index
      %get3A_86 = arith.constant 0 : index
      %get3A_87 = vector.load %arg7[%get3A_85, %get3A_86] : memref<128x2048xf32, #tpu.memory_space<vmem>>, vector<128x2048xf32>
      %jit3A_88 = arith.constant 0x7F800000 : f32
      %broadcast_in_dim3A_89 = vector.broadcast %jit3A_88 : f32 to vector<128x2048xf32>
      %select_n3A_90 = arith.select %eq3A_84, %broadcast_in_dim3A_89, %get3A_87 : vector<128x2048xi1>, vector<128x2048xf32>
      %swap3A_91 = arith.constant 0 : index
      %swap3A_92 = arith.constant 0 : index
      %swap3A_93 = vector.load %arg7[%swap3A_91, %swap3A_92] : memref<128x2048xf32, #tpu.memory_space<vmem>>, vector<128x2048xf32>
      tpu.vector_store %arg7[%swap3A_91, %swap3A_92], %select_n3A_90 {strides = array<i32>} : memref<128x2048xf32, #tpu.memory_space<vmem>>, vector<128x2048xf32>,
      %reduce_min3A = arith.constant dense<0x7F800000> : vector<128xf32>
      %reduce_min3A_94 = vector.multi_reduction <minimumf>, %select_n3A_90, %reduce_min3A [1] : vector<128x2048xf32> to vector<128xf32>
      %broadcast_in_dim3A_95 = vector.shape_cast %reduce_min3A_94 : vector<128xf32> to vector<128x1xf32>
      %eq3A_96 = vector.broadcast %broadcast_in_dim3A_95 : vector<128x1xf32> to vector<128x2048xf32>
      %eq3A_97 = arith.cmpf oeq, %select_n3A_90, %eq3A_96 : vector<128x2048xf32>
      %jit3A_98 = arith.constant 2.048000e+03 : f32
      %broadcast_in_dim3A_99 = vector.broadcast %jit3A_98 : f32 to vector<128x2048xf32>
      %select_n3A_100 = arith.select %eq3A_97, %convert_element_type3A, %broadcast_in_dim3A_99 : vector<128x2048xi1>, vector<128x2048xf32>
      %reduce_min3A_101 = arith.constant dense<0x7F800000> : vector<128xf32>
      %reduce_min3A_102 = vector.multi_reduction <minimumf>, %select_n3A_100, %reduce_min3A_101 [1] : vector<128x2048xf32> to vector<128xf32>
      %convert_element_type3A_103 = arith.fptosi %reduce_min3A_102 : vector<128xf32> to vector<128xi32>
      %reshape3A_104 = vector.shape_cast %convert_element_type3A_103 : vector<128xi32> to vector<1x128xi32>
      %swap3A_105 = arith.index_cast %scan3A_80 : i32 to index
      %swap3A_106 = arith.constant 0 : index
      %swap3A_107 = vector.load %arg8[%swap3A_105, %swap3A_106] : memref<31x128xi32, #tpu.memory_space<vmem>>, vector<1x128xi32>
      tpu.vector_store %arg8[%swap3A_105, %swap3A_106], %reshape3A_104 {strides = array<i32>} : memref<31x128xi32, #tpu.memory_space<vmem>>, vector<1x128xi32>,
      scf.yield %reduce_min3A_102 : vector<128xf32>
    }
    %scan3A_28 = arith.constant 31 : i32
    %get3A_29 = arith.constant 0 : index
    %get3A_30 = arith.constant 0 : index
    %get3A_31 = vector.load %arg8[%get3A_29, %get3A_30] : memref<31x128xi32, #tpu.memory_space<vmem>>, vector<1x128xi32>
    %get3A_32 = arith.constant 2 : index
    %get3A_33 = arith.constant 0 : index
    %get3A_34 = vector.load %arg8[%get3A_32, %get3A_33] : memref<31x128xi32, #tpu.memory_space<vmem>>, vector<1x128xi32>
    %get3A_35 = arith.constant 4 : index
    %get3A_36 = arith.constant 0 : index
    %get3A_37 = vector.load %arg8[%get3A_35, %get3A_36] : memref<31x128xi32, #tpu.memory_space<vmem>>, vector<1x128xi32>
    %get3A_38 = arith.constant 6 : index
    %get3A_39 = arith.constant 0 : index
    %get3A_40 = vector.load %arg8[%get3A_38, %get3A_39] : memref<31x128xi32, #tpu.memory_space<vmem>>, vector<1x128xi32>
    %get3A_41 = arith.constant 8 : index
    %get3A_42 = arith.constant 0 : index
    %get3A_43 = vector.load %arg8[%get3A_41, %get3A_42] : memref<31x128xi32, #tpu.memory_space<vmem>>, vector<1x128xi32>
    %get3A_44 = arith.constant 10 : index
    %get3A_45 = arith.constant 0 : index
    %get3A_46 = vector.load %arg8[%get3A_44, %get3A_45] : memref<31x128xi32, #tpu.memory_space<vmem>>, vector<1x128xi32>
    %get3A_47 = arith.constant 12 : index
    %get3A_48 = arith.constant 0 : index
    %get3A_49 = vector.load %arg8[%get3A_47, %get3A_48] : memref<31x128xi32, #tpu.memory_space<vmem>>, vector<1x128xi32>
    %get3A_50 = arith.constant 14 : index
    %get3A_51 = arith.constant 0 : index
    %get3A_52 = vector.load %arg8[%get3A_50, %get3A_51] : memref<31x128xi32, #tpu.memory_space<vmem>>, vector<1x128xi32>
    %get3A_53 = arith.constant 16 : index
    %get3A_54 = arith.constant 0 : index
    %get3A_55 = vector.load %arg8[%get3A_53, %get3A_54] : memref<31x128xi32, #tpu.memory_space<vmem>>, vector<1x128xi32>
    %get3A_56 = arith.constant 18 : index
    %get3A_57 = arith.constant 0 : index
    %get3A_58 = vector.load %arg8[%get3A_56, %get3A_57] : memref<31x128xi32, #tpu.memory_space<vmem>>, vector<1x128xi32>
    %get3A_59 = arith.constant 20 : index
    %get3A_60 = arith.constant 0 : index
    %get3A_61 = vector.load %arg8[%get3A_59, %get3A_60] : memref<31x128xi32, #tpu.memory_space<vmem>>, vector<1x128xi32>
    %get3A_62 = arith.constant 22 : index
    %get3A_63 = arith.constant 0 : index
    %get3A_64 = vector.load %arg8[%get3A_62, %get3A_63] : memref<31x128xi32, #tpu.memory_space<vmem>>, vector<1x128xi32>
    %get3A_65 = arith.constant 24 : index
    %get3A_66 = arith.constant 0 : index
    %get3A_67 = vector.load %arg8[%get3A_65, %get3A_66] : memref<31x128xi32, #tpu.memory_space<vmem>>, vector<1x128xi32>
    %get3A_68 = arith.constant 26 : index
    %get3A_69 = arith.constant 0 : index
    %get3A_70 = vector.load %arg8[%get3A_68, %get3A_69] : memref<31x128xi32, #tpu.memory_space<vmem>>, vector<1x128xi32>
    %get3A_71 = arith.constant 28 : index
    %get3A_72 = arith.constant 0 : index
    %get3A_73 = vector.load %arg8[%get3A_71, %get3A_72] : memref<31x128xi32, #tpu.memory_space<vmem>>, vector<1x128xi32>
    %get3A_74 = arith.constant 30 : index
    %get3A_75 = arith.constant 0 : index
    %get3A_76 = vector.load %arg8[%get3A_74, %get3A_75] : memref<31x128xi32, #tpu.memory_space<vmem>>, vector<1x128xi32>
    %concatenate3A = tpu.concatenate %get3A_31, %get3A_34, %get3A_37, %get3A_40, %get3A_43, %get3A_46, %get3A_49, %get3A_52, %get3A_55, %get3A_58, %get3A_61, %get3A_64, %get3A_67, %get3A_70, %get3A_73, %get3A_76 in 0 : vector<1x128xi32>, vector<1x128xi32>, vector<1x128xi32>, vector<1x128xi32>, vector<1x128xi32>, vector<1x128xi32>, vector<1x128xi32>, vector<1x128xi32>, vector<1x128xi32>, vector<1x128xi32>, vector<1x128xi32>, vector<1x128xi32>, vector<1x128xi32>, vector<1x128xi32>, vector<1x128xi32>, vector<1x128xi32> -> vector<16x128xi32>
    %swap3A_77 = arith.constant 0 : index
    %swap3A_78 = arith.constant 0 : index
    %swap3A_79 = vector.load %arg6[%swap3A_77, %swap3A_78] : memref<16x128xi32, #tpu.memory_space<vmem>>, vector<16x128xi32>
    tpu.vector_store %arg6[%swap3A_77, %swap3A_78], %concatenate3A {strides = array<i32>} : memref<16x128xi32, #tpu.memory_space<vmem>>, vector<16x128xi32>,
    return
  }
  func.func @transform_0(%arg0: i32, %arg1: i32) -> (i32, i32) {
    %mul3A = arith.constant 16 : i32
    %mul3A_0 = arith.muli %arg0, %mul3A : i32
    %add3A = arith.addi %mul3A_0, %arg1 : i32
    %c0_i32 = arith.constant 0 : i32
    %c0_i32_1 = arith.constant 0 : i32
    return %add3A, %c0_i32 : i32, i32
  }
  func.func @transform_1(%arg0: i32, %arg1: i32) -> (i32, i32) {
    %c0_i32 = arith.constant 0 : i32
    %c0_i32_0 = arith.constant 0 : i32
    return %arg0, %c0_i32 : i32, i32
  }
  func.func @transform_2(%arg0: i32, %arg1: i32) -> i32 {
    %mul3A = arith.constant 16 : i32
    %mul3A_0 = arith.muli %arg0, %mul3A : i32
    %add3A = arith.addi %mul3A_0, %arg1 : i32
    %c0_i32 = arith.constant 0 : i32
    return %add3A : i32
  }
  func.func @transform_3(%arg0: i32, %arg1: i32) -> i32 {
    %c0_i32 = arith.constant 0 : i32
    return %arg0 : i32
  }
  func.func @transform_4(%arg0: i32, %arg1: i32) -> (i32, i32) {
    %mul3A = arith.constant 16 : i32
    %mul3A_0 = arith.muli %arg0, %mul3A : i32
    %add3A = arith.addi %mul3A_0, %arg1 : i32
    %c0_i32 = arith.constant 0 : i32
    %c0_i32_1 = arith.constant 0 : i32
    return %c0_i32, %add3A : i32, i32
  }
}

module attributes {stable_mosaic.version = 14 : i64} {
  func.func @_knn_body(%arg0: i32, %arg1: i32, %arg2: memref<128x64xf32, #tpu.memory_space<vmem>>, %arg3: memref<2048x64xf32, #tpu.memory_space<vmem>>, %arg4: memref<128xf32, #tpu.memory_space<vmem>>, %arg5: memref<2048xf32, #tpu.memory_space<vmem>>, %arg6: memref<16x128xi32, #tpu.memory_space<vmem>>, %arg7: memref<128x2048xf32, #tpu.memory_space<vmem>>, %arg8: memref<46x128xi32, #tpu.memory_space<vmem>>) attributes {dimension_semantics = [#tpu.dimension_semantics<arbitrary>, #tpu.dimension_semantics<arbitrary>], iteration_bounds = array<i64: 4, 16>, scalar_prefetch = 0 : i64, scratch_operands = 2 : i64, tpu.core_type = #tpu.core_type<tc>, window_params = [{transform_indices = @transform_0, window_bounds = array<i64: 128, 64>}, {transform_indices = @transform_1, window_bounds = array<i64: 2048, 64>}, {transform_indices = @transform_2, window_bounds = array<i64: 128>}, {transform_indices = @transform_3, window_bounds = array<i64: 2048>}, {transform_indices = @transform_4, window_bounds = array<i64: 16, 128>}]} {
    %get3A = arith.constant 0 : index
    %get3A_0 = arith.constant 0 : index
    %get3A_1 = vector.load %arg2[%get3A, %get3A_0] : memref<128x64xf32, #tpu.memory_space<vmem>>, vector<128x64xf32>
    %get3A_2 = arith.constant 0 : index
    %get3A_3 = arith.constant 0 : index
    %get3A_4 = vector.load %arg3[%get3A_2, %get3A_3] : memref<2048x64xf32, #tpu.memory_space<vmem>>, vector<2048x64xf32>
    %dot_general3A = arith.constant dense<0.000000e+00> : vector<128x2048xf32>
    %dot_general3A_5 = tpu.matmul %get3A_1, %get3A_4, %dot_general3A {dimension_numbers = #tpu.dot_dimension_numbers<[1], [1], [0], [0], [0, 0, 1, 0], [], []>, transpose_lhs_hint = false} : vector<128x64xf32>, vector<2048x64xf32>, vector<128x2048xf32> -> vector<128x2048xf32>
    %get3A_6 = arith.constant 0 : index
    %get3A_7 = vector.load %arg4[%get3A_6] : memref<128xf32, #tpu.memory_space<vmem>>, vector<128xf32>
    %reshape3A = vector.shape_cast %get3A_7 : vector<128xf32> to vector<128x1xf32>
    %get3A_8 = arith.constant 0 : index
    %get3A_9 = vector.load %arg5[%get3A_8] : memref<2048xf32, #tpu.memory_space<vmem>>, vector<2048xf32>
    %reshape3A_10 = vector.shape_cast %get3A_9 : vector<2048xf32> to vector<1x2048xf32>
    %add3A = vector.broadcast %reshape3A : vector<128x1xf32> to vector<128x2048xf32>
    %add3A_11 = vector.broadcast %reshape3A_10 : vector<1x2048xf32> to vector<128x2048xf32>
    %add3A_12 = arith.addf %add3A, %add3A_11 : vector<128x2048xf32>
    %mul3A = arith.constant 2.000000e+00 : f32
    %mul3A_13 = vector.broadcast %mul3A : f32 to vector<128x2048xf32>
    %mul3A_14 = arith.mulf %mul3A_13, %dot_general3A_5 : vector<128x2048xf32>
    %sub3A = arith.subf %add3A_12, %mul3A_14 : vector<128x2048xf32>
    %iota3A = tpu.iota {dimensions = array<i32: 1>} : vector<128x2048xi32>
    %iota3A_15 = tpu.iota {dimensions = array<i32: 0>} : vector<128x2048xi32>
    %mul3A_16 = arith.constant 128 : i32
    %mul3A_17 = arith.muli %arg1, %mul3A_16 : i32
    %add3A_18 = vector.broadcast %mul3A_17 : i32 to vector<128x2048xi32>
    %add3A_19 = arith.addi %iota3A_15, %add3A_18 : vector<128x2048xi32>
    %eq3A = arith.cmpi eq, %iota3A, %add3A_19 : vector<128x2048xi32>
    %jit3A = arith.constant 0x7F800000 : f32
    %broadcast_in_dim3A = vector.broadcast %jit3A : f32 to vector<128x2048xf32>
    %select_n3A = arith.select %eq3A, %broadcast_in_dim3A, %sub3A : vector<128x2048xi1>, vector<128x2048xf32>
    %swap3A = arith.constant 0 : index
    %swap3A_20 = arith.constant 0 : index
    %swap3A_21 = vector.load %arg7[%swap3A, %swap3A_20] : memref<128x2048xf32, #tpu.memory_space<vmem>>, vector<128x2048xf32>
    tpu.vector_store %arg7[%swap3A, %swap3A_20], %select_n3A {strides = array<i32>} : memref<128x2048xf32, #tpu.memory_space<vmem>>, vector<128x2048xf32>,
    %convert_element_type3A = arith.sitofp %iota3A : vector<128x2048xi32> to vector<128x2048xf32>
    %broadcast_in_dim3A_22 = arith.constant 2.048000e+03 : f32
    %broadcast_in_dim3A_23 = vector.broadcast %broadcast_in_dim3A_22 : f32 to vector<128xf32>
    %scan3A = arith.constant 0 : i32
    %scan3A_24 = arith.constant 46 : i32
    %scan3A_25 = arith.addi %scan3A, %scan3A_24 : i32
    %scan3A_26 = arith.constant 1 : i32
    %scan3A_27 = scf.for %scan3A_80 = %scan3A to %scan3A_25 step %scan3A_26 iter_args(%scan3A_81 = %broadcast_in_dim3A_23) -> (vector<128xf32>)  : i32 {
      %broadcast_in_dim3A_82 = vector.shape_cast %scan3A_81 : vector<128xf32> to vector<128x1xf32>
      %eq3A_83 = vector.broadcast %broadcast_in_dim3A_82 : vector<128x1xf32> to vector<128x2048xf32>
      %eq3A_84 = arith.cmpf oeq, %convert_element_type3A, %eq3A_83 : vector<128x2048xf32>
      %get3A_85 = arith.constant 0 : index
      %get3A_86 = arith.constant 0 : index
      %get3A_87 = vector.load %arg7[%get3A_85, %get3A_86] : memref<128x2048xf32, #tpu.memory_space<vmem>>, vector<128x2048xf32>
      %jit3A_88 = arith.constant 0x7F800000 : f32
      %broadcast_in_dim3A_89 = vector.broadcast %jit3A_88 : f32 to vector<128x2048xf32>
      %select_n3A_90 = arith.select %eq3A_84, %broadcast_in_dim3A_89, %get3A_87 : vector<128x2048xi1>, vector<128x2048xf32>
      %swap3A_91 = arith.constant 0 : index
      %swap3A_92 = arith.constant 0 : index
      %swap3A_93 = vector.load %arg7[%swap3A_91, %swap3A_92] : memref<128x2048xf32, #tpu.memory_space<vmem>>, vector<128x2048xf32>
      tpu.vector_store %arg7[%swap3A_91, %swap3A_92], %select_n3A_90 {strides = array<i32>} : memref<128x2048xf32, #tpu.memory_space<vmem>>, vector<128x2048xf32>,
      %reduce_min3A = arith.constant dense<0x7F800000> : vector<128xf32>
      %reduce_min3A_94 = vector.multi_reduction <minimumf>, %select_n3A_90, %reduce_min3A [1] : vector<128x2048xf32> to vector<128xf32>
      %broadcast_in_dim3A_95 = vector.shape_cast %reduce_min3A_94 : vector<128xf32> to vector<128x1xf32>
      %eq3A_96 = vector.broadcast %broadcast_in_dim3A_95 : vector<128x1xf32> to vector<128x2048xf32>
      %eq3A_97 = arith.cmpf oeq, %select_n3A_90, %eq3A_96 : vector<128x2048xf32>
      %jit3A_98 = arith.constant 2.048000e+03 : f32
      %broadcast_in_dim3A_99 = vector.broadcast %jit3A_98 : f32 to vector<128x2048xf32>
      %select_n3A_100 = arith.select %eq3A_97, %convert_element_type3A, %broadcast_in_dim3A_99 : vector<128x2048xi1>, vector<128x2048xf32>
      %reduce_min3A_101 = arith.constant dense<0x7F800000> : vector<128xf32>
      %reduce_min3A_102 = vector.multi_reduction <minimumf>, %select_n3A_100, %reduce_min3A_101 [1] : vector<128x2048xf32> to vector<128xf32>
      %convert_element_type3A_103 = arith.fptosi %reduce_min3A_102 : vector<128xf32> to vector<128xi32>
      %reshape3A_104 = vector.shape_cast %convert_element_type3A_103 : vector<128xi32> to vector<1x128xi32>
      %swap3A_105 = arith.index_cast %scan3A_80 : i32 to index
      %swap3A_106 = arith.constant 0 : index
      %swap3A_107 = vector.load %arg8[%swap3A_105, %swap3A_106] : memref<46x128xi32, #tpu.memory_space<vmem>>, vector<1x128xi32>
      tpu.vector_store %arg8[%swap3A_105, %swap3A_106], %reshape3A_104 {strides = array<i32>} : memref<46x128xi32, #tpu.memory_space<vmem>>, vector<1x128xi32>,
      scf.yield %reduce_min3A_102 : vector<128xf32>
    }
    %scan3A_28 = arith.constant 46 : i32
    %get3A_29 = arith.constant 0 : index
    %get3A_30 = arith.constant 0 : index
    %get3A_31 = vector.load %arg8[%get3A_29, %get3A_30] : memref<46x128xi32, #tpu.memory_space<vmem>>, vector<1x128xi32>
    %get3A_32 = arith.constant 3 : index
    %get3A_33 = arith.constant 0 : index
    %get3A_34 = vector.load %arg8[%get3A_32, %get3A_33] : memref<46x128xi32, #tpu.memory_space<vmem>>, vector<1x128xi32>
    %get3A_35 = arith.constant 6 : index
    %get3A_36 = arith.constant 0 : index
    %get3A_37 = vector.load %arg8[%get3A_35, %get3A_36] : memref<46x128xi32, #tpu.memory_space<vmem>>, vector<1x128xi32>
    %get3A_38 = arith.constant 9 : index
    %get3A_39 = arith.constant 0 : index
    %get3A_40 = vector.load %arg8[%get3A_38, %get3A_39] : memref<46x128xi32, #tpu.memory_space<vmem>>, vector<1x128xi32>
    %get3A_41 = arith.constant 12 : index
    %get3A_42 = arith.constant 0 : index
    %get3A_43 = vector.load %arg8[%get3A_41, %get3A_42] : memref<46x128xi32, #tpu.memory_space<vmem>>, vector<1x128xi32>
    %get3A_44 = arith.constant 15 : index
    %get3A_45 = arith.constant 0 : index
    %get3A_46 = vector.load %arg8[%get3A_44, %get3A_45] : memref<46x128xi32, #tpu.memory_space<vmem>>, vector<1x128xi32>
    %get3A_47 = arith.constant 18 : index
    %get3A_48 = arith.constant 0 : index
    %get3A_49 = vector.load %arg8[%get3A_47, %get3A_48] : memref<46x128xi32, #tpu.memory_space<vmem>>, vector<1x128xi32>
    %get3A_50 = arith.constant 21 : index
    %get3A_51 = arith.constant 0 : index
    %get3A_52 = vector.load %arg8[%get3A_50, %get3A_51] : memref<46x128xi32, #tpu.memory_space<vmem>>, vector<1x128xi32>
    %get3A_53 = arith.constant 24 : index
    %get3A_54 = arith.constant 0 : index
    %get3A_55 = vector.load %arg8[%get3A_53, %get3A_54] : memref<46x128xi32, #tpu.memory_space<vmem>>, vector<1x128xi32>
    %get3A_56 = arith.constant 27 : index
    %get3A_57 = arith.constant 0 : index
    %get3A_58 = vector.load %arg8[%get3A_56, %get3A_57] : memref<46x128xi32, #tpu.memory_space<vmem>>, vector<1x128xi32>
    %get3A_59 = arith.constant 30 : index
    %get3A_60 = arith.constant 0 : index
    %get3A_61 = vector.load %arg8[%get3A_59, %get3A_60] : memref<46x128xi32, #tpu.memory_space<vmem>>, vector<1x128xi32>
    %get3A_62 = arith.constant 33 : index
    %get3A_63 = arith.constant 0 : index
    %get3A_64 = vector.load %arg8[%get3A_62, %get3A_63] : memref<46x128xi32, #tpu.memory_space<vmem>>, vector<1x128xi32>
    %get3A_65 = arith.constant 36 : index
    %get3A_66 = arith.constant 0 : index
    %get3A_67 = vector.load %arg8[%get3A_65, %get3A_66] : memref<46x128xi32, #tpu.memory_space<vmem>>, vector<1x128xi32>
    %get3A_68 = arith.constant 39 : index
    %get3A_69 = arith.constant 0 : index
    %get3A_70 = vector.load %arg8[%get3A_68, %get3A_69] : memref<46x128xi32, #tpu.memory_space<vmem>>, vector<1x128xi32>
    %get3A_71 = arith.constant 42 : index
    %get3A_72 = arith.constant 0 : index
    %get3A_73 = vector.load %arg8[%get3A_71, %get3A_72] : memref<46x128xi32, #tpu.memory_space<vmem>>, vector<1x128xi32>
    %get3A_74 = arith.constant 45 : index
    %get3A_75 = arith.constant 0 : index
    %get3A_76 = vector.load %arg8[%get3A_74, %get3A_75] : memref<46x128xi32, #tpu.memory_space<vmem>>, vector<1x128xi32>
    %concatenate3A = tpu.concatenate %get3A_31, %get3A_34, %get3A_37, %get3A_40, %get3A_43, %get3A_46, %get3A_49, %get3A_52, %get3A_55, %get3A_58, %get3A_61, %get3A_64, %get3A_67, %get3A_70, %get3A_73, %get3A_76 in 0 : vector<1x128xi32>, vector<1x128xi32>, vector<1x128xi32>, vector<1x128xi32>, vector<1x128xi32>, vector<1x128xi32>, vector<1x128xi32>, vector<1x128xi32>, vector<1x128xi32>, vector<1x128xi32>, vector<1x128xi32>, vector<1x128xi32>, vector<1x128xi32>, vector<1x128xi32>, vector<1x128xi32>, vector<1x128xi32> -> vector<16x128xi32>
    %swap3A_77 = arith.constant 0 : index
    %swap3A_78 = arith.constant 0 : index
    %swap3A_79 = vector.load %arg6[%swap3A_77, %swap3A_78] : memref<16x128xi32, #tpu.memory_space<vmem>>, vector<16x128xi32>
    tpu.vector_store %arg6[%swap3A_77, %swap3A_78], %concatenate3A {strides = array<i32>} : memref<16x128xi32, #tpu.memory_space<vmem>>, vector<16x128xi32>,
    return
  }
  func.func @transform_0(%arg0: i32, %arg1: i32) -> (i32, i32) {
    %mul3A = arith.constant 16 : i32
    %mul3A_0 = arith.muli %arg0, %mul3A : i32
    %add3A = arith.addi %mul3A_0, %arg1 : i32
    %c0_i32 = arith.constant 0 : i32
    %c0_i32_1 = arith.constant 0 : i32
    return %add3A, %c0_i32 : i32, i32
  }
  func.func @transform_1(%arg0: i32, %arg1: i32) -> (i32, i32) {
    %c0_i32 = arith.constant 0 : i32
    %c0_i32_0 = arith.constant 0 : i32
    return %arg0, %c0_i32 : i32, i32
  }
  func.func @transform_2(%arg0: i32, %arg1: i32) -> i32 {
    %mul3A = arith.constant 16 : i32
    %mul3A_0 = arith.muli %arg0, %mul3A : i32
    %add3A = arith.addi %mul3A_0, %arg1 : i32
    %c0_i32 = arith.constant 0 : i32
    return %add3A : i32
  }
  func.func @transform_3(%arg0: i32, %arg1: i32) -> i32 {
    %c0_i32 = arith.constant 0 : i32
    return %arg0 : i32
  }
  func.func @transform_4(%arg0: i32, %arg1: i32) -> (i32, i32) {
    %mul3A = arith.constant 16 : i32
    %mul3A_0 = arith.muli %arg0, %mul3A : i32
    %add3A = arith.addi %mul3A_0, %arg1 : i32
    %c0_i32 = arith.constant 0 : i32
    %c0_i32_1 = arith.constant 0 : i32
    return %c0_i32, %add3A : i32, i32
  }
}

module attributes {stable_mosaic.version = 14 : i64} {
  func.func @_knn_body(%arg0: i32, %arg1: i32, %arg2: memref<128x64xf32, #tpu.memory_space<vmem>>, %arg3: memref<2048x64xf32, #tpu.memory_space<vmem>>, %arg4: memref<128xf32, #tpu.memory_space<vmem>>, %arg5: memref<2048xf32, #tpu.memory_space<vmem>>, %arg6: memref<16x128xi32, #tpu.memory_space<vmem>>, %arg7: memref<128x2048xf32, #tpu.memory_space<vmem>>, %arg8: memref<61x128xi32, #tpu.memory_space<vmem>>) attributes {dimension_semantics = [#tpu.dimension_semantics<arbitrary>, #tpu.dimension_semantics<arbitrary>], iteration_bounds = array<i64: 4, 16>, scalar_prefetch = 0 : i64, scratch_operands = 2 : i64, tpu.core_type = #tpu.core_type<tc>, window_params = [{transform_indices = @transform_0, window_bounds = array<i64: 128, 64>}, {transform_indices = @transform_1, window_bounds = array<i64: 2048, 64>}, {transform_indices = @transform_2, window_bounds = array<i64: 128>}, {transform_indices = @transform_3, window_bounds = array<i64: 2048>}, {transform_indices = @transform_4, window_bounds = array<i64: 16, 128>}]} {
    %get3A = arith.constant 0 : index
    %get3A_0 = arith.constant 0 : index
    %get3A_1 = vector.load %arg2[%get3A, %get3A_0] : memref<128x64xf32, #tpu.memory_space<vmem>>, vector<128x64xf32>
    %get3A_2 = arith.constant 0 : index
    %get3A_3 = arith.constant 0 : index
    %get3A_4 = vector.load %arg3[%get3A_2, %get3A_3] : memref<2048x64xf32, #tpu.memory_space<vmem>>, vector<2048x64xf32>
    %dot_general3A = arith.constant dense<0.000000e+00> : vector<128x2048xf32>
    %dot_general3A_5 = tpu.matmul %get3A_1, %get3A_4, %dot_general3A {dimension_numbers = #tpu.dot_dimension_numbers<[1], [1], [0], [0], [0, 0, 1, 0], [], []>, transpose_lhs_hint = false} : vector<128x64xf32>, vector<2048x64xf32>, vector<128x2048xf32> -> vector<128x2048xf32>
    %get3A_6 = arith.constant 0 : index
    %get3A_7 = vector.load %arg4[%get3A_6] : memref<128xf32, #tpu.memory_space<vmem>>, vector<128xf32>
    %reshape3A = vector.shape_cast %get3A_7 : vector<128xf32> to vector<128x1xf32>
    %get3A_8 = arith.constant 0 : index
    %get3A_9 = vector.load %arg5[%get3A_8] : memref<2048xf32, #tpu.memory_space<vmem>>, vector<2048xf32>
    %reshape3A_10 = vector.shape_cast %get3A_9 : vector<2048xf32> to vector<1x2048xf32>
    %add3A = vector.broadcast %reshape3A : vector<128x1xf32> to vector<128x2048xf32>
    %add3A_11 = vector.broadcast %reshape3A_10 : vector<1x2048xf32> to vector<128x2048xf32>
    %add3A_12 = arith.addf %add3A, %add3A_11 : vector<128x2048xf32>
    %mul3A = arith.constant 2.000000e+00 : f32
    %mul3A_13 = vector.broadcast %mul3A : f32 to vector<128x2048xf32>
    %mul3A_14 = arith.mulf %mul3A_13, %dot_general3A_5 : vector<128x2048xf32>
    %sub3A = arith.subf %add3A_12, %mul3A_14 : vector<128x2048xf32>
    %iota3A = tpu.iota {dimensions = array<i32: 1>} : vector<128x2048xi32>
    %iota3A_15 = tpu.iota {dimensions = array<i32: 0>} : vector<128x2048xi32>
    %mul3A_16 = arith.constant 128 : i32
    %mul3A_17 = arith.muli %arg1, %mul3A_16 : i32
    %add3A_18 = vector.broadcast %mul3A_17 : i32 to vector<128x2048xi32>
    %add3A_19 = arith.addi %iota3A_15, %add3A_18 : vector<128x2048xi32>
    %eq3A = arith.cmpi eq, %iota3A, %add3A_19 : vector<128x2048xi32>
    %jit3A = arith.constant 0x7F800000 : f32
    %broadcast_in_dim3A = vector.broadcast %jit3A : f32 to vector<128x2048xf32>
    %select_n3A = arith.select %eq3A, %broadcast_in_dim3A, %sub3A : vector<128x2048xi1>, vector<128x2048xf32>
    %swap3A = arith.constant 0 : index
    %swap3A_20 = arith.constant 0 : index
    %swap3A_21 = vector.load %arg7[%swap3A, %swap3A_20] : memref<128x2048xf32, #tpu.memory_space<vmem>>, vector<128x2048xf32>
    tpu.vector_store %arg7[%swap3A, %swap3A_20], %select_n3A {strides = array<i32>} : memref<128x2048xf32, #tpu.memory_space<vmem>>, vector<128x2048xf32>,
    %convert_element_type3A = arith.sitofp %iota3A : vector<128x2048xi32> to vector<128x2048xf32>
    %broadcast_in_dim3A_22 = arith.constant 2.048000e+03 : f32
    %broadcast_in_dim3A_23 = vector.broadcast %broadcast_in_dim3A_22 : f32 to vector<128xf32>
    %scan3A = arith.constant 0 : i32
    %scan3A_24 = arith.constant 61 : i32
    %scan3A_25 = arith.addi %scan3A, %scan3A_24 : i32
    %scan3A_26 = arith.constant 1 : i32
    %scan3A_27 = scf.for %scan3A_80 = %scan3A to %scan3A_25 step %scan3A_26 iter_args(%scan3A_81 = %broadcast_in_dim3A_23) -> (vector<128xf32>)  : i32 {
      %broadcast_in_dim3A_82 = vector.shape_cast %scan3A_81 : vector<128xf32> to vector<128x1xf32>
      %eq3A_83 = vector.broadcast %broadcast_in_dim3A_82 : vector<128x1xf32> to vector<128x2048xf32>
      %eq3A_84 = arith.cmpf oeq, %convert_element_type3A, %eq3A_83 : vector<128x2048xf32>
      %get3A_85 = arith.constant 0 : index
      %get3A_86 = arith.constant 0 : index
      %get3A_87 = vector.load %arg7[%get3A_85, %get3A_86] : memref<128x2048xf32, #tpu.memory_space<vmem>>, vector<128x2048xf32>
      %jit3A_88 = arith.constant 0x7F800000 : f32
      %broadcast_in_dim3A_89 = vector.broadcast %jit3A_88 : f32 to vector<128x2048xf32>
      %select_n3A_90 = arith.select %eq3A_84, %broadcast_in_dim3A_89, %get3A_87 : vector<128x2048xi1>, vector<128x2048xf32>
      %swap3A_91 = arith.constant 0 : index
      %swap3A_92 = arith.constant 0 : index
      %swap3A_93 = vector.load %arg7[%swap3A_91, %swap3A_92] : memref<128x2048xf32, #tpu.memory_space<vmem>>, vector<128x2048xf32>
      tpu.vector_store %arg7[%swap3A_91, %swap3A_92], %select_n3A_90 {strides = array<i32>} : memref<128x2048xf32, #tpu.memory_space<vmem>>, vector<128x2048xf32>,
      %reduce_min3A = arith.constant dense<0x7F800000> : vector<128xf32>
      %reduce_min3A_94 = vector.multi_reduction <minimumf>, %select_n3A_90, %reduce_min3A [1] : vector<128x2048xf32> to vector<128xf32>
      %broadcast_in_dim3A_95 = vector.shape_cast %reduce_min3A_94 : vector<128xf32> to vector<128x1xf32>
      %eq3A_96 = vector.broadcast %broadcast_in_dim3A_95 : vector<128x1xf32> to vector<128x2048xf32>
      %eq3A_97 = arith.cmpf oeq, %select_n3A_90, %eq3A_96 : vector<128x2048xf32>
      %jit3A_98 = arith.constant 2.048000e+03 : f32
      %broadcast_in_dim3A_99 = vector.broadcast %jit3A_98 : f32 to vector<128x2048xf32>
      %select_n3A_100 = arith.select %eq3A_97, %convert_element_type3A, %broadcast_in_dim3A_99 : vector<128x2048xi1>, vector<128x2048xf32>
      %reduce_min3A_101 = arith.constant dense<0x7F800000> : vector<128xf32>
      %reduce_min3A_102 = vector.multi_reduction <minimumf>, %select_n3A_100, %reduce_min3A_101 [1] : vector<128x2048xf32> to vector<128xf32>
      %convert_element_type3A_103 = arith.fptosi %reduce_min3A_102 : vector<128xf32> to vector<128xi32>
      %reshape3A_104 = vector.shape_cast %convert_element_type3A_103 : vector<128xi32> to vector<1x128xi32>
      %swap3A_105 = arith.index_cast %scan3A_80 : i32 to index
      %swap3A_106 = arith.constant 0 : index
      %swap3A_107 = vector.load %arg8[%swap3A_105, %swap3A_106] : memref<61x128xi32, #tpu.memory_space<vmem>>, vector<1x128xi32>
      tpu.vector_store %arg8[%swap3A_105, %swap3A_106], %reshape3A_104 {strides = array<i32>} : memref<61x128xi32, #tpu.memory_space<vmem>>, vector<1x128xi32>,
      scf.yield %reduce_min3A_102 : vector<128xf32>
    }
    %scan3A_28 = arith.constant 61 : i32
    %get3A_29 = arith.constant 0 : index
    %get3A_30 = arith.constant 0 : index
    %get3A_31 = vector.load %arg8[%get3A_29, %get3A_30] : memref<61x128xi32, #tpu.memory_space<vmem>>, vector<1x128xi32>
    %get3A_32 = arith.constant 4 : index
    %get3A_33 = arith.constant 0 : index
    %get3A_34 = vector.load %arg8[%get3A_32, %get3A_33] : memref<61x128xi32, #tpu.memory_space<vmem>>, vector<1x128xi32>
    %get3A_35 = arith.constant 8 : index
    %get3A_36 = arith.constant 0 : index
    %get3A_37 = vector.load %arg8[%get3A_35, %get3A_36] : memref<61x128xi32, #tpu.memory_space<vmem>>, vector<1x128xi32>
    %get3A_38 = arith.constant 12 : index
    %get3A_39 = arith.constant 0 : index
    %get3A_40 = vector.load %arg8[%get3A_38, %get3A_39] : memref<61x128xi32, #tpu.memory_space<vmem>>, vector<1x128xi32>
    %get3A_41 = arith.constant 16 : index
    %get3A_42 = arith.constant 0 : index
    %get3A_43 = vector.load %arg8[%get3A_41, %get3A_42] : memref<61x128xi32, #tpu.memory_space<vmem>>, vector<1x128xi32>
    %get3A_44 = arith.constant 20 : index
    %get3A_45 = arith.constant 0 : index
    %get3A_46 = vector.load %arg8[%get3A_44, %get3A_45] : memref<61x128xi32, #tpu.memory_space<vmem>>, vector<1x128xi32>
    %get3A_47 = arith.constant 24 : index
    %get3A_48 = arith.constant 0 : index
    %get3A_49 = vector.load %arg8[%get3A_47, %get3A_48] : memref<61x128xi32, #tpu.memory_space<vmem>>, vector<1x128xi32>
    %get3A_50 = arith.constant 28 : index
    %get3A_51 = arith.constant 0 : index
    %get3A_52 = vector.load %arg8[%get3A_50, %get3A_51] : memref<61x128xi32, #tpu.memory_space<vmem>>, vector<1x128xi32>
    %get3A_53 = arith.constant 32 : index
    %get3A_54 = arith.constant 0 : index
    %get3A_55 = vector.load %arg8[%get3A_53, %get3A_54] : memref<61x128xi32, #tpu.memory_space<vmem>>, vector<1x128xi32>
    %get3A_56 = arith.constant 36 : index
    %get3A_57 = arith.constant 0 : index
    %get3A_58 = vector.load %arg8[%get3A_56, %get3A_57] : memref<61x128xi32, #tpu.memory_space<vmem>>, vector<1x128xi32>
    %get3A_59 = arith.constant 40 : index
    %get3A_60 = arith.constant 0 : index
    %get3A_61 = vector.load %arg8[%get3A_59, %get3A_60] : memref<61x128xi32, #tpu.memory_space<vmem>>, vector<1x128xi32>
    %get3A_62 = arith.constant 44 : index
    %get3A_63 = arith.constant 0 : index
    %get3A_64 = vector.load %arg8[%get3A_62, %get3A_63] : memref<61x128xi32, #tpu.memory_space<vmem>>, vector<1x128xi32>
    %get3A_65 = arith.constant 48 : index
    %get3A_66 = arith.constant 0 : index
    %get3A_67 = vector.load %arg8[%get3A_65, %get3A_66] : memref<61x128xi32, #tpu.memory_space<vmem>>, vector<1x128xi32>
    %get3A_68 = arith.constant 52 : index
    %get3A_69 = arith.constant 0 : index
    %get3A_70 = vector.load %arg8[%get3A_68, %get3A_69] : memref<61x128xi32, #tpu.memory_space<vmem>>, vector<1x128xi32>
    %get3A_71 = arith.constant 56 : index
    %get3A_72 = arith.constant 0 : index
    %get3A_73 = vector.load %arg8[%get3A_71, %get3A_72] : memref<61x128xi32, #tpu.memory_space<vmem>>, vector<1x128xi32>
    %get3A_74 = arith.constant 60 : index
    %get3A_75 = arith.constant 0 : index
    %get3A_76 = vector.load %arg8[%get3A_74, %get3A_75] : memref<61x128xi32, #tpu.memory_space<vmem>>, vector<1x128xi32>
    %concatenate3A = tpu.concatenate %get3A_31, %get3A_34, %get3A_37, %get3A_40, %get3A_43, %get3A_46, %get3A_49, %get3A_52, %get3A_55, %get3A_58, %get3A_61, %get3A_64, %get3A_67, %get3A_70, %get3A_73, %get3A_76 in 0 : vector<1x128xi32>, vector<1x128xi32>, vector<1x128xi32>, vector<1x128xi32>, vector<1x128xi32>, vector<1x128xi32>, vector<1x128xi32>, vector<1x128xi32>, vector<1x128xi32>, vector<1x128xi32>, vector<1x128xi32>, vector<1x128xi32>, vector<1x128xi32>, vector<1x128xi32>, vector<1x128xi32>, vector<1x128xi32> -> vector<16x128xi32>
    %swap3A_77 = arith.constant 0 : index
    %swap3A_78 = arith.constant 0 : index
    %swap3A_79 = vector.load %arg6[%swap3A_77, %swap3A_78] : memref<16x128xi32, #tpu.memory_space<vmem>>, vector<16x128xi32>
    tpu.vector_store %arg6[%swap3A_77, %swap3A_78], %concatenate3A {strides = array<i32>} : memref<16x128xi32, #tpu.memory_space<vmem>>, vector<16x128xi32>,
    return
  }
  func.func @transform_0(%arg0: i32, %arg1: i32) -> (i32, i32) {
    %mul3A = arith.constant 16 : i32
    %mul3A_0 = arith.muli %arg0, %mul3A : i32
    %add3A = arith.addi %mul3A_0, %arg1 : i32
    %c0_i32 = arith.constant 0 : i32
    %c0_i32_1 = arith.constant 0 : i32
    return %add3A, %c0_i32 : i32, i32
  }
  func.func @transform_1(%arg0: i32, %arg1: i32) -> (i32, i32) {
    %c0_i32 = arith.constant 0 : i32
    %c0_i32_0 = arith.constant 0 : i32
    return %arg0, %c0_i32 : i32, i32
  }
  func.func @transform_2(%arg0: i32, %arg1: i32) -> i32 {
    %mul3A = arith.constant 16 : i32
    %mul3A_0 = arith.muli %arg0, %mul3A : i32
    %add3A = arith.addi %mul3A_0, %arg1 : i32
    %c0_i32 = arith.constant 0 : i32
    return %add3A : i32
  }
  func.func @transform_3(%arg0: i32, %arg1: i32) -> i32 {
    %c0_i32 = arith.constant 0 : i32
    return %arg0 : i32
  }
  func.func @transform_4(%arg0: i32, %arg1: i32) -> (i32, i32) {
    %mul3A = arith.constant 16 : i32
    %mul3A_0 = arith.muli %arg0, %mul3A : i32
    %add3A = arith.addi %mul3A_0, %arg1 : i32
    %c0_i32 = arith.constant 0 : i32
    %c0_i32_1 = arith.constant 0 : i32
    return %c0_i32, %add3A : i32, i32
  }
}

module attributes {stable_mosaic.version = 14 : i64} {
  func.func @_knn_body(%arg0: i32, %arg1: i32, %arg2: memref<128x64xf32, #tpu.memory_space<vmem>>, %arg3: memref<2048x64xf32, #tpu.memory_space<vmem>>, %arg4: memref<128xf32, #tpu.memory_space<vmem>>, %arg5: memref<2048xf32, #tpu.memory_space<vmem>>, %arg6: memref<16x128xi32, #tpu.memory_space<vmem>>, %arg7: memref<128x2048xf32, #tpu.memory_space<vmem>>, %arg8: memref<76x128xi32, #tpu.memory_space<vmem>>) attributes {dimension_semantics = [#tpu.dimension_semantics<arbitrary>, #tpu.dimension_semantics<arbitrary>], iteration_bounds = array<i64: 4, 16>, scalar_prefetch = 0 : i64, scratch_operands = 2 : i64, tpu.core_type = #tpu.core_type<tc>, window_params = [{transform_indices = @transform_0, window_bounds = array<i64: 128, 64>}, {transform_indices = @transform_1, window_bounds = array<i64: 2048, 64>}, {transform_indices = @transform_2, window_bounds = array<i64: 128>}, {transform_indices = @transform_3, window_bounds = array<i64: 2048>}, {transform_indices = @transform_4, window_bounds = array<i64: 16, 128>}]} {
    %get3A = arith.constant 0 : index
    %get3A_0 = arith.constant 0 : index
    %get3A_1 = vector.load %arg2[%get3A, %get3A_0] : memref<128x64xf32, #tpu.memory_space<vmem>>, vector<128x64xf32>
    %get3A_2 = arith.constant 0 : index
    %get3A_3 = arith.constant 0 : index
    %get3A_4 = vector.load %arg3[%get3A_2, %get3A_3] : memref<2048x64xf32, #tpu.memory_space<vmem>>, vector<2048x64xf32>
    %dot_general3A = arith.constant dense<0.000000e+00> : vector<128x2048xf32>
    %dot_general3A_5 = tpu.matmul %get3A_1, %get3A_4, %dot_general3A {dimension_numbers = #tpu.dot_dimension_numbers<[1], [1], [0], [0], [0, 0, 1, 0], [], []>, transpose_lhs_hint = false} : vector<128x64xf32>, vector<2048x64xf32>, vector<128x2048xf32> -> vector<128x2048xf32>
    %get3A_6 = arith.constant 0 : index
    %get3A_7 = vector.load %arg4[%get3A_6] : memref<128xf32, #tpu.memory_space<vmem>>, vector<128xf32>
    %reshape3A = vector.shape_cast %get3A_7 : vector<128xf32> to vector<128x1xf32>
    %get3A_8 = arith.constant 0 : index
    %get3A_9 = vector.load %arg5[%get3A_8] : memref<2048xf32, #tpu.memory_space<vmem>>, vector<2048xf32>
    %reshape3A_10 = vector.shape_cast %get3A_9 : vector<2048xf32> to vector<1x2048xf32>
    %add3A = vector.broadcast %reshape3A : vector<128x1xf32> to vector<128x2048xf32>
    %add3A_11 = vector.broadcast %reshape3A_10 : vector<1x2048xf32> to vector<128x2048xf32>
    %add3A_12 = arith.addf %add3A, %add3A_11 : vector<128x2048xf32>
    %mul3A = arith.constant 2.000000e+00 : f32
    %mul3A_13 = vector.broadcast %mul3A : f32 to vector<128x2048xf32>
    %mul3A_14 = arith.mulf %mul3A_13, %dot_general3A_5 : vector<128x2048xf32>
    %sub3A = arith.subf %add3A_12, %mul3A_14 : vector<128x2048xf32>
    %iota3A = tpu.iota {dimensions = array<i32: 1>} : vector<128x2048xi32>
    %iota3A_15 = tpu.iota {dimensions = array<i32: 0>} : vector<128x2048xi32>
    %mul3A_16 = arith.constant 128 : i32
    %mul3A_17 = arith.muli %arg1, %mul3A_16 : i32
    %add3A_18 = vector.broadcast %mul3A_17 : i32 to vector<128x2048xi32>
    %add3A_19 = arith.addi %iota3A_15, %add3A_18 : vector<128x2048xi32>
    %eq3A = arith.cmpi eq, %iota3A, %add3A_19 : vector<128x2048xi32>
    %jit3A = arith.constant 0x7F800000 : f32
    %broadcast_in_dim3A = vector.broadcast %jit3A : f32 to vector<128x2048xf32>
    %select_n3A = arith.select %eq3A, %broadcast_in_dim3A, %sub3A : vector<128x2048xi1>, vector<128x2048xf32>
    %swap3A = arith.constant 0 : index
    %swap3A_20 = arith.constant 0 : index
    %swap3A_21 = vector.load %arg7[%swap3A, %swap3A_20] : memref<128x2048xf32, #tpu.memory_space<vmem>>, vector<128x2048xf32>
    tpu.vector_store %arg7[%swap3A, %swap3A_20], %select_n3A {strides = array<i32>} : memref<128x2048xf32, #tpu.memory_space<vmem>>, vector<128x2048xf32>,
    %convert_element_type3A = arith.sitofp %iota3A : vector<128x2048xi32> to vector<128x2048xf32>
    %broadcast_in_dim3A_22 = arith.constant 2.048000e+03 : f32
    %broadcast_in_dim3A_23 = vector.broadcast %broadcast_in_dim3A_22 : f32 to vector<128xf32>
    %scan3A = arith.constant 0 : i32
    %scan3A_24 = arith.constant 76 : i32
    %scan3A_25 = arith.addi %scan3A, %scan3A_24 : i32
    %scan3A_26 = arith.constant 1 : i32
    %scan3A_27 = scf.for %scan3A_80 = %scan3A to %scan3A_25 step %scan3A_26 iter_args(%scan3A_81 = %broadcast_in_dim3A_23) -> (vector<128xf32>)  : i32 {
      %broadcast_in_dim3A_82 = vector.shape_cast %scan3A_81 : vector<128xf32> to vector<128x1xf32>
      %eq3A_83 = vector.broadcast %broadcast_in_dim3A_82 : vector<128x1xf32> to vector<128x2048xf32>
      %eq3A_84 = arith.cmpf oeq, %convert_element_type3A, %eq3A_83 : vector<128x2048xf32>
      %get3A_85 = arith.constant 0 : index
      %get3A_86 = arith.constant 0 : index
      %get3A_87 = vector.load %arg7[%get3A_85, %get3A_86] : memref<128x2048xf32, #tpu.memory_space<vmem>>, vector<128x2048xf32>
      %jit3A_88 = arith.constant 0x7F800000 : f32
      %broadcast_in_dim3A_89 = vector.broadcast %jit3A_88 : f32 to vector<128x2048xf32>
      %select_n3A_90 = arith.select %eq3A_84, %broadcast_in_dim3A_89, %get3A_87 : vector<128x2048xi1>, vector<128x2048xf32>
      %swap3A_91 = arith.constant 0 : index
      %swap3A_92 = arith.constant 0 : index
      %swap3A_93 = vector.load %arg7[%swap3A_91, %swap3A_92] : memref<128x2048xf32, #tpu.memory_space<vmem>>, vector<128x2048xf32>
      tpu.vector_store %arg7[%swap3A_91, %swap3A_92], %select_n3A_90 {strides = array<i32>} : memref<128x2048xf32, #tpu.memory_space<vmem>>, vector<128x2048xf32>,
      %reduce_min3A = arith.constant dense<0x7F800000> : vector<128xf32>
      %reduce_min3A_94 = vector.multi_reduction <minimumf>, %select_n3A_90, %reduce_min3A [1] : vector<128x2048xf32> to vector<128xf32>
      %broadcast_in_dim3A_95 = vector.shape_cast %reduce_min3A_94 : vector<128xf32> to vector<128x1xf32>
      %eq3A_96 = vector.broadcast %broadcast_in_dim3A_95 : vector<128x1xf32> to vector<128x2048xf32>
      %eq3A_97 = arith.cmpf oeq, %select_n3A_90, %eq3A_96 : vector<128x2048xf32>
      %jit3A_98 = arith.constant 2.048000e+03 : f32
      %broadcast_in_dim3A_99 = vector.broadcast %jit3A_98 : f32 to vector<128x2048xf32>
      %select_n3A_100 = arith.select %eq3A_97, %convert_element_type3A, %broadcast_in_dim3A_99 : vector<128x2048xi1>, vector<128x2048xf32>
      %reduce_min3A_101 = arith.constant dense<0x7F800000> : vector<128xf32>
      %reduce_min3A_102 = vector.multi_reduction <minimumf>, %select_n3A_100, %reduce_min3A_101 [1] : vector<128x2048xf32> to vector<128xf32>
      %convert_element_type3A_103 = arith.fptosi %reduce_min3A_102 : vector<128xf32> to vector<128xi32>
      %reshape3A_104 = vector.shape_cast %convert_element_type3A_103 : vector<128xi32> to vector<1x128xi32>
      %swap3A_105 = arith.index_cast %scan3A_80 : i32 to index
      %swap3A_106 = arith.constant 0 : index
      %swap3A_107 = vector.load %arg8[%swap3A_105, %swap3A_106] : memref<76x128xi32, #tpu.memory_space<vmem>>, vector<1x128xi32>
      tpu.vector_store %arg8[%swap3A_105, %swap3A_106], %reshape3A_104 {strides = array<i32>} : memref<76x128xi32, #tpu.memory_space<vmem>>, vector<1x128xi32>,
      scf.yield %reduce_min3A_102 : vector<128xf32>
    }
    %scan3A_28 = arith.constant 76 : i32
    %get3A_29 = arith.constant 0 : index
    %get3A_30 = arith.constant 0 : index
    %get3A_31 = vector.load %arg8[%get3A_29, %get3A_30] : memref<76x128xi32, #tpu.memory_space<vmem>>, vector<1x128xi32>
    %get3A_32 = arith.constant 5 : index
    %get3A_33 = arith.constant 0 : index
    %get3A_34 = vector.load %arg8[%get3A_32, %get3A_33] : memref<76x128xi32, #tpu.memory_space<vmem>>, vector<1x128xi32>
    %get3A_35 = arith.constant 10 : index
    %get3A_36 = arith.constant 0 : index
    %get3A_37 = vector.load %arg8[%get3A_35, %get3A_36] : memref<76x128xi32, #tpu.memory_space<vmem>>, vector<1x128xi32>
    %get3A_38 = arith.constant 15 : index
    %get3A_39 = arith.constant 0 : index
    %get3A_40 = vector.load %arg8[%get3A_38, %get3A_39] : memref<76x128xi32, #tpu.memory_space<vmem>>, vector<1x128xi32>
    %get3A_41 = arith.constant 20 : index
    %get3A_42 = arith.constant 0 : index
    %get3A_43 = vector.load %arg8[%get3A_41, %get3A_42] : memref<76x128xi32, #tpu.memory_space<vmem>>, vector<1x128xi32>
    %get3A_44 = arith.constant 25 : index
    %get3A_45 = arith.constant 0 : index
    %get3A_46 = vector.load %arg8[%get3A_44, %get3A_45] : memref<76x128xi32, #tpu.memory_space<vmem>>, vector<1x128xi32>
    %get3A_47 = arith.constant 30 : index
    %get3A_48 = arith.constant 0 : index
    %get3A_49 = vector.load %arg8[%get3A_47, %get3A_48] : memref<76x128xi32, #tpu.memory_space<vmem>>, vector<1x128xi32>
    %get3A_50 = arith.constant 35 : index
    %get3A_51 = arith.constant 0 : index
    %get3A_52 = vector.load %arg8[%get3A_50, %get3A_51] : memref<76x128xi32, #tpu.memory_space<vmem>>, vector<1x128xi32>
    %get3A_53 = arith.constant 40 : index
    %get3A_54 = arith.constant 0 : index
    %get3A_55 = vector.load %arg8[%get3A_53, %get3A_54] : memref<76x128xi32, #tpu.memory_space<vmem>>, vector<1x128xi32>
    %get3A_56 = arith.constant 45 : index
    %get3A_57 = arith.constant 0 : index
    %get3A_58 = vector.load %arg8[%get3A_56, %get3A_57] : memref<76x128xi32, #tpu.memory_space<vmem>>, vector<1x128xi32>
    %get3A_59 = arith.constant 50 : index
    %get3A_60 = arith.constant 0 : index
    %get3A_61 = vector.load %arg8[%get3A_59, %get3A_60] : memref<76x128xi32, #tpu.memory_space<vmem>>, vector<1x128xi32>
    %get3A_62 = arith.constant 55 : index
    %get3A_63 = arith.constant 0 : index
    %get3A_64 = vector.load %arg8[%get3A_62, %get3A_63] : memref<76x128xi32, #tpu.memory_space<vmem>>, vector<1x128xi32>
    %get3A_65 = arith.constant 60 : index
    %get3A_66 = arith.constant 0 : index
    %get3A_67 = vector.load %arg8[%get3A_65, %get3A_66] : memref<76x128xi32, #tpu.memory_space<vmem>>, vector<1x128xi32>
    %get3A_68 = arith.constant 65 : index
    %get3A_69 = arith.constant 0 : index
    %get3A_70 = vector.load %arg8[%get3A_68, %get3A_69] : memref<76x128xi32, #tpu.memory_space<vmem>>, vector<1x128xi32>
    %get3A_71 = arith.constant 70 : index
    %get3A_72 = arith.constant 0 : index
    %get3A_73 = vector.load %arg8[%get3A_71, %get3A_72] : memref<76x128xi32, #tpu.memory_space<vmem>>, vector<1x128xi32>
    %get3A_74 = arith.constant 75 : index
    %get3A_75 = arith.constant 0 : index
    %get3A_76 = vector.load %arg8[%get3A_74, %get3A_75] : memref<76x128xi32, #tpu.memory_space<vmem>>, vector<1x128xi32>
    %concatenate3A = tpu.concatenate %get3A_31, %get3A_34, %get3A_37, %get3A_40, %get3A_43, %get3A_46, %get3A_49, %get3A_52, %get3A_55, %get3A_58, %get3A_61, %get3A_64, %get3A_67, %get3A_70, %get3A_73, %get3A_76 in 0 : vector<1x128xi32>, vector<1x128xi32>, vector<1x128xi32>, vector<1x128xi32>, vector<1x128xi32>, vector<1x128xi32>, vector<1x128xi32>, vector<1x128xi32>, vector<1x128xi32>, vector<1x128xi32>, vector<1x128xi32>, vector<1x128xi32>, vector<1x128xi32>, vector<1x128xi32>, vector<1x128xi32>, vector<1x128xi32> -> vector<16x128xi32>
    %swap3A_77 = arith.constant 0 : index
    %swap3A_78 = arith.constant 0 : index
    %swap3A_79 = vector.load %arg6[%swap3A_77, %swap3A_78] : memref<16x128xi32, #tpu.memory_space<vmem>>, vector<16x128xi32>
    tpu.vector_store %arg6[%swap3A_77, %swap3A_78], %concatenate3A {strides = array<i32>} : memref<16x128xi32, #tpu.memory_space<vmem>>, vector<16x128xi32>,
    return
  }
  func.func @transform_0(%arg0: i32, %arg1: i32) -> (i32, i32) {
    %mul3A = arith.constant 16 : i32
    %mul3A_0 = arith.muli %arg0, %mul3A : i32
    %add3A = arith.addi %mul3A_0, %arg1 : i32
    %c0_i32 = arith.constant 0 : i32
    %c0_i32_1 = arith.constant 0 : i32
    return %add3A, %c0_i32 : i32, i32
  }
  func.func @transform_1(%arg0: i32, %arg1: i32) -> (i32, i32) {
    %c0_i32 = arith.constant 0 : i32
    %c0_i32_0 = arith.constant 0 : i32
    return %arg0, %c0_i32 : i32, i32
  }
  func.func @transform_2(%arg0: i32, %arg1: i32) -> i32 {
    %mul3A = arith.constant 16 : i32
    %mul3A_0 = arith.muli %arg0, %mul3A : i32
    %add3A = arith.addi %mul3A_0, %arg1 : i32
    %c0_i32 = arith.constant 0 : i32
    return %add3A : i32
  }
  func.func @transform_3(%arg0: i32, %arg1: i32) -> i32 {
    %c0_i32 = arith.constant 0 : i32
    return %arg0 : i32
  }
  func.func @transform_4(%arg0: i32, %arg1: i32) -> (i32, i32) {
    %mul3A = arith.constant 16 : i32
    %mul3A_0 = arith.muli %arg0, %mul3A : i32
    %add3A = arith.addi %mul3A_0, %arg1 : i32
    %c0_i32 = arith.constant 0 : i32
    %c0_i32_1 = arith.constant 0 : i32
    return %c0_i32, %add3A : i32, i32
  }
}

module attributes {stable_mosaic.version = 14 : i64} {
  func.func @_knn_body(%arg0: i32, %arg1: i32, %arg2: memref<128x64xf32, #tpu.memory_space<vmem>>, %arg3: memref<2048x64xf32, #tpu.memory_space<vmem>>, %arg4: memref<128xf32, #tpu.memory_space<vmem>>, %arg5: memref<2048xf32, #tpu.memory_space<vmem>>, %arg6: memref<16x128xi32, #tpu.memory_space<vmem>>, %arg7: memref<128x2048xf32, #tpu.memory_space<vmem>>, %arg8: memref<91x128xi32, #tpu.memory_space<vmem>>) attributes {dimension_semantics = [#tpu.dimension_semantics<arbitrary>, #tpu.dimension_semantics<arbitrary>], iteration_bounds = array<i64: 4, 16>, scalar_prefetch = 0 : i64, scratch_operands = 2 : i64, tpu.core_type = #tpu.core_type<tc>, window_params = [{transform_indices = @transform_0, window_bounds = array<i64: 128, 64>}, {transform_indices = @transform_1, window_bounds = array<i64: 2048, 64>}, {transform_indices = @transform_2, window_bounds = array<i64: 128>}, {transform_indices = @transform_3, window_bounds = array<i64: 2048>}, {transform_indices = @transform_4, window_bounds = array<i64: 16, 128>}]} {
    %get3A = arith.constant 0 : index
    %get3A_0 = arith.constant 0 : index
    %get3A_1 = vector.load %arg2[%get3A, %get3A_0] : memref<128x64xf32, #tpu.memory_space<vmem>>, vector<128x64xf32>
    %get3A_2 = arith.constant 0 : index
    %get3A_3 = arith.constant 0 : index
    %get3A_4 = vector.load %arg3[%get3A_2, %get3A_3] : memref<2048x64xf32, #tpu.memory_space<vmem>>, vector<2048x64xf32>
    %dot_general3A = arith.constant dense<0.000000e+00> : vector<128x2048xf32>
    %dot_general3A_5 = tpu.matmul %get3A_1, %get3A_4, %dot_general3A {dimension_numbers = #tpu.dot_dimension_numbers<[1], [1], [0], [0], [0, 0, 1, 0], [], []>, transpose_lhs_hint = false} : vector<128x64xf32>, vector<2048x64xf32>, vector<128x2048xf32> -> vector<128x2048xf32>
    %get3A_6 = arith.constant 0 : index
    %get3A_7 = vector.load %arg4[%get3A_6] : memref<128xf32, #tpu.memory_space<vmem>>, vector<128xf32>
    %reshape3A = vector.shape_cast %get3A_7 : vector<128xf32> to vector<128x1xf32>
    %get3A_8 = arith.constant 0 : index
    %get3A_9 = vector.load %arg5[%get3A_8] : memref<2048xf32, #tpu.memory_space<vmem>>, vector<2048xf32>
    %reshape3A_10 = vector.shape_cast %get3A_9 : vector<2048xf32> to vector<1x2048xf32>
    %add3A = vector.broadcast %reshape3A : vector<128x1xf32> to vector<128x2048xf32>
    %add3A_11 = vector.broadcast %reshape3A_10 : vector<1x2048xf32> to vector<128x2048xf32>
    %add3A_12 = arith.addf %add3A, %add3A_11 : vector<128x2048xf32>
    %mul3A = arith.constant 2.000000e+00 : f32
    %mul3A_13 = vector.broadcast %mul3A : f32 to vector<128x2048xf32>
    %mul3A_14 = arith.mulf %mul3A_13, %dot_general3A_5 : vector<128x2048xf32>
    %sub3A = arith.subf %add3A_12, %mul3A_14 : vector<128x2048xf32>
    %iota3A = tpu.iota {dimensions = array<i32: 1>} : vector<128x2048xi32>
    %iota3A_15 = tpu.iota {dimensions = array<i32: 0>} : vector<128x2048xi32>
    %mul3A_16 = arith.constant 128 : i32
    %mul3A_17 = arith.muli %arg1, %mul3A_16 : i32
    %add3A_18 = vector.broadcast %mul3A_17 : i32 to vector<128x2048xi32>
    %add3A_19 = arith.addi %iota3A_15, %add3A_18 : vector<128x2048xi32>
    %eq3A = arith.cmpi eq, %iota3A, %add3A_19 : vector<128x2048xi32>
    %jit3A = arith.constant 0x7F800000 : f32
    %broadcast_in_dim3A = vector.broadcast %jit3A : f32 to vector<128x2048xf32>
    %select_n3A = arith.select %eq3A, %broadcast_in_dim3A, %sub3A : vector<128x2048xi1>, vector<128x2048xf32>
    %swap3A = arith.constant 0 : index
    %swap3A_20 = arith.constant 0 : index
    %swap3A_21 = vector.load %arg7[%swap3A, %swap3A_20] : memref<128x2048xf32, #tpu.memory_space<vmem>>, vector<128x2048xf32>
    tpu.vector_store %arg7[%swap3A, %swap3A_20], %select_n3A {strides = array<i32>} : memref<128x2048xf32, #tpu.memory_space<vmem>>, vector<128x2048xf32>,
    %convert_element_type3A = arith.sitofp %iota3A : vector<128x2048xi32> to vector<128x2048xf32>
    %broadcast_in_dim3A_22 = arith.constant 2.048000e+03 : f32
    %broadcast_in_dim3A_23 = vector.broadcast %broadcast_in_dim3A_22 : f32 to vector<128xf32>
    %scan3A = arith.constant 0 : i32
    %scan3A_24 = arith.constant 91 : i32
    %scan3A_25 = arith.addi %scan3A, %scan3A_24 : i32
    %scan3A_26 = arith.constant 1 : i32
    %scan3A_27 = scf.for %scan3A_80 = %scan3A to %scan3A_25 step %scan3A_26 iter_args(%scan3A_81 = %broadcast_in_dim3A_23) -> (vector<128xf32>)  : i32 {
      %broadcast_in_dim3A_82 = vector.shape_cast %scan3A_81 : vector<128xf32> to vector<128x1xf32>
      %eq3A_83 = vector.broadcast %broadcast_in_dim3A_82 : vector<128x1xf32> to vector<128x2048xf32>
      %eq3A_84 = arith.cmpf oeq, %convert_element_type3A, %eq3A_83 : vector<128x2048xf32>
      %get3A_85 = arith.constant 0 : index
      %get3A_86 = arith.constant 0 : index
      %get3A_87 = vector.load %arg7[%get3A_85, %get3A_86] : memref<128x2048xf32, #tpu.memory_space<vmem>>, vector<128x2048xf32>
      %jit3A_88 = arith.constant 0x7F800000 : f32
      %broadcast_in_dim3A_89 = vector.broadcast %jit3A_88 : f32 to vector<128x2048xf32>
      %select_n3A_90 = arith.select %eq3A_84, %broadcast_in_dim3A_89, %get3A_87 : vector<128x2048xi1>, vector<128x2048xf32>
      %swap3A_91 = arith.constant 0 : index
      %swap3A_92 = arith.constant 0 : index
      %swap3A_93 = vector.load %arg7[%swap3A_91, %swap3A_92] : memref<128x2048xf32, #tpu.memory_space<vmem>>, vector<128x2048xf32>
      tpu.vector_store %arg7[%swap3A_91, %swap3A_92], %select_n3A_90 {strides = array<i32>} : memref<128x2048xf32, #tpu.memory_space<vmem>>, vector<128x2048xf32>,
      %reduce_min3A = arith.constant dense<0x7F800000> : vector<128xf32>
      %reduce_min3A_94 = vector.multi_reduction <minimumf>, %select_n3A_90, %reduce_min3A [1] : vector<128x2048xf32> to vector<128xf32>
      %broadcast_in_dim3A_95 = vector.shape_cast %reduce_min3A_94 : vector<128xf32> to vector<128x1xf32>
      %eq3A_96 = vector.broadcast %broadcast_in_dim3A_95 : vector<128x1xf32> to vector<128x2048xf32>
      %eq3A_97 = arith.cmpf oeq, %select_n3A_90, %eq3A_96 : vector<128x2048xf32>
      %jit3A_98 = arith.constant 2.048000e+03 : f32
      %broadcast_in_dim3A_99 = vector.broadcast %jit3A_98 : f32 to vector<128x2048xf32>
      %select_n3A_100 = arith.select %eq3A_97, %convert_element_type3A, %broadcast_in_dim3A_99 : vector<128x2048xi1>, vector<128x2048xf32>
      %reduce_min3A_101 = arith.constant dense<0x7F800000> : vector<128xf32>
      %reduce_min3A_102 = vector.multi_reduction <minimumf>, %select_n3A_100, %reduce_min3A_101 [1] : vector<128x2048xf32> to vector<128xf32>
      %convert_element_type3A_103 = arith.fptosi %reduce_min3A_102 : vector<128xf32> to vector<128xi32>
      %reshape3A_104 = vector.shape_cast %convert_element_type3A_103 : vector<128xi32> to vector<1x128xi32>
      %swap3A_105 = arith.index_cast %scan3A_80 : i32 to index
      %swap3A_106 = arith.constant 0 : index
      %swap3A_107 = vector.load %arg8[%swap3A_105, %swap3A_106] : memref<91x128xi32, #tpu.memory_space<vmem>>, vector<1x128xi32>
      tpu.vector_store %arg8[%swap3A_105, %swap3A_106], %reshape3A_104 {strides = array<i32>} : memref<91x128xi32, #tpu.memory_space<vmem>>, vector<1x128xi32>,
      scf.yield %reduce_min3A_102 : vector<128xf32>
    }
    %scan3A_28 = arith.constant 91 : i32
    %get3A_29 = arith.constant 0 : index
    %get3A_30 = arith.constant 0 : index
    %get3A_31 = vector.load %arg8[%get3A_29, %get3A_30] : memref<91x128xi32, #tpu.memory_space<vmem>>, vector<1x128xi32>
    %get3A_32 = arith.constant 6 : index
    %get3A_33 = arith.constant 0 : index
    %get3A_34 = vector.load %arg8[%get3A_32, %get3A_33] : memref<91x128xi32, #tpu.memory_space<vmem>>, vector<1x128xi32>
    %get3A_35 = arith.constant 12 : index
    %get3A_36 = arith.constant 0 : index
    %get3A_37 = vector.load %arg8[%get3A_35, %get3A_36] : memref<91x128xi32, #tpu.memory_space<vmem>>, vector<1x128xi32>
    %get3A_38 = arith.constant 18 : index
    %get3A_39 = arith.constant 0 : index
    %get3A_40 = vector.load %arg8[%get3A_38, %get3A_39] : memref<91x128xi32, #tpu.memory_space<vmem>>, vector<1x128xi32>
    %get3A_41 = arith.constant 24 : index
    %get3A_42 = arith.constant 0 : index
    %get3A_43 = vector.load %arg8[%get3A_41, %get3A_42] : memref<91x128xi32, #tpu.memory_space<vmem>>, vector<1x128xi32>
    %get3A_44 = arith.constant 30 : index
    %get3A_45 = arith.constant 0 : index
    %get3A_46 = vector.load %arg8[%get3A_44, %get3A_45] : memref<91x128xi32, #tpu.memory_space<vmem>>, vector<1x128xi32>
    %get3A_47 = arith.constant 36 : index
    %get3A_48 = arith.constant 0 : index
    %get3A_49 = vector.load %arg8[%get3A_47, %get3A_48] : memref<91x128xi32, #tpu.memory_space<vmem>>, vector<1x128xi32>
    %get3A_50 = arith.constant 42 : index
    %get3A_51 = arith.constant 0 : index
    %get3A_52 = vector.load %arg8[%get3A_50, %get3A_51] : memref<91x128xi32, #tpu.memory_space<vmem>>, vector<1x128xi32>
    %get3A_53 = arith.constant 48 : index
    %get3A_54 = arith.constant 0 : index
    %get3A_55 = vector.load %arg8[%get3A_53, %get3A_54] : memref<91x128xi32, #tpu.memory_space<vmem>>, vector<1x128xi32>
    %get3A_56 = arith.constant 54 : index
    %get3A_57 = arith.constant 0 : index
    %get3A_58 = vector.load %arg8[%get3A_56, %get3A_57] : memref<91x128xi32, #tpu.memory_space<vmem>>, vector<1x128xi32>
    %get3A_59 = arith.constant 60 : index
    %get3A_60 = arith.constant 0 : index
    %get3A_61 = vector.load %arg8[%get3A_59, %get3A_60] : memref<91x128xi32, #tpu.memory_space<vmem>>, vector<1x128xi32>
    %get3A_62 = arith.constant 66 : index
    %get3A_63 = arith.constant 0 : index
    %get3A_64 = vector.load %arg8[%get3A_62, %get3A_63] : memref<91x128xi32, #tpu.memory_space<vmem>>, vector<1x128xi32>
    %get3A_65 = arith.constant 72 : index
    %get3A_66 = arith.constant 0 : index
    %get3A_67 = vector.load %arg8[%get3A_65, %get3A_66] : memref<91x128xi32, #tpu.memory_space<vmem>>, vector<1x128xi32>
    %get3A_68 = arith.constant 78 : index
    %get3A_69 = arith.constant 0 : index
    %get3A_70 = vector.load %arg8[%get3A_68, %get3A_69] : memref<91x128xi32, #tpu.memory_space<vmem>>, vector<1x128xi32>
    %get3A_71 = arith.constant 84 : index
    %get3A_72 = arith.constant 0 : index
    %get3A_73 = vector.load %arg8[%get3A_71, %get3A_72] : memref<91x128xi32, #tpu.memory_space<vmem>>, vector<1x128xi32>
    %get3A_74 = arith.constant 90 : index
    %get3A_75 = arith.constant 0 : index
    %get3A_76 = vector.load %arg8[%get3A_74, %get3A_75] : memref<91x128xi32, #tpu.memory_space<vmem>>, vector<1x128xi32>
    %concatenate3A = tpu.concatenate %get3A_31, %get3A_34, %get3A_37, %get3A_40, %get3A_43, %get3A_46, %get3A_49, %get3A_52, %get3A_55, %get3A_58, %get3A_61, %get3A_64, %get3A_67, %get3A_70, %get3A_73, %get3A_76 in 0 : vector<1x128xi32>, vector<1x128xi32>, vector<1x128xi32>, vector<1x128xi32>, vector<1x128xi32>, vector<1x128xi32>, vector<1x128xi32>, vector<1x128xi32>, vector<1x128xi32>, vector<1x128xi32>, vector<1x128xi32>, vector<1x128xi32>, vector<1x128xi32>, vector<1x128xi32>, vector<1x128xi32>, vector<1x128xi32> -> vector<16x128xi32>
    %swap3A_77 = arith.constant 0 : index
    %swap3A_78 = arith.constant 0 : index
    %swap3A_79 = vector.load %arg6[%swap3A_77, %swap3A_78] : memref<16x128xi32, #tpu.memory_space<vmem>>, vector<16x128xi32>
    tpu.vector_store %arg6[%swap3A_77, %swap3A_78], %concatenate3A {strides = array<i32>} : memref<16x128xi32, #tpu.memory_space<vmem>>, vector<16x128xi32>,
    return
  }
  func.func @transform_0(%arg0: i32, %arg1: i32) -> (i32, i32) {
    %mul3A = arith.constant 16 : i32
    %mul3A_0 = arith.muli %arg0, %mul3A : i32
    %add3A = arith.addi %mul3A_0, %arg1 : i32
    %c0_i32 = arith.constant 0 : i32
    %c0_i32_1 = arith.constant 0 : i32
    return %add3A, %c0_i32 : i32, i32
  }
  func.func @transform_1(%arg0: i32, %arg1: i32) -> (i32, i32) {
    %c0_i32 = arith.constant 0 : i32
    %c0_i32_0 = arith.constant 0 : i32
    return %arg0, %c0_i32 : i32, i32
  }
  func.func @transform_2(%arg0: i32, %arg1: i32) -> i32 {
    %mul3A = arith.constant 16 : i32
    %mul3A_0 = arith.muli %arg0, %mul3A : i32
    %add3A = arith.addi %mul3A_0, %arg1 : i32
    %c0_i32 = arith.constant 0 : i32
    return %add3A : i32
  }
  func.func @transform_3(%arg0: i32, %arg1: i32) -> i32 {
    %c0_i32 = arith.constant 0 : i32
    return %arg0 : i32
  }
  func.func @transform_4(%arg0: i32, %arg1: i32) -> (i32, i32) {
    %mul3A = arith.constant 16 : i32
    %mul3A_0 = arith.muli %arg0, %mul3A : i32
    %add3A = arith.addi %mul3A_0, %arg1 : i32
    %c0_i32 = arith.constant 0 : i32
    %c0_i32_1 = arith.constant 0 : i32
    return %c0_i32, %add3A : i32, i32
  }
}

module attributes {stable_mosaic.version = 14 : i64} {
  func.func @_mm_stats_body(%arg0: i32, %arg1: memref<512x448xf32, #tpu.memory_space<vmem>>, %arg2: memref<448x1024xf32, #tpu.memory_space<vmem>>, %arg3: memref<1024xf32, #tpu.memory_space<vmem>>, %arg4: memref<512x1024xf32, #tpu.memory_space<vmem>>, %arg5: memref<2x1024xf32, #tpu.memory_space<vmem>>, %arg6: memref<2x1024xf32, #tpu.memory_space<vmem>>) attributes {dimension_semantics = [#tpu.dimension_semantics<arbitrary>], iteration_bounds = array<i64: 16>, scalar_prefetch = 0 : i64, scratch_operands = 1 : i64, tpu.core_type = #tpu.core_type<tc>, window_params = [{transform_indices = @transform_0, window_bounds = array<i64: 512, 448>}, {pipeline_mode = #tpu.pipeline_mode<synchronous>, transform_indices = @transform_1, window_bounds = array<i64: 448, 1024>}, {pipeline_mode = #tpu.pipeline_mode<synchronous>, transform_indices = @transform_2, window_bounds = array<i64: 1024>}, {transform_indices = @transform_3, window_bounds = array<i64: 512, 1024>}, {pipeline_mode = #tpu.pipeline_mode<synchronous>, transform_indices = @transform_4, window_bounds = array<i64: 2, 1024>}]} {
    %get3A = arith.constant 0 : index
    %get3A_0 = arith.constant 0 : index
    %get3A_1 = vector.load %arg1[%get3A, %get3A_0] : memref<512x448xf32, #tpu.memory_space<vmem>>, vector<512x448xf32>
    %get3A_2 = arith.constant 0 : index
    %get3A_3 = arith.constant 0 : index
    %get3A_4 = vector.load %arg2[%get3A_2, %get3A_3] : memref<448x1024xf32, #tpu.memory_space<vmem>>, vector<448x1024xf32>
    %dot_general3A = arith.constant dense<0.000000e+00> : vector<512x1024xf32>
    %dot_general3A_5 = tpu.matmul %get3A_1, %get3A_4, %dot_general3A {dimension_numbers = #tpu.dot_dimension_numbers<[1], [0], [0], [1], [0, 0, 1, 1], [], []>, transpose_lhs_hint = false} : vector<512x448xf32>, vector<448x1024xf32>, vector<512x1024xf32> -> vector<512x1024xf32>
    %get3A_6 = arith.constant 0 : index
    %get3A_7 = vector.load %arg3[%get3A_6] : memref<1024xf32, #tpu.memory_space<vmem>>, vector<1024xf32>
    %broadcast_in_dim3A = vector.shape_cast %get3A_7 : vector<1024xf32> to vector<1x1024xf32>
    %add3A = vector.broadcast %broadcast_in_dim3A : vector<1x1024xf32> to vector<512x1024xf32>
    %add3A_8 = arith.addf %dot_general3A_5, %add3A : vector<512x1024xf32>
    %swap3A = arith.constant 0 : index
    %swap3A_9 = arith.constant 0 : index
    %swap3A_10 = vector.load %arg4[%swap3A, %swap3A_9] : memref<512x1024xf32, #tpu.memory_space<vmem>>, vector<512x1024xf32>
    tpu.vector_store %arg4[%swap3A, %swap3A_9], %add3A_8 {strides = array<i32>} : memref<512x1024xf32, #tpu.memory_space<vmem>>, vector<512x1024xf32>,
    %eq3A = arith.constant 0 : i32
    %eq3A_11 = arith.cmpi eq, %arg0, %eq3A : i32
    %convert_element_type3A = arith.extui %eq3A_11 : i1 to i32
    %cond3A = arith.constant 0 : i32
    %cond3A_12 = arith.cmpi ne, %convert_element_type3A, %cond3A : i32
    scf.if %cond3A_12 {
      %broadcast_in_dim3A_41 = arith.constant 0.000000e+00 : f32
      %broadcast_in_dim3A_42 = vector.broadcast %broadcast_in_dim3A_41 : f32 to vector<2x1024xf32>
      %swap3A_43 = arith.constant 0 : index
      %swap3A_44 = arith.constant 0 : index
      %swap3A_45 = vector.load %arg6[%swap3A_43, %swap3A_44] : memref<2x1024xf32, #tpu.memory_space<vmem>>, vector<2x1024xf32>
      tpu.vector_store %arg6[%swap3A_43, %swap3A_44], %broadcast_in_dim3A_42 {strides = array<i32>} : memref<2x1024xf32, #tpu.memory_space<vmem>>, vector<2x1024xf32>,
    } else {
    }
    %get3A_13 = arith.constant 0 : index
    %get3A_14 = arith.constant 0 : index
    %get3A_15 = vector.load %arg6[%get3A_13, %get3A_14] : memref<2x1024xf32, #tpu.memory_space<vmem>>, vector<1x1024xf32>
    %get3A_16 = vector.shape_cast %get3A_15 : vector<1x1024xf32> to vector<1024xf32>
    %reduce_sum3A = arith.constant dense<0.000000e+00> : vector<1024xf32>
    %reduce_sum3A_17 = vector.multi_reduction <add>, %add3A_8, %reduce_sum3A [0] : vector<512x1024xf32> to vector<1024xf32>
    %add3A_18 = arith.addf %get3A_16, %reduce_sum3A_17 : vector<1024xf32>
    %swap3A_19 = arith.constant 0 : index
    %swap3A_20 = arith.constant 0 : index
    %swap3A_21 = vector.load %arg6[%swap3A_19, %swap3A_20] : memref<2x1024xf32, #tpu.memory_space<vmem>>, vector<1x1024xf32>
    %swap3A_22 = vector.shape_cast %swap3A_21 : vector<1x1024xf32> to vector<1024xf32>
    %swap3A_23 = vector.shape_cast %add3A_18 : vector<1024xf32> to vector<1x1024xf32>
    tpu.vector_store %arg6[%swap3A_19, %swap3A_20], %swap3A_23 {strides = array<i32>} : memref<2x1024xf32, #tpu.memory_space<vmem>>, vector<1x1024xf32>,
    %get3A_24 = arith.constant 1 : index
    %get3A_25 = arith.constant 0 : index
    %get3A_26 = vector.load %arg6[%get3A_24, %get3A_25] : memref<2x1024xf32, #tpu.memory_space<vmem>>, vector<1x1024xf32>
    %get3A_27 = vector.shape_cast %get3A_26 : vector<1x1024xf32> to vector<1024xf32>
    %mul3A = arith.mulf %add3A_8, %add3A_8 : vector<512x1024xf32>
    %reduce_sum3A_28 = arith.constant dense<0.000000e+00> : vector<1024xf32>
    %reduce_sum3A_29 = vector.multi_reduction <add>, %mul3A, %reduce_sum3A_28 [0] : vector<512x1024xf32> to vector<1024xf32>
    %add3A_30 = arith.addf %get3A_27, %reduce_sum3A_29 : vector<1024xf32>
    %swap3A_31 = arith.constant 1 : index
    %swap3A_32 = arith.constant 0 : index
    %swap3A_33 = vector.load %arg6[%swap3A_31, %swap3A_32] : memref<2x1024xf32, #tpu.memory_space<vmem>>, vector<1x1024xf32>
    %swap3A_34 = vector.shape_cast %swap3A_33 : vector<1x1024xf32> to vector<1024xf32>
    %swap3A_35 = vector.shape_cast %add3A_30 : vector<1024xf32> to vector<1x1024xf32>
    tpu.vector_store %arg6[%swap3A_31, %swap3A_32], %swap3A_35 {strides = array<i32>} : memref<2x1024xf32, #tpu.memory_space<vmem>>, vector<1x1024xf32>,
    %eq3A_36 = arith.constant 15 : i32
    %eq3A_37 = arith.cmpi eq, %arg0, %eq3A_36 : i32
    %convert_element_type3A_38 = arith.extui %eq3A_37 : i1 to i32
    %cond3A_39 = arith.constant 0 : i32
    %cond3A_40 = arith.cmpi ne, %convert_element_type3A_38, %cond3A_39 : i32
    scf.if %cond3A_40 {
      %get3A_41 = arith.constant 0 : index
      %get3A_42 = arith.constant 0 : index
      %get3A_43 = vector.load %arg6[%get3A_41, %get3A_42] : memref<2x1024xf32, #tpu.memory_space<vmem>>, vector<2x1024xf32>
      %swap3A_44 = arith.constant 0 : index
      %swap3A_45 = arith.constant 0 : index
      %swap3A_46 = vector.load %arg5[%swap3A_44, %swap3A_45] : memref<2x1024xf32, #tpu.memory_space<vmem>>, vector<2x1024xf32>
      tpu.vector_store %arg5[%swap3A_44, %swap3A_45], %get3A_43 {strides = array<i32>} : memref<2x1024xf32, #tpu.memory_space<vmem>>, vector<2x1024xf32>,
    } else {
    }
    return
  }
  func.func @transform_0(%arg0: i32) -> (i32, i32) {
    %c0_i32 = arith.constant 0 : i32
    %c0_i32_0 = arith.constant 0 : i32
    return %arg0, %c0_i32 : i32, i32
  }
  func.func @transform_1(%arg0: i32) -> (i32, i32) {
    %c0_i32 = arith.constant 0 : i32
    %c0_i32_0 = arith.constant 0 : i32
    %c0_i32_1 = arith.constant 0 : i32
    return %c0_i32, %c0_i32_0 : i32, i32
  }
  func.func @transform_2(%arg0: i32) -> i32 {
    %c0_i32 = arith.constant 0 : i32
    %c0_i32_0 = arith.constant 0 : i32
    return %c0_i32 : i32
  }
  func.func @transform_3(%arg0: i32) -> (i32, i32) {
    %c0_i32 = arith.constant 0 : i32
    %c0_i32_0 = arith.constant 0 : i32
    return %arg0, %c0_i32 : i32, i32
  }
  func.func @transform_4(%arg0: i32) -> (i32, i32) {
    %c0_i32 = arith.constant 0 : i32
    %c0_i32_0 = arith.constant 0 : i32
    %c0_i32_1 = arith.constant 0 : i32
    return %c0_i32, %c0_i32_0 : i32, i32
  }
}

module attributes {stable_mosaic.version = 14 : i64} {
  func.func @_segmax_body(%arg0: i32, %arg1: memref<2048x1024xf32, #tpu.memory_space<vmem>>, %arg2: memref<1x1024xf32, #tpu.memory_space<vmem>>, %arg3: memref<1x1024xf32, #tpu.memory_space<vmem>>, %arg4: memref<4x1024xf32, #tpu.memory_space<vmem>>) attributes {dimension_semantics = [#tpu.dimension_semantics<arbitrary>], iteration_bounds = array<i64: 4>, scalar_prefetch = 0 : i64, scratch_operands = 0 : i64, tpu.core_type = #tpu.core_type<tc>, window_params = [{transform_indices = @transform_0, window_bounds = array<i64: 2048, 1024>}, {pipeline_mode = #tpu.pipeline_mode<synchronous>, transform_indices = @transform_1, window_bounds = array<i64: 1, 1024>}, {pipeline_mode = #tpu.pipeline_mode<synchronous>, transform_indices = @transform_2, window_bounds = array<i64: 1, 1024>}, {pipeline_mode = #tpu.pipeline_mode<synchronous>, transform_indices = @transform_3, window_bounds = array<i64: 4, 1024>}]} {
    %get3A = arith.constant 0 : index
    %get3A_0 = arith.constant 0 : index
    %get3A_1 = vector.load %arg1[%get3A, %get3A_0] : memref<2048x1024xf32, #tpu.memory_space<vmem>>, vector<2048x1024xf32>
    %get3A_2 = arith.constant 0 : index
    %get3A_3 = arith.constant 0 : index
    %get3A_4 = vector.load %arg2[%get3A_2, %get3A_3] : memref<1x1024xf32, #tpu.memory_space<vmem>>, vector<1x1024xf32>
    %mul3A = vector.broadcast %get3A_4 : vector<1x1024xf32> to vector<2048x1024xf32>
    %mul3A_5 = arith.mulf %get3A_1, %mul3A : vector<2048x1024xf32>
    %get3A_6 = arith.constant 0 : index
    %get3A_7 = arith.constant 0 : index
    %get3A_8 = vector.load %arg3[%get3A_6, %get3A_7] : memref<1x1024xf32, #tpu.memory_space<vmem>>, vector<1x1024xf32>
    %add3A = vector.broadcast %get3A_8 : vector<1x1024xf32> to vector<2048x1024xf32>
    %add3A_9 = arith.addf %mul3A_5, %add3A : vector<2048x1024xf32>
    %max3A = arith.constant 0.000000e+00 : f32
    %max3A_10 = vector.broadcast %max3A : f32 to vector<2048x1024xf32>
    %max3A_11 = arith.maximumf %add3A_9, %max3A_10 : vector<2048x1024xf32>
    %reduce_max3A = arith.constant dense<0xFF800000> : vector<1024xf32>
    %reduce_max3A_12 = vector.multi_reduction <maximumf>, %max3A_11, %reduce_max3A [0] : vector<2048x1024xf32> to vector<1024xf32>
    %broadcast_in_dim3A = vector.shape_cast %reduce_max3A_12 : vector<1024xf32> to vector<1x1024xf32>
    %swap3A = arith.index_cast %arg0 : i32 to index
    %swap3A_13 = arith.constant 0 : index
    %swap3A_14 = vector.load %arg4[%swap3A, %swap3A_13] : memref<4x1024xf32, #tpu.memory_space<vmem>>, vector<1x1024xf32>
    tpu.vector_store %arg4[%swap3A, %swap3A_13], %broadcast_in_dim3A {strides = array<i32>} : memref<4x1024xf32, #tpu.memory_space<vmem>>, vector<1x1024xf32>,
    return
  }
  func.func @transform_0(%arg0: i32) -> (i32, i32) {
    %c0_i32 = arith.constant 0 : i32
    %c0_i32_0 = arith.constant 0 : i32
    return %arg0, %c0_i32 : i32, i32
  }
  func.func @transform_1(%arg0: i32) -> (i32, i32) {
    %c0_i32 = arith.constant 0 : i32
    %c0_i32_0 = arith.constant 0 : i32
    %c0_i32_1 = arith.constant 0 : i32
    return %c0_i32, %c0_i32_0 : i32, i32
  }
  func.func @transform_2(%arg0: i32) -> (i32, i32) {
    %c0_i32 = arith.constant 0 : i32
    %c0_i32_0 = arith.constant 0 : i32
    %c0_i32_1 = arith.constant 0 : i32
    return %c0_i32, %c0_i32_0 : i32, i32
  }
  func.func @transform_3(%arg0: i32) -> (i32, i32) {
    %c0_i32 = arith.constant 0 : i32
    %c0_i32_0 = arith.constant 0 : i32
    %c0_i32_1 = arith.constant 0 : i32
    return %c0_i32, %c0_i32_0 : i32, i32
  }
}

module attributes {stable_mosaic.version = 14 : i64} {
  func.func @_fuse1_body(%arg0: i32, %arg1: i32, %arg2: memref<512x448xf32, #tpu.memory_space<vmem>>, %arg3: memref<4x1024xf32, #tpu.memory_space<vmem>>, %arg4: memref<1024x512xf32, #tpu.memory_space<vmem>>, %arg5: memref<448x512xf32, #tpu.memory_space<vmem>>, %arg6: memref<512xf32, #tpu.memory_space<vmem>>, %arg7: memref<512x512xf32, #tpu.memory_space<vmem>>, %arg8: memref<2x512xf32, #tpu.memory_space<vmem>>, %arg9: memref<2x512xf32, #tpu.memory_space<vmem>>) attributes {dimension_semantics = [#tpu.dimension_semantics<arbitrary>, #tpu.dimension_semantics<arbitrary>], iteration_bounds = array<i64: 4, 4>, scalar_prefetch = 0 : i64, scratch_operands = 1 : i64, tpu.core_type = #tpu.core_type<tc>, window_params = [{transform_indices = @transform_0, window_bounds = array<i64: 512, 448>}, {pipeline_mode = #tpu.pipeline_mode<synchronous>, transform_indices = @transform_1, window_bounds = array<i64: 4, 1024>}, {pipeline_mode = #tpu.pipeline_mode<synchronous>, transform_indices = @transform_2, window_bounds = array<i64: 1024, 512>}, {pipeline_mode = #tpu.pipeline_mode<synchronous>, transform_indices = @transform_3, window_bounds = array<i64: 448, 512>}, {pipeline_mode = #tpu.pipeline_mode<synchronous>, transform_indices = @transform_4, window_bounds = array<i64: 512>}, {transform_indices = @transform_5, window_bounds = array<i64: 512, 512>}, {pipeline_mode = #tpu.pipeline_mode<synchronous>, transform_indices = @transform_6, window_bounds = array<i64: 2, 512>}]} {
    %get3A = arith.constant 0 : index
    %get3A_0 = arith.constant 0 : index
    %get3A_1 = vector.load %arg2[%get3A, %get3A_0] : memref<512x448xf32, #tpu.memory_space<vmem>>, vector<512x448xf32>
    %get3A_2 = arith.constant 0 : index
    %get3A_3 = arith.constant 0 : index
    %get3A_4 = vector.load %arg5[%get3A_2, %get3A_3] : memref<448x512xf32, #tpu.memory_space<vmem>>, vector<448x512xf32>
    %dot_general3A = arith.constant dense<0.000000e+00> : vector<512x512xf32>
    %dot_general3A_5 = tpu.matmul %get3A_1, %get3A_4, %dot_general3A {dimension_numbers = #tpu.dot_dimension_numbers<[1], [0], [0], [1], [0, 0, 1, 1], [], []>, transpose_lhs_hint = false} : vector<512x448xf32>, vector<448x512xf32>, vector<512x512xf32> -> vector<512x512xf32>
    %get3A_6 = arith.index_cast %arg0 : i32 to index
    %get3A_7 = arith.constant 0 : index
    %get3A_8 = vector.load %arg3[%get3A_6, %get3A_7] : memref<4x1024xf32, #tpu.memory_space<vmem>>, vector<1x1024xf32>
    %get3A_9 = arith.constant 0 : index
    %get3A_10 = arith.constant 0 : index
    %get3A_11 = vector.load %arg4[%get3A_9, %get3A_10] : memref<1024x512xf32, #tpu.memory_space<vmem>>, vector<1024x512xf32>
    %dot_general3A_12 = arith.constant dense<0.000000e+00> : vector<1x512xf32>
    %dot_general3A_13 = tpu.matmul %get3A_8, %get3A_11, %dot_general3A_12 {dimension_numbers = #tpu.dot_dimension_numbers<[1], [0], [0], [1], [0, 0, 1, 1], [], []>, transpose_lhs_hint = false} : vector<1x1024xf32>, vector<1024x512xf32>, vector<1x512xf32> -> vector<1x512xf32>
    %add3A = vector.broadcast %dot_general3A_13 : vector<1x512xf32> to vector<512x512xf32>
    %add3A_14 = arith.addf %dot_general3A_5, %add3A : vector<512x512xf32>
    %get3A_15 = arith.constant 0 : index
    %get3A_16 = vector.load %arg6[%get3A_15] : memref<512xf32, #tpu.memory_space<vmem>>, vector<512xf32>
    %broadcast_in_dim3A = vector.shape_cast %get3A_16 : vector<512xf32> to vector<1x512xf32>
    %add3A_17 = vector.broadcast %broadcast_in_dim3A : vector<1x512xf32> to vector<512x512xf32>
    %add3A_18 = arith.addf %add3A_14, %add3A_17 : vector<512x512xf32>
    %swap3A = arith.constant 0 : index
    %swap3A_19 = arith.constant 0 : index
    %swap3A_20 = vector.load %arg7[%swap3A, %swap3A_19] : memref<512x512xf32, #tpu.memory_space<vmem>>, vector<512x512xf32>
    tpu.vector_store %arg7[%swap3A, %swap3A_19], %add3A_18 {strides = array<i32>} : memref<512x512xf32, #tpu.memory_space<vmem>>, vector<512x512xf32>,
    %eq3A = arith.constant 0 : i32
    %eq3A_21 = arith.cmpi eq, %arg0, %eq3A : i32
    %eq3A_22 = arith.constant 0 : i32
    %eq3A_23 = arith.cmpi eq, %arg1, %eq3A_22 : i32
    %and3A = arith.andi %eq3A_21, %eq3A_23 : i1
    %convert_element_type3A = arith.extui %and3A : i1 to i32
    %cond3A = arith.constant 0 : i32
    %cond3A_24 = arith.cmpi ne, %convert_element_type3A, %cond3A : i32
    scf.if %cond3A_24 {
      %broadcast_in_dim3A_56 = arith.constant 0.000000e+00 : f32
      %broadcast_in_dim3A_57 = vector.broadcast %broadcast_in_dim3A_56 : f32 to vector<2x512xf32>
      %swap3A_58 = arith.constant 0 : index
      %swap3A_59 = arith.constant 0 : index
      %swap3A_60 = vector.load %arg9[%swap3A_58, %swap3A_59] : memref<2x512xf32, #tpu.memory_space<vmem>>, vector<2x512xf32>
      tpu.vector_store %arg9[%swap3A_58, %swap3A_59], %broadcast_in_dim3A_57 {strides = array<i32>} : memref<2x512xf32, #tpu.memory_space<vmem>>, vector<2x512xf32>,
    } else {
    }
    %get3A_25 = arith.constant 0 : index
    %get3A_26 = arith.constant 0 : index
    %get3A_27 = vector.load %arg9[%get3A_25, %get3A_26] : memref<2x512xf32, #tpu.memory_space<vmem>>, vector<1x512xf32>
    %get3A_28 = vector.shape_cast %get3A_27 : vector<1x512xf32> to vector<512xf32>
    %reduce_sum3A = arith.constant dense<0.000000e+00> : vector<512xf32>
    %reduce_sum3A_29 = vector.multi_reduction <add>, %add3A_18, %reduce_sum3A [0] : vector<512x512xf32> to vector<512xf32>
    %add3A_30 = arith.addf %get3A_28, %reduce_sum3A_29 : vector<512xf32>
    %swap3A_31 = arith.constant 0 : index
    %swap3A_32 = arith.constant 0 : index
    %swap3A_33 = vector.load %arg9[%swap3A_31, %swap3A_32] : memref<2x512xf32, #tpu.memory_space<vmem>>, vector<1x512xf32>
    %swap3A_34 = vector.shape_cast %swap3A_33 : vector<1x512xf32> to vector<512xf32>
    %swap3A_35 = vector.shape_cast %add3A_30 : vector<512xf32> to vector<1x512xf32>
    tpu.vector_store %arg9[%swap3A_31, %swap3A_32], %swap3A_35 {strides = array<i32>} : memref<2x512xf32, #tpu.memory_space<vmem>>, vector<1x512xf32>,
    %get3A_36 = arith.constant 1 : index
    %get3A_37 = arith.constant 0 : index
    %get3A_38 = vector.load %arg9[%get3A_36, %get3A_37] : memref<2x512xf32, #tpu.memory_space<vmem>>, vector<1x512xf32>
    %get3A_39 = vector.shape_cast %get3A_38 : vector<1x512xf32> to vector<512xf32>
    %mul3A = arith.mulf %add3A_18, %add3A_18 : vector<512x512xf32>
    %reduce_sum3A_40 = arith.constant dense<0.000000e+00> : vector<512xf32>
    %reduce_sum3A_41 = vector.multi_reduction <add>, %mul3A, %reduce_sum3A_40 [0] : vector<512x512xf32> to vector<512xf32>
    %add3A_42 = arith.addf %get3A_39, %reduce_sum3A_41 : vector<512xf32>
    %swap3A_43 = arith.constant 1 : index
    %swap3A_44 = arith.constant 0 : index
    %swap3A_45 = vector.load %arg9[%swap3A_43, %swap3A_44] : memref<2x512xf32, #tpu.memory_space<vmem>>, vector<1x512xf32>
    %swap3A_46 = vector.shape_cast %swap3A_45 : vector<1x512xf32> to vector<512xf32>
    %swap3A_47 = vector.shape_cast %add3A_42 : vector<512xf32> to vector<1x512xf32>
    tpu.vector_store %arg9[%swap3A_43, %swap3A_44], %swap3A_47 {strides = array<i32>} : memref<2x512xf32, #tpu.memory_space<vmem>>, vector<1x512xf32>,
    %eq3A_48 = arith.constant 3 : i32
    %eq3A_49 = arith.cmpi eq, %arg0, %eq3A_48 : i32
    %eq3A_50 = arith.constant 3 : i32
    %eq3A_51 = arith.cmpi eq, %arg1, %eq3A_50 : i32
    %and3A_52 = arith.andi %eq3A_49, %eq3A_51 : i1
    %convert_element_type3A_53 = arith.extui %and3A_52 : i1 to i32
    %cond3A_54 = arith.constant 0 : i32
    %cond3A_55 = arith.cmpi ne, %convert_element_type3A_53, %cond3A_54 : i32
    scf.if %cond3A_55 {
      %get3A_56 = arith.constant 0 : index
      %get3A_57 = arith.constant 0 : index
      %get3A_58 = vector.load %arg9[%get3A_56, %get3A_57] : memref<2x512xf32, #tpu.memory_space<vmem>>, vector<2x512xf32>
      %swap3A_59 = arith.constant 0 : index
      %swap3A_60 = arith.constant 0 : index
      %swap3A_61 = vector.load %arg8[%swap3A_59, %swap3A_60] : memref<2x512xf32, #tpu.memory_space<vmem>>, vector<2x512xf32>
      tpu.vector_store %arg8[%swap3A_59, %swap3A_60], %get3A_58 {strides = array<i32>} : memref<2x512xf32, #tpu.memory_space<vmem>>, vector<2x512xf32>,
    } else {
    }
    return
  }
  func.func @transform_0(%arg0: i32, %arg1: i32) -> (i32, i32) {
    %mul3A = arith.constant 4 : i32
    %mul3A_0 = arith.muli %arg0, %mul3A : i32
    %add3A = arith.addi %mul3A_0, %arg1 : i32
    %c0_i32 = arith.constant 0 : i32
    %c0_i32_1 = arith.constant 0 : i32
    return %add3A, %c0_i32 : i32, i32
  }
  func.func @transform_1(%arg0: i32, %arg1: i32) -> (i32, i32) {
    %c0_i32 = arith.constant 0 : i32
    %c0_i32_0 = arith.constant 0 : i32
    %c0_i32_1 = arith.constant 0 : i32
    return %c0_i32, %c0_i32_0 : i32, i32
  }
  func.func @transform_2(%arg0: i32, %arg1: i32) -> (i32, i32) {
    %c0_i32 = arith.constant 0 : i32
    %c0_i32_0 = arith.constant 0 : i32
    %c0_i32_1 = arith.constant 0 : i32
    return %c0_i32, %c0_i32_0 : i32, i32
  }
  func.func @transform_3(%arg0: i32, %arg1: i32) -> (i32, i32) {
    %c0_i32 = arith.constant 0 : i32
    %c0_i32_0 = arith.constant 0 : i32
    %c0_i32_1 = arith.constant 0 : i32
    return %c0_i32, %c0_i32_0 : i32, i32
  }
  func.func @transform_4(%arg0: i32, %arg1: i32) -> i32 {
    %c0_i32 = arith.constant 0 : i32
    %c0_i32_0 = arith.constant 0 : i32
    return %c0_i32 : i32
  }
  func.func @transform_5(%arg0: i32, %arg1: i32) -> (i32, i32) {
    %mul3A = arith.constant 4 : i32
    %mul3A_0 = arith.muli %arg0, %mul3A : i32
    %add3A = arith.addi %mul3A_0, %arg1 : i32
    %c0_i32 = arith.constant 0 : i32
    %c0_i32_1 = arith.constant 0 : i32
    return %add3A, %c0_i32 : i32, i32
  }
  func.func @transform_6(%arg0: i32, %arg1: i32) -> (i32, i32) {
    %c0_i32 = arith.constant 0 : i32
    %c0_i32_0 = arith.constant 0 : i32
    %c0_i32_1 = arith.constant 0 : i32
    return %c0_i32, %c0_i32_0 : i32, i32
  }
}

module attributes {stable_mosaic.version = 14 : i64} {
  func.func @_act_mm_body(%arg0: i32, %arg1: memref<512x512xf32, #tpu.memory_space<vmem>>, %arg2: memref<1x512xf32, #tpu.memory_space<vmem>>, %arg3: memref<1x512xf32, #tpu.memory_space<vmem>>, %arg4: memref<512x256xf32, #tpu.memory_space<vmem>>, %arg5: memref<256xf32, #tpu.memory_space<vmem>>, %arg6: memref<512x256xf32, #tpu.memory_space<vmem>>, %arg7: memref<2x256xf32, #tpu.memory_space<vmem>>, %arg8: memref<2x256xf32, #tpu.memory_space<vmem>>) attributes {dimension_semantics = [#tpu.dimension_semantics<arbitrary>], iteration_bounds = array<i64: 16>, scalar_prefetch = 0 : i64, scratch_operands = 1 : i64, tpu.core_type = #tpu.core_type<tc>, window_params = [{transform_indices = @transform_0, window_bounds = array<i64: 512, 512>}, {pipeline_mode = #tpu.pipeline_mode<synchronous>, transform_indices = @transform_1, window_bounds = array<i64: 1, 512>}, {pipeline_mode = #tpu.pipeline_mode<synchronous>, transform_indices = @transform_2, window_bounds = array<i64: 1, 512>}, {pipeline_mode = #tpu.pipeline_mode<synchronous>, transform_indices = @transform_3, window_bounds = array<i64: 512, 256>}, {pipeline_mode = #tpu.pipeline_mode<synchronous>, transform_indices = @transform_4, window_bounds = array<i64: 256>}, {transform_indices = @transform_5, window_bounds = array<i64: 512, 256>}, {pipeline_mode = #tpu.pipeline_mode<synchronous>, transform_indices = @transform_6, window_bounds = array<i64: 2, 256>}]} {
    %get3A = arith.constant 0 : index
    %get3A_0 = arith.constant 0 : index
    %get3A_1 = vector.load %arg1[%get3A, %get3A_0] : memref<512x512xf32, #tpu.memory_space<vmem>>, vector<512x512xf32>
    %get3A_2 = arith.constant 0 : index
    %get3A_3 = arith.constant 0 : index
    %get3A_4 = vector.load %arg2[%get3A_2, %get3A_3] : memref<1x512xf32, #tpu.memory_space<vmem>>, vector<1x512xf32>
    %mul3A = vector.broadcast %get3A_4 : vector<1x512xf32> to vector<512x512xf32>
    %mul3A_5 = arith.mulf %get3A_1, %mul3A : vector<512x512xf32>
    %get3A_6 = arith.constant 0 : index
    %get3A_7 = arith.constant 0 : index
    %get3A_8 = vector.load %arg3[%get3A_6, %get3A_7] : memref<1x512xf32, #tpu.memory_space<vmem>>, vector<1x512xf32>
    %add3A = vector.broadcast %get3A_8 : vector<1x512xf32> to vector<512x512xf32>
    %add3A_9 = arith.addf %mul3A_5, %add3A : vector<512x512xf32>
    %max3A = arith.constant 0.000000e+00 : f32
    %max3A_10 = vector.broadcast %max3A : f32 to vector<512x512xf32>
    %max3A_11 = arith.maximumf %add3A_9, %max3A_10 : vector<512x512xf32>
    %get3A_12 = arith.constant 0 : index
    %get3A_13 = arith.constant 0 : index
    %get3A_14 = vector.load %arg4[%get3A_12, %get3A_13] : memref<512x256xf32, #tpu.memory_space<vmem>>, vector<512x256xf32>
    %dot_general3A = arith.constant dense<0.000000e+00> : vector<512x256xf32>
    %dot_general3A_15 = tpu.matmul %max3A_11, %get3A_14, %dot_general3A {dimension_numbers = #tpu.dot_dimension_numbers<[1], [0], [0], [1], [0, 0, 1, 1], [], []>, transpose_lhs_hint = false} : vector<512x512xf32>, vector<512x256xf32>, vector<512x256xf32> -> vector<512x256xf32>
    %get3A_16 = arith.constant 0 : index
    %get3A_17 = vector.load %arg5[%get3A_16] : memref<256xf32, #tpu.memory_space<vmem>>, vector<256xf32>
    %broadcast_in_dim3A = vector.shape_cast %get3A_17 : vector<256xf32> to vector<1x256xf32>
    %add3A_18 = vector.broadcast %broadcast_in_dim3A : vector<1x256xf32> to vector<512x256xf32>
    %add3A_19 = arith.addf %dot_general3A_15, %add3A_18 : vector<512x256xf32>
    %swap3A = arith.constant 0 : index
    %swap3A_20 = arith.constant 0 : index
    %swap3A_21 = vector.load %arg6[%swap3A, %swap3A_20] : memref<512x256xf32, #tpu.memory_space<vmem>>, vector<512x256xf32>
    tpu.vector_store %arg6[%swap3A, %swap3A_20], %add3A_19 {strides = array<i32>} : memref<512x256xf32, #tpu.memory_space<vmem>>, vector<512x256xf32>,
    %eq3A = arith.constant 0 : i32
    %eq3A_22 = arith.cmpi eq, %arg0, %eq3A : i32
    %convert_element_type3A = arith.extui %eq3A_22 : i1 to i32
    %cond3A = arith.constant 0 : i32
    %cond3A_23 = arith.cmpi ne, %convert_element_type3A, %cond3A : i32
    scf.if %cond3A_23 {
      %broadcast_in_dim3A_53 = arith.constant 0.000000e+00 : f32
      %broadcast_in_dim3A_54 = vector.broadcast %broadcast_in_dim3A_53 : f32 to vector<2x256xf32>
      %swap3A_55 = arith.constant 0 : index
      %swap3A_56 = arith.constant 0 : index
      %swap3A_57 = vector.load %arg8[%swap3A_55, %swap3A_56] : memref<2x256xf32, #tpu.memory_space<vmem>>, vector<2x256xf32>
      tpu.vector_store %arg8[%swap3A_55, %swap3A_56], %broadcast_in_dim3A_54 {strides = array<i32>} : memref<2x256xf32, #tpu.memory_space<vmem>>, vector<2x256xf32>,
    } else {
    }
    %get3A_24 = arith.constant 0 : index
    %get3A_25 = arith.constant 0 : index
    %get3A_26 = vector.load %arg8[%get3A_24, %get3A_25] : memref<2x256xf32, #tpu.memory_space<vmem>>, vector<1x256xf32>
    %get3A_27 = vector.shape_cast %get3A_26 : vector<1x256xf32> to vector<256xf32>
    %reduce_sum3A = arith.constant dense<0.000000e+00> : vector<256xf32>
    %reduce_sum3A_28 = vector.multi_reduction <add>, %add3A_19, %reduce_sum3A [0] : vector<512x256xf32> to vector<256xf32>
    %add3A_29 = arith.addf %get3A_27, %reduce_sum3A_28 : vector<256xf32>
    %swap3A_30 = arith.constant 0 : index
    %swap3A_31 = arith.constant 0 : index
    %swap3A_32 = vector.load %arg8[%swap3A_30, %swap3A_31] : memref<2x256xf32, #tpu.memory_space<vmem>>, vector<1x256xf32>
    %swap3A_33 = vector.shape_cast %swap3A_32 : vector<1x256xf32> to vector<256xf32>
    %swap3A_34 = vector.shape_cast %add3A_29 : vector<256xf32> to vector<1x256xf32>
    tpu.vector_store %arg8[%swap3A_30, %swap3A_31], %swap3A_34 {strides = array<i32>} : memref<2x256xf32, #tpu.memory_space<vmem>>, vector<1x256xf32>,
    %get3A_35 = arith.constant 1 : index
    %get3A_36 = arith.constant 0 : index
    %get3A_37 = vector.load %arg8[%get3A_35, %get3A_36] : memref<2x256xf32, #tpu.memory_space<vmem>>, vector<1x256xf32>
    %get3A_38 = vector.shape_cast %get3A_37 : vector<1x256xf32> to vector<256xf32>
    %mul3A_39 = arith.mulf %add3A_19, %add3A_19 : vector<512x256xf32>
    %reduce_sum3A_40 = arith.constant dense<0.000000e+00> : vector<256xf32>
    %reduce_sum3A_41 = vector.multi_reduction <add>, %mul3A_39, %reduce_sum3A_40 [0] : vector<512x256xf32> to vector<256xf32>
    %add3A_42 = arith.addf %get3A_38, %reduce_sum3A_41 : vector<256xf32>
    %swap3A_43 = arith.constant 1 : index
    %swap3A_44 = arith.constant 0 : index
    %swap3A_45 = vector.load %arg8[%swap3A_43, %swap3A_44] : memref<2x256xf32, #tpu.memory_space<vmem>>, vector<1x256xf32>
    %swap3A_46 = vector.shape_cast %swap3A_45 : vector<1x256xf32> to vector<256xf32>
    %swap3A_47 = vector.shape_cast %add3A_42 : vector<256xf32> to vector<1x256xf32>
    tpu.vector_store %arg8[%swap3A_43, %swap3A_44], %swap3A_47 {strides = array<i32>} : memref<2x256xf32, #tpu.memory_space<vmem>>, vector<1x256xf32>,
    %eq3A_48 = arith.constant 15 : i32
    %eq3A_49 = arith.cmpi eq, %arg0, %eq3A_48 : i32
    %convert_element_type3A_50 = arith.extui %eq3A_49 : i1 to i32
    %cond3A_51 = arith.constant 0 : i32
    %cond3A_52 = arith.cmpi ne, %convert_element_type3A_50, %cond3A_51 : i32
    scf.if %cond3A_52 {
      %get3A_53 = arith.constant 0 : index
      %get3A_54 = arith.constant 0 : index
      %get3A_55 = vector.load %arg8[%get3A_53, %get3A_54] : memref<2x256xf32, #tpu.memory_space<vmem>>, vector<2x256xf32>
      %swap3A_56 = arith.constant 0 : index
      %swap3A_57 = arith.constant 0 : index
      %swap3A_58 = vector.load %arg7[%swap3A_56, %swap3A_57] : memref<2x256xf32, #tpu.memory_space<vmem>>, vector<2x256xf32>
      tpu.vector_store %arg7[%swap3A_56, %swap3A_57], %get3A_55 {strides = array<i32>} : memref<2x256xf32, #tpu.memory_space<vmem>>, vector<2x256xf32>,
    } else {
    }
    return
  }
  func.func @transform_0(%arg0: i32) -> (i32, i32) {
    %c0_i32 = arith.constant 0 : i32
    %c0_i32_0 = arith.constant 0 : i32
    return %arg0, %c0_i32 : i32, i32
  }
  func.func @transform_1(%arg0: i32) -> (i32, i32) {
    %c0_i32 = arith.constant 0 : i32
    %c0_i32_0 = arith.constant 0 : i32
    %c0_i32_1 = arith.constant 0 : i32
    return %c0_i32, %c0_i32_0 : i32, i32
  }
  func.func @transform_2(%arg0: i32) -> (i32, i32) {
    %c0_i32 = arith.constant 0 : i32
    %c0_i32_0 = arith.constant 0 : i32
    %c0_i32_1 = arith.constant 0 : i32
    return %c0_i32, %c0_i32_0 : i32, i32
  }
  func.func @transform_3(%arg0: i32) -> (i32, i32) {
    %c0_i32 = arith.constant 0 : i32
    %c0_i32_0 = arith.constant 0 : i32
    %c0_i32_1 = arith.constant 0 : i32
    return %c0_i32, %c0_i32_0 : i32, i32
  }
  func.func @transform_4(%arg0: i32) -> i32 {
    %c0_i32 = arith.constant 0 : i32
    %c0_i32_0 = arith.constant 0 : i32
    return %c0_i32 : i32
  }
  func.func @transform_5(%arg0: i32) -> (i32, i32) {
    %c0_i32 = arith.constant 0 : i32
    %c0_i32_0 = arith.constant 0 : i32
    return %arg0, %c0_i32 : i32, i32
  }
  func.func @transform_6(%arg0: i32) -> (i32, i32) {
    %c0_i32 = arith.constant 0 : i32
    %c0_i32_0 = arith.constant 0 : i32
    %c0_i32_1 = arith.constant 0 : i32
    return %c0_i32, %c0_i32_0 : i32, i32
  }
}

module attributes {stable_mosaic.version = 14 : i64} {
  func.func @_act_mm_body(%arg0: i32, %arg1: memref<512x256xf32, #tpu.memory_space<vmem>>, %arg2: memref<1x256xf32, #tpu.memory_space<vmem>>, %arg3: memref<1x256xf32, #tpu.memory_space<vmem>>, %arg4: memref<256x13xf32, #tpu.memory_space<vmem>>, %arg5: memref<13xf32, #tpu.memory_space<vmem>>, %arg6: memref<512x13xf32, #tpu.memory_space<vmem>>, %arg7: memref<2x13xf32, #tpu.memory_space<vmem>>, %arg8: memref<2x13xf32, #tpu.memory_space<vmem>>) attributes {dimension_semantics = [#tpu.dimension_semantics<arbitrary>], iteration_bounds = array<i64: 16>, scalar_prefetch = 0 : i64, scratch_operands = 1 : i64, tpu.core_type = #tpu.core_type<tc>, window_params = [{transform_indices = @transform_0, window_bounds = array<i64: 512, 256>}, {pipeline_mode = #tpu.pipeline_mode<synchronous>, transform_indices = @transform_1, window_bounds = array<i64: 1, 256>}, {pipeline_mode = #tpu.pipeline_mode<synchronous>, transform_indices = @transform_2, window_bounds = array<i64: 1, 256>}, {pipeline_mode = #tpu.pipeline_mode<synchronous>, transform_indices = @transform_3, window_bounds = array<i64: 256, 13>}, {pipeline_mode = #tpu.pipeline_mode<synchronous>, transform_indices = @transform_4, window_bounds = array<i64: 13>}, {transform_indices = @transform_5, window_bounds = array<i64: 512, 13>}, {pipeline_mode = #tpu.pipeline_mode<synchronous>, transform_indices = @transform_6, window_bounds = array<i64: 2, 13>}]} {
    %get3A = arith.constant 0 : index
    %get3A_0 = arith.constant 0 : index
    %get3A_1 = vector.load %arg1[%get3A, %get3A_0] : memref<512x256xf32, #tpu.memory_space<vmem>>, vector<512x256xf32>
    %get3A_2 = arith.constant 0 : index
    %get3A_3 = arith.constant 0 : index
    %get3A_4 = vector.load %arg2[%get3A_2, %get3A_3] : memref<1x256xf32, #tpu.memory_space<vmem>>, vector<1x256xf32>
    %mul3A = vector.broadcast %get3A_4 : vector<1x256xf32> to vector<512x256xf32>
    %mul3A_5 = arith.mulf %get3A_1, %mul3A : vector<512x256xf32>
    %get3A_6 = arith.constant 0 : index
    %get3A_7 = arith.constant 0 : index
    %get3A_8 = vector.load %arg3[%get3A_6, %get3A_7] : memref<1x256xf32, #tpu.memory_space<vmem>>, vector<1x256xf32>
    %add3A = vector.broadcast %get3A_8 : vector<1x256xf32> to vector<512x256xf32>
    %add3A_9 = arith.addf %mul3A_5, %add3A : vector<512x256xf32>
    %max3A = arith.constant 0.000000e+00 : f32
    %max3A_10 = vector.broadcast %max3A : f32 to vector<512x256xf32>
    %max3A_11 = arith.maximumf %add3A_9, %max3A_10 : vector<512x256xf32>
    %get3A_12 = arith.constant 0 : index
    %get3A_13 = arith.constant 0 : index
    %get3A_14 = vector.load %arg4[%get3A_12, %get3A_13] : memref<256x13xf32, #tpu.memory_space<vmem>>, vector<256x13xf32>
    %dot_general3A = arith.constant dense<0.000000e+00> : vector<512x13xf32>
    %dot_general3A_15 = tpu.matmul %max3A_11, %get3A_14, %dot_general3A {dimension_numbers = #tpu.dot_dimension_numbers<[1], [0], [0], [1], [0, 0, 1, 1], [], []>, transpose_lhs_hint = false} : vector<512x256xf32>, vector<256x13xf32>, vector<512x13xf32> -> vector<512x13xf32>
    %get3A_16 = arith.constant 0 : index
    %get3A_17 = vector.load %arg5[%get3A_16] : memref<13xf32, #tpu.memory_space<vmem>>, vector<13xf32>
    %broadcast_in_dim3A = vector.shape_cast %get3A_17 : vector<13xf32> to vector<1x13xf32>
    %add3A_18 = vector.broadcast %broadcast_in_dim3A : vector<1x13xf32> to vector<512x13xf32>
    %add3A_19 = arith.addf %dot_general3A_15, %add3A_18 : vector<512x13xf32>
    %swap3A = arith.constant 0 : index
    %swap3A_20 = arith.constant 0 : index
    %swap3A_21 = vector.load %arg6[%swap3A, %swap3A_20] : memref<512x13xf32, #tpu.memory_space<vmem>>, vector<512x13xf32>
    tpu.vector_store %arg6[%swap3A, %swap3A_20], %add3A_19 {strides = array<i32>} : memref<512x13xf32, #tpu.memory_space<vmem>>, vector<512x13xf32>,
    %eq3A = arith.constant 0 : i32
    %eq3A_22 = arith.cmpi eq, %arg0, %eq3A : i32
    %convert_element_type3A = arith.extui %eq3A_22 : i1 to i32
    %cond3A = arith.constant 0 : i32
    %cond3A_23 = arith.cmpi ne, %convert_element_type3A, %cond3A : i32
    scf.if %cond3A_23 {
      %broadcast_in_dim3A_53 = arith.constant 0.000000e+00 : f32
      %broadcast_in_dim3A_54 = vector.broadcast %broadcast_in_dim3A_53 : f32 to vector<2x13xf32>
      %swap3A_55 = arith.constant 0 : index
      %swap3A_56 = arith.constant 0 : index
      %swap3A_57 = vector.load %arg8[%swap3A_55, %swap3A_56] : memref<2x13xf32, #tpu.memory_space<vmem>>, vector<2x13xf32>
      tpu.vector_store %arg8[%swap3A_55, %swap3A_56], %broadcast_in_dim3A_54 {strides = array<i32>} : memref<2x13xf32, #tpu.memory_space<vmem>>, vector<2x13xf32>,
    } else {
    }
    %get3A_24 = arith.constant 0 : index
    %get3A_25 = arith.constant 0 : index
    %get3A_26 = vector.load %arg8[%get3A_24, %get3A_25] : memref<2x13xf32, #tpu.memory_space<vmem>>, vector<1x13xf32>
    %get3A_27 = vector.shape_cast %get3A_26 : vector<1x13xf32> to vector<13xf32>
    %reduce_sum3A = arith.constant dense<0.000000e+00> : vector<13xf32>
    %reduce_sum3A_28 = vector.multi_reduction <add>, %add3A_19, %reduce_sum3A [0] : vector<512x13xf32> to vector<13xf32>
    %add3A_29 = arith.addf %get3A_27, %reduce_sum3A_28 : vector<13xf32>
    %swap3A_30 = arith.constant 0 : index
    %swap3A_31 = arith.constant 0 : index
    %swap3A_32 = vector.load %arg8[%swap3A_30, %swap3A_31] : memref<2x13xf32, #tpu.memory_space<vmem>>, vector<1x13xf32>
    %swap3A_33 = vector.shape_cast %swap3A_32 : vector<1x13xf32> to vector<13xf32>
    %swap3A_34 = vector.shape_cast %add3A_29 : vector<13xf32> to vector<1x13xf32>
    tpu.vector_store %arg8[%swap3A_30, %swap3A_31], %swap3A_34 {strides = array<i32>} : memref<2x13xf32, #tpu.memory_space<vmem>>, vector<1x13xf32>,
    %get3A_35 = arith.constant 1 : index
    %get3A_36 = arith.constant 0 : index
    %get3A_37 = vector.load %arg8[%get3A_35, %get3A_36] : memref<2x13xf32, #tpu.memory_space<vmem>>, vector<1x13xf32>
    %get3A_38 = vector.shape_cast %get3A_37 : vector<1x13xf32> to vector<13xf32>
    %mul3A_39 = arith.mulf %add3A_19, %add3A_19 : vector<512x13xf32>
    %reduce_sum3A_40 = arith.constant dense<0.000000e+00> : vector<13xf32>
    %reduce_sum3A_41 = vector.multi_reduction <add>, %mul3A_39, %reduce_sum3A_40 [0] : vector<512x13xf32> to vector<13xf32>
    %add3A_42 = arith.addf %get3A_38, %reduce_sum3A_41 : vector<13xf32>
    %swap3A_43 = arith.constant 1 : index
    %swap3A_44 = arith.constant 0 : index
    %swap3A_45 = vector.load %arg8[%swap3A_43, %swap3A_44] : memref<2x13xf32, #tpu.memory_space<vmem>>, vector<1x13xf32>
    %swap3A_46 = vector.shape_cast %swap3A_45 : vector<1x13xf32> to vector<13xf32>
    %swap3A_47 = vector.shape_cast %add3A_42 : vector<13xf32> to vector<1x13xf32>
    tpu.vector_store %arg8[%swap3A_43, %swap3A_44], %swap3A_47 {strides = array<i32>} : memref<2x13xf32, #tpu.memory_space<vmem>>, vector<1x13xf32>,
    %eq3A_48 = arith.constant 15 : i32
    %eq3A_49 = arith.cmpi eq, %arg0, %eq3A_48 : i32
    %convert_element_type3A_50 = arith.extui %eq3A_49 : i1 to i32
    %cond3A_51 = arith.constant 0 : i32
    %cond3A_52 = arith.cmpi ne, %convert_element_type3A_50, %cond3A_51 : i32
    scf.if %cond3A_52 {
      %get3A_53 = arith.constant 0 : index
      %get3A_54 = arith.constant 0 : index
      %get3A_55 = vector.load %arg8[%get3A_53, %get3A_54] : memref<2x13xf32, #tpu.memory_space<vmem>>, vector<2x13xf32>
      %swap3A_56 = arith.constant 0 : index
      %swap3A_57 = arith.constant 0 : index
      %swap3A_58 = vector.load %arg7[%swap3A_56, %swap3A_57] : memref<2x13xf32, #tpu.memory_space<vmem>>, vector<2x13xf32>
      tpu.vector_store %arg7[%swap3A_56, %swap3A_57], %get3A_55 {strides = array<i32>} : memref<2x13xf32, #tpu.memory_space<vmem>>, vector<2x13xf32>,
    } else {
    }
    return
  }
  func.func @transform_0(%arg0: i32) -> (i32, i32) {
    %c0_i32 = arith.constant 0 : i32
    %c0_i32_0 = arith.constant 0 : i32
    return %arg0, %c0_i32 : i32, i32
  }
  func.func @transform_1(%arg0: i32) -> (i32, i32) {
    %c0_i32 = arith.constant 0 : i32
    %c0_i32_0 = arith.constant 0 : i32
    %c0_i32_1 = arith.constant 0 : i32
    return %c0_i32, %c0_i32_0 : i32, i32
  }
  func.func @transform_2(%arg0: i32) -> (i32, i32) {
    %c0_i32 = arith.constant 0 : i32
    %c0_i32_0 = arith.constant 0 : i32
    %c0_i32_1 = arith.constant 0 : i32
    return %c0_i32, %c0_i32_0 : i32, i32
  }
  func.func @transform_3(%arg0: i32) -> (i32, i32) {
    %c0_i32 = arith.constant 0 : i32
    %c0_i32_0 = arith.constant 0 : i32
    %c0_i32_1 = arith.constant 0 : i32
    return %c0_i32, %c0_i32_0 : i32, i32
  }
  func.func @transform_4(%arg0: i32) -> i32 {
    %c0_i32 = arith.constant 0 : i32
    %c0_i32_0 = arith.constant 0 : i32
    return %c0_i32 : i32
  }
  func.func @transform_5(%arg0: i32) -> (i32, i32) {
    %c0_i32 = arith.constant 0 : i32
    %c0_i32_0 = arith.constant 0 : i32
    return %arg0, %c0_i32 : i32, i32
  }
  func.func @transform_6(%arg0: i32) -> (i32, i32) {
    %c0_i32 = arith.constant 0 : i32
    %c0_i32_0 = arith.constant 0 : i32
    %c0_i32_1 = arith.constant 0 : i32
    return %c0_i32, %c0_i32_0 : i32, i32
  }
}

</mosaic_0001>

<sc_bundles>
// kernel: kernel.21.cloned.1.call-start
scs
__scs_entry_jumppad:
0x0: {  	(pc) =	sbr.rel $0x88, $3  }
0x1: {  	(tag) =	ssettag $0x0;
	lr =	simm.s32 $0x1  }
0x2: {  	[smem:$0x3F89] =	sst lr;
	_ =	strace $0xD0000000  }
0x3: {  	_ = 	snop  }
0x4: {  	_ = 	snop  }
0x5: {  	_ = 	snop  }
0x6: {  	_ = 	snop  }
0x7: {  	_ = 	snop  }
__scs_overlays_trampoline_lowered:
0x8: {  	[smem:$0x3F98] =	sst s0  }
0x9: {  	[smem:$0x3F99] =	sst s1  }
0xa: {  	[smem:$0x3F9A] =	sst s2  }
0xb: {  	[smem:$0x3F9B] =	sst s3  }
0xc: {  	[smem:$0x3F9C] =	sst s4  }
0xd: {  	[smem:$0x3F9D] =	sst s5  }
0xe: {  	[smem:$0x3F9E] =	sst s6  }
0xf: {  	[smem:$0x3F9F] =	sst s7  }
0x10: {  	[smem:$0x3FA0] =	sst s8  }
0x11: {  	[smem:$0x3FA1] =	sst s9;
	s0 =	simm.s32 @!p0 $0x0  }
0x12: {  	s1 =	sld [smem:$0x3F87];
	s0 =	simm.s32 @p0 $0x1  }
0x13: {  	[smem:$0x3FA2] =	sst s0;
	s0 =	simm.s32 @!p1 $0x0  }
0x14: {  	s2 =	sld [smem:$0x3F86];
	s0 =	simm.s32 @p1 $0x1  }
0x15: {  	[smem:$0x3FA3] =	sst s0;
	s0 =	simm.s32 @!p2 $0x0  }
0x16: {  	s3 =	sld [smem:$0x3FDB];
	s0 =	simm.s32 @p2 $0x1  }
0x17: {  	s4 =	simm.s32 $0x1BF5;
	[smem:$0x3FA5] =	sst s0  }
0x18: {  	s0 =	sld [smem:$0x3F88];
	_ =	swait.ge [sflag:s4], $0x0  }
0x19: {  	s7 =	sld [smem:$0x3F89]  }
0x1a: {  	s8 =	sadd.s32 $0xFFFFE003, lr  }
0x1b: {  	s9 =	sadd.s32 $0xFFFFFEF7, lr;
	s5 =	simm.s32 $0xFFFFFFFF;
	p2 =	slt.u32 s8, $0xFFFFF086  }
0x1c: {  	p1 =	slt.u32 s9, $0xF7A;
	s5 =	simm.s32 @!p2 $0x0  }
0x1d: {  	s5 =	simm.s32 @p1 $0x1;
	p0 =	seq.s32 s7, s2  }
0x1e: {  	s7 =	smul.u32 @!p0 $0xF7A, s2;
	p2 =	seq.s32 @!p0 s5, $0x0  }
0x1f: {  	s9 =	smul.u32 $0xF7A, s1;
	s8 =	simm.s32 @!p0 $0x1BF5;
	p2 =	por !p2, p0  }
0x20: {  	[sflag:s8] =	ssyncset.s32 @!p0 $0xFFFFF086;
	s6 =	sadd.s32 @!p0 s3, s7;
	s7 =	simm.s32 @!p0 $0x108  }
0x21: {  	s3 =	sadd.s32 s3, s9;
	s6 =	sadd.s32 @!p0 $0x88, s6;
	s7 =	simm.s32 @p2 $0x1082  }
0x22: {  	[simem:s7], [sflag:s8] =	dma.local @!p0 [hbm:s6], $0xF7A  }
0x23: {  	s9 =	sor.u32 $0xD0000000, s2;
	s6 =	simm.s32 $0x108;
	_ =	swait.ge @!p0 [sflag:s8], $0x0  }
0x24: {  	s3 =	sadd.s32 $0x88, s3;
	s6 =	simm.s32 @!p1 $0x1082;
	[sflag:s4] =	ssyncset.s32 $0xFFFFF086  }
0x25: {  	[simem:s6], [sflag:s4] =	dma.local [hbm:s3], $0xF7A  }
0x26: {  	[smem:$0x3F89] =	sst s1;
	(tag) =	ssettag s2;
	_ =	strace s9  }
0x27: {  	s1 =	sld [smem:$0x3F99]  }
0x28: {  	s2 =	sld [smem:$0x3F9A]  }
0x29: {  	s4 =	sld [smem:$0x3F9C]  }
0x2a: {  	p0 =	seq.s32 s5, $0x0;
	s5 =	sld [smem:$0x3F9D]  }
0x2b: {  	s6 =	sld [smem:$0x3F9E]  }
0x2c: {  	s7 =	sld [smem:$0x3F9F]  }
0x2d: {  	s3 =	simm.s32 $0x108;
	s8 =	sld [smem:$0x3FA0]  }
0x2e: {  	s3 =	simm.s32 @!p0 $0x1082;
	s9 =	sld [smem:$0x3FA1]  }
0x2f: {  	lr =	sadd.s32 s0, s3;
	s0 =	sld [smem:$0x3F98]  }
0x30: {  	s3 =	sld [smem:$0x3F9B]  }
0x31: {  	[smem:$0x3FA4] =	sst s10  }
0x32: {  	s10 =	sld [smem:$0x3FA2];
	_ =	sdelay $0x3  }
0x33: {  	p0 =	seq.s32 s10, $0x1;
	s10 =	sld [smem:$0x3FA4];
	_ =	sdelay $0x3  }
0x34: {  	[smem:$0x3FA4] =	sst s10  }
0x35: {  	s10 =	sld [smem:$0x3FA3];
	_ =	sdelay $0x3  }
0x36: {  	p1 =	seq.s32 s10, $0x1;
	s10 =	sld [smem:$0x3FA4];
	_ =	sdelay $0x3  }
0x37: {  	[smem:$0x3FA4] =	sst s10  }
0x38: {  	s10 =	sld [smem:$0x3FA5]  }
0x39: {  	_ = 	snop;
	(pc) =	sbr.ind lr, $3  }
0x3a: {  	_ = 	snop  }
0x3b: {  	_ = 	snop  }
0x3c: {  	p2 =	seq.s32 s10, $0x1;
	s10 =	sld [smem:$0x3FA4]  }
0x3d: {  	_ =	shalt  }
0x3e: {  	_ =	shalt  }
0x3f: {  	_ =	shalt  }
0x40: {  	_ =	shalt  }
0x41: {  	_ =	shalt  }
0x42: {  	_ =	shalt  }
0x43: {  	_ =	shalt  }
0x44: {  	_ =	shalt  }
0x45: {  	_ =	shalt  }
0x46: {  	_ =	shalt  }
0x47: {  	_ =	shalt  }
0x48: {  	_ =	shalt  }
0x49: {  	_ =	shalt  }
0x4a: {  	_ =	shalt  }
0x4b: {  	_ =	shalt  }
0x4c: {  	_ =	shalt  }
0x4d: {  	_ =	shalt  }
0x4e: {  	_ =	shalt  }
0x4f: {  	_ =	shalt  }
0x50: {  	_ =	shalt  }
0x51: {  	_ =	shalt  }
0x52: {  	_ =	shalt  }
0x53: {  	_ =	shalt  }
0x54: {  	_ =	shalt  }
0x55: {  	_ =	shalt  }
0x56: {  	_ =	shalt  }
0x57: {  	_ =	shalt  }
0x58: {  	_ =	shalt  }
0x59: {  	_ =	shalt  }
0x5a: {  	_ =	shalt  }
0x5b: {  	_ =	shalt  }
0x5c: {  	_ =	shalt  }
0x5d: {  	_ =	shalt  }
0x5e: {  	_ =	shalt  }
0x5f: {  	_ =	shalt  }
0x60: {  	_ =	shalt  }
0x61: {  	_ =	shalt  }
0x62: {  	_ =	shalt  }
0x63: {  	_ =	shalt  }
0x64: {  	_ =	shalt  }
0x65: {  	_ =	shalt  }
0x66: {  	_ =	shalt  }
0x67: {  	_ =	shalt  }
0x68: {  	_ =	shalt  }
0x69: {  	_ =	shalt  }
0x6a: {  	_ =	shalt  }
0x6b: {  	_ =	shalt  }
0x6c: {  	_ =	shalt  }
0x6d: {  	_ =	shalt  }
0x6e: {  	_ =	shalt  }
0x6f: {  	_ =	shalt  }
0x70: {  	_ =	shalt  }
0x71: {  	_ =	shalt  }
0x72: {  	_ =	shalt  }
0x73: {  	_ =	shalt  }
0x74: {  	_ =	shalt  }
0x75: {  	_ =	shalt  }
0x76: {  	_ =	shalt  }
0x77: {  	_ =	shalt  }
0x78: {  	_ =	shalt  }
0x79: {  	_ =	shalt  }
0x7a: {  	_ =	shalt  }
0x7b: {  	_ =	shalt  }
0x7c: {  	_ =	shalt  }
0x7d: {  	_ =	shalt  }
0x7e: {  	_ =	shalt  }
0x7f: {  	_ =	shalt  }
0x80: {  	_ =	shalt  }
0x81: {  	_ =	shalt  }
0x82: {  	_ =	shalt  }
0x83: {  	_ =	shalt  }
0x84: {  	_ =	shalt  }
0x85: {  	_ =	shalt  }
0x86: {  	_ =	shalt  }
0x87: {  	_ =	shalt  }
.Lfunc_end0:
.L_simem_size_0:
called_computation.7_lowered:
.L_overlay_start_0:
0x88: {  	s2 =	sld [smem:$0x3FD9]  }
0x89: {  	s3 =	sld [smem:$0x3FFE];
	_ =	sdelay $0x1  }
0x8a: {  	s1 =	srdreg.scid  }
0x8b: {  	s0 =	sand.u32 $0x1, s1  }
0x8c: {  	s17 =	sshll.u32 s0, $0xA;
	s2 =	sadd.s32 s3, s2  }
0x8d: {  	s2 =	sadd.s32 s2, s17  }
0x8e: {  	[smem:$0x3FB0] =	sst s2  }
0x8f: {  	_ = 	snop  }
0x90: {  	s2 =	sld [smem:$0x3FD0];
	(tm) =	ssettm $0x1  }
0x91: {  	s18 =	sld [smem:$0x3FFB];
	_ =	sdelay $0x3  }
0x92: {  	_ =	strace s18  }
0x93: {  	s3 =	sld [smem:$0x3FFC];
	_ =	sdelay $0x3  }
0x94: {  	_ =	strace s3  }
0x95: {  	s3 =	sld [smem:$0x3FFD];
	_ =	sdelay $0x3  }
0x96: {  	_ =	strace s3  }
0x97: {  	_ =	strace $0x8FFFFFFF  }
0x98: {  	s19 =	sld [smem:$0x3FDB];
	_ =	sdelay $0x1  }
0x99: {  	s4 =	simm.s32 $_scs_section_size  }
0x9a: {  	s5 =	simm.s32 $_size__tile_overlayer_lowered;
	s6 =	simm.s32 $_tile_overlayer_lowered  }
0x9b: {  	s22 =	simm.s32 $0x1BFF;
	s21 =	sshll.u32 s6, $0x1;
	s3 =	sadd.s32 s4, s19  }
0x9c: {  	s7 =	simm.s32 $0x0;
	s20 =	sshll.u32 s5, $0x1;
	s5 =	sadd.s32 s21, s3  }
0x9d: {  	[timem:s7], [sflag:s22] =	dma.local [hbm:s5], s20  }
0x9e: {  	_ =	swait.ge [sflag:s22], s20  }
0x9f: {  	s4 =	ssub.s32 $0x0, s20;
	[sflag:s22] =	ssyncset.done $0x0  }
0xa0: {  	[sflag:s22] =	ssyncadd.s32 s4;
	_ =	sdelay $0x1  }
0xa1: {  	s23 =	simm.s32 $0x1B8B  }
0xa2: {  	_ =	swait.ge [sflag:s23], $0x1  }
0xa3: {  	[sflag:s23] =	ssyncset.done $0x0  }
0xa4: {  	s25 =	simm.s32 $0x1B8E;
	s24 =	sld [smem:$0x3FFE];
	[sflag:s23] =	ssyncadd.s32 $0xFFFFFFFF  }
0xa5: {  	s26 =	simm.s32 $execute0_lowered;
	[smem:$0x3FD2] =	sst s25  }
0xa6: {  	s5 =	sshll.u32 s26, $0x1;
	_ =	strace $0x80000046;
	[dreg:$0x1] =	wrdreg $0xFFFFFFFF  }
0xa7: {  	s28 =	simm.s32 $_size_execute0_lowered;
	s3 =	sadd.s32 s3, s5;
	[dreg:$0x0] =	wrdreg $0x0  }
0xa8: {  	s5 =	sshll.u32 s28, $0x1;
	[dreg:$0x2] =	wrdreg s3  }
0xa9: {  	[dreg:$0x3] =	wrdreg s5  }
0xaa: {  	[dreg:$0x4] =	wrdreg $0xC0  }
0xab: {  	_ =	task [dreg:s7], $0x5FFFF  }
0xac: {  	[dreg:$0x1] =	wrdreg $0xFFFFFFFF  }
0xad: {  	[dreg:$0x0] =	wrdreg $0x60  }
0xae: {  	[dreg:$0x2] =	wrdreg s24  }
0xaf: {  	[dreg:$0x3] =	wrdreg s2  }
0xb0: {  	[dreg:$0x4] =	wrdreg $0x9  }
0xb1: {  	_ =	task.clear_ibuf [dreg:s7], $0x5FFFF;
	_ =	strace $0x90000046  }
0xb2: {  	s29 =	simm.s32 $0x9;
	_ =	strace $0x80000048  }
0xb3: {  	_ =	swait.ge [sflag:s29], $0x1  }
0xb4: {  	[sflag:s29] =	ssyncadd.s32 $0xFFFFFFFF  }
0xb5: {  	_ =	strace $0x90000048  }
0xb6: {  	_ =	sfence  }
0xb7: {  	s30 =	sld [smem:$0x0];
	_ =	sdelay $0x2  }
0xb8: {  	s31 =	sshll.u32 s1, $0xD;
	s1 =	sshrl.u32 s1, $0x2  }
0xb9: {  	s3 =	sand.u32 $0x4000, s31;
	s1 =	sadd.s32 s1, s30  }
0xba: {  	s0 =	sor.u32 s3, s0;
	s1 =	sshll.u32 s1, $0x11  }
0xbb: {  	s0 =	sor.u32 s1, s0  }
0xbc: {  	s0 =	sadd.s32 $0x8F2B, s0  }
0xbd: {  	[sflag:s0] =	ssyncadd.remote.s32 $0x1  }
0xbe: {  	_ =	sfence.sel $0xFFFF  }
0xbf: {  	[dreg:$0x0] =	wrdreg $0xFFFFFFFF;
	(pc) =	sbr.abs _section_cstart, $3  }
0xc0: {  	[dreg:$0x1] =	wrdreg $0xFFFFFFFF  }
0xc1: {  	_ =	task.clear_ibuf [dreg:s7], $0x2FFFF;
	_ =	strace $0x9FFFFFFF  }
0xc2: {  	(tm) =	ssettm $0x7FFFFFFF  }
0xc3: {  	_ =	shalt  }
tec
execute0_lowered:
.L_overlay_start_1:
0x0: {  	(tag) =	ssettag $0x1  }
0x1: {  	s4 =	rddreg [dreg:$0x0]  }
0x2: {  	s6 =	rddreg [dreg:$0x1]  }
0x3: {  	s0 =	rddreg [dreg:$0x2];
	s2 =	simm.s32 $0x0;
	s1 =	stileid.u32  }
0x4: {  	s3 =	srdreg.scid;
	[smem:$0x7FF] =	sst s2  }
0x5: {  	s5 =	sshll.u32 s1, $0x11;
	s7 =	sand.u32 $0x1, s3;
	s3 =	sadd.s32 $0x5000, s4  }
0x6: {  	s9 =	sshll.u32 s1, $0xD;
	_ =	strace $0x80000047;
	s5 =	sadd.s32 s5, s4  }
0x7: {  	s29 =	ssub.s32 $0x2, s7;
	s10 =	sshll.u32 s7, $0xC;
	s7 =	sshll.u32 s7, $0x10  }
0x8: {  	s8 =	sshrl.u32 s29, $0x1;
	s30 =	sor.u32 s10, s9;
	s5 =	sadd.s32 s7, s5  }
0x9: {  	s7 =	simm.s32 $0x2;
	s9 =	simm.s32 $0x1;
	s10 =	simm.s32 $0x0  }
0xa: {  	s4 =	ssub.s32 s29, s8;
	s31 =	sshrl.u32 s30, $0x3;
	s5 =	sadd.s32 $0x25000, s5  }
0xb: {  	s8 =	simm.s32 $0x200;
	s4 =	smax.u32 s4, $0x1;
	s6 =	sadd.s32 s31, s6  }
.LBB2_1:
0xc: {  	s11 =	sadd.s32 $0x0, s6  }
0xd: {  	[tilespmem:s2], [sflag:$0x2] =	stream.linear.gather [hbm4b:s11+s2], $0x200, $0x38;
	[tilespmem:$0x10200] =	vst v63  }
0xe: {  	_ =	swait.ge [sflag:s7], $0x200  }
0xf: {  	[sflag:s7] =	ssyncset.done $0x0  }
0x10: {  	[sflag:s7] =	ssyncadd.s32 $0xFFFFFE00  }
0x11: {  	[tilespmem:s8], [sflag:$0x1] =	stream.indirect.gather [hbm4b:s3+s8], $0x80, s2, s8, $0xb8;
	[tilespmem:$0x10200] =	vst v63  }
0x12: {  	_ =	swait.ge [sflag:s9], $0x10000  }
0x13: {  	[sflag:s9] =	ssyncset.done $0x0  }
0x14: {  	[sflag:s9] =	ssyncadd.s32 $0xFFFF0000  }
0x15: {  	[hbm4b:s5+s2] =	stream.linear.scatter [tilespmem:s8], [sflag:$0x2], $0x10000, $0x38;
	[tilespmem:$0x10200] =	vst v63  }
0x16: {  	s12 =	simm.s32 $0x40;
	_ =	swait.ge [sflag:s7], $0x10000  }
0x17: {  	s13 =	simm.s32 $0x80;
	s11 =	sadd.s32 $0x2000, s5;
	[sflag:s7] =	ssyncset.done $0x0  }
.LBB2_2:
0x18: {  	s14 =	sadd.s32 s12, s6  }
0x19: {  	[sflag:s7] =	ssyncadd.s32 $0xFFFF0000;
	s12 =	smov.u32 s13;
	s15 =	sadd.s32 $0x40, s13  }
0x1a: {  	[tilespmem:s2], [sflag:$0x2] =	stream.linear.gather [hbm4b:s14+s2], $0x200, $0x38;
	[tilespmem:$0x10200] =	vst v63  }
0x1b: {  	p0 =	sne.s32 s13, $0x1C0;
	_ =	swait.ge [sflag:s7], $0x200  }
0x1c: {  	[sflag:s7] =	ssyncset.done $0x0  }
0x1d: {  	[sflag:s7] =	ssyncadd.s32 $0xFFFFFE00  }
0x1e: {  	[tilespmem:s8], [sflag:$0x1] =	stream.indirect.gather [hbm4b:s3+s8], $0x80, s2, s8, $0xb8;
	[tilespmem:$0x10200] =	vst v63  }
0x1f: {  	_ =	swait.ge [sflag:s9], $0x10000  }
.Ltmp0:
0x20: {  	[sflag:s9] =	ssyncset.done $0x0;
	(pc) =	sbr.rel @p0 .LBB2_2-.Ltmp0, $4  }
0x21: {  	[sflag:s9] =	ssyncadd.s32 $0xFFFF0000  }
0x22: {  	[hbm4b:s11+s2] =	stream.linear.scatter [tilespmem:s8], [sflag:$0x2], $0x10000, $0x38;
	[tilespmem:$0x10200] =	vst v63  }
0x23: {  	_ =	swait.ge [sflag:s7], $0x10000  }
0x24: {  	s13 =	smov.u32 s15;
	s11 =	sadd.s32 $0x2000, s11;
	[sflag:s7] =	ssyncset.done $0x0  }
0x25: {  	s12 =	sadd.s32 s12, s6;
	[sflag:s7] =	ssyncadd.s32 $0xFFFF0000  }
0x26: {  	[tilespmem:s2], [sflag:$0x2] =	stream.linear.gather [hbm4b:s12+s2], $0x200, $0x38;
	[tilespmem:$0x10200] =	vst v63  }
0x27: {  	_ =	swait.ge [sflag:s7], $0x200  }
0x28: {  	[sflag:s7] =	ssyncset.done $0x0  }
0x29: {  	[sflag:s7] =	ssyncadd.s32 $0xFFFFFE00  }
0x2a: {  	[tilespmem:s8], [sflag:$0x1] =	stream.indirect.gather [hbm4b:s3+s8], $0x80, s2, s8, $0xb8;
	[tilespmem:$0x10200] =	vst v63  }
0x2b: {  	s10 =	sadd.s32 $0x1, s10;
	_ =	swait.ge [sflag:s9], $0x10000  }
0x2c: {  	p0 =	sne.s32 s10, s4;
	[sflag:s9] =	ssyncset.done $0x0  }
.Ltmp1:
0x2d: {  	[sflag:s9] =	ssyncadd.s32 $0xFFFF0000;
	(pc) =	sbr.rel @p0 .LBB2_1-.Ltmp1, $4  }
0x2e: {  	[hbm4b:s11+s2] =	stream.linear.scatter [tilespmem:s8], [sflag:$0x2], $0x10000, $0x38;
	[tilespmem:$0x10200] =	vst v63  }
0x2f: {  	_ =	swait.ge [sflag:s7], $0x10000  }
0x30: {  	[sflag:s7] =	ssyncset.done $0x0  }
0x31: {  	[sflag:s7] =	ssyncadd.s32 $0xFFFF0000  }
0x32: {  	_ =	sfence.sel $0x180000  }
0x33: {  	[bflag:$0x0] =	sbarrier.arrive $0xFFFF  }
0x34: {  	p0 =	sne.s32 s1, $0x0;
	_ =	strace $0x90000047  }
0x35: {  	s0 =	sadd.s32 @!p0 $0x100000, s0;
	[bflag:$0x2] =	sbarrier.arrive $0xFFFF  }
0x36: {  	[sflag:s0] =	ssyncadd.tile.s32 @!p0 $0x1;
	_ =	shalt  }
.Lfunc_end2:
_tile_overlayer_lowered:
.L_overlay_start_2:
0x37: {  	(tag) =	ssettag $0x2  }
0x38: {  	s0 =	rddreg [dreg:$0x0];
	s2 =	stileid.u32  }
0x39: {  	s1 =	rddreg [dreg:$0x1];
	p0 =	sne.s32 s2, $0x0  }
0x3a: {  	s3 =	rddreg [dreg:$0x2];
	[bflag:$0x3] =	sbarrier.arrive $0xFFFF;
	s2 =	simm.s32 @!p0 $0x1C02  }
0x3b: {  	[timem:s3], [sflag:s2] =	dma.local @!p0 [hbm:s0], s1  }
0x3c: {  	s0 =	simm.s32 @!p0 $0x2  }
0x3d: {  	_ =	swait.ge @!p0 [sflag:s0], s1  }
0x3e: {  	s1 =	ssub.s32 @!p0 $0x0, s1;
	[sflag:s0] =	ssyncset.done @!p0 $0x0  }
0x3f: {  	[sflag:s0] =	ssyncadd.s32 @!p0 s1  }
0x40: {  	[bflag:$0x3] =	sbarrier.arrive $0xFFFF  }
0x41: {  	_ =	shalt  }

// kernel: kernel.24.cloned.1.call-start
scs
__scs_entry_jumppad:
0x0: {  	(pc) =	sbr.rel $0x88, $3  }
0x1: {  	(tag) =	ssettag $0x0;
	lr =	simm.s32 $0x1  }
0x2: {  	[smem:$0x3F89] =	sst lr;
	_ =	strace $0xD0000000  }
0x3: {  	_ = 	snop  }
0x4: {  	_ = 	snop  }
0x5: {  	_ = 	snop  }
0x6: {  	_ = 	snop  }
0x7: {  	_ = 	snop  }
__scs_overlays_trampoline_lowered:
0x8: {  	[smem:$0x3F98] =	sst s0  }
0x9: {  	[smem:$0x3F99] =	sst s1  }
0xa: {  	[smem:$0x3F9A] =	sst s2  }
0xb: {  	[smem:$0x3F9B] =	sst s3  }
0xc: {  	[smem:$0x3F9C] =	sst s4  }
0xd: {  	[smem:$0x3F9D] =	sst s5  }
0xe: {  	[smem:$0x3F9E] =	sst s6  }
0xf: {  	[smem:$0x3F9F] =	sst s7  }
0x10: {  	[smem:$0x3FA0] =	sst s8  }
0x11: {  	[smem:$0x3FA1] =	sst s9;
	s0 =	simm.s32 @!p0 $0x0  }
0x12: {  	s1 =	sld [smem:$0x3F87];
	s0 =	simm.s32 @p0 $0x1  }
0x13: {  	[smem:$0x3FA2] =	sst s0;
	s0 =	simm.s32 @!p1 $0x0  }
0x14: {  	s2 =	sld [smem:$0x3F86];
	s0 =	simm.s32 @p1 $0x1  }
0x15: {  	[smem:$0x3FA3] =	sst s0;
	s0 =	simm.s32 @!p2 $0x0  }
0x16: {  	s3 =	sld [smem:$0x3FDB];
	s0 =	simm.s32 @p2 $0x1  }
0x17: {  	s4 =	simm.s32 $0x1BF5;
	[smem:$0x3FA5] =	sst s0  }
0x18: {  	s0 =	sld [smem:$0x3F88];
	_ =	swait.ge [sflag:s4], $0x0  }
0x19: {  	s7 =	sld [smem:$0x3F89]  }
0x1a: {  	s8 =	sadd.s32 $0xFFFFE003, lr  }
0x1b: {  	s9 =	sadd.s32 $0xFFFFFEF7, lr;
	s5 =	simm.s32 $0xFFFFFFFF;
	p2 =	slt.u32 s8, $0xFFFFF086  }
0x1c: {  	p1 =	slt.u32 s9, $0xF7A;
	s5 =	simm.s32 @!p2 $0x0  }
0x1d: {  	s5 =	simm.s32 @p1 $0x1;
	p0 =	seq.s32 s7, s2  }
0x1e: {  	s7 =	smul.u32 @!p0 $0xF7A, s2;
	p2 =	seq.s32 @!p0 s5, $0x0  }
0x1f: {  	s9 =	smul.u32 $0xF7A, s1;
	s8 =	simm.s32 @!p0 $0x1BF5;
	p2 =	por !p2, p0  }
0x20: {  	[sflag:s8] =	ssyncset.s32 @!p0 $0xFFFFF086;
	s6 =	sadd.s32 @!p0 s3, s7;
	s7 =	simm.s32 @!p0 $0x108  }
0x21: {  	s3 =	sadd.s32 s3, s9;
	s6 =	sadd.s32 @!p0 $0x88, s6;
	s7 =	simm.s32 @p2 $0x1082  }
0x22: {  	[simem:s7], [sflag:s8] =	dma.local @!p0 [hbm:s6], $0xF7A  }
0x23: {  	s9 =	sor.u32 $0xD0000000, s2;
	s6 =	simm.s32 $0x108;
	_ =	swait.ge @!p0 [sflag:s8], $0x0  }
0x24: {  	s3 =	sadd.s32 $0x88, s3;
	s6 =	simm.s32 @!p1 $0x1082;
	[sflag:s4] =	ssyncset.s32 $0xFFFFF086  }
0x25: {  	[simem:s6], [sflag:s4] =	dma.local [hbm:s3], $0xF7A  }
0x26: {  	[smem:$0x3F89] =	sst s1;
	(tag) =	ssettag s2;
	_ =	strace s9  }
0x27: {  	s1 =	sld [smem:$0x3F99]  }
0x28: {  	s2 =	sld [smem:$0x3F9A]  }
0x29: {  	s4 =	sld [smem:$0x3F9C]  }
0x2a: {  	p0 =	seq.s32 s5, $0x0;
	s5 =	sld [smem:$0x3F9D]  }
0x2b: {  	s6 =	sld [smem:$0x3F9E]  }
0x2c: {  	s7 =	sld [smem:$0x3F9F]  }
0x2d: {  	s3 =	simm.s32 $0x108;
	s8 =	sld [smem:$0x3FA0]  }
0x2e: {  	s3 =	simm.s32 @!p0 $0x1082;
	s9 =	sld [smem:$0x3FA1]  }
0x2f: {  	lr =	sadd.s32 s0, s3;
	s0 =	sld [smem:$0x3F98]  }
0x30: {  	s3 =	sld [smem:$0x3F9B]  }
0x31: {  	[smem:$0x3FA4] =	sst s10  }
0x32: {  	s10 =	sld [smem:$0x3FA2];
	_ =	sdelay $0x3  }
0x33: {  	p0 =	seq.s32 s10, $0x1;
	s10 =	sld [smem:$0x3FA4];
	_ =	sdelay $0x3  }
0x34: {  	[smem:$0x3FA4] =	sst s10  }
0x35: {  	s10 =	sld [smem:$0x3FA3];
	_ =	sdelay $0x3  }
0x36: {  	p1 =	seq.s32 s10, $0x1;
	s10 =	sld [smem:$0x3FA4];
	_ =	sdelay $0x3  }
0x37: {  	[smem:$0x3FA4] =	sst s10  }
0x38: {  	s10 =	sld [smem:$0x3FA5]  }
0x39: {  	_ = 	snop;
	(pc) =	sbr.ind lr, $3  }
0x3a: {  	_ = 	snop  }
0x3b: {  	_ = 	snop  }
0x3c: {  	p2 =	seq.s32 s10, $0x1;
	s10 =	sld [smem:$0x3FA4]  }
0x3d: {  	_ =	shalt  }
0x3e: {  	_ =	shalt  }
0x3f: {  	_ =	shalt  }
0x40: {  	_ =	shalt  }
0x41: {  	_ =	shalt  }
0x42: {  	_ =	shalt  }
0x43: {  	_ =	shalt  }
0x44: {  	_ =	shalt  }
0x45: {  	_ =	shalt  }
0x46: {  	_ =	shalt  }
0x47: {  	_ =	shalt  }
0x48: {  	_ =	shalt  }
0x49: {  	_ =	shalt  }
0x4a: {  	_ =	shalt  }
0x4b: {  	_ =	shalt  }
0x4c: {  	_ =	shalt  }
0x4d: {  	_ =	shalt  }
0x4e: {  	_ =	shalt  }
0x4f: {  	_ =	shalt  }
0x50: {  	_ =	shalt  }
0x51: {  	_ =	shalt  }
0x52: {  	_ =	shalt  }
0x53: {  	_ =	shalt  }
0x54: {  	_ =	shalt  }
0x55: {  	_ =	shalt  }
0x56: {  	_ =	shalt  }
0x57: {  	_ =	shalt  }
0x58: {  	_ =	shalt  }
0x59: {  	_ =	shalt  }
0x5a: {  	_ =	shalt  }
0x5b: {  	_ =	shalt  }
0x5c: {  	_ =	shalt  }
0x5d: {  	_ =	shalt  }
0x5e: {  	_ =	shalt  }
0x5f: {  	_ =	shalt  }
0x60: {  	_ =	shalt  }
0x61: {  	_ =	shalt  }
0x62: {  	_ =	shalt  }
0x63: {  	_ =	shalt  }
0x64: {  	_ =	shalt  }
0x65: {  	_ =	shalt  }
0x66: {  	_ =	shalt  }
0x67: {  	_ =	shalt  }
0x68: {  	_ =	shalt  }
0x69: {  	_ =	shalt  }
0x6a: {  	_ =	shalt  }
0x6b: {  	_ =	shalt  }
0x6c: {  	_ =	shalt  }
0x6d: {  	_ =	shalt  }
0x6e: {  	_ =	shalt  }
0x6f: {  	_ =	shalt  }
0x70: {  	_ =	shalt  }
0x71: {  	_ =	shalt  }
0x72: {  	_ =	shalt  }
0x73: {  	_ =	shalt  }
0x74: {  	_ =	shalt  }
0x75: {  	_ =	shalt  }
0x76: {  	_ =	shalt  }
0x77: {  	_ =	shalt  }
0x78: {  	_ =	shalt  }
0x79: {  	_ =	shalt  }
0x7a: {  	_ =	shalt  }
0x7b: {  	_ =	shalt  }
0x7c: {  	_ =	shalt  }
0x7d: {  	_ =	shalt  }
0x7e: {  	_ =	shalt  }
0x7f: {  	_ =	shalt  }
0x80: {  	_ =	shalt  }
0x81: {  	_ =	shalt  }
0x82: {  	_ =	shalt  }
0x83: {  	_ =	shalt  }
0x84: {  	_ =	shalt  }
0x85: {  	_ =	shalt  }
0x86: {  	_ =	shalt  }
0x87: {  	_ =	shalt  }
.Lfunc_end0:
.L_simem_size_0:
called_computation.8_lowered:
.L_overlay_start_0:
0x88: {  	s2 =	sld [smem:$0x3FD9]  }
0x89: {  	s3 =	sld [smem:$0x3FFE];
	_ =	sdelay $0x1  }
0x8a: {  	s1 =	srdreg.scid  }
0x8b: {  	s0 =	sand.u32 $0x1, s1  }
0x8c: {  	s17 =	sshll.u32 s0, $0xA;
	s2 =	sadd.s32 s3, s2  }
0x8d: {  	s2 =	sadd.s32 s2, s17  }
0x8e: {  	[smem:$0x3FB0] =	sst s2  }
0x8f: {  	_ = 	snop  }
0x90: {  	s2 =	sld [smem:$0x3FD0];
	(tm) =	ssettm $0x1  }
0x91: {  	s18 =	sld [smem:$0x3FFB];
	_ =	sdelay $0x3  }
0x92: {  	_ =	strace s18  }
0x93: {  	s3 =	sld [smem:$0x3FFC];
	_ =	sdelay $0x3  }
0x94: {  	_ =	strace s3  }
0x95: {  	s3 =	sld [smem:$0x3FFD];
	_ =	sdelay $0x3  }
0x96: {  	_ =	strace s3  }
0x97: {  	_ =	strace $0x8FFFFFFF  }
0x98: {  	s19 =	sld [smem:$0x3FDB];
	_ =	sdelay $0x1  }
0x99: {  	s4 =	simm.s32 $_scs_section_size  }
0x9a: {  	s5 =	simm.s32 $_size__tile_overlayer_lowered;
	s6 =	simm.s32 $_tile_overlayer_lowered  }
0x9b: {  	s22 =	simm.s32 $0x1BFF;
	s21 =	sshll.u32 s6, $0x1;
	s3 =	sadd.s32 s4, s19  }
0x9c: {  	s7 =	simm.s32 $0x0;
	s20 =	sshll.u32 s5, $0x1;
	s5 =	sadd.s32 s21, s3  }
0x9d: {  	[timem:s7], [sflag:s22] =	dma.local [hbm:s5], s20  }
0x9e: {  	_ =	swait.ge [sflag:s22], s20  }
0x9f: {  	s4 =	ssub.s32 $0x0, s20;
	[sflag:s22] =	ssyncset.done $0x0  }
0xa0: {  	[sflag:s22] =	ssyncadd.s32 s4;
	_ =	sdelay $0x1  }
0xa1: {  	s23 =	simm.s32 $0x1B8B  }
0xa2: {  	_ =	swait.ge [sflag:s23], $0x1  }
0xa3: {  	[sflag:s23] =	ssyncset.done $0x0  }
0xa4: {  	s25 =	simm.s32 $0x1B8E;
	s24 =	sld [smem:$0x3FFE];
	[sflag:s23] =	ssyncadd.s32 $0xFFFFFFFF  }
0xa5: {  	s26 =	simm.s32 $execute0_lowered;
	[smem:$0x3FD2] =	sst s25  }
0xa6: {  	s5 =	sshll.u32 s26, $0x1;
	_ =	strace $0x8000004C;
	[dreg:$0x1] =	wrdreg $0xFFFFFFFF  }
0xa7: {  	s28 =	simm.s32 $_size_execute0_lowered;
	s3 =	sadd.s32 s3, s5;
	[dreg:$0x0] =	wrdreg $0x0  }
0xa8: {  	s5 =	sshll.u32 s28, $0x1;
	[dreg:$0x2] =	wrdreg s3  }
0xa9: {  	[dreg:$0x3] =	wrdreg s5  }
0xaa: {  	[dreg:$0x4] =	wrdreg $0xC0  }
0xab: {  	_ =	task [dreg:s7], $0x5FFFF  }
0xac: {  	[dreg:$0x1] =	wrdreg $0xFFFFFFFF  }
0xad: {  	[dreg:$0x0] =	wrdreg $0x60  }
0xae: {  	[dreg:$0x2] =	wrdreg s24  }
0xaf: {  	[dreg:$0x3] =	wrdreg s2  }
0xb0: {  	[dreg:$0x4] =	wrdreg $0x9  }
0xb1: {  	_ =	task.clear_ibuf [dreg:s7], $0x5FFFF;
	_ =	strace $0x9000004C  }
0xb2: {  	s29 =	simm.s32 $0x9;
	_ =	strace $0x8000004E  }
0xb3: {  	_ =	swait.ge [sflag:s29], $0x1  }
0xb4: {  	[sflag:s29] =	ssyncadd.s32 $0xFFFFFFFF  }
0xb5: {  	_ =	strace $0x9000004E  }
0xb6: {  	_ =	sfence  }
0xb7: {  	s30 =	sld [smem:$0x0];
	_ =	sdelay $0x2  }
0xb8: {  	s31 =	sshll.u32 s1, $0xD;
	s1 =	sshrl.u32 s1, $0x2  }
0xb9: {  	s3 =	sand.u32 $0x4000, s31;
	s1 =	sadd.s32 s1, s30  }
0xba: {  	s0 =	sor.u32 s3, s0;
	s1 =	sshll.u32 s1, $0x11  }
0xbb: {  	s0 =	sor.u32 s1, s0  }
0xbc: {  	s0 =	sadd.s32 $0x8F2B, s0  }
0xbd: {  	[sflag:s0] =	ssyncadd.remote.s32 $0x1  }
0xbe: {  	_ =	sfence.sel $0xFFFF  }
0xbf: {  	[dreg:$0x0] =	wrdreg $0xFFFFFFFF;
	(pc) =	sbr.abs _section_cstart, $3  }
0xc0: {  	[dreg:$0x1] =	wrdreg $0xFFFFFFFF  }
0xc1: {  	_ =	task.clear_ibuf [dreg:s7], $0x2FFFF;
	_ =	strace $0x9FFFFFFF  }
0xc2: {  	(tm) =	ssettm $0x7FFFFFFF  }
0xc3: {  	_ =	shalt  }
tec
execute0_lowered:
.L_overlay_start_1:
0x0: {  	(tag) =	ssettag $0x1  }
0x1: {  	s4 =	rddreg [dreg:$0x0]  }
0x2: {  	s6 =	rddreg [dreg:$0x1]  }
0x3: {  	s0 =	rddreg [dreg:$0x2];
	s2 =	simm.s32 $0x0;
	s1 =	stileid.u32  }
0x4: {  	s3 =	srdreg.scid;
	[smem:$0x7FF] =	sst s2  }
0x5: {  	s5 =	sshll.u32 s1, $0x11;
	s7 =	sand.u32 $0x1, s3;
	s3 =	sadd.s32 $0x25000, s4  }
0x6: {  	s9 =	sshll.u32 s1, $0xD;
	_ =	strace $0x8000004D;
	s5 =	sadd.s32 s5, s4  }
0x7: {  	s29 =	ssub.s32 $0x2, s7;
	s10 =	sshll.u32 s7, $0xC;
	s7 =	sshll.u32 s7, $0x10  }
0x8: {  	s8 =	sshrl.u32 s29, $0x1;
	s30 =	sor.u32 s10, s9;
	s5 =	sadd.s32 s7, s5  }
0x9: {  	s7 =	simm.s32 $0x2;
	s9 =	simm.s32 $0x1;
	s10 =	simm.s32 $0x0  }
0xa: {  	s4 =	ssub.s32 s29, s8;
	s31 =	sshrl.u32 s30, $0x3;
	s5 =	sadd.s32 $0x45000, s5  }
0xb: {  	s8 =	simm.s32 $0x200;
	s4 =	smax.u32 s4, $0x1;
	s6 =	sadd.s32 s31, s6  }
.LBB2_1:
0xc: {  	s11 =	sadd.s32 $0x0, s6  }
0xd: {  	[tilespmem:s2], [sflag:$0x2] =	stream.linear.gather [hbm4b:s11+s2], $0x200, $0x38;
	[tilespmem:$0x10200] =	vst v63  }
0xe: {  	_ =	swait.ge [sflag:s7], $0x200  }
0xf: {  	[sflag:s7] =	ssyncset.done $0x0  }
0x10: {  	[sflag:s7] =	ssyncadd.s32 $0xFFFFFE00  }
0x11: {  	[tilespmem:s8], [sflag:$0x1] =	stream.indirect.gather [hbm4b:s3+s8], $0x80, s2, s8, $0xb8;
	[tilespmem:$0x10200] =	vst v63  }
0x12: {  	_ =	swait.ge [sflag:s9], $0x10000  }
0x13: {  	[sflag:s9] =	ssyncset.done $0x0  }
0x14: {  	[sflag:s9] =	ssyncadd.s32 $0xFFFF0000  }
0x15: {  	[hbm4b:s5+s2] =	stream.linear.scatter [tilespmem:s8], [sflag:$0x2], $0x10000, $0x38;
	[tilespmem:$0x10200] =	vst v63  }
0x16: {  	s12 =	simm.s32 $0x40;
	_ =	swait.ge [sflag:s7], $0x10000  }
0x17: {  	s13 =	simm.s32 $0x80;
	s11 =	sadd.s32 $0x2000, s5;
	[sflag:s7] =	ssyncset.done $0x0  }
.LBB2_2:
0x18: {  	s14 =	sadd.s32 s12, s6  }
0x19: {  	[sflag:s7] =	ssyncadd.s32 $0xFFFF0000;
	s12 =	smov.u32 s13;
	s15 =	sadd.s32 $0x40, s13  }
0x1a: {  	[tilespmem:s2], [sflag:$0x2] =	stream.linear.gather [hbm4b:s14+s2], $0x200, $0x38;
	[tilespmem:$0x10200] =	vst v63  }
0x1b: {  	p0 =	sne.s32 s13, $0x1C0;
	_ =	swait.ge [sflag:s7], $0x200  }
0x1c: {  	[sflag:s7] =	ssyncset.done $0x0  }
0x1d: {  	[sflag:s7] =	ssyncadd.s32 $0xFFFFFE00  }
0x1e: {  	[tilespmem:s8], [sflag:$0x1] =	stream.indirect.gather [hbm4b:s3+s8], $0x80, s2, s8, $0xb8;
	[tilespmem:$0x10200] =	vst v63  }
0x1f: {  	_ =	swait.ge [sflag:s9], $0x10000  }
.Ltmp0:
0x20: {  	[sflag:s9] =	ssyncset.done $0x0;
	(pc) =	sbr.rel @p0 .LBB2_2-.Ltmp0, $4  }
0x21: {  	[sflag:s9] =	ssyncadd.s32 $0xFFFF0000  }
0x22: {  	[hbm4b:s11+s2] =	stream.linear.scatter [tilespmem:s8], [sflag:$0x2], $0x10000, $0x38;
	[tilespmem:$0x10200] =	vst v63  }
0x23: {  	_ =	swait.ge [sflag:s7], $0x10000  }
0x24: {  	s13 =	smov.u32 s15;
	s11 =	sadd.s32 $0x2000, s11;
	[sflag:s7] =	ssyncset.done $0x0  }
0x25: {  	s12 =	sadd.s32 s12, s6;
	[sflag:s7] =	ssyncadd.s32 $0xFFFF0000  }
0x26: {  	[tilespmem:s2], [sflag:$0x2] =	stream.linear.gather [hbm4b:s12+s2], $0x200, $0x38;
	[tilespmem:$0x10200] =	vst v63  }
0x27: {  	_ =	swait.ge [sflag:s7], $0x200  }
0x28: {  	[sflag:s7] =	ssyncset.done $0x0  }
0x29: {  	[sflag:s7] =	ssyncadd.s32 $0xFFFFFE00  }
0x2a: {  	[tilespmem:s8], [sflag:$0x1] =	stream.indirect.gather [hbm4b:s3+s8], $0x80, s2, s8, $0xb8;
	[tilespmem:$0x10200] =	vst v63  }
0x2b: {  	s10 =	sadd.s32 $0x1, s10;
	_ =	swait.ge [sflag:s9], $0x10000  }
0x2c: {  	p0 =	sne.s32 s10, s4;
	[sflag:s9] =	ssyncset.done $0x0  }
.Ltmp1:
0x2d: {  	[sflag:s9] =	ssyncadd.s32 $0xFFFF0000;
	(pc) =	sbr.rel @p0 .LBB2_1-.Ltmp1, $4  }
0x2e: {  	[hbm4b:s11+s2] =	stream.linear.scatter [tilespmem:s8], [sflag:$0x2], $0x10000, $0x38;
	[tilespmem:$0x10200] =	vst v63  }
0x2f: {  	_ =	swait.ge [sflag:s7], $0x10000  }
0x30: {  	[sflag:s7] =	ssyncset.done $0x0  }
0x31: {  	[sflag:s7] =	ssyncadd.s32 $0xFFFF0000  }
0x32: {  	_ =	sfence.sel $0x180000  }
0x33: {  	[bflag:$0x0] =	sbarrier.arrive $0xFFFF  }
0x34: {  	p0 =	sne.s32 s1, $0x0;
	_ =	strace $0x9000004D  }
0x35: {  	s0 =	sadd.s32 @!p0 $0x100000, s0;
	[bflag:$0x2] =	sbarrier.arrive $0xFFFF  }
0x36: {  	[sflag:s0] =	ssyncadd.tile.s32 @!p0 $0x1;
	_ =	shalt  }
.Lfunc_end2:
_tile_overlayer_lowered:
.L_overlay_start_2:
0x37: {  	(tag) =	ssettag $0x2  }
0x38: {  	s0 =	rddreg [dreg:$0x0];
	s2 =	stileid.u32  }
0x39: {  	s1 =	rddreg [dreg:$0x1];
	p0 =	sne.s32 s2, $0x0  }
0x3a: {  	s3 =	rddreg [dreg:$0x2];
	[bflag:$0x3] =	sbarrier.arrive $0xFFFF;
	s2 =	simm.s32 @!p0 $0x1C02  }
0x3b: {  	[timem:s3], [sflag:s2] =	dma.local @!p0 [hbm:s0], s1  }
0x3c: {  	s0 =	simm.s32 @!p0 $0x2  }
0x3d: {  	_ =	swait.ge @!p0 [sflag:s0], s1  }
0x3e: {  	s1 =	ssub.s32 @!p0 $0x0, s1;
	[sflag:s0] =	ssyncset.done @!p0 $0x0  }
0x3f: {  	[sflag:s0] =	ssyncadd.s32 @!p0 s1  }
0x40: {  	[bflag:$0x3] =	sbarrier.arrive $0xFFFF  }
0x41: {  	_ =	shalt  }

// kernel: kernel.27.cloned.1.call-start
scs
__scs_entry_jumppad:
0x0: {  	(pc) =	sbr.rel $0x88, $3  }
0x1: {  	(tag) =	ssettag $0x0;
	lr =	simm.s32 $0x1  }
0x2: {  	[smem:$0x3F89] =	sst lr;
	_ =	strace $0xD0000000  }
0x3: {  	_ = 	snop  }
0x4: {  	_ = 	snop  }
0x5: {  	_ = 	snop  }
0x6: {  	_ = 	snop  }
0x7: {  	_ = 	snop  }
__scs_overlays_trampoline_lowered:
0x8: {  	[smem:$0x3F98] =	sst s0  }
0x9: {  	[smem:$0x3F99] =	sst s1  }
0xa: {  	[smem:$0x3F9A] =	sst s2  }
0xb: {  	[smem:$0x3F9B] =	sst s3  }
0xc: {  	[smem:$0x3F9C] =	sst s4  }
0xd: {  	[smem:$0x3F9D] =	sst s5  }
0xe: {  	[smem:$0x3F9E] =	sst s6  }
0xf: {  	[smem:$0x3F9F] =	sst s7  }
0x10: {  	[smem:$0x3FA0] =	sst s8  }
0x11: {  	[smem:$0x3FA1] =	sst s9;
	s0 =	simm.s32 @!p0 $0x0  }
0x12: {  	s1 =	sld [smem:$0x3F87];
	s0 =	simm.s32 @p0 $0x1  }
0x13: {  	[smem:$0x3FA2] =	sst s0;
	s0 =	simm.s32 @!p1 $0x0  }
0x14: {  	s2 =	sld [smem:$0x3F86];
	s0 =	simm.s32 @p1 $0x1  }
0x15: {  	[smem:$0x3FA3] =	sst s0;
	s0 =	simm.s32 @!p2 $0x0  }
0x16: {  	s3 =	sld [smem:$0x3FDB];
	s0 =	simm.s32 @p2 $0x1  }
0x17: {  	s4 =	simm.s32 $0x1BF5;
	[smem:$0x3FA5] =	sst s0  }
0x18: {  	s0 =	sld [smem:$0x3F88];
	_ =	swait.ge [sflag:s4], $0x0  }
0x19: {  	s7 =	sld [smem:$0x3F89]  }
0x1a: {  	s8 =	sadd.s32 $0xFFFFE003, lr  }
0x1b: {  	s9 =	sadd.s32 $0xFFFFFEF7, lr;
	s5 =	simm.s32 $0xFFFFFFFF;
	p2 =	slt.u32 s8, $0xFFFFF086  }
0x1c: {  	p1 =	slt.u32 s9, $0xF7A;
	s5 =	simm.s32 @!p2 $0x0  }
0x1d: {  	s5 =	simm.s32 @p1 $0x1;
	p0 =	seq.s32 s7, s2  }
0x1e: {  	s7 =	smul.u32 @!p0 $0xF7A, s2;
	p2 =	seq.s32 @!p0 s5, $0x0  }
0x1f: {  	s9 =	smul.u32 $0xF7A, s1;
	s8 =	simm.s32 @!p0 $0x1BF5;
	p2 =	por !p2, p0  }
0x20: {  	[sflag:s8] =	ssyncset.s32 @!p0 $0xFFFFF086;
	s6 =	sadd.s32 @!p0 s3, s7;
	s7 =	simm.s32 @!p0 $0x108  }
0x21: {  	s3 =	sadd.s32 s3, s9;
	s6 =	sadd.s32 @!p0 $0x88, s6;
	s7 =	simm.s32 @p2 $0x1082  }
0x22: {  	[simem:s7], [sflag:s8] =	dma.local @!p0 [hbm:s6], $0xF7A  }
0x23: {  	s9 =	sor.u32 $0xD0000000, s2;
	s6 =	simm.s32 $0x108;
	_ =	swait.ge @!p0 [sflag:s8], $0x0  }
0x24: {  	s3 =	sadd.s32 $0x88, s3;
	s6 =	simm.s32 @!p1 $0x1082;
	[sflag:s4] =	ssyncset.s32 $0xFFFFF086  }
0x25: {  	[simem:s6], [sflag:s4] =	dma.local [hbm:s3], $0xF7A  }
0x26: {  	[smem:$0x3F89] =	sst s1;
	(tag) =	ssettag s2;
	_ =	strace s9  }
0x27: {  	s1 =	sld [smem:$0x3F99]  }
0x28: {  	s2 =	sld [smem:$0x3F9A]  }
0x29: {  	s4 =	sld [smem:$0x3F9C]  }
0x2a: {  	p0 =	seq.s32 s5, $0x0;
	s5 =	sld [smem:$0x3F9D]  }
0x2b: {  	s6 =	sld [smem:$0x3F9E]  }
0x2c: {  	s7 =	sld [smem:$0x3F9F]  }
0x2d: {  	s3 =	simm.s32 $0x108;
	s8 =	sld [smem:$0x3FA0]  }
0x2e: {  	s3 =	simm.s32 @!p0 $0x1082;
	s9 =	sld [smem:$0x3FA1]  }
0x2f: {  	lr =	sadd.s32 s0, s3;
	s0 =	sld [smem:$0x3F98]  }
0x30: {  	s3 =	sld [smem:$0x3F9B]  }
0x31: {  	[smem:$0x3FA4] =	sst s10  }
0x32: {  	s10 =	sld [smem:$0x3FA2];
	_ =	sdelay $0x3  }
0x33: {  	p0 =	seq.s32 s10, $0x1;
	s10 =	sld [smem:$0x3FA4];
	_ =	sdelay $0x3  }
0x34: {  	[smem:$0x3FA4] =	sst s10  }
0x35: {  	s10 =	sld [smem:$0x3FA3];
	_ =	sdelay $0x3  }
0x36: {  	p1 =	seq.s32 s10, $0x1;
	s10 =	sld [smem:$0x3FA4];
	_ =	sdelay $0x3  }
0x37: {  	[smem:$0x3FA4] =	sst s10  }
0x38: {  	s10 =	sld [smem:$0x3FA5]  }
0x39: {  	_ = 	snop;
	(pc) =	sbr.ind lr, $3  }
0x3a: {  	_ = 	snop  }
0x3b: {  	_ = 	snop  }
0x3c: {  	p2 =	seq.s32 s10, $0x1;
	s10 =	sld [smem:$0x3FA4]  }
0x3d: {  	_ =	shalt  }
0x3e: {  	_ =	shalt  }
0x3f: {  	_ =	shalt  }
0x40: {  	_ =	shalt  }
0x41: {  	_ =	shalt  }
0x42: {  	_ =	shalt  }
0x43: {  	_ =	shalt  }
0x44: {  	_ =	shalt  }
0x45: {  	_ =	shalt  }
0x46: {  	_ =	shalt  }
0x47: {  	_ =	shalt  }
0x48: {  	_ =	shalt  }
0x49: {  	_ =	shalt  }
0x4a: {  	_ =	shalt  }
0x4b: {  	_ =	shalt  }
0x4c: {  	_ =	shalt  }
0x4d: {  	_ =	shalt  }
0x4e: {  	_ =	shalt  }
0x4f: {  	_ =	shalt  }
0x50: {  	_ =	shalt  }
0x51: {  	_ =	shalt  }
0x52: {  	_ =	shalt  }
0x53: {  	_ =	shalt  }
0x54: {  	_ =	shalt  }
0x55: {  	_ =	shalt  }
0x56: {  	_ =	shalt  }
0x57: {  	_ =	shalt  }
0x58: {  	_ =	shalt  }
0x59: {  	_ =	shalt  }
0x5a: {  	_ =	shalt  }
0x5b: {  	_ =	shalt  }
0x5c: {  	_ =	shalt  }
0x5d: {  	_ =	shalt  }
0x5e: {  	_ =	shalt  }
0x5f: {  	_ =	shalt  }
0x60: {  	_ =	shalt  }
0x61: {  	_ =	shalt  }
0x62: {  	_ =	shalt  }
0x63: {  	_ =	shalt  }
0x64: {  	_ =	shalt  }
0x65: {  	_ =	shalt  }
0x66: {  	_ =	shalt  }
0x67: {  	_ =	shalt  }
0x68: {  	_ =	shalt  }
0x69: {  	_ =	shalt  }
0x6a: {  	_ =	shalt  }
0x6b: {  	_ =	shalt  }
0x6c: {  	_ =	shalt  }
0x6d: {  	_ =	shalt  }
0x6e: {  	_ =	shalt  }
0x6f: {  	_ =	shalt  }
0x70: {  	_ =	shalt  }
0x71: {  	_ =	shalt  }
0x72: {  	_ =	shalt  }
0x73: {  	_ =	shalt  }
0x74: {  	_ =	shalt  }
0x75: {  	_ =	shalt  }
0x76: {  	_ =	shalt  }
0x77: {  	_ =	shalt  }
0x78: {  	_ =	shalt  }
0x79: {  	_ =	shalt  }
0x7a: {  	_ =	shalt  }
0x7b: {  	_ =	shalt  }
0x7c: {  	_ =	shalt  }
0x7d: {  	_ =	shalt  }
0x7e: {  	_ =	shalt  }
0x7f: {  	_ =	shalt  }
0x80: {  	_ =	shalt  }
0x81: {  	_ =	shalt  }
0x82: {  	_ =	shalt  }
0x83: {  	_ =	shalt  }
0x84: {  	_ =	shalt  }
0x85: {  	_ =	shalt  }
0x86: {  	_ =	shalt  }
0x87: {  	_ =	shalt  }
.Lfunc_end0:
.L_simem_size_0:
called_computation.9_lowered:
.L_overlay_start_0:
0x88: {  	s2 =	sld [smem:$0x3FD9]  }
0x89: {  	s3 =	sld [smem:$0x3FFE];
	_ =	sdelay $0x1  }
0x8a: {  	s1 =	srdreg.scid  }
0x8b: {  	s0 =	sand.u32 $0x1, s1  }
0x8c: {  	s17 =	sshll.u32 s0, $0xA;
	s2 =	sadd.s32 s3, s2  }
0x8d: {  	s2 =	sadd.s32 s2, s17  }
0x8e: {  	[smem:$0x3FB0] =	sst s2  }
0x8f: {  	_ = 	snop  }
0x90: {  	s2 =	sld [smem:$0x3FD0];
	(tm) =	ssettm $0x1  }
0x91: {  	s18 =	sld [smem:$0x3FFB];
	_ =	sdelay $0x3  }
0x92: {  	_ =	strace s18  }
0x93: {  	s3 =	sld [smem:$0x3FFC];
	_ =	sdelay $0x3  }
0x94: {  	_ =	strace s3  }
0x95: {  	s3 =	sld [smem:$0x3FFD];
	_ =	sdelay $0x3  }
0x96: {  	_ =	strace s3  }
0x97: {  	_ =	strace $0x8FFFFFFF  }
0x98: {  	s19 =	sld [smem:$0x3FDB];
	_ =	sdelay $0x1  }
0x99: {  	s4 =	simm.s32 $_scs_section_size  }
0x9a: {  	s5 =	simm.s32 $_size__tile_overlayer_lowered;
	s6 =	simm.s32 $_tile_overlayer_lowered  }
0x9b: {  	s22 =	simm.s32 $0x1BFF;
	s21 =	sshll.u32 s6, $0x1;
	s3 =	sadd.s32 s4, s19  }
0x9c: {  	s7 =	simm.s32 $0x0;
	s20 =	sshll.u32 s5, $0x1;
	s5 =	sadd.s32 s21, s3  }
0x9d: {  	[timem:s7], [sflag:s22] =	dma.local [hbm:s5], s20  }
0x9e: {  	_ =	swait.ge [sflag:s22], s20  }
0x9f: {  	s4 =	ssub.s32 $0x0, s20;
	[sflag:s22] =	ssyncset.done $0x0  }
0xa0: {  	[sflag:s22] =	ssyncadd.s32 s4;
	_ =	sdelay $0x1  }
0xa1: {  	s23 =	simm.s32 $0x1B8B  }
0xa2: {  	_ =	swait.ge [sflag:s23], $0x1  }
0xa3: {  	[sflag:s23] =	ssyncset.done $0x0  }
0xa4: {  	s25 =	simm.s32 $0x1B8E;
	s24 =	sld [smem:$0x3FFE];
	[sflag:s23] =	ssyncadd.s32 $0xFFFFFFFF  }
0xa5: {  	s26 =	simm.s32 $execute0_lowered;
	[smem:$0x3FD2] =	sst s25  }
0xa6: {  	s5 =	sshll.u32 s26, $0x1;
	_ =	strace $0x80000052;
	[dreg:$0x1] =	wrdreg $0xFFFFFFFF  }
0xa7: {  	s28 =	simm.s32 $_size_execute0_lowered;
	s3 =	sadd.s32 s3, s5;
	[dreg:$0x0] =	wrdreg $0x0  }
0xa8: {  	s5 =	sshll.u32 s28, $0x1;
	[dreg:$0x2] =	wrdreg s3  }
0xa9: {  	[dreg:$0x3] =	wrdreg s5  }
0xaa: {  	[dreg:$0x4] =	wrdreg $0xC0  }
0xab: {  	_ =	task [dreg:s7], $0x5FFFF  }
0xac: {  	[dreg:$0x1] =	wrdreg $0xFFFFFFFF  }
0xad: {  	[dreg:$0x0] =	wrdreg $0x60  }
0xae: {  	[dreg:$0x2] =	wrdreg s24  }
0xaf: {  	[dreg:$0x3] =	wrdreg s2  }
0xb0: {  	[dreg:$0x4] =	wrdreg $0x9  }
0xb1: {  	_ =	task.clear_ibuf [dreg:s7], $0x5FFFF;
	_ =	strace $0x90000052  }
0xb2: {  	s29 =	simm.s32 $0x9;
	_ =	strace $0x80000054  }
0xb3: {  	_ =	swait.ge [sflag:s29], $0x1  }
0xb4: {  	[sflag:s29] =	ssyncadd.s32 $0xFFFFFFFF  }
0xb5: {  	_ =	strace $0x90000054  }
0xb6: {  	_ =	sfence  }
0xb7: {  	s30 =	sld [smem:$0x0];
	_ =	sdelay $0x2  }
0xb8: {  	s31 =	sshll.u32 s1, $0xD;
	s1 =	sshrl.u32 s1, $0x2  }
0xb9: {  	s3 =	sand.u32 $0x4000, s31;
	s1 =	sadd.s32 s1, s30  }
0xba: {  	s0 =	sor.u32 s3, s0;
	s1 =	sshll.u32 s1, $0x11  }
0xbb: {  	s0 =	sor.u32 s1, s0  }
0xbc: {  	s0 =	sadd.s32 $0x8F2B, s0  }
0xbd: {  	[sflag:s0] =	ssyncadd.remote.s32 $0x1  }
0xbe: {  	_ =	sfence.sel $0xFFFF  }
0xbf: {  	[dreg:$0x0] =	wrdreg $0xFFFFFFFF;
	(pc) =	sbr.abs _section_cstart, $3  }
0xc0: {  	[dreg:$0x1] =	wrdreg $0xFFFFFFFF  }
0xc1: {  	_ =	task.clear_ibuf [dreg:s7], $0x2FFFF;
	_ =	strace $0x9FFFFFFF  }
0xc2: {  	(tm) =	ssettm $0x7FFFFFFF  }
0xc3: {  	_ =	shalt  }
tec
execute0_lowered:
.L_overlay_start_1:
0x0: {  	(tag) =	ssettag $0x1  }
0x1: {  	s4 =	rddreg [dreg:$0x0]  }
0x2: {  	s6 =	rddreg [dreg:$0x1]  }
0x3: {  	s0 =	rddreg [dreg:$0x2];
	s2 =	simm.s32 $0x0;
	s1 =	stileid.u32  }
0x4: {  	s3 =	srdreg.scid;
	[smem:$0x7FF] =	sst s2  }
0x5: {  	s5 =	sshll.u32 s1, $0x11;
	s7 =	sand.u32 $0x1, s3;
	s3 =	sadd.s32 $0x45000, s4  }
0x6: {  	s9 =	sshll.u32 s1, $0xD;
	_ =	strace $0x80000053;
	s5 =	sadd.s32 s5, s4  }
0x7: {  	s29 =	ssub.s32 $0x2, s7;
	s10 =	sshll.u32 s7, $0xC;
	s7 =	sshll.u32 s7, $0x10  }
0x8: {  	s8 =	sshrl.u32 s29, $0x1;
	s30 =	sor.u32 s10, s9;
	s5 =	sadd.s32 s7, s5  }
0x9: {  	s7 =	simm.s32 $0x2;
	s9 =	simm.s32 $0x1;
	s10 =	simm.s32 $0x0  }
0xa: {  	s4 =	ssub.s32 s29, s8;
	s31 =	sshrl.u32 s30, $0x3;
	s5 =	sadd.s32 $0x246E00, s5  }
0xb: {  	s8 =	simm.s32 $0x200;
	s4 =	smax.u32 s4, $0x1;
	s6 =	sadd.s32 s31, s6  }
.LBB2_1:
0xc: {  	s11 =	sadd.s32 $0x0, s6  }
0xd: {  	[tilespmem:s2], [sflag:$0x2] =	stream.linear.gather [hbm4b:s11+s2], $0x200, $0x38;
	[tilespmem:$0x10200] =	vst v63  }
0xe: {  	_ =	swait.ge [sflag:s7], $0x200  }
0xf: {  	[sflag:s7] =	ssyncset.done $0x0  }
0x10: {  	[sflag:s7] =	ssyncadd.s32 $0xFFFFFE00  }
0x11: {  	[tilespmem:s8], [sflag:$0x1] =	stream.indirect.gather [hbm4b:s3+s8], $0x80, s2, s8, $0xb8;
	[tilespmem:$0x10200] =	vst v63  }
0x12: {  	_ =	swait.ge [sflag:s9], $0x10000  }
0x13: {  	[sflag:s9] =	ssyncset.done $0x0  }
0x14: {  	[sflag:s9] =	ssyncadd.s32 $0xFFFF0000  }
0x15: {  	[hbm4b:s5+s2] =	stream.linear.scatter [tilespmem:s8], [sflag:$0x2], $0x10000, $0x38;
	[tilespmem:$0x10200] =	vst v63  }
0x16: {  	s12 =	simm.s32 $0x40;
	_ =	swait.ge [sflag:s7], $0x10000  }
0x17: {  	s13 =	simm.s32 $0x80;
	s11 =	sadd.s32 $0x2000, s5;
	[sflag:s7] =	ssyncset.done $0x0  }
.LBB2_2:
0x18: {  	s14 =	sadd.s32 s12, s6  }
0x19: {  	[sflag:s7] =	ssyncadd.s32 $0xFFFF0000;
	s12 =	smov.u32 s13;
	s15 =	sadd.s32 $0x40, s13  }
0x1a: {  	[tilespmem:s2], [sflag:$0x2] =	stream.linear.gather [hbm4b:s14+s2], $0x200, $0x38;
	[tilespmem:$0x10200] =	vst v63  }
0x1b: {  	p0 =	sne.s32 s13, $0x1C0;
	_ =	swait.ge [sflag:s7], $0x200  }
0x1c: {  	[sflag:s7] =	ssyncset.done $0x0  }
0x1d: {  	[sflag:s7] =	ssyncadd.s32 $0xFFFFFE00  }
0x1e: {  	[tilespmem:s8], [sflag:$0x1] =	stream.indirect.gather [hbm4b:s3+s8], $0x80, s2, s8, $0xb8;
	[tilespmem:$0x10200] =	vst v63  }
0x1f: {  	_ =	swait.ge [sflag:s9], $0x10000  }
.Ltmp0:
0x20: {  	[sflag:s9] =	ssyncset.done $0x0;
	(pc) =	sbr.rel @p0 .LBB2_2-.Ltmp0, $4  }
0x21: {  	[sflag:s9] =	ssyncadd.s32 $0xFFFF0000  }
0x22: {  	[hbm4b:s11+s2] =	stream.linear.scatter [tilespmem:s8], [sflag:$0x2], $0x10000, $0x38;
	[tilespmem:$0x10200] =	vst v63  }
0x23: {  	_ =	swait.ge [sflag:s7], $0x10000  }
0x24: {  	s13 =	smov.u32 s15;
	s11 =	sadd.s32 $0x2000, s11;
	[sflag:s7] =	ssyncset.done $0x0  }
0x25: {  	s12 =	sadd.s32 s12, s6;
	[sflag:s7] =	ssyncadd.s32 $0xFFFF0000  }
0x26: {  	[tilespmem:s2], [sflag:$0x2] =	stream.linear.gather [hbm4b:s12+s2], $0x200, $0x38;
	[tilespmem:$0x10200] =	vst v63  }
0x27: {  	_ =	swait.ge [sflag:s7], $0x200  }
0x28: {  	[sflag:s7] =	ssyncset.done $0x0  }
0x29: {  	[sflag:s7] =	ssyncadd.s32 $0xFFFFFE00  }
0x2a: {  	[tilespmem:s8], [sflag:$0x1] =	stream.indirect.gather [hbm4b:s3+s8], $0x80, s2, s8, $0xb8;
	[tilespmem:$0x10200] =	vst v63  }
0x2b: {  	s10 =	sadd.s32 $0x1, s10;
	_ =	swait.ge [sflag:s9], $0x10000  }
0x2c: {  	p0 =	sne.s32 s10, s4;
	[sflag:s9] =	ssyncset.done $0x0  }
.Ltmp1:
0x2d: {  	[sflag:s9] =	ssyncadd.s32 $0xFFFF0000;
	(pc) =	sbr.rel @p0 .LBB2_1-.Ltmp1, $4  }
0x2e: {  	[hbm4b:s11+s2] =	stream.linear.scatter [tilespmem:s8], [sflag:$0x2], $0x10000, $0x38;
	[tilespmem:$0x10200] =	vst v63  }
0x2f: {  	_ =	swait.ge [sflag:s7], $0x10000  }
0x30: {  	[sflag:s7] =	ssyncset.done $0x0  }
0x31: {  	[sflag:s7] =	ssyncadd.s32 $0xFFFF0000  }
0x32: {  	_ =	sfence.sel $0x180000  }
0x33: {  	[bflag:$0x0] =	sbarrier.arrive $0xFFFF  }
0x34: {  	p0 =	sne.s32 s1, $0x0;
	_ =	strace $0x90000053  }
0x35: {  	s0 =	sadd.s32 @!p0 $0x100000, s0;
	[bflag:$0x2] =	sbarrier.arrive $0xFFFF  }
0x36: {  	[sflag:s0] =	ssyncadd.tile.s32 @!p0 $0x1;
	_ =	shalt  }
.Lfunc_end2:
_tile_overlayer_lowered:
.L_overlay_start_2:
0x37: {  	(tag) =	ssettag $0x2  }
0x38: {  	s0 =	rddreg [dreg:$0x0];
	s2 =	stileid.u32  }
0x39: {  	s1 =	rddreg [dreg:$0x1];
	p0 =	sne.s32 s2, $0x0  }
0x3a: {  	s3 =	rddreg [dreg:$0x2];
	[bflag:$0x3] =	sbarrier.arrive $0xFFFF;
	s2 =	simm.s32 @!p0 $0x1C02  }
0x3b: {  	[timem:s3], [sflag:s2] =	dma.local @!p0 [hbm:s0], s1  }
0x3c: {  	s0 =	simm.s32 @!p0 $0x2  }
0x3d: {  	_ =	swait.ge @!p0 [sflag:s0], s1  }
0x3e: {  	s1 =	ssub.s32 @!p0 $0x0, s1;
	[sflag:s0] =	ssyncset.done @!p0 $0x0  }
0x3f: {  	[sflag:s0] =	ssyncadd.s32 @!p0 s1  }
0x40: {  	[bflag:$0x3] =	sbarrier.arrive $0xFFFF  }
0x41: {  	_ =	shalt  }

// kernel: kernel.30.cloned.1.call-start
scs
__scs_entry_jumppad:
0x0: {  	(pc) =	sbr.rel $0x88, $3  }
0x1: {  	(tag) =	ssettag $0x0;
	lr =	simm.s32 $0x1  }
0x2: {  	[smem:$0x3F89] =	sst lr;
	_ =	strace $0xD0000000  }
0x3: {  	_ = 	snop  }
0x4: {  	_ = 	snop  }
0x5: {  	_ = 	snop  }
0x6: {  	_ = 	snop  }
0x7: {  	_ = 	snop  }
__scs_overlays_trampoline_lowered:
0x8: {  	[smem:$0x3F98] =	sst s0  }
0x9: {  	[smem:$0x3F99] =	sst s1  }
0xa: {  	[smem:$0x3F9A] =	sst s2  }
0xb: {  	[smem:$0x3F9B] =	sst s3  }
0xc: {  	[smem:$0x3F9C] =	sst s4  }
0xd: {  	[smem:$0x3F9D] =	sst s5  }
0xe: {  	[smem:$0x3F9E] =	sst s6  }
0xf: {  	[smem:$0x3F9F] =	sst s7  }
0x10: {  	[smem:$0x3FA0] =	sst s8  }
0x11: {  	[smem:$0x3FA1] =	sst s9;
	s0 =	simm.s32 @!p0 $0x0  }
0x12: {  	s1 =	sld [smem:$0x3F87];
	s0 =	simm.s32 @p0 $0x1  }
0x13: {  	[smem:$0x3FA2] =	sst s0;
	s0 =	simm.s32 @!p1 $0x0  }
0x14: {  	s2 =	sld [smem:$0x3F86];
	s0 =	simm.s32 @p1 $0x1  }
0x15: {  	[smem:$0x3FA3] =	sst s0;
	s0 =	simm.s32 @!p2 $0x0  }
0x16: {  	s3 =	sld [smem:$0x3FDB];
	s0 =	simm.s32 @p2 $0x1  }
0x17: {  	s4 =	simm.s32 $0x1BF5;
	[smem:$0x3FA5] =	sst s0  }
0x18: {  	s0 =	sld [smem:$0x3F88];
	_ =	swait.ge [sflag:s4], $0x0  }
0x19: {  	s7 =	sld [smem:$0x3F89]  }
0x1a: {  	s8 =	sadd.s32 $0xFFFFE003, lr  }
0x1b: {  	s9 =	sadd.s32 $0xFFFFFEF7, lr;
	s5 =	simm.s32 $0xFFFFFFFF;
	p2 =	slt.u32 s8, $0xFFFFF086  }
0x1c: {  	p1 =	slt.u32 s9, $0xF7A;
	s5 =	simm.s32 @!p2 $0x0  }
0x1d: {  	s5 =	simm.s32 @p1 $0x1;
	p0 =	seq.s32 s7, s2  }
0x1e: {  	s7 =	smul.u32 @!p0 $0xF7A, s2;
	p2 =	seq.s32 @!p0 s5, $0x0  }
0x1f: {  	s9 =	smul.u32 $0xF7A, s1;
	s8 =	simm.s32 @!p0 $0x1BF5;
	p2 =	por !p2, p0  }
0x20: {  	[sflag:s8] =	ssyncset.s32 @!p0 $0xFFFFF086;
	s6 =	sadd.s32 @!p0 s3, s7;
	s7 =	simm.s32 @!p0 $0x108  }
0x21: {  	s3 =	sadd.s32 s3, s9;
	s6 =	sadd.s32 @!p0 $0x88, s6;
	s7 =	simm.s32 @p2 $0x1082  }
0x22: {  	[simem:s7], [sflag:s8] =	dma.local @!p0 [hbm:s6], $0xF7A  }
0x23: {  	s9 =	sor.u32 $0xD0000000, s2;
	s6 =	simm.s32 $0x108;
	_ =	swait.ge @!p0 [sflag:s8], $0x0  }
0x24: {  	s3 =	sadd.s32 $0x88, s3;
	s6 =	simm.s32 @!p1 $0x1082;
	[sflag:s4] =	ssyncset.s32 $0xFFFFF086  }
0x25: {  	[simem:s6], [sflag:s4] =	dma.local [hbm:s3], $0xF7A  }
0x26: {  	[smem:$0x3F89] =	sst s1;
	(tag) =	ssettag s2;
	_ =	strace s9  }
0x27: {  	s1 =	sld [smem:$0x3F99]  }
0x28: {  	s2 =	sld [smem:$0x3F9A]  }
0x29: {  	s4 =	sld [smem:$0x3F9C]  }
0x2a: {  	p0 =	seq.s32 s5, $0x0;
	s5 =	sld [smem:$0x3F9D]  }
0x2b: {  	s6 =	sld [smem:$0x3F9E]  }
0x2c: {  	s7 =	sld [smem:$0x3F9F]  }
0x2d: {  	s3 =	simm.s32 $0x108;
	s8 =	sld [smem:$0x3FA0]  }
0x2e: {  	s3 =	simm.s32 @!p0 $0x1082;
	s9 =	sld [smem:$0x3FA1]  }
0x2f: {  	lr =	sadd.s32 s0, s3;
	s0 =	sld [smem:$0x3F98]  }
0x30: {  	s3 =	sld [smem:$0x3F9B]  }
0x31: {  	[smem:$0x3FA4] =	sst s10  }
0x32: {  	s10 =	sld [smem:$0x3FA2];
	_ =	sdelay $0x3  }
0x33: {  	p0 =	seq.s32 s10, $0x1;
	s10 =	sld [smem:$0x3FA4];
	_ =	sdelay $0x3  }
0x34: {  	[smem:$0x3FA4] =	sst s10  }
0x35: {  	s10 =	sld [smem:$0x3FA3];
	_ =	sdelay $0x3  }
0x36: {  	p1 =	seq.s32 s10, $0x1;
	s10 =	sld [smem:$0x3FA4];
	_ =	sdelay $0x3  }
0x37: {  	[smem:$0x3FA4] =	sst s10  }
0x38: {  	s10 =	sld [smem:$0x3FA5]  }
0x39: {  	_ = 	snop;
	(pc) =	sbr.ind lr, $3  }
0x3a: {  	_ = 	snop  }
0x3b: {  	_ = 	snop  }
0x3c: {  	p2 =	seq.s32 s10, $0x1;
	s10 =	sld [smem:$0x3FA4]  }
0x3d: {  	_ =	shalt  }
0x3e: {  	_ =	shalt  }
0x3f: {  	_ =	shalt  }
0x40: {  	_ =	shalt  }
0x41: {  	_ =	shalt  }
0x42: {  	_ =	shalt  }
0x43: {  	_ =	shalt  }
0x44: {  	_ =	shalt  }
0x45: {  	_ =	shalt  }
0x46: {  	_ =	shalt  }
0x47: {  	_ =	shalt  }
0x48: {  	_ =	shalt  }
0x49: {  	_ =	shalt  }
0x4a: {  	_ =	shalt  }
0x4b: {  	_ =	shalt  }
0x4c: {  	_ =	shalt  }
0x4d: {  	_ =	shalt  }
0x4e: {  	_ =	shalt  }
0x4f: {  	_ =	shalt  }
0x50: {  	_ =	shalt  }
0x51: {  	_ =	shalt  }
0x52: {  	_ =	shalt  }
0x53: {  	_ =	shalt  }
0x54: {  	_ =	shalt  }
0x55: {  	_ =	shalt  }
0x56: {  	_ =	shalt  }
0x57: {  	_ =	shalt  }
0x58: {  	_ =	shalt  }
0x59: {  	_ =	shalt  }
0x5a: {  	_ =	shalt  }
0x5b: {  	_ =	shalt  }
0x5c: {  	_ =	shalt  }
0x5d: {  	_ =	shalt  }
0x5e: {  	_ =	shalt  }
0x5f: {  	_ =	shalt  }
0x60: {  	_ =	shalt  }
0x61: {  	_ =	shalt  }
0x62: {  	_ =	shalt  }
0x63: {  	_ =	shalt  }
0x64: {  	_ =	shalt  }
0x65: {  	_ =	shalt  }
0x66: {  	_ =	shalt  }
0x67: {  	_ =	shalt  }
0x68: {  	_ =	shalt  }
0x69: {  	_ =	shalt  }
0x6a: {  	_ =	shalt  }
0x6b: {  	_ =	shalt  }
0x6c: {  	_ =	shalt  }
0x6d: {  	_ =	shalt  }
0x6e: {  	_ =	shalt  }
0x6f: {  	_ =	shalt  }
0x70: {  	_ =	shalt  }
0x71: {  	_ =	shalt  }
0x72: {  	_ =	shalt  }
0x73: {  	_ =	shalt  }
0x74: {  	_ =	shalt  }
0x75: {  	_ =	shalt  }
0x76: {  	_ =	shalt  }
0x77: {  	_ =	shalt  }
0x78: {  	_ =	shalt  }
0x79: {  	_ =	shalt  }
0x7a: {  	_ =	shalt  }
0x7b: {  	_ =	shalt  }
0x7c: {  	_ =	shalt  }
0x7d: {  	_ =	shalt  }
0x7e: {  	_ =	shalt  }
0x7f: {  	_ =	shalt  }
0x80: {  	_ =	shalt  }
0x81: {  	_ =	shalt  }
0x82: {  	_ =	shalt  }
0x83: {  	_ =	shalt  }
0x84: {  	_ =	shalt  }
0x85: {  	_ =	shalt  }
0x86: {  	_ =	shalt  }
0x87: {  	_ =	shalt  }
.Lfunc_end0:
.L_simem_size_0:
called_computation.10_lowered:
.L_overlay_start_0:
0x88: {  	s2 =	sld [smem:$0x3FD9]  }
0x89: {  	s3 =	sld [smem:$0x3FFE];
	_ =	sdelay $0x1  }
0x8a: {  	s1 =	srdreg.scid  }
0x8b: {  	s0 =	sand.u32 $0x1, s1  }
0x8c: {  	s17 =	sshll.u32 s0, $0xA;
	s2 =	sadd.s32 s3, s2  }
0x8d: {  	s2 =	sadd.s32 s2, s17  }
0x8e: {  	[smem:$0x3FB0] =	sst s2  }
0x8f: {  	_ = 	snop  }
0x90: {  	s2 =	sld [smem:$0x3FD0];
	(tm) =	ssettm $0x1  }
0x91: {  	s18 =	sld [smem:$0x3FFB];
	_ =	sdelay $0x3  }
0x92: {  	_ =	strace s18  }
0x93: {  	s3 =	sld [smem:$0x3FFC];
	_ =	sdelay $0x3  }
0x94: {  	_ =	strace s3  }
0x95: {  	s3 =	sld [smem:$0x3FFD];
	_ =	sdelay $0x3  }
0x96: {  	_ =	strace s3  }
0x97: {  	_ =	strace $0x8FFFFFFF  }
0x98: {  	s19 =	sld [smem:$0x3FDB];
	_ =	sdelay $0x1  }
0x99: {  	s4 =	simm.s32 $_scs_section_size  }
0x9a: {  	s5 =	simm.s32 $_size__tile_overlayer_lowered;
	s6 =	simm.s32 $_tile_overlayer_lowered  }
0x9b: {  	s22 =	simm.s32 $0x1BFF;
	s21 =	sshll.u32 s6, $0x1;
	s3 =	sadd.s32 s4, s19  }
0x9c: {  	s7 =	simm.s32 $0x0;
	s20 =	sshll.u32 s5, $0x1;
	s5 =	sadd.s32 s21, s3  }
0x9d: {  	[timem:s7], [sflag:s22] =	dma.local [hbm:s5], s20  }
0x9e: {  	_ =	swait.ge [sflag:s22], s20  }
0x9f: {  	s4 =	ssub.s32 $0x0, s20;
	[sflag:s22] =	ssyncset.done $0x0  }
0xa0: {  	[sflag:s22] =	ssyncadd.s32 s4;
	_ =	sdelay $0x1  }
0xa1: {  	s23 =	simm.s32 $0x1B8B  }
0xa2: {  	_ =	swait.ge [sflag:s23], $0x1  }
0xa3: {  	[sflag:s23] =	ssyncset.done $0x0  }
0xa4: {  	s25 =	simm.s32 $0x1B8E;
	s24 =	sld [smem:$0x3FFE];
	[sflag:s23] =	ssyncadd.s32 $0xFFFFFFFF  }
0xa5: {  	s26 =	simm.s32 $execute0_lowered;
	[smem:$0x3FD2] =	sst s25  }
0xa6: {  	s5 =	sshll.u32 s26, $0x1;
	_ =	strace $0x80000058;
	[dreg:$0x1] =	wrdreg $0xFFFFFFFF  }
0xa7: {  	s28 =	simm.s32 $_size_execute0_lowered;
	s3 =	sadd.s32 s3, s5;
	[dreg:$0x0] =	wrdreg $0x0  }
0xa8: {  	s5 =	sshll.u32 s28, $0x1;
	[dreg:$0x2] =	wrdreg s3  }
0xa9: {  	[dreg:$0x3] =	wrdreg s5  }
0xaa: {  	[dreg:$0x4] =	wrdreg $0xC0  }
0xab: {  	_ =	task [dreg:s7], $0x5FFFF  }
0xac: {  	[dreg:$0x1] =	wrdreg $0xFFFFFFFF  }
0xad: {  	[dreg:$0x0] =	wrdreg $0x60  }
0xae: {  	[dreg:$0x2] =	wrdreg s24  }
0xaf: {  	[dreg:$0x3] =	wrdreg s2  }
0xb0: {  	[dreg:$0x4] =	wrdreg $0x9  }
0xb1: {  	_ =	task.clear_ibuf [dreg:s7], $0x5FFFF;
	_ =	strace $0x90000058  }
0xb2: {  	s29 =	simm.s32 $0x9;
	_ =	strace $0x8000005A  }
0xb3: {  	_ =	swait.ge [sflag:s29], $0x1  }
0xb4: {  	[sflag:s29] =	ssyncadd.s32 $0xFFFFFFFF  }
0xb5: {  	_ =	strace $0x9000005A  }
0xb6: {  	_ =	sfence  }
0xb7: {  	s30 =	sld [smem:$0x0];
	_ =	sdelay $0x2  }
0xb8: {  	s31 =	sshll.u32 s1, $0xD;
	s1 =	sshrl.u32 s1, $0x2  }
0xb9: {  	s3 =	sand.u32 $0x4000, s31;
	s1 =	sadd.s32 s1, s30  }
0xba: {  	s0 =	sor.u32 s3, s0;
	s1 =	sshll.u32 s1, $0x11  }
0xbb: {  	s0 =	sor.u32 s1, s0  }
0xbc: {  	s0 =	sadd.s32 $0x8F2B, s0  }
0xbd: {  	[sflag:s0] =	ssyncadd.remote.s32 $0x1  }
0xbe: {  	_ =	sfence.sel $0xFFFF  }
0xbf: {  	[dreg:$0x0] =	wrdreg $0xFFFFFFFF;
	(pc) =	sbr.abs _section_cstart, $3  }
0xc0: {  	[dreg:$0x1] =	wrdreg $0xFFFFFFFF  }
0xc1: {  	_ =	task.clear_ibuf [dreg:s7], $0x2FFFF;
	_ =	strace $0x9FFFFFFF  }
0xc2: {  	(tm) =	ssettm $0x7FFFFFFF  }
0xc3: {  	_ =	shalt  }
tec
execute0_lowered:
.L_overlay_start_1:
0x0: {  	(tag) =	ssettag $0x1  }
0x1: {  	s4 =	rddreg [dreg:$0x0]  }
0x2: {  	s6 =	rddreg [dreg:$0x1]  }
0x3: {  	s0 =	rddreg [dreg:$0x2];
	s2 =	simm.s32 $0x0;
	s1 =	stileid.u32  }
0x4: {  	s3 =	srdreg.scid;
	[smem:$0x7FF] =	sst s2  }
0x5: {  	s5 =	sshll.u32 s1, $0x11;
	s7 =	sand.u32 $0x1, s3;
	s3 =	sadd.s32 $0x65000, s4  }
0x6: {  	s9 =	sshll.u32 s1, $0xD;
	_ =	strace $0x80000059;
	s5 =	sadd.s32 s5, s4  }
0x7: {  	s29 =	ssub.s32 $0x2, s7;
	s10 =	sshll.u32 s7, $0xC;
	s7 =	sshll.u32 s7, $0x10  }
0x8: {  	s8 =	sshrl.u32 s29, $0x1;
	s30 =	sor.u32 s10, s9;
	s5 =	sadd.s32 s7, s5  }
0x9: {  	s7 =	simm.s32 $0x2;
	s9 =	simm.s32 $0x1;
	s10 =	simm.s32 $0x0  }
0xa: {  	s4 =	ssub.s32 s29, s8;
	s31 =	sshrl.u32 s30, $0x3;
	s5 =	sadd.s32 $0x246E00, s5  }
0xb: {  	s8 =	simm.s32 $0x200;
	s4 =	smax.u32 s4, $0x1;
	s6 =	sadd.s32 s31, s6  }
.LBB2_1:
0xc: {  	s11 =	sadd.s32 $0x0, s6  }
0xd: {  	[tilespmem:s2], [sflag:$0x2] =	stream.linear.gather [hbm4b:s11+s2], $0x200, $0x38;
	[tilespmem:$0x10200] =	vst v63  }
0xe: {  	_ =	swait.ge [sflag:s7], $0x200  }
0xf: {  	[sflag:s7] =	ssyncset.done $0x0  }
0x10: {  	[sflag:s7] =	ssyncadd.s32 $0xFFFFFE00  }
0x11: {  	[tilespmem:s8], [sflag:$0x1] =	stream.indirect.gather [hbm4b:s3+s8], $0x80, s2, s8, $0xb8;
	[tilespmem:$0x10200] =	vst v63  }
0x12: {  	_ =	swait.ge [sflag:s9], $0x10000  }
0x13: {  	[sflag:s9] =	ssyncset.done $0x0  }
0x14: {  	[sflag:s9] =	ssyncadd.s32 $0xFFFF0000  }
0x15: {  	[hbm4b:s5+s2] =	stream.linear.scatter [tilespmem:s8], [sflag:$0x2], $0x10000, $0x38;
	[tilespmem:$0x10200] =	vst v63  }
0x16: {  	s12 =	simm.s32 $0x40;
	_ =	swait.ge [sflag:s7], $0x10000  }
0x17: {  	s13 =	simm.s32 $0x80;
	s11 =	sadd.s32 $0x2000, s5;
	[sflag:s7] =	ssyncset.done $0x0  }
.LBB2_2:
0x18: {  	s14 =	sadd.s32 s12, s6  }
0x19: {  	[sflag:s7] =	ssyncadd.s32 $0xFFFF0000;
	s12 =	smov.u32 s13;
	s15 =	sadd.s32 $0x40, s13  }
0x1a: {  	[tilespmem:s2], [sflag:$0x2] =	stream.linear.gather [hbm4b:s14+s2], $0x200, $0x38;
	[tilespmem:$0x10200] =	vst v63  }
0x1b: {  	p0 =	sne.s32 s13, $0x1C0;
	_ =	swait.ge [sflag:s7], $0x200  }
0x1c: {  	[sflag:s7] =	ssyncset.done $0x0  }
0x1d: {  	[sflag:s7] =	ssyncadd.s32 $0xFFFFFE00  }
0x1e: {  	[tilespmem:s8], [sflag:$0x1] =	stream.indirect.gather [hbm4b:s3+s8], $0x80, s2, s8, $0xb8;
	[tilespmem:$0x10200] =	vst v63  }
0x1f: {  	_ =	swait.ge [sflag:s9], $0x10000  }
.Ltmp0:
0x20: {  	[sflag:s9] =	ssyncset.done $0x0;
	(pc) =	sbr.rel @p0 .LBB2_2-.Ltmp0, $4  }
0x21: {  	[sflag:s9] =	ssyncadd.s32 $0xFFFF0000  }
0x22: {  	[hbm4b:s11+s2] =	stream.linear.scatter [tilespmem:s8], [sflag:$0x2], $0x10000, $0x38;
	[tilespmem:$0x10200] =	vst v63  }
0x23: {  	_ =	swait.ge [sflag:s7], $0x10000  }
0x24: {  	s13 =	smov.u32 s15;
	s11 =	sadd.s32 $0x2000, s11;
	[sflag:s7] =	ssyncset.done $0x0  }
0x25: {  	s12 =	sadd.s32 s12, s6;
	[sflag:s7] =	ssyncadd.s32 $0xFFFF0000  }
0x26: {  	[tilespmem:s2], [sflag:$0x2] =	stream.linear.gather [hbm4b:s12+s2], $0x200, $0x38;
	[tilespmem:$0x10200] =	vst v63  }
0x27: {  	_ =	swait.ge [sflag:s7], $0x200  }
0x28: {  	[sflag:s7] =	ssyncset.done $0x0  }
0x29: {  	[sflag:s7] =	ssyncadd.s32 $0xFFFFFE00  }
0x2a: {  	[tilespmem:s8], [sflag:$0x1] =	stream.indirect.gather [hbm4b:s3+s8], $0x80, s2, s8, $0xb8;
	[tilespmem:$0x10200] =	vst v63  }
0x2b: {  	s10 =	sadd.s32 $0x1, s10;
	_ =	swait.ge [sflag:s9], $0x10000  }
0x2c: {  	p0 =	sne.s32 s10, s4;
	[sflag:s9] =	ssyncset.done $0x0  }
.Ltmp1:
0x2d: {  	[sflag:s9] =	ssyncadd.s32 $0xFFFF0000;
	(pc) =	sbr.rel @p0 .LBB2_1-.Ltmp1, $4  }
0x2e: {  	[hbm4b:s11+s2] =	stream.linear.scatter [tilespmem:s8], [sflag:$0x2], $0x10000, $0x38;
	[tilespmem:$0x10200] =	vst v63  }
0x2f: {  	_ =	swait.ge [sflag:s7], $0x10000  }
0x30: {  	[sflag:s7] =	ssyncset.done $0x0  }
0x31: {  	[sflag:s7] =	ssyncadd.s32 $0xFFFF0000  }
0x32: {  	_ =	sfence.sel $0x180000  }
0x33: {  	[bflag:$0x0] =	sbarrier.arrive $0xFFFF  }
0x34: {  	p0 =	sne.s32 s1, $0x0;
	_ =	strace $0x90000059  }
0x35: {  	s0 =	sadd.s32 @!p0 $0x100000, s0;
	[bflag:$0x2] =	sbarrier.arrive $0xFFFF  }
0x36: {  	[sflag:s0] =	ssyncadd.tile.s32 @!p0 $0x1;
	_ =	shalt  }
.Lfunc_end2:
_tile_overlayer_lowered:
.L_overlay_start_2:
0x37: {  	(tag) =	ssettag $0x2  }
0x38: {  	s0 =	rddreg [dreg:$0x0];
	s2 =	stileid.u32  }
0x39: {  	s1 =	rddreg [dreg:$0x1];
	p0 =	sne.s32 s2, $0x0  }
0x3a: {  	s3 =	rddreg [dreg:$0x2];
	[bflag:$0x3] =	sbarrier.arrive $0xFFFF;
	s2 =	simm.s32 @!p0 $0x1C02  }
0x3b: {  	[timem:s3], [sflag:s2] =	dma.local @!p0 [hbm:s0], s1  }
0x3c: {  	s0 =	simm.s32 @!p0 $0x2  }
0x3d: {  	_ =	swait.ge @!p0 [sflag:s0], s1  }
0x3e: {  	s1 =	ssub.s32 @!p0 $0x0, s1;
	[sflag:s0] =	ssyncset.done @!p0 $0x0  }
0x3f: {  	[sflag:s0] =	ssyncadd.s32 @!p0 s1  }
0x40: {  	[bflag:$0x3] =	sbarrier.arrive $0xFFFF  }
0x41: {  	_ =	shalt  }

// kernel: kernel.33.cloned.1.call-start
scs
__scs_entry_jumppad:
0x0: {  	(pc) =	sbr.rel $0x88, $3  }
0x1: {  	(tag) =	ssettag $0x0;
	lr =	simm.s32 $0x1  }
0x2: {  	[smem:$0x3F89] =	sst lr;
	_ =	strace $0xD0000000  }
0x3: {  	_ = 	snop  }
0x4: {  	_ = 	snop  }
0x5: {  	_ = 	snop  }
0x6: {  	_ = 	snop  }
0x7: {  	_ = 	snop  }
__scs_overlays_trampoline_lowered:
0x8: {  	[smem:$0x3F98] =	sst s0  }
0x9: {  	[smem:$0x3F99] =	sst s1  }
0xa: {  	[smem:$0x3F9A] =	sst s2  }
0xb: {  	[smem:$0x3F9B] =	sst s3  }
0xc: {  	[smem:$0x3F9C] =	sst s4  }
0xd: {  	[smem:$0x3F9D] =	sst s5  }
0xe: {  	[smem:$0x3F9E] =	sst s6  }
0xf: {  	[smem:$0x3F9F] =	sst s7  }
0x10: {  	[smem:$0x3FA0] =	sst s8  }
0x11: {  	[smem:$0x3FA1] =	sst s9;
	s0 =	simm.s32 @!p0 $0x0  }
0x12: {  	s1 =	sld [smem:$0x3F87];
	s0 =	simm.s32 @p0 $0x1  }
0x13: {  	[smem:$0x3FA2] =	sst s0;
	s0 =	simm.s32 @!p1 $0x0  }
0x14: {  	s2 =	sld [smem:$0x3F86];
	s0 =	simm.s32 @p1 $0x1  }
0x15: {  	[smem:$0x3FA3] =	sst s0;
	s0 =	simm.s32 @!p2 $0x0  }
0x16: {  	s3 =	sld [smem:$0x3FDB];
	s0 =	simm.s32 @p2 $0x1  }
0x17: {  	s4 =	simm.s32 $0x1BF5;
	[smem:$0x3FA5] =	sst s0  }
0x18: {  	s0 =	sld [smem:$0x3F88];
	_ =	swait.ge [sflag:s4], $0x0  }
0x19: {  	s7 =	sld [smem:$0x3F89]  }
0x1a: {  	s8 =	sadd.s32 $0xFFFFE003, lr  }
0x1b: {  	s9 =	sadd.s32 $0xFFFFFEF7, lr;
	s5 =	simm.s32 $0xFFFFFFFF;
	p2 =	slt.u32 s8, $0xFFFFF086  }
0x1c: {  	p1 =	slt.u32 s9, $0xF7A;
	s5 =	simm.s32 @!p2 $0x0  }
0x1d: {  	s5 =	simm.s32 @p1 $0x1;
	p0 =	seq.s32 s7, s2  }
0x1e: {  	s7 =	smul.u32 @!p0 $0xF7A, s2;
	p2 =	seq.s32 @!p0 s5, $0x0  }
0x1f: {  	s9 =	smul.u32 $0xF7A, s1;
	s8 =	simm.s32 @!p0 $0x1BF5;
	p2 =	por !p2, p0  }
0x20: {  	[sflag:s8] =	ssyncset.s32 @!p0 $0xFFFFF086;
	s6 =	sadd.s32 @!p0 s3, s7;
	s7 =	simm.s32 @!p0 $0x108  }
0x21: {  	s3 =	sadd.s32 s3, s9;
	s6 =	sadd.s32 @!p0 $0x88, s6;
	s7 =	simm.s32 @p2 $0x1082  }
0x22: {  	[simem:s7], [sflag:s8] =	dma.local @!p0 [hbm:s6], $0xF7A  }
0x23: {  	s9 =	sor.u32 $0xD0000000, s2;
	s6 =	simm.s32 $0x108;
	_ =	swait.ge @!p0 [sflag:s8], $0x0  }
0x24: {  	s3 =	sadd.s32 $0x88, s3;
	s6 =	simm.s32 @!p1 $0x1082;
	[sflag:s4] =	ssyncset.s32 $0xFFFFF086  }
0x25: {  	[simem:s6], [sflag:s4] =	dma.local [hbm:s3], $0xF7A  }
0x26: {  	[smem:$0x3F89] =	sst s1;
	(tag) =	ssettag s2;
	_ =	strace s9  }
0x27: {  	s1 =	sld [smem:$0x3F99]  }
0x28: {  	s2 =	sld [smem:$0x3F9A]  }
0x29: {  	s4 =	sld [smem:$0x3F9C]  }
0x2a: {  	p0 =	seq.s32 s5, $0x0;
	s5 =	sld [smem:$0x3F9D]  }
0x2b: {  	s6 =	sld [smem:$0x3F9E]  }
0x2c: {  	s7 =	sld [smem:$0x3F9F]  }
0x2d: {  	s3 =	simm.s32 $0x108;
	s8 =	sld [smem:$0x3FA0]  }
0x2e: {  	s3 =	simm.s32 @!p0 $0x1082;
	s9 =	sld [smem:$0x3FA1]  }
0x2f: {  	lr =	sadd.s32 s0, s3;
	s0 =	sld [smem:$0x3F98]  }
0x30: {  	s3 =	sld [smem:$0x3F9B]  }
0x31: {  	[smem:$0x3FA4] =	sst s10  }
0x32: {  	s10 =	sld [smem:$0x3FA2];
	_ =	sdelay $0x3  }
0x33: {  	p0 =	seq.s32 s10, $0x1;
	s10 =	sld [smem:$0x3FA4];
	_ =	sdelay $0x3  }
0x34: {  	[smem:$0x3FA4] =	sst s10  }
0x35: {  	s10 =	sld [smem:$0x3FA3];
	_ =	sdelay $0x3  }
0x36: {  	p1 =	seq.s32 s10, $0x1;
	s10 =	sld [smem:$0x3FA4];
	_ =	sdelay $0x3  }
0x37: {  	[smem:$0x3FA4] =	sst s10  }
0x38: {  	s10 =	sld [smem:$0x3FA5]  }
0x39: {  	_ = 	snop;
	(pc) =	sbr.ind lr, $3  }
0x3a: {  	_ = 	snop  }
0x3b: {  	_ = 	snop  }
0x3c: {  	p2 =	seq.s32 s10, $0x1;
	s10 =	sld [smem:$0x3FA4]  }
0x3d: {  	_ =	shalt  }
0x3e: {  	_ =	shalt  }
0x3f: {  	_ =	shalt  }
0x40: {  	_ =	shalt  }
0x41: {  	_ =	shalt  }
0x42: {  	_ =	shalt  }
0x43: {  	_ =	shalt  }
0x44: {  	_ =	shalt  }
0x45: {  	_ =	shalt  }
0x46: {  	_ =	shalt  }
0x47: {  	_ =	shalt  }
0x48: {  	_ =	shalt  }
0x49: {  	_ =	shalt  }
0x4a: {  	_ =	shalt  }
0x4b: {  	_ =	shalt  }
0x4c: {  	_ =	shalt  }
0x4d: {  	_ =	shalt  }
0x4e: {  	_ =	shalt  }
0x4f: {  	_ =	shalt  }
0x50: {  	_ =	shalt  }
0x51: {  	_ =	shalt  }
0x52: {  	_ =	shalt  }
0x53: {  	_ =	shalt  }
0x54: {  	_ =	shalt  }
0x55: {  	_ =	shalt  }
0x56: {  	_ =	shalt  }
0x57: {  	_ =	shalt  }
0x58: {  	_ =	shalt  }
0x59: {  	_ =	shalt  }
0x5a: {  	_ =	shalt  }
0x5b: {  	_ =	shalt  }
0x5c: {  	_ =	shalt  }
0x5d: {  	_ =	shalt  }
0x5e: {  	_ =	shalt  }
0x5f: {  	_ =	shalt  }
0x60: {  	_ =	shalt  }
0x61: {  	_ =	shalt  }
0x62: {  	_ =	shalt  }
0x63: {  	_ =	shalt  }
0x64: {  	_ =	shalt  }
0x65: {  	_ =	shalt  }
0x66: {  	_ =	shalt  }
0x67: {  	_ =	shalt  }
0x68: {  	_ =	shalt  }
0x69: {  	_ =	shalt  }
0x6a: {  	_ =	shalt  }
0x6b: {  	_ =	shalt  }
0x6c: {  	_ =	shalt  }
0x6d: {  	_ =	shalt  }
0x6e: {  	_ =	shalt  }
0x6f: {  	_ =	shalt  }
0x70: {  	_ =	shalt  }
0x71: {  	_ =	shalt  }
0x72: {  	_ =	shalt  }
0x73: {  	_ =	shalt  }
0x74: {  	_ =	shalt  }
0x75: {  	_ =	shalt  }
0x76: {  	_ =	shalt  }
0x77: {  	_ =	shalt  }
0x78: {  	_ =	shalt  }
0x79: {  	_ =	shalt  }
0x7a: {  	_ =	shalt  }
0x7b: {  	_ =	shalt  }
0x7c: {  	_ =	shalt  }
0x7d: {  	_ =	shalt  }
0x7e: {  	_ =	shalt  }
0x7f: {  	_ =	shalt  }
0x80: {  	_ =	shalt  }
0x81: {  	_ =	shalt  }
0x82: {  	_ =	shalt  }
0x83: {  	_ =	shalt  }
0x84: {  	_ =	shalt  }
0x85: {  	_ =	shalt  }
0x86: {  	_ =	shalt  }
0x87: {  	_ =	shalt  }
.Lfunc_end0:
.L_simem_size_0:
called_computation.11_lowered:
.L_overlay_start_0:
0x88: {  	s2 =	sld [smem:$0x3FD9]  }
0x89: {  	s3 =	sld [smem:$0x3FFE];
	_ =	sdelay $0x1  }
0x8a: {  	s1 =	srdreg.scid  }
0x8b: {  	s0 =	sand.u32 $0x1, s1  }
0x8c: {  	s17 =	sshll.u32 s0, $0xA;
	s2 =	sadd.s32 s3, s2  }
0x8d: {  	s2 =	sadd.s32 s2, s17  }
0x8e: {  	[smem:$0x3FB0] =	sst s2  }
0x8f: {  	_ = 	snop  }
0x90: {  	s2 =	sld [smem:$0x3FD0];
	(tm) =	ssettm $0x1  }
0x91: {  	s18 =	sld [smem:$0x3FFB];
	_ =	sdelay $0x3  }
0x92: {  	_ =	strace s18  }
0x93: {  	s3 =	sld [smem:$0x3FFC];
	_ =	sdelay $0x3  }
0x94: {  	_ =	strace s3  }
0x95: {  	s3 =	sld [smem:$0x3FFD];
	_ =	sdelay $0x3  }
0x96: {  	_ =	strace s3  }
0x97: {  	_ =	strace $0x8FFFFFFF  }
0x98: {  	s19 =	sld [smem:$0x3FDB];
	_ =	sdelay $0x1  }
0x99: {  	s4 =	simm.s32 $_scs_section_size  }
0x9a: {  	s5 =	simm.s32 $_size__tile_overlayer_lowered;
	s6 =	simm.s32 $_tile_overlayer_lowered  }
0x9b: {  	s22 =	simm.s32 $0x1BFF;
	s21 =	sshll.u32 s6, $0x1;
	s3 =	sadd.s32 s4, s19  }
0x9c: {  	s7 =	simm.s32 $0x0;
	s20 =	sshll.u32 s5, $0x1;
	s5 =	sadd.s32 s21, s3  }
0x9d: {  	[timem:s7], [sflag:s22] =	dma.local [hbm:s5], s20  }
0x9e: {  	_ =	swait.ge [sflag:s22], s20  }
0x9f: {  	s4 =	ssub.s32 $0x0, s20;
	[sflag:s22] =	ssyncset.done $0x0  }
0xa0: {  	[sflag:s22] =	ssyncadd.s32 s4;
	_ =	sdelay $0x1  }
0xa1: {  	s23 =	simm.s32 $0x1B8B  }
0xa2: {  	_ =	swait.ge [sflag:s23], $0x1  }
0xa3: {  	[sflag:s23] =	ssyncset.done $0x0  }
0xa4: {  	s25 =	simm.s32 $0x1B8E;
	s24 =	sld [smem:$0x3FFE];
	[sflag:s23] =	ssyncadd.s32 $0xFFFFFFFF  }
0xa5: {  	s26 =	simm.s32 $execute0_lowered;
	[smem:$0x3FD2] =	sst s25  }
0xa6: {  	s5 =	sshll.u32 s26, $0x1;
	_ =	strace $0x8000005E;
	[dreg:$0x1] =	wrdreg $0xFFFFFFFF  }
0xa7: {  	s28 =	simm.s32 $_size_execute0_lowered;
	s3 =	sadd.s32 s3, s5;
	[dreg:$0x0] =	wrdreg $0x0  }
0xa8: {  	s5 =	sshll.u32 s28, $0x1;
	[dreg:$0x2] =	wrdreg s3  }
0xa9: {  	[dreg:$0x3] =	wrdreg s5  }
0xaa: {  	[dreg:$0x4] =	wrdreg $0xC0  }
0xab: {  	_ =	task [dreg:s7], $0x5FFFF  }
0xac: {  	[dreg:$0x1] =	wrdreg $0xFFFFFFFF  }
0xad: {  	[dreg:$0x0] =	wrdreg $0x60  }
0xae: {  	[dreg:$0x2] =	wrdreg s24  }
0xaf: {  	[dreg:$0x3] =	wrdreg s2  }
0xb0: {  	[dreg:$0x4] =	wrdreg $0x9  }
0xb1: {  	_ =	task.clear_ibuf [dreg:s7], $0x5FFFF;
	_ =	strace $0x9000005E  }
0xb2: {  	s29 =	simm.s32 $0x9;
	_ =	strace $0x80000060  }
0xb3: {  	_ =	swait.ge [sflag:s29], $0x1  }
0xb4: {  	[sflag:s29] =	ssyncadd.s32 $0xFFFFFFFF  }
0xb5: {  	_ =	strace $0x90000060  }
0xb6: {  	_ =	sfence  }
0xb7: {  	s30 =	sld [smem:$0x0];
	_ =	sdelay $0x2  }
0xb8: {  	s31 =	sshll.u32 s1, $0xD;
	s1 =	sshrl.u32 s1, $0x2  }
0xb9: {  	s3 =	sand.u32 $0x4000, s31;
	s1 =	sadd.s32 s1, s30  }
0xba: {  	s0 =	sor.u32 s3, s0;
	s1 =	sshll.u32 s1, $0x11  }
0xbb: {  	s0 =	sor.u32 s1, s0  }
0xbc: {  	s0 =	sadd.s32 $0x8F2B, s0  }
0xbd: {  	[sflag:s0] =	ssyncadd.remote.s32 $0x1  }
0xbe: {  	_ =	sfence.sel $0xFFFF  }
0xbf: {  	[dreg:$0x0] =	wrdreg $0xFFFFFFFF;
	(pc) =	sbr.abs _section_cstart, $3  }
0xc0: {  	[dreg:$0x1] =	wrdreg $0xFFFFFFFF  }
0xc1: {  	_ =	task.clear_ibuf [dreg:s7], $0x2FFFF;
	_ =	strace $0x9FFFFFFF  }
0xc2: {  	(tm) =	ssettm $0x7FFFFFFF  }
0xc3: {  	_ =	shalt  }
tec
execute0_lowered:
.L_overlay_start_1:
0x0: {  	(tag) =	ssettag $0x1  }
0x1: {  	s4 =	rddreg [dreg:$0x0]  }
0x2: {  	s6 =	rddreg [dreg:$0x1]  }
0x3: {  	s0 =	rddreg [dreg:$0x2];
	s2 =	simm.s32 $0x0;
	s1 =	stileid.u32  }
0x4: {  	s3 =	srdreg.scid;
	[smem:$0x7FF] =	sst s2  }
0x5: {  	s5 =	sshll.u32 s1, $0x11;
	s7 =	sand.u32 $0x1, s3;
	s3 =	sadd.s32 $0x85000, s4  }
0x6: {  	s9 =	sshll.u32 s1, $0xD;
	_ =	strace $0x8000005F;
	s5 =	sadd.s32 s5, s4  }
0x7: {  	s29 =	ssub.s32 $0x2, s7;
	s10 =	sshll.u32 s7, $0xC;
	s7 =	sshll.u32 s7, $0x10  }
0x8: {  	s8 =	sshrl.u32 s29, $0x1;
	s30 =	sor.u32 s10, s9;
	s5 =	sadd.s32 s7, s5  }
0x9: {  	s7 =	simm.s32 $0x2;
	s9 =	simm.s32 $0x1;
	s10 =	simm.s32 $0x0  }
0xa: {  	s4 =	ssub.s32 s29, s8;
	s31 =	sshrl.u32 s30, $0x3;
	s5 =	sadd.s32 $0x246E00, s5  }
0xb: {  	s8 =	simm.s32 $0x200;
	s4 =	smax.u32 s4, $0x1;
	s6 =	sadd.s32 s31, s6  }
.LBB2_1:
0xc: {  	s11 =	sadd.s32 $0x0, s6  }
0xd: {  	[tilespmem:s2], [sflag:$0x2] =	stream.linear.gather [hbm4b:s11+s2], $0x200, $0x38;
	[tilespmem:$0x10200] =	vst v63  }
0xe: {  	_ =	swait.ge [sflag:s7], $0x200  }
0xf: {  	[sflag:s7] =	ssyncset.done $0x0  }
0x10: {  	[sflag:s7] =	ssyncadd.s32 $0xFFFFFE00  }
0x11: {  	[tilespmem:s8], [sflag:$0x1] =	stream.indirect.gather [hbm4b:s3+s8], $0x80, s2, s8, $0xb8;
	[tilespmem:$0x10200] =	vst v63  }
0x12: {  	_ =	swait.ge [sflag:s9], $0x10000  }
0x13: {  	[sflag:s9] =	ssyncset.done $0x0  }
0x14: {  	[sflag:s9] =	ssyncadd.s32 $0xFFFF0000  }
0x15: {  	[hbm4b:s5+s2] =	stream.linear.scatter [tilespmem:s8], [sflag:$0x2], $0x10000, $0x38;
	[tilespmem:$0x10200] =	vst v63  }
0x16: {  	s12 =	simm.s32 $0x40;
	_ =	swait.ge [sflag:s7], $0x10000  }
0x17: {  	s13 =	simm.s32 $0x80;
	s11 =	sadd.s32 $0x2000, s5;
	[sflag:s7] =	ssyncset.done $0x0  }
.LBB2_2:
0x18: {  	s14 =	sadd.s32 s12, s6  }
0x19: {  	[sflag:s7] =	ssyncadd.s32 $0xFFFF0000;
	s12 =	smov.u32 s13;
	s15 =	sadd.s32 $0x40, s13  }
0x1a: {  	[tilespmem:s2], [sflag:$0x2] =	stream.linear.gather [hbm4b:s14+s2], $0x200, $0x38;
	[tilespmem:$0x10200] =	vst v63  }
0x1b: {  	p0 =	sne.s32 s13, $0x1C0;
	_ =	swait.ge [sflag:s7], $0x200  }
0x1c: {  	[sflag:s7] =	ssyncset.done $0x0  }
0x1d: {  	[sflag:s7] =	ssyncadd.s32 $0xFFFFFE00  }
0x1e: {  	[tilespmem:s8], [sflag:$0x1] =	stream.indirect.gather [hbm4b:s3+s8], $0x80, s2, s8, $0xb8;
	[tilespmem:$0x10200] =	vst v63  }
0x1f: {  	_ =	swait.ge [sflag:s9], $0x10000  }
.Ltmp0:
0x20: {  	[sflag:s9] =	ssyncset.done $0x0;
	(pc) =	sbr.rel @p0 .LBB2_2-.Ltmp0, $4  }
0x21: {  	[sflag:s9] =	ssyncadd.s32 $0xFFFF0000  }
0x22: {  	[hbm4b:s11+s2] =	stream.linear.scatter [tilespmem:s8], [sflag:$0x2], $0x10000, $0x38;
	[tilespmem:$0x10200] =	vst v63  }
0x23: {  	_ =	swait.ge [sflag:s7], $0x10000  }
0x24: {  	s13 =	smov.u32 s15;
	s11 =	sadd.s32 $0x2000, s11;
	[sflag:s7] =	ssyncset.done $0x0  }
0x25: {  	s12 =	sadd.s32 s12, s6;
	[sflag:s7] =	ssyncadd.s32 $0xFFFF0000  }
0x26: {  	[tilespmem:s2], [sflag:$0x2] =	stream.linear.gather [hbm4b:s12+s2], $0x200, $0x38;
	[tilespmem:$0x10200] =	vst v63  }
0x27: {  	_ =	swait.ge [sflag:s7], $0x200  }
0x28: {  	[sflag:s7] =	ssyncset.done $0x0  }
0x29: {  	[sflag:s7] =	ssyncadd.s32 $0xFFFFFE00  }
0x2a: {  	[tilespmem:s8], [sflag:$0x1] =	stream.indirect.gather [hbm4b:s3+s8], $0x80, s2, s8, $0xb8;
	[tilespmem:$0x10200] =	vst v63  }
0x2b: {  	s10 =	sadd.s32 $0x1, s10;
	_ =	swait.ge [sflag:s9], $0x10000  }
0x2c: {  	p0 =	sne.s32 s10, s4;
	[sflag:s9] =	ssyncset.done $0x0  }
.Ltmp1:
0x2d: {  	[sflag:s9] =	ssyncadd.s32 $0xFFFF0000;
	(pc) =	sbr.rel @p0 .LBB2_1-.Ltmp1, $4  }
0x2e: {  	[hbm4b:s11+s2] =	stream.linear.scatter [tilespmem:s8], [sflag:$0x2], $0x10000, $0x38;
	[tilespmem:$0x10200] =	vst v63  }
0x2f: {  	_ =	swait.ge [sflag:s7], $0x10000  }
0x30: {  	[sflag:s7] =	ssyncset.done $0x0  }
0x31: {  	[sflag:s7] =	ssyncadd.s32 $0xFFFF0000  }
0x32: {  	_ =	sfence.sel $0x180000  }
0x33: {  	[bflag:$0x0] =	sbarrier.arrive $0xFFFF  }
0x34: {  	p0 =	sne.s32 s1, $0x0;
	_ =	strace $0x9000005F  }
0x35: {  	s0 =	sadd.s32 @!p0 $0x100000, s0;
	[bflag:$0x2] =	sbarrier.arrive $0xFFFF  }
0x36: {  	[sflag:s0] =	ssyncadd.tile.s32 @!p0 $0x1;
	_ =	shalt  }
.Lfunc_end2:
_tile_overlayer_lowered:
.L_overlay_start_2:
0x37: {  	(tag) =	ssettag $0x2  }
0x38: {  	s0 =	rddreg [dreg:$0x0];
	s2 =	stileid.u32  }
0x39: {  	s1 =	rddreg [dreg:$0x1];
	p0 =	sne.s32 s2, $0x0  }
0x3a: {  	s3 =	rddreg [dreg:$0x2];
	[bflag:$0x3] =	sbarrier.arrive $0xFFFF;
	s2 =	simm.s32 @!p0 $0x1C02  }
0x3b: {  	[timem:s3], [sflag:s2] =	dma.local @!p0 [hbm:s0], s1  }
0x3c: {  	s0 =	simm.s32 @!p0 $0x2  }
0x3d: {  	_ =	swait.ge @!p0 [sflag:s0], s1  }
0x3e: {  	s1 =	ssub.s32 @!p0 $0x0, s1;
	[sflag:s0] =	ssyncset.done @!p0 $0x0  }
0x3f: {  	[sflag:s0] =	ssyncadd.s32 @!p0 s1  }
0x40: {  	[bflag:$0x3] =	sbarrier.arrive $0xFFFF  }
0x41: {  	_ =	shalt  }

// kernel: kernel.36.cloned.1.call-start
scs
__scs_entry_jumppad:
0x0: {  	(pc) =	sbr.rel $0x88, $3  }
0x1: {  	(tag) =	ssettag $0x0;
	lr =	simm.s32 $0x1  }
0x2: {  	[smem:$0x3F89] =	sst lr;
	_ =	strace $0xD0000000  }
0x3: {  	_ = 	snop  }
0x4: {  	_ = 	snop  }
0x5: {  	_ = 	snop  }
0x6: {  	_ = 	snop  }
0x7: {  	_ = 	snop  }
__scs_overlays_trampoline_lowered:
0x8: {  	[smem:$0x3F98] =	sst s0  }
0x9: {  	[smem:$0x3F99] =	sst s1  }
0xa: {  	[smem:$0x3F9A] =	sst s2  }
0xb: {  	[smem:$0x3F9B] =	sst s3  }
0xc: {  	[smem:$0x3F9C] =	sst s4  }
0xd: {  	[smem:$0x3F9D] =	sst s5  }
0xe: {  	[smem:$0x3F9E] =	sst s6  }
0xf: {  	[smem:$0x3F9F] =	sst s7  }
0x10: {  	[smem:$0x3FA0] =	sst s8  }
0x11: {  	[smem:$0x3FA1] =	sst s9;
	s0 =	simm.s32 @!p0 $0x0  }
0x12: {  	s1 =	sld [smem:$0x3F87];
	s0 =	simm.s32 @p0 $0x1  }
0x13: {  	[smem:$0x3FA2] =	sst s0;
	s0 =	simm.s32 @!p1 $0x0  }
0x14: {  	s2 =	sld [smem:$0x3F86];
	s0 =	simm.s32 @p1 $0x1  }
0x15: {  	[smem:$0x3FA3] =	sst s0;
	s0 =	simm.s32 @!p2 $0x0  }
0x16: {  	s3 =	sld [smem:$0x3FDB];
	s0 =	simm.s32 @p2 $0x1  }
0x17: {  	s4 =	simm.s32 $0x1BF5;
	[smem:$0x3FA5] =	sst s0  }
0x18: {  	s0 =	sld [smem:$0x3F88];
	_ =	swait.ge [sflag:s4], $0x0  }
0x19: {  	s7 =	sld [smem:$0x3F89]  }
0x1a: {  	s8 =	sadd.s32 $0xFFFFE003, lr  }
0x1b: {  	s9 =	sadd.s32 $0xFFFFFEF7, lr;
	s5 =	simm.s32 $0xFFFFFFFF;
	p2 =	slt.u32 s8, $0xFFFFF086  }
0x1c: {  	p1 =	slt.u32 s9, $0xF7A;
	s5 =	simm.s32 @!p2 $0x0  }
0x1d: {  	s5 =	simm.s32 @p1 $0x1;
	p0 =	seq.s32 s7, s2  }
0x1e: {  	s7 =	smul.u32 @!p0 $0xF7A, s2;
	p2 =	seq.s32 @!p0 s5, $0x0  }
0x1f: {  	s9 =	smul.u32 $0xF7A, s1;
	s8 =	simm.s32 @!p0 $0x1BF5;
	p2 =	por !p2, p0  }
0x20: {  	[sflag:s8] =	ssyncset.s32 @!p0 $0xFFFFF086;
	s6 =	sadd.s32 @!p0 s3, s7;
	s7 =	simm.s32 @!p0 $0x108  }
0x21: {  	s3 =	sadd.s32 s3, s9;
	s6 =	sadd.s32 @!p0 $0x88, s6;
	s7 =	simm.s32 @p2 $0x1082  }
0x22: {  	[simem:s7], [sflag:s8] =	dma.local @!p0 [hbm:s6], $0xF7A  }
0x23: {  	s9 =	sor.u32 $0xD0000000, s2;
	s6 =	simm.s32 $0x108;
	_ =	swait.ge @!p0 [sflag:s8], $0x0  }
0x24: {  	s3 =	sadd.s32 $0x88, s3;
	s6 =	simm.s32 @!p1 $0x1082;
	[sflag:s4] =	ssyncset.s32 $0xFFFFF086  }
0x25: {  	[simem:s6], [sflag:s4] =	dma.local [hbm:s3], $0xF7A  }
0x26: {  	[smem:$0x3F89] =	sst s1;
	(tag) =	ssettag s2;
	_ =	strace s9  }
0x27: {  	s1 =	sld [smem:$0x3F99]  }
0x28: {  	s2 =	sld [smem:$0x3F9A]  }
0x29: {  	s4 =	sld [smem:$0x3F9C]  }
0x2a: {  	p0 =	seq.s32 s5, $0x0;
	s5 =	sld [smem:$0x3F9D]  }
0x2b: {  	s6 =	sld [smem:$0x3F9E]  }
0x2c: {  	s7 =	sld [smem:$0x3F9F]  }
0x2d: {  	s3 =	simm.s32 $0x108;
	s8 =	sld [smem:$0x3FA0]  }
0x2e: {  	s3 =	simm.s32 @!p0 $0x1082;
	s9 =	sld [smem:$0x3FA1]  }
0x2f: {  	lr =	sadd.s32 s0, s3;
	s0 =	sld [smem:$0x3F98]  }
0x30: {  	s3 =	sld [smem:$0x3F9B]  }
0x31: {  	[smem:$0x3FA4] =	sst s10  }
0x32: {  	s10 =	sld [smem:$0x3FA2];
	_ =	sdelay $0x3  }
0x33: {  	p0 =	seq.s32 s10, $0x1;
	s10 =	sld [smem:$0x3FA4];
	_ =	sdelay $0x3  }
0x34: {  	[smem:$0x3FA4] =	sst s10  }
0x35: {  	s10 =	sld [smem:$0x3FA3];
	_ =	sdelay $0x3  }
0x36: {  	p1 =	seq.s32 s10, $0x1;
	s10 =	sld [smem:$0x3FA4];
	_ =	sdelay $0x3  }
0x37: {  	[smem:$0x3FA4] =	sst s10  }
0x38: {  	s10 =	sld [smem:$0x3FA5]  }
0x39: {  	_ = 	snop;
	(pc) =	sbr.ind lr, $3  }
0x3a: {  	_ = 	snop  }
0x3b: {  	_ = 	snop  }
0x3c: {  	p2 =	seq.s32 s10, $0x1;
	s10 =	sld [smem:$0x3FA4]  }
0x3d: {  	_ =	shalt  }
0x3e: {  	_ =	shalt  }
0x3f: {  	_ =	shalt  }
0x40: {  	_ =	shalt  }
0x41: {  	_ =	shalt  }
0x42: {  	_ =	shalt  }
0x43: {  	_ =	shalt  }
0x44: {  	_ =	shalt  }
0x45: {  	_ =	shalt  }
0x46: {  	_ =	shalt  }
0x47: {  	_ =	shalt  }
0x48: {  	_ =	shalt  }
0x49: {  	_ =	shalt  }
0x4a: {  	_ =	shalt  }
0x4b: {  	_ =	shalt  }
0x4c: {  	_ =	shalt  }
0x4d: {  	_ =	shalt  }
0x4e: {  	_ =	shalt  }
0x4f: {  	_ =	shalt  }
0x50: {  	_ =	shalt  }
0x51: {  	_ =	shalt  }
0x52: {  	_ =	shalt  }
0x53: {  	_ =	shalt  }
0x54: {  	_ =	shalt  }
0x55: {  	_ =	shalt  }
0x56: {  	_ =	shalt  }
0x57: {  	_ =	shalt  }
0x58: {  	_ =	shalt  }
0x59: {  	_ =	shalt  }
0x5a: {  	_ =	shalt  }
0x5b: {  	_ =	shalt  }
0x5c: {  	_ =	shalt  }
0x5d: {  	_ =	shalt  }
0x5e: {  	_ =	shalt  }
0x5f: {  	_ =	shalt  }
0x60: {  	_ =	shalt  }
0x61: {  	_ =	shalt  }
0x62: {  	_ =	shalt  }
0x63: {  	_ =	shalt  }
0x64: {  	_ =	shalt  }
0x65: {  	_ =	shalt  }
0x66: {  	_ =	shalt  }
0x67: {  	_ =	shalt  }
0x68: {  	_ =	shalt  }
0x69: {  	_ =	shalt  }
0x6a: {  	_ =	shalt  }
0x6b: {  	_ =	shalt  }
0x6c: {  	_ =	shalt  }
0x6d: {  	_ =	shalt  }
0x6e: {  	_ =	shalt  }
0x6f: {  	_ =	shalt  }
0x70: {  	_ =	shalt  }
0x71: {  	_ =	shalt  }
0x72: {  	_ =	shalt  }
0x73: {  	_ =	shalt  }
0x74: {  	_ =	shalt  }
0x75: {  	_ =	shalt  }
0x76: {  	_ =	shalt  }
0x77: {  	_ =	shalt  }
0x78: {  	_ =	shalt  }
0x79: {  	_ =	shalt  }
0x7a: {  	_ =	shalt  }
0x7b: {  	_ =	shalt  }
0x7c: {  	_ =	shalt  }
0x7d: {  	_ =	shalt  }
0x7e: {  	_ =	shalt  }
0x7f: {  	_ =	shalt  }
0x80: {  	_ =	shalt  }
0x81: {  	_ =	shalt  }
0x82: {  	_ =	shalt  }
0x83: {  	_ =	shalt  }
0x84: {  	_ =	shalt  }
0x85: {  	_ =	shalt  }
0x86: {  	_ =	shalt  }
0x87: {  	_ =	shalt  }
.Lfunc_end0:
.L_simem_size_0:
called_computation.12_lowered:
.L_overlay_start_0:
0x88: {  	s2 =	sld [smem:$0x3FD9]  }
0x89: {  	s3 =	sld [smem:$0x3FFE];
	_ =	sdelay $0x1  }
0x8a: {  	s1 =	srdreg.scid  }
0x8b: {  	s0 =	sand.u32 $0x1, s1  }
0x8c: {  	s17 =	sshll.u32 s0, $0xA;
	s2 =	sadd.s32 s3, s2  }
0x8d: {  	s2 =	sadd.s32 s2, s17  }
0x8e: {  	[smem:$0x3FB0] =	sst s2  }
0x8f: {  	_ = 	snop  }
0x90: {  	s2 =	sld [smem:$0x3FD0];
	(tm) =	ssettm $0x1  }
0x91: {  	s18 =	sld [smem:$0x3FFB];
	_ =	sdelay $0x3  }
0x92: {  	_ =	strace s18  }
0x93: {  	s3 =	sld [smem:$0x3FFC];
	_ =	sdelay $0x3  }
0x94: {  	_ =	strace s3  }
0x95: {  	s3 =	sld [smem:$0x3FFD];
	_ =	sdelay $0x3  }
0x96: {  	_ =	strace s3  }
0x97: {  	_ =	strace $0x8FFFFFFF  }
0x98: {  	s19 =	sld [smem:$0x3FDB];
	_ =	sdelay $0x1  }
0x99: {  	s4 =	simm.s32 $_scs_section_size  }
0x9a: {  	s5 =	simm.s32 $_size__tile_overlayer_lowered;
	s6 =	simm.s32 $_tile_overlayer_lowered  }
0x9b: {  	s22 =	simm.s32 $0x1BFF;
	s21 =	sshll.u32 s6, $0x1;
	s3 =	sadd.s32 s4, s19  }
0x9c: {  	s7 =	simm.s32 $0x0;
	s20 =	sshll.u32 s5, $0x1;
	s5 =	sadd.s32 s21, s3  }
0x9d: {  	[timem:s7], [sflag:s22] =	dma.local [hbm:s5], s20  }
0x9e: {  	_ =	swait.ge [sflag:s22], s20  }
0x9f: {  	s4 =	ssub.s32 $0x0, s20;
	[sflag:s22] =	ssyncset.done $0x0  }
0xa0: {  	[sflag:s22] =	ssyncadd.s32 s4;
	_ =	sdelay $0x1  }
0xa1: {  	s23 =	simm.s32 $0x1B8B  }
0xa2: {  	_ =	swait.ge [sflag:s23], $0x1  }
0xa3: {  	[sflag:s23] =	ssyncset.done $0x0  }
0xa4: {  	s25 =	simm.s32 $0x1B8E;
	s24 =	sld [smem:$0x3FFE];
	[sflag:s23] =	ssyncadd.s32 $0xFFFFFFFF  }
0xa5: {  	s26 =	simm.s32 $execute0_lowered;
	[smem:$0x3FD2] =	sst s25  }
0xa6: {  	s5 =	sshll.u32 s26, $0x1;
	_ =	strace $0x80000064;
	[dreg:$0x1] =	wrdreg $0xFFFFFFFF  }
0xa7: {  	s28 =	simm.s32 $_size_execute0_lowered;
	s3 =	sadd.s32 s3, s5;
	[dreg:$0x0] =	wrdreg $0x0  }
0xa8: {  	s5 =	sshll.u32 s28, $0x1;
	[dreg:$0x2] =	wrdreg s3  }
0xa9: {  	[dreg:$0x3] =	wrdreg s5  }
0xaa: {  	[dreg:$0x4] =	wrdreg $0xC0  }
0xab: {  	_ =	task [dreg:s7], $0x5FFFF  }
0xac: {  	[dreg:$0x1] =	wrdreg $0xFFFFFFFF  }
0xad: {  	[dreg:$0x0] =	wrdreg $0x60  }
0xae: {  	[dreg:$0x2] =	wrdreg s24  }
0xaf: {  	[dreg:$0x3] =	wrdreg s2  }
0xb0: {  	[dreg:$0x4] =	wrdreg $0x9  }
0xb1: {  	_ =	task.clear_ibuf [dreg:s7], $0x5FFFF;
	_ =	strace $0x90000064  }
0xb2: {  	s29 =	simm.s32 $0x9;
	_ =	strace $0x80000066  }
0xb3: {  	_ =	swait.ge [sflag:s29], $0x1  }
0xb4: {  	[sflag:s29] =	ssyncadd.s32 $0xFFFFFFFF  }
0xb5: {  	_ =	strace $0x90000066  }
0xb6: {  	_ =	sfence  }
0xb7: {  	s30 =	sld [smem:$0x0];
	_ =	sdelay $0x2  }
0xb8: {  	s31 =	sshll.u32 s1, $0xD;
	s1 =	sshrl.u32 s1, $0x2  }
0xb9: {  	s3 =	sand.u32 $0x4000, s31;
	s1 =	sadd.s32 s1, s30  }
0xba: {  	s0 =	sor.u32 s3, s0;
	s1 =	sshll.u32 s1, $0x11  }
0xbb: {  	s0 =	sor.u32 s1, s0  }
0xbc: {  	s0 =	sadd.s32 $0x8F2B, s0  }
0xbd: {  	[sflag:s0] =	ssyncadd.remote.s32 $0x1  }
0xbe: {  	_ =	sfence.sel $0xFFFF  }
0xbf: {  	[dreg:$0x0] =	wrdreg $0xFFFFFFFF;
	(pc) =	sbr.abs _section_cstart, $3  }
0xc0: {  	[dreg:$0x1] =	wrdreg $0xFFFFFFFF  }
0xc1: {  	_ =	task.clear_ibuf [dreg:s7], $0x2FFFF;
	_ =	strace $0x9FFFFFFF  }
0xc2: {  	(tm) =	ssettm $0x7FFFFFFF  }
0xc3: {  	_ =	shalt  }
tec
execute0_lowered:
.L_overlay_start_1:
0x0: {  	(tag) =	ssettag $0x1  }
0x1: {  	s4 =	rddreg [dreg:$0x0]  }
0x2: {  	s6 =	rddreg [dreg:$0x1]  }
0x3: {  	s0 =	rddreg [dreg:$0x2];
	s2 =	simm.s32 $0x0;
	s1 =	stileid.u32  }
0x4: {  	s3 =	srdreg.scid;
	[smem:$0x7FF] =	sst s2  }
0x5: {  	s5 =	sshll.u32 s1, $0x11;
	s7 =	sand.u32 $0x1, s3;
	s3 =	sadd.s32 $0xA5000, s4  }
0x6: {  	s9 =	sshll.u32 s1, $0xD;
	_ =	strace $0x80000065;
	s5 =	sadd.s32 s5, s4  }
0x7: {  	s29 =	ssub.s32 $0x2, s7;
	s10 =	sshll.u32 s7, $0xC;
	s7 =	sshll.u32 s7, $0x10  }
0x8: {  	s8 =	sshrl.u32 s29, $0x1;
	s30 =	sor.u32 s10, s9;
	s5 =	sadd.s32 s7, s5  }
0x9: {  	s7 =	simm.s32 $0x2;
	s9 =	simm.s32 $0x1;
	s10 =	simm.s32 $0x0  }
0xa: {  	s4 =	ssub.s32 s29, s8;
	s31 =	sshrl.u32 s30, $0x3;
	s5 =	sadd.s32 $0x246E00, s5  }
0xb: {  	s8 =	simm.s32 $0x200;
	s4 =	smax.u32 s4, $0x1;
	s6 =	sadd.s32 s31, s6  }
.LBB2_1:
0xc: {  	s11 =	sadd.s32 $0x0, s6  }
0xd: {  	[tilespmem:s2], [sflag:$0x2] =	stream.linear.gather [hbm4b:s11+s2], $0x200, $0x38;
	[tilespmem:$0x10200] =	vst v63  }
0xe: {  	_ =	swait.ge [sflag:s7], $0x200  }
0xf: {  	[sflag:s7] =	ssyncset.done $0x0  }
0x10: {  	[sflag:s7] =	ssyncadd.s32 $0xFFFFFE00  }
0x11: {  	[tilespmem:s8], [sflag:$0x1] =	stream.indirect.gather [hbm4b:s3+s8], $0x80, s2, s8, $0xb8;
	[tilespmem:$0x10200] =	vst v63  }
0x12: {  	_ =	swait.ge [sflag:s9], $0x10000  }
0x13: {  	[sflag:s9] =	ssyncset.done $0x0  }
0x14: {  	[sflag:s9] =	ssyncadd.s32 $0xFFFF0000  }
0x15: {  	[hbm4b:s5+s2] =	stream.linear.scatter [tilespmem:s8], [sflag:$0x2], $0x10000, $0x38;
	[tilespmem:$0x10200] =	vst v63  }
0x16: {  	s12 =	simm.s32 $0x40;
	_ =	swait.ge [sflag:s7], $0x10000  }
0x17: {  	s13 =	simm.s32 $0x80;
	s11 =	sadd.s32 $0x2000, s5;
	[sflag:s7] =	ssyncset.done $0x0  }
.LBB2_2:
0x18: {  	s14 =	sadd.s32 s12, s6  }
0x19: {  	[sflag:s7] =	ssyncadd.s32 $0xFFFF0000;
	s12 =	smov.u32 s13;
	s15 =	sadd.s32 $0x40, s13  }
0x1a: {  	[tilespmem:s2], [sflag:$0x2] =	stream.linear.gather [hbm4b:s14+s2], $0x200, $0x38;
	[tilespmem:$0x10200] =	vst v63  }
0x1b: {  	p0 =	sne.s32 s13, $0x1C0;
	_ =	swait.ge [sflag:s7], $0x200  }
0x1c: {  	[sflag:s7] =	ssyncset.done $0x0  }
0x1d: {  	[sflag:s7] =	ssyncadd.s32 $0xFFFFFE00  }
0x1e: {  	[tilespmem:s8], [sflag:$0x1] =	stream.indirect.gather [hbm4b:s3+s8], $0x80, s2, s8, $0xb8;
	[tilespmem:$0x10200] =	vst v63  }
0x1f: {  	_ =	swait.ge [sflag:s9], $0x10000  }
.Ltmp0:
0x20: {  	[sflag:s9] =	ssyncset.done $0x0;
	(pc) =	sbr.rel @p0 .LBB2_2-.Ltmp0, $4  }
0x21: {  	[sflag:s9] =	ssyncadd.s32 $0xFFFF0000  }
0x22: {  	[hbm4b:s11+s2] =	stream.linear.scatter [tilespmem:s8], [sflag:$0x2], $0x10000, $0x38;
	[tilespmem:$0x10200] =	vst v63  }
0x23: {  	_ =	swait.ge [sflag:s7], $0x10000  }
0x24: {  	s13 =	smov.u32 s15;
	s11 =	sadd.s32 $0x2000, s11;
	[sflag:s7] =	ssyncset.done $0x0  }
0x25: {  	s12 =	sadd.s32 s12, s6;
	[sflag:s7] =	ssyncadd.s32 $0xFFFF0000  }
0x26: {  	[tilespmem:s2], [sflag:$0x2] =	stream.linear.gather [hbm4b:s12+s2], $0x200, $0x38;
	[tilespmem:$0x10200] =	vst v63  }
0x27: {  	_ =	swait.ge [sflag:s7], $0x200  }
0x28: {  	[sflag:s7] =	ssyncset.done $0x0  }
0x29: {  	[sflag:s7] =	ssyncadd.s32 $0xFFFFFE00  }
0x2a: {  	[tilespmem:s8], [sflag:$0x1] =	stream.indirect.gather [hbm4b:s3+s8], $0x80, s2, s8, $0xb8;
	[tilespmem:$0x10200] =	vst v63  }
0x2b: {  	s10 =	sadd.s32 $0x1, s10;
	_ =	swait.ge [sflag:s9], $0x10000  }
0x2c: {  	p0 =	sne.s32 s10, s4;
	[sflag:s9] =	ssyncset.done $0x0  }
.Ltmp1:
0x2d: {  	[sflag:s9] =	ssyncadd.s32 $0xFFFF0000;
	(pc) =	sbr.rel @p0 .LBB2_1-.Ltmp1, $4  }
0x2e: {  	[hbm4b:s11+s2] =	stream.linear.scatter [tilespmem:s8], [sflag:$0x2], $0x10000, $0x38;
	[tilespmem:$0x10200] =	vst v63  }
0x2f: {  	_ =	swait.ge [sflag:s7], $0x10000  }
0x30: {  	[sflag:s7] =	ssyncset.done $0x0  }
0x31: {  	[sflag:s7] =	ssyncadd.s32 $0xFFFF0000  }
0x32: {  	_ =	sfence.sel $0x180000  }
0x33: {  	[bflag:$0x0] =	sbarrier.arrive $0xFFFF  }
0x34: {  	p0 =	sne.s32 s1, $0x0;
	_ =	strace $0x90000065  }
0x35: {  	s0 =	sadd.s32 @!p0 $0x100000, s0;
	[bflag:$0x2] =	sbarrier.arrive $0xFFFF  }
0x36: {  	[sflag:s0] =	ssyncadd.tile.s32 @!p0 $0x1;
	_ =	shalt  }
.Lfunc_end2:
_tile_overlayer_lowered:
.L_overlay_start_2:
0x37: {  	(tag) =	ssettag $0x2  }
0x38: {  	s0 =	rddreg [dreg:$0x0];
	s2 =	stileid.u32  }
0x39: {  	s1 =	rddreg [dreg:$0x1];
	p0 =	sne.s32 s2, $0x0  }
0x3a: {  	s3 =	rddreg [dreg:$0x2];
	[bflag:$0x3] =	sbarrier.arrive $0xFFFF;
	s2 =	simm.s32 @!p0 $0x1C02  }
0x3b: {  	[timem:s3], [sflag:s2] =	dma.local @!p0 [hbm:s0], s1  }
0x3c: {  	s0 =	simm.s32 @!p0 $0x2  }
0x3d: {  	_ =	swait.ge @!p0 [sflag:s0], s1  }
0x3e: {  	s1 =	ssub.s32 @!p0 $0x0, s1;
	[sflag:s0] =	ssyncset.done @!p0 $0x0  }
0x3f: {  	[sflag:s0] =	ssyncadd.s32 @!p0 s1  }
0x40: {  	[bflag:$0x3] =	sbarrier.arrive $0xFFFF  }
0x41: {  	_ =	shalt  }

// kernel: kernel.39.cloned.1.call-start
scs
__scs_entry_jumppad:
0x0: {  	(pc) =	sbr.rel $0x88, $3  }
0x1: {  	(tag) =	ssettag $0x0;
	lr =	simm.s32 $0x1  }
0x2: {  	[smem:$0x3F89] =	sst lr;
	_ =	strace $0xD0000000  }
0x3: {  	_ = 	snop  }
0x4: {  	_ = 	snop  }
0x5: {  	_ = 	snop  }
0x6: {  	_ = 	snop  }
0x7: {  	_ = 	snop  }
__scs_overlays_trampoline_lowered:
0x8: {  	[smem:$0x3F98] =	sst s0  }
0x9: {  	[smem:$0x3F99] =	sst s1  }
0xa: {  	[smem:$0x3F9A] =	sst s2  }
0xb: {  	[smem:$0x3F9B] =	sst s3  }
0xc: {  	[smem:$0x3F9C] =	sst s4  }
0xd: {  	[smem:$0x3F9D] =	sst s5  }
0xe: {  	[smem:$0x3F9E] =	sst s6  }
0xf: {  	[smem:$0x3F9F] =	sst s7  }
0x10: {  	[smem:$0x3FA0] =	sst s8  }
0x11: {  	[smem:$0x3FA1] =	sst s9;
	s0 =	simm.s32 @!p0 $0x0  }
0x12: {  	s1 =	sld [smem:$0x3F87];
	s0 =	simm.s32 @p0 $0x1  }
0x13: {  	[smem:$0x3FA2] =	sst s0;
	s0 =	simm.s32 @!p1 $0x0  }
0x14: {  	s2 =	sld [smem:$0x3F86];
	s0 =	simm.s32 @p1 $0x1  }
0x15: {  	[smem:$0x3FA3] =	sst s0;
	s0 =	simm.s32 @!p2 $0x0  }
0x16: {  	s3 =	sld [smem:$0x3FDB];
	s0 =	simm.s32 @p2 $0x1  }
0x17: {  	s4 =	simm.s32 $0x1BF5;
	[smem:$0x3FA5] =	sst s0  }
0x18: {  	s0 =	sld [smem:$0x3F88];
	_ =	swait.ge [sflag:s4], $0x0  }
0x19: {  	s7 =	sld [smem:$0x3F89]  }
0x1a: {  	s8 =	sadd.s32 $0xFFFFE003, lr  }
0x1b: {  	s9 =	sadd.s32 $0xFFFFFEF7, lr;
	s5 =	simm.s32 $0xFFFFFFFF;
	p2 =	slt.u32 s8, $0xFFFFF086  }
0x1c: {  	p1 =	slt.u32 s9, $0xF7A;
	s5 =	simm.s32 @!p2 $0x0  }
0x1d: {  	s5 =	simm.s32 @p1 $0x1;
	p0 =	seq.s32 s7, s2  }
0x1e: {  	s7 =	smul.u32 @!p0 $0xF7A, s2;
	p2 =	seq.s32 @!p0 s5, $0x0  }
0x1f: {  	s9 =	smul.u32 $0xF7A, s1;
	s8 =	simm.s32 @!p0 $0x1BF5;
	p2 =	por !p2, p0  }
0x20: {  	[sflag:s8] =	ssyncset.s32 @!p0 $0xFFFFF086;
	s6 =	sadd.s32 @!p0 s3, s7;
	s7 =	simm.s32 @!p0 $0x108  }
0x21: {  	s3 =	sadd.s32 s3, s9;
	s6 =	sadd.s32 @!p0 $0x88, s6;
	s7 =	simm.s32 @p2 $0x1082  }
0x22: {  	[simem:s7], [sflag:s8] =	dma.local @!p0 [hbm:s6], $0xF7A  }
0x23: {  	s9 =	sor.u32 $0xD0000000, s2;
	s6 =	simm.s32 $0x108;
	_ =	swait.ge @!p0 [sflag:s8], $0x0  }
0x24: {  	s3 =	sadd.s32 $0x88, s3;
	s6 =	simm.s32 @!p1 $0x1082;
	[sflag:s4] =	ssyncset.s32 $0xFFFFF086  }
0x25: {  	[simem:s6], [sflag:s4] =	dma.local [hbm:s3], $0xF7A  }
0x26: {  	[smem:$0x3F89] =	sst s1;
	(tag) =	ssettag s2;
	_ =	strace s9  }
0x27: {  	s1 =	sld [smem:$0x3F99]  }
0x28: {  	s2 =	sld [smem:$0x3F9A]  }
0x29: {  	s4 =	sld [smem:$0x3F9C]  }
0x2a: {  	p0 =	seq.s32 s5, $0x0;
	s5 =	sld [smem:$0x3F9D]  }
0x2b: {  	s6 =	sld [smem:$0x3F9E]  }
0x2c: {  	s7 =	sld [smem:$0x3F9F]  }
0x2d: {  	s3 =	simm.s32 $0x108;
	s8 =	sld [smem:$0x3FA0]  }
0x2e: {  	s3 =	simm.s32 @!p0 $0x1082;
	s9 =	sld [smem:$0x3FA1]  }
0x2f: {  	lr =	sadd.s32 s0, s3;
	s0 =	sld [smem:$0x3F98]  }
0x30: {  	s3 =	sld [smem:$0x3F9B]  }
0x31: {  	[smem:$0x3FA4] =	sst s10  }
0x32: {  	s10 =	sld [smem:$0x3FA2];
	_ =	sdelay $0x3  }
0x33: {  	p0 =	seq.s32 s10, $0x1;
	s10 =	sld [smem:$0x3FA4];
	_ =	sdelay $0x3  }
0x34: {  	[smem:$0x3FA4] =	sst s10  }
0x35: {  	s10 =	sld [smem:$0x3FA3];
	_ =	sdelay $0x3  }
0x36: {  	p1 =	seq.s32 s10, $0x1;
	s10 =	sld [smem:$0x3FA4];
	_ =	sdelay $0x3  }
0x37: {  	[smem:$0x3FA4] =	sst s10  }
0x38: {  	s10 =	sld [smem:$0x3FA5]  }
0x39: {  	_ = 	snop;
	(pc) =	sbr.ind lr, $3  }
0x3a: {  	_ = 	snop  }
0x3b: {  	_ = 	snop  }
0x3c: {  	p2 =	seq.s32 s10, $0x1;
	s10 =	sld [smem:$0x3FA4]  }
0x3d: {  	_ =	shalt  }
0x3e: {  	_ =	shalt  }
0x3f: {  	_ =	shalt  }
0x40: {  	_ =	shalt  }
0x41: {  	_ =	shalt  }
0x42: {  	_ =	shalt  }
0x43: {  	_ =	shalt  }
0x44: {  	_ =	shalt  }
0x45: {  	_ =	shalt  }
0x46: {  	_ =	shalt  }
0x47: {  	_ =	shalt  }
0x48: {  	_ =	shalt  }
0x49: {  	_ =	shalt  }
0x4a: {  	_ =	shalt  }
0x4b: {  	_ =	shalt  }
0x4c: {  	_ =	shalt  }
0x4d: {  	_ =	shalt  }
0x4e: {  	_ =	shalt  }
0x4f: {  	_ =	shalt  }
0x50: {  	_ =	shalt  }
0x51: {  	_ =	shalt  }
0x52: {  	_ =	shalt  }
0x53: {  	_ =	shalt  }
0x54: {  	_ =	shalt  }
0x55: {  	_ =	shalt  }
0x56: {  	_ =	shalt  }
0x57: {  	_ =	shalt  }
0x58: {  	_ =	shalt  }
0x59: {  	_ =	shalt  }
0x5a: {  	_ =	shalt  }
0x5b: {  	_ =	shalt  }
0x5c: {  	_ =	shalt  }
0x5d: {  	_ =	shalt  }
0x5e: {  	_ =	shalt  }
0x5f: {  	_ =	shalt  }
0x60: {  	_ =	shalt  }
0x61: {  	_ =	shalt  }
0x62: {  	_ =	shalt  }
0x63: {  	_ =	shalt  }
0x64: {  	_ =	shalt  }
0x65: {  	_ =	shalt  }
0x66: {  	_ =	shalt  }
0x67: {  	_ =	shalt  }
0x68: {  	_ =	shalt  }
0x69: {  	_ =	shalt  }
0x6a: {  	_ =	shalt  }
0x6b: {  	_ =	shalt  }
0x6c: {  	_ =	shalt  }
0x6d: {  	_ =	shalt  }
0x6e: {  	_ =	shalt  }
0x6f: {  	_ =	shalt  }
0x70: {  	_ =	shalt  }
0x71: {  	_ =	shalt  }
0x72: {  	_ =	shalt  }
0x73: {  	_ =	shalt  }
0x74: {  	_ =	shalt  }
0x75: {  	_ =	shalt  }
0x76: {  	_ =	shalt  }
0x77: {  	_ =	shalt  }
0x78: {  	_ =	shalt  }
0x79: {  	_ =	shalt  }
0x7a: {  	_ =	shalt  }
0x7b: {  	_ =	shalt  }
0x7c: {  	_ =	shalt  }
0x7d: {  	_ =	shalt  }
0x7e: {  	_ =	shalt  }
0x7f: {  	_ =	shalt  }
0x80: {  	_ =	shalt  }
0x81: {  	_ =	shalt  }
0x82: {  	_ =	shalt  }
0x83: {  	_ =	shalt  }
0x84: {  	_ =	shalt  }
0x85: {  	_ =	shalt  }
0x86: {  	_ =	shalt  }
0x87: {  	_ =	shalt  }
.Lfunc_end0:
.L_simem_size_0:
called_computation.13_lowered:
.L_overlay_start_0:
0x88: {  	s2 =	sld [smem:$0x3FD9]  }
0x89: {  	s3 =	sld [smem:$0x3FFE];
	_ =	sdelay $0x1  }
0x8a: {  	s1 =	srdreg.scid  }
0x8b: {  	s0 =	sand.u32 $0x1, s1  }
0x8c: {  	s17 =	sshll.u32 s0, $0xA;
	s2 =	sadd.s32 s3, s2  }
0x8d: {  	s2 =	sadd.s32 s2, s17  }
0x8e: {  	[smem:$0x3FB0] =	sst s2  }
0x8f: {  	_ = 	snop  }
0x90: {  	s2 =	sld [smem:$0x3FD0];
	(tm) =	ssettm $0x1  }
0x91: {  	s18 =	sld [smem:$0x3FFB];
	_ =	sdelay $0x3  }
0x92: {  	_ =	strace s18  }
0x93: {  	s3 =	sld [smem:$0x3FFC];
	_ =	sdelay $0x3  }
0x94: {  	_ =	strace s3  }
0x95: {  	s3 =	sld [smem:$0x3FFD];
	_ =	sdelay $0x3  }
0x96: {  	_ =	strace s3  }
0x97: {  	_ =	strace $0x8FFFFFFF  }
0x98: {  	s19 =	sld [smem:$0x3FDB];
	_ =	sdelay $0x1  }
0x99: {  	s4 =	simm.s32 $_scs_section_size  }
0x9a: {  	s5 =	simm.s32 $_size__tile_overlayer_lowered;
	s6 =	simm.s32 $_tile_overlayer_lowered  }
0x9b: {  	s22 =	simm.s32 $0x1BFF;
	s21 =	sshll.u32 s6, $0x1;
	s3 =	sadd.s32 s4, s19  }
0x9c: {  	s7 =	simm.s32 $0x0;
	s20 =	sshll.u32 s5, $0x1;
	s5 =	sadd.s32 s21, s3  }
0x9d: {  	[timem:s7], [sflag:s22] =	dma.local [hbm:s5], s20  }
0x9e: {  	_ =	swait.ge [sflag:s22], s20  }
0x9f: {  	s4 =	ssub.s32 $0x0, s20;
	[sflag:s22] =	ssyncset.done $0x0  }
0xa0: {  	[sflag:s22] =	ssyncadd.s32 s4;
	_ =	sdelay $0x1  }
0xa1: {  	s23 =	simm.s32 $0x1B8B  }
0xa2: {  	_ =	swait.ge [sflag:s23], $0x1  }
0xa3: {  	[sflag:s23] =	ssyncset.done $0x0  }
0xa4: {  	s25 =	simm.s32 $0x1B8E;
	s24 =	sld [smem:$0x3FFE];
	[sflag:s23] =	ssyncadd.s32 $0xFFFFFFFF  }
0xa5: {  	s26 =	simm.s32 $execute0_lowered;
	[smem:$0x3FD2] =	sst s25  }
0xa6: {  	s5 =	sshll.u32 s26, $0x1;
	_ =	strace $0x8000006A;
	[dreg:$0x1] =	wrdreg $0xFFFFFFFF  }
0xa7: {  	s28 =	simm.s32 $_size_execute0_lowered;
	s3 =	sadd.s32 s3, s5;
	[dreg:$0x0] =	wrdreg $0x0  }
0xa8: {  	s5 =	sshll.u32 s28, $0x1;
	[dreg:$0x2] =	wrdreg s3  }
0xa9: {  	[dreg:$0x3] =	wrdreg s5  }
0xaa: {  	[dreg:$0x4] =	wrdreg $0xC0  }
0xab: {  	_ =	task [dreg:s7], $0x5FFFF  }
0xac: {  	[dreg:$0x1] =	wrdreg $0xFFFFFFFF  }
0xad: {  	[dreg:$0x0] =	wrdreg $0x60  }
0xae: {  	[dreg:$0x2] =	wrdreg s24  }
0xaf: {  	[dreg:$0x3] =	wrdreg s2  }
0xb0: {  	[dreg:$0x4] =	wrdreg $0x9  }
0xb1: {  	_ =	task.clear_ibuf [dreg:s7], $0x5FFFF;
	_ =	strace $0x9000006A  }
0xb2: {  	s29 =	simm.s32 $0x9;
	_ =	strace $0x8000006C  }
0xb3: {  	_ =	swait.ge [sflag:s29], $0x1  }
0xb4: {  	[sflag:s29] =	ssyncadd.s32 $0xFFFFFFFF  }
0xb5: {  	_ =	strace $0x9000006C  }
0xb6: {  	_ =	sfence  }
0xb7: {  	s30 =	sld [smem:$0x0];
	_ =	sdelay $0x2  }
0xb8: {  	s31 =	sshll.u32 s1, $0xD;
	s1 =	sshrl.u32 s1, $0x2  }
0xb9: {  	s3 =	sand.u32 $0x4000, s31;
	s1 =	sadd.s32 s1, s30  }
0xba: {  	s0 =	sor.u32 s3, s0;
	s1 =	sshll.u32 s1, $0x11  }
0xbb: {  	s0 =	sor.u32 s1, s0  }
0xbc: {  	s0 =	sadd.s32 $0x8F2B, s0  }
0xbd: {  	[sflag:s0] =	ssyncadd.remote.s32 $0x1  }
0xbe: {  	_ =	sfence.sel $0xFFFF  }
0xbf: {  	[dreg:$0x0] =	wrdreg $0xFFFFFFFF;
	(pc) =	sbr.abs _section_cstart, $3  }
0xc0: {  	[dreg:$0x1] =	wrdreg $0xFFFFFFFF  }
0xc1: {  	_ =	task.clear_ibuf [dreg:s7], $0x2FFFF;
	_ =	strace $0x9FFFFFFF  }
0xc2: {  	(tm) =	ssettm $0x7FFFFFFF  }
0xc3: {  	_ =	shalt  }
tec
execute0_lowered:
.L_overlay_start_1:
0x0: {  	(tag) =	ssettag $0x1  }
0x1: {  	s4 =	rddreg [dreg:$0x0]  }
0x2: {  	s6 =	rddreg [dreg:$0x1]  }
0x3: {  	s0 =	rddreg [dreg:$0x2];
	s2 =	simm.s32 $0x0;
	s1 =	stileid.u32  }
0x4: {  	s3 =	srdreg.scid;
	[smem:$0x7FF] =	sst s2  }
0x5: {  	s5 =	sshll.u32 s1, $0x11;
	s7 =	sand.u32 $0x1, s3;
	s3 =	sadd.s32 $0xC5000, s4  }
0x6: {  	s9 =	sshll.u32 s1, $0xD;
	_ =	strace $0x8000006B;
	s5 =	sadd.s32 s5, s4  }
0x7: {  	s29 =	ssub.s32 $0x2, s7;
	s10 =	sshll.u32 s7, $0xC;
	s7 =	sshll.u32 s7, $0x10  }
0x8: {  	s8 =	sshrl.u32 s29, $0x1;
	s30 =	sor.u32 s10, s9;
	s5 =	sadd.s32 s7, s5  }
0x9: {  	s7 =	simm.s32 $0x2;
	s9 =	simm.s32 $0x1;
	s10 =	simm.s32 $0x0  }
0xa: {  	s4 =	ssub.s32 s29, s8;
	s31 =	sshrl.u32 s30, $0x3;
	s5 =	sadd.s32 $0x246E00, s5  }
0xb: {  	s8 =	simm.s32 $0x200;
	s4 =	smax.u32 s4, $0x1;
	s6 =	sadd.s32 s31, s6  }
.LBB2_1:
0xc: {  	s11 =	sadd.s32 $0x0, s6  }
0xd: {  	[tilespmem:s2], [sflag:$0x2] =	stream.linear.gather [hbm4b:s11+s2], $0x200, $0x38;
	[tilespmem:$0x10200] =	vst v63  }
0xe: {  	_ =	swait.ge [sflag:s7], $0x200  }
0xf: {  	[sflag:s7] =	ssyncset.done $0x0  }
0x10: {  	[sflag:s7] =	ssyncadd.s32 $0xFFFFFE00  }
0x11: {  	[tilespmem:s8], [sflag:$0x1] =	stream.indirect.gather [hbm4b:s3+s8], $0x80, s2, s8, $0xb8;
	[tilespmem:$0x10200] =	vst v63  }
0x12: {  	_ =	swait.ge [sflag:s9], $0x10000  }
0x13: {  	[sflag:s9] =	ssyncset.done $0x0  }
0x14: {  	[sflag:s9] =	ssyncadd.s32 $0xFFFF0000  }
0x15: {  	[hbm4b:s5+s2] =	stream.linear.scatter [tilespmem:s8], [sflag:$0x2], $0x10000, $0x38;
	[tilespmem:$0x10200] =	vst v63  }
0x16: {  	s12 =	simm.s32 $0x40;
	_ =	swait.ge [sflag:s7], $0x10000  }
0x17: {  	s13 =	simm.s32 $0x80;
	s11 =	sadd.s32 $0x2000, s5;
	[sflag:s7] =	ssyncset.done $0x0  }
.LBB2_2:
0x18: {  	s14 =	sadd.s32 s12, s6  }
0x19: {  	[sflag:s7] =	ssyncadd.s32 $0xFFFF0000;
	s12 =	smov.u32 s13;
	s15 =	sadd.s32 $0x40, s13  }
0x1a: {  	[tilespmem:s2], [sflag:$0x2] =	stream.linear.gather [hbm4b:s14+s2], $0x200, $0x38;
	[tilespmem:$0x10200] =	vst v63  }
0x1b: {  	p0 =	sne.s32 s13, $0x1C0;
	_ =	swait.ge [sflag:s7], $0x200  }
0x1c: {  	[sflag:s7] =	ssyncset.done $0x0  }
0x1d: {  	[sflag:s7] =	ssyncadd.s32 $0xFFFFFE00  }
0x1e: {  	[tilespmem:s8], [sflag:$0x1] =	stream.indirect.gather [hbm4b:s3+s8], $0x80, s2, s8, $0xb8;
	[tilespmem:$0x10200] =	vst v63  }
0x1f: {  	_ =	swait.ge [sflag:s9], $0x10000  }
.Ltmp0:
0x20: {  	[sflag:s9] =	ssyncset.done $0x0;
	(pc) =	sbr.rel @p0 .LBB2_2-.Ltmp0, $4  }
0x21: {  	[sflag:s9] =	ssyncadd.s32 $0xFFFF0000  }
0x22: {  	[hbm4b:s11+s2] =	stream.linear.scatter [tilespmem:s8], [sflag:$0x2], $0x10000, $0x38;
	[tilespmem:$0x10200] =	vst v63  }
0x23: {  	_ =	swait.ge [sflag:s7], $0x10000  }
0x24: {  	s13 =	smov.u32 s15;
	s11 =	sadd.s32 $0x2000, s11;
	[sflag:s7] =	ssyncset.done $0x0  }
0x25: {  	s12 =	sadd.s32 s12, s6;
	[sflag:s7] =	ssyncadd.s32 $0xFFFF0000  }
0x26: {  	[tilespmem:s2], [sflag:$0x2] =	stream.linear.gather [hbm4b:s12+s2], $0x200, $0x38;
	[tilespmem:$0x10200] =	vst v63  }
0x27: {  	_ =	swait.ge [sflag:s7], $0x200  }
0x28: {  	[sflag:s7] =	ssyncset.done $0x0  }
0x29: {  	[sflag:s7] =	ssyncadd.s32 $0xFFFFFE00  }
0x2a: {  	[tilespmem:s8], [sflag:$0x1] =	stream.indirect.gather [hbm4b:s3+s8], $0x80, s2, s8, $0xb8;
	[tilespmem:$0x10200] =	vst v63  }
0x2b: {  	s10 =	sadd.s32 $0x1, s10;
	_ =	swait.ge [sflag:s9], $0x10000  }
0x2c: {  	p0 =	sne.s32 s10, s4;
	[sflag:s9] =	ssyncset.done $0x0  }
.Ltmp1:
0x2d: {  	[sflag:s9] =	ssyncadd.s32 $0xFFFF0000;
	(pc) =	sbr.rel @p0 .LBB2_1-.Ltmp1, $4  }
0x2e: {  	[hbm4b:s11+s2] =	stream.linear.scatter [tilespmem:s8], [sflag:$0x2], $0x10000, $0x38;
	[tilespmem:$0x10200] =	vst v63  }
0x2f: {  	_ =	swait.ge [sflag:s7], $0x10000  }
0x30: {  	[sflag:s7] =	ssyncset.done $0x0  }
0x31: {  	[sflag:s7] =	ssyncadd.s32 $0xFFFF0000  }
0x32: {  	_ =	sfence.sel $0x180000  }
0x33: {  	[bflag:$0x0] =	sbarrier.arrive $0xFFFF  }
0x34: {  	p0 =	sne.s32 s1, $0x0;
	_ =	strace $0x9000006B  }
0x35: {  	s0 =	sadd.s32 @!p0 $0x100000, s0;
	[bflag:$0x2] =	sbarrier.arrive $0xFFFF  }
0x36: {  	[sflag:s0] =	ssyncadd.tile.s32 @!p0 $0x1;
	_ =	shalt  }
.Lfunc_end2:
_tile_overlayer_lowered:
.L_overlay_start_2:
0x37: {  	(tag) =	ssettag $0x2  }
0x38: {  	s0 =	rddreg [dreg:$0x0];
	s2 =	stileid.u32  }
0x39: {  	s1 =	rddreg [dreg:$0x1];
	p0 =	sne.s32 s2, $0x0  }
0x3a: {  	s3 =	rddreg [dreg:$0x2];
	[bflag:$0x3] =	sbarrier.arrive $0xFFFF;
	s2 =	simm.s32 @!p0 $0x1C02  }
0x3b: {  	[timem:s3], [sflag:s2] =	dma.local @!p0 [hbm:s0], s1  }
0x3c: {  	s0 =	simm.s32 @!p0 $0x2  }
0x3d: {  	_ =	swait.ge @!p0 [sflag:s0], s1  }
0x3e: {  	s1 =	ssub.s32 @!p0 $0x0, s1;
	[sflag:s0] =	ssyncset.done @!p0 $0x0  }
0x3f: {  	[sflag:s0] =	ssyncadd.s32 @!p0 s1  }
0x40: {  	[bflag:$0x3] =	sbarrier.arrive $0xFFFF  }
0x41: {  	_ =	shalt  }

// kernel: sparse-core-data-format-call.1.cloned.1.call-start
scs
called_computation.1_lowered:
.L_overlay_start_0:
0x0: {  	s1 =	sld [smem:$0x3FD9]  }
0x1: {  	s2 =	sld [smem:$0x3FFE];
	_ =	sdelay $0x1  }
0x2: {  	s3 =	srdreg.scid  }
0x3: {  	s0 =	sand.u32 $0x1, s3  }
0x4: {  	s17 =	sshll.u32 s0, $0xA;
	s1 =	sadd.s32 s2, s1  }
0x5: {  	s1 =	sadd.s32 s1, s17  }
0x6: {  	[smem:$0x3FB0] =	sst s1  }
0x7: {  	_ = 	snop  }
0x8: {  	(tm) =	ssettm $0x1  }
0x9: {  	s18 =	sld [smem:$0x3FFB];
	_ =	sdelay $0x3  }
0xa: {  	_ =	strace s18  }
0xb: {  	s1 =	sld [smem:$0x3FFC];
	_ =	sdelay $0x3  }
0xc: {  	_ =	strace s1  }
0xd: {  	s1 =	sld [smem:$0x3FFD];
	_ =	sdelay $0x3  }
0xe: {  	_ =	strace s1  }
0xf: {  	_ =	strace $0x8FFFFFFF  }
0x10: {  	s19 =	sld [smem:$0x3FDB];
	_ =	sdelay $0x1  }
0x11: {  	s20 =	simm.s32 $_scs_section_size  }
0x12: {  	s4 =	simm.s32 $_size__tile_overlayer_lowered;
	s5 =	simm.s32 $_tile_overlayer_lowered  }
0x13: {  	s23 =	simm.s32 $0x1BFF;
	s22 =	sshll.u32 s5, $0x1;
	s1 =	sadd.s32 s20, s19  }
0x14: {  	s6 =	simm.s32 $0x0;
	s21 =	sshll.u32 s4, $0x1;
	s4 =	sadd.s32 s22, s1  }
0x15: {  	[timem:s6], [sflag:s23] =	dma.local [hbm:s4], s21  }
0x16: {  	_ =	swait.ge [sflag:s23], s21  }
0x17: {  	s2 =	ssub.s32 $0x0, s21;
	[sflag:s23] =	ssyncset.done $0x0  }
0x18: {  	[sflag:s23] =	ssyncadd.s32 s2;
	_ =	sdelay $0x1  }
0x19: {  	s24 =	simm.s32 $0x1B8B  }
0x1a: {  	_ =	swait.ge [sflag:s24], $0x1  }
0x1b: {  	[sflag:s24] =	ssyncset.done $0x0  }
0x1c: {  	s26 =	simm.s32 $0x1B8E;
	s25 =	sld [smem:$0x3FFE];
	[sflag:s24] =	ssyncadd.s32 $0xFFFFFFFF  }
0x1d: {  	s27 =	simm.s32 $execute0_lowered;
	[smem:$0x3FD2] =	sst s26  }
0x1e: {  	s4 =	sshll.u32 s27, $0x1;
	_ =	strace $0x80000067;
	[dreg:$0x1] =	wrdreg $0xFFFFFFFF  }
0x1f: {  	s28 =	simm.s32 $_size_execute0_lowered;
	s1 =	sadd.s32 s1, s4;
	[dreg:$0x0] =	wrdreg $0x0  }
0x20: {  	s4 =	sshll.u32 s28, $0x1;
	[dreg:$0x2] =	wrdreg s1  }
0x21: {  	[dreg:$0x3] =	wrdreg s4  }
0x22: {  	[dreg:$0x4] =	wrdreg $0xC0  }
0x23: {  	_ =	task [dreg:s6], $0x5FFFF  }
0x24: {  	[dreg:$0x1] =	wrdreg $0xFFFFFFFF  }
0x25: {  	[dreg:$0x0] =	wrdreg $0x60  }
0x26: {  	[dreg:$0x2] =	wrdreg s25  }
0x27: {  	[dreg:$0x3] =	wrdreg $0x9  }
0x28: {  	_ =	task.clear_ibuf [dreg:s6], $0x4FFFF;
	_ =	strace $0x90000067  }
0x29: {  	s29 =	simm.s32 $0x9;
	_ =	strace $0x80000069  }
0x2a: {  	_ =	swait.ge [sflag:s29], $0x1  }
0x2b: {  	[sflag:s29] =	ssyncadd.s32 $0xFFFFFFFF  }
0x2c: {  	_ =	strace $0x90000069  }
0x2d: {  	_ =	sfence  }
0x2e: {  	s30 =	sld [smem:$0x0];
	_ =	sdelay $0x2  }
0x2f: {  	s31 =	sshll.u32 s3, $0xD;
	s3 =	sshrl.u32 s3, $0x2  }
0x30: {  	s2 =	sand.u32 $0x4000, s31;
	s1 =	sadd.s32 s3, s30  }
0x31: {  	s0 =	sor.u32 s2, s0;
	s1 =	sshll.u32 s1, $0x11  }
0x32: {  	s0 =	sor.u32 s1, s0  }
0x33: {  	s0 =	sadd.s32 $0x8F2B, s0  }
0x34: {  	[sflag:s0] =	ssyncadd.remote.s32 $0x1  }
0x35: {  	_ =	sfence.sel $0xFFFF  }
0x36: {  	[dreg:$0x0] =	wrdreg $0xFFFFFFFF;
	(pc) =	sbr.abs _section_cstart, $3  }
0x37: {  	[dreg:$0x1] =	wrdreg $0xFFFFFFFF  }
0x38: {  	_ =	task.clear_ibuf [dreg:s6], $0x2FFFF;
	_ =	strace $0x9FFFFFFF  }
0x39: {  	(tm) =	ssettm $0x7FFFFFFF  }
tec
execute0_lowered:
.L_overlay_start_1:
0x0: {  	(tag) =	ssettag $0x1  }
0x1: {  	s0 =	srdreg.scid  }
0x2: {  	s6 =	rddreg [dreg:$0x0];
	s7 =	simm.s32 $0x1;
	s1 =	sshll.u32 s0, $0x4  }
0x3: {  	s8 =	simm.s32 $0x2;
	s0 =	stileid.u32;
	s1 =	sand.u32 $0x10, s1  }
0x4: {  	s13 =	simm.s32 $0x0;
	s12 =	simm.s32 $0x0;
	s1 =	sor.u32 s0, s1  }
0x5: {  	s10 =	simm.s32 $0x0;
	s11 =	simm.s32 $0x0;
	s2 =	sshll.u32 s1, $0x8  }
0x6: {  	s3 =	sadd.s32 $0xA5000, s6;
	s6 =	sadd.s32 $0x246E00, s6;
	s5 =	ssub.s32 $0x20000, s2  }
.Ltmp0:
0x7: {  	s1 =	rddreg [dreg:$0x1];
	s4 =	sand.u32 $0x1F00, s5;
	(pc) =	sbr.rel .LBB1_1-.Ltmp0, $4  }
0x8: {  	_ =	strace $0x80000068;
	s9 =	smov.u32 s2;
	p0 =	sne.s32 s4, $0x0  }
0x9: {  	s5 =	sshrl.u32 s5, $0xD;
	s4 =	simm.s32 $0x1;
	s7 =	simm.s32 @!p0 $0x0  }
0xa: {  	[sflag:s4] =	ssyncpa.u1 $0x0;
	p0 =	por $0x0, $0x0;
	s5 =	sadd.s32 s7, s5  }
0xb: {  	[sflag:s8] =	ssyncpa.u1 $0x0;
	s8 =	simm.s32 $0x80;
	s7 =	sadd.s32 $0x1, s5  }
.LBB1_4:
0xc: {  	_ = 	snop  }
0xd: {  	[tilespmem:s18+$0x1860 ss:$0x41] =	vst.msk $0xffff, v8  }
0xe: {  	[tilespmem:s18+$0x1C70 ss:$0x41] =	vst.msk $0xffff, v7  }
0xf: {  	[tilespmem:s18+$0x2490 ss:$0x41] =	vst.msk $0xffff, v1  }
0x10: {  	s21 =	sor.u32 s24, s23;
	v47 =	vld.idx.msk [tilespmem:v0+s16+$0x470 ss:$0x1], $0xffff;
	[tilespmem:s18+$0x28A0 ss:$0x41] =	vst.msk $0xffff, v2  }
0x11: {  	[tilespmem:s18+$0x2CB0 ss:$0x41] =	vst.msk $0xffff, v3;
	v57 =	vld.idx.msk [tilespmem:v0+s21+$0x410 ss:$0x1], $0xffff  }
0x12: {  	[tilespmem:s18+$0x30C0 ss:$0x41] =	vst.msk $0xffff, v4;
	v58 =	vld.idx.msk [tilespmem:v0+s21+$0x420 ss:$0x1], $0xffff  }
0x13: {  	[tilespmem:s18+$0x34D0 ss:$0x41] =	vst.msk $0xffff, v5;
	v59 =	vld.idx.msk [tilespmem:v0+s21+$0x430 ss:$0x1], $0xffff  }
0x14: {  	s27 =	sshra.s32 s19, $0x2;
	[tilespmem:s18+$0x38E0 ss:$0x41] =	vst.msk $0xffff, v6;
	v60 =	vld.idx.msk [tilespmem:v0+s21+$0x440 ss:$0x1], $0xffff  }
0x15: {  	s22 =	sand.u32 $0x3B00, s21;
	s16 =	sadd.s32 s27, s17;
	v61 =	vld.idx.msk [tilespmem:v0+s21+$0x450 ss:$0x1], $0xffff;
	[tilespmem:s18+$0x3CF0 ss:$0x41] =	vst.msk $0xffff, v47  }
0x16: {  	s20 =	sand.u32 $0x80, s20;
	v62 =	vld.idx.msk [tilespmem:v0+s21+$0x460 ss:$0x1], $0xffff;
	s15 =	sadd.s32 s22, s15;
	[tilespmem:s16+$0x2490 ss:$0x41] =	vst.msk $0xffff, v57  }
0x17: {  	v63 =	vld.idx.msk [tilespmem:v0+s21+$0x470 ss:$0x1], $0xffff;
	s15 =	sadd.s32 s20, s15;
	[tilespmem:s16+$0x28A0 ss:$0x41] =	vst.msk $0xffff, v58  }
0x18: {  	v48 =	vld [tilespmem:s15+$0x400];
	[tilespmem:s16+$0x2CB0 ss:$0x41] =	vst.msk $0xffff, v59  }
0x19: {  	v49 =	vld [tilespmem:s15+$0x0];
	[tilespmem:s16+$0x30C0 ss:$0x41] =	vst.msk $0xffff, v60  }
0x1a: {  	v50 =	vld [tilespmem:s15+$0x10];
	[tilespmem:s16+$0x34D0 ss:$0x41] =	vst.msk $0xffff, v61  }
0x1b: {  	v51 =	vld [tilespmem:s15+$0x20];
	[tilespmem:s16+$0x38E0 ss:$0x41] =	vst.msk $0xffff, v62  }
0x1c: {  	v52 =	vld [tilespmem:s15+$0x30];
	[tilespmem:s16+$0x3CF0 ss:$0x41] =	vst.msk $0xffff, v63  }
0x1d: {  	v53 =	vld [tilespmem:s15+$0x40];
	[tilespmem:s16+$0x2080 ss:$0x41] =	vst.msk $0xffff, v48  }
0x1e: {  	v54 =	vld [tilespmem:s15+$0x50];
	[tilespmem:s16+$0x0 ss:$0x41] =	vst.msk $0xffff, v49  }
0x1f: {  	s13 =	sshll.u32 s13, $0x7;
	s28 =	sshll.u32 s12, $0x3;
	v55 =	vld [tilespmem:s15+$0x60];
	[tilespmem:s16+$0x410 ss:$0x41] =	vst.msk $0xffff, v50  }
0x20: {  	s29 =	sand.u32 $0xFFFC00, s13;
	v56 =	vld [tilespmem:s15+$0x70];
	s15 =	sand.u32 $0xFFFC00, s28;
	[tilespmem:s16+$0x820 ss:$0x41] =	vst.msk $0xffff, v51  }
0x21: {  	s13 =	sand.u32 $0x380, s13;
	s15 =	sadd.s32 s15, s29;
	[tilespmem:s16+$0xC30 ss:$0x41] =	vst.msk $0xffff, v52  }
0x22: {  	s30 =	sshrl.u32 s12, $0x3;
	s13 =	sor.u32 s13, s15;
	[tilespmem:s16+$0x1040 ss:$0x41] =	vst.msk $0xffff, v53  }
0x23: {  	s31 =	sand.u32 $0x7, s12;
	s15 =	sand.u32 $0xF, s30;
	s13 =	sshrl.u32 s13, $0x3;
	[tilespmem:s16+$0x1450 ss:$0x41] =	vst.msk $0xffff, v54  }
0x24: {  	s12 =	sshll.u32 s31, $0x12;
	s15 =	sadd.s32 s6, s15;
	s13 =	sand.u32 $0x1FFFF0, s13;
	[tilespmem:s16+$0x1860 ss:$0x41] =	vst.msk $0xffff, v55  }
0x25: {  	s12 =	sor.u32 $0x40, s12;
	[tilespmem:s16+$0x1C70 ss:$0x41] =	vst.msk $0xffff, v56;
	s13 =	sadd.s32 s13, s15  }
0x26: {  	[hbm4b:s13+s12] =	stream.strided.scatter [tilespmem:s14], [sflag:$0x2], $0x4000, s8, s12, $0x18;
	[tilespmem:$0x10200] =	vst v63  }
.LBB1_5:
0x27: {  	s14 =	sadd.s32 $0x2000, s9  }
0x28: {  	s12 =	sadd.s32 $0x40, s10;
	s16 =	smov.u32 s10;
	p2 =	sgt.s32 s14, $0x1FFFF  }
0x29: {  	s16 =	smov.u32 @p2 s12  }
0x2a: {  	s14 =	smov.u32 @p2 s2;
	p2 =	sgt.s32 s16, $0x3F  }
0x2b: {  	s16 =	simm.s32 @p2 $0x0;
	p2 =	sne.s32 s11, s7  }
.Ltmp1:
0x2c: {  	p1 =	slt.u32 s11, $0x2;
	(pc) =	sbr.rel @!p2 .LBB1_6-.Ltmp1, $4  }
0x2d: {  	s15 =	simm.s32 @!p1 $0x2  }
0x2e: {  	s13 =	smov.u32 s9;
	p0 =	por !p0, !p0;
	_ =	swait.ge @!p1 [sflag:s15], $0x4000  }
0x2f: {  	s12 =	smov.u32 s10;
	[sflag:s15] =	ssyncset.done @!p1 $0x0;
	s9 =	smov.u32 s14  }
0x30: {  	s11 =	sadd.s32 $0x1, s11;
	[sflag:s15] =	ssyncadd.s32 @!p1 $0xFFFFC000;
	s10 =	smov.u32 s16  }
.LBB1_1:
0x31: {  	p1 =	sge.u32 s11, s5;
	s31 =	sadd.s32 $0xFFFFFFFF, s11  }
0x32: {  	s14 =	sand.u32 @!p1 $0x78, s9;
	s15 =	sshll.u32 @!p1 s10, $0x11;
	s16 =	sshll.u32 @!p1 s10, $0x7  }
0x33: {  	s17 =	sshll.u32 @!p1 s9, $0x3;
	s15 =	sand.u32 @!p1 $0x700000, s15;
	s16 =	sand.u32 @!p1 $0x380, s16  }
0x34: {  	s15 =	sadd.s32 @!p1 s15, s17;
	s17 =	sand.u32 @!p1 $0x1FC00, s17;
	s14 =	sor.u32 @!p1 s16, s14  }
0x35: {  	s16 =	sxor.u32 @!p1 $0xFFFFFFFF, s11;
	s15 =	sand.u32 @!p1 $0x7E0000, s15;
	s14 =	sor.u32 @!p1 s17, s14  }
0x36: {  	s16 =	sshll.u32 @!p1 s16, $0xE;
	s14 =	sor.u32 @!p1 s15, s14;
	s15 =	sand.u32 @!p1 $0x7, s9  }
0x37: {  	s17 =	simm.s32 @!p1 $0x100000;
	s14 =	sshrl.u32 @!p1 s14, $0x3;
	s15 =	sshll.u32 @!p1 s15, $0x12  }
0x38: {  	s16 =	sand.u32 @!p1 $0x4000, s16;
	s14 =	sadd.s32 @!p1 s3, s14;
	s15 =	sor.u32 @!p1 $0x800, s15  }
0x39: {  	[tilespmem:s16], [sflag:$0x1] =	stream.strided.gather @!p1 [hbm4b:s14+s15], $0x4000, s17, s15, $0x38;
	[tilespmem:$0x10200] =	vst v63  }
0x3a: {  	p1 =	sge.u32 s31, s5  }
.Ltmp2:
0x3b: {  	_ = 	snop;
	(pc) =	sbr.rel @p1 .LBB1_5-.Ltmp2, $1  }
0x3c: {  	_ =	sdelay $0x3  }
0x3d: {  	s17 =	simm.s32 $0x0  }
0x3e: {  	s16 =	sand.u32 $0x3800, s17;
	s18 =	sand.u32 $0x380, s17  }
0x3f: {  	s14 =	sand.u32 $0x1, s11;
	s16 =	sor.u32 s18, s16  }
0x40: {  	_ =	swait.ge [sflag:s4], $0x4000;
	s15 =	sshll.u32 s14, $0xE;
	s18 =	sand.u32 $0x3B00, s16  }
0x41: {  	[sflag:s4] =	ssyncset.done $0x0;
	s17 =	sand.u32 $0x80, s17;
	s18 =	sadd.s32 s18, s15  }
0x42: {  	[sflag:s4] =	ssyncadd.s32 $0xFFFFC000;
	s20 =	sadd.s32 s17, s18  }
0x43: {  	v4 =	vld [tilespmem:s20+$0x400]  }
0x44: {  	s19 =	simm.s32 $0x1;
	v5 =	vld [tilespmem:s20+$0x0]  }
0x45: {  	s19 =	simm.s32 @!p0 $0x0;
	v6 =	vld [tilespmem:s20+$0x10]  }
0x46: {  	v0 =	vmov s15;
	s31 =	smul.u32 $0x10400, s19;
	v7 =	vld [tilespmem:s20+$0x20]  }
0x47: {  	v9 =	vld [tilespmem:s20+$0x30]  }
0x48: {  	s17 =	sshrl.u32 s31, $0x2;
	v10 =	vld [tilespmem:s20+$0x40]  }
0x49: {  	s17 =	sor.u32 $0x8000, s17;
	v11 =	vld [tilespmem:s20+$0x50]  }
0x4a: {  	v8 =	vld [tilespmem:s20+$0x60];
	s18 =	sadd.s32 $0x0, s17  }
0x4b: {  	v1 =	vld.idx.msk [tilespmem:v0+s16+$0x410 ss:$0x1], $0xffff;
	[tilespmem:s18+$0x2080 ss:$0x41] =	vst.msk $0xffff, v4  }
0x4c: {  	v2 =	vld.idx.msk [tilespmem:v0+s16+$0x420 ss:$0x1], $0xffff;
	[tilespmem:s18+$0x0 ss:$0x41] =	vst.msk $0xffff, v5  }
0x4d: {  	v3 =	vld.idx.msk [tilespmem:v0+s16+$0x430 ss:$0x1], $0xffff;
	[tilespmem:s18+$0x410 ss:$0x41] =	vst.msk $0xffff, v6  }
0x4e: {  	s14 =	smul.u32 $0x10400, s14;
	[tilespmem:s18+$0x820 ss:$0x41] =	vst.msk $0xffff, v7;
	v7 =	vld [tilespmem:s20+$0x70]  }
0x4f: {  	s21 =	simm.s32 $0x100;
	s22 =	simm.s32 $0x8;
	[tilespmem:s18+$0xC30 ss:$0x41] =	vst.msk $0xffff, v9;
	v4 =	vld.idx.msk [tilespmem:v0+s16+$0x440 ss:$0x1], $0xffff  }
0x50: {  	s23 =	sand.u32 $0x3800, s21;
	s14 =	sshrl.u32 s14, $0x2;
	[tilespmem:s18+$0x1040 ss:$0x41] =	vst.msk $0xffff, v10;
	v5 =	vld.idx.msk [tilespmem:v0+s16+$0x450 ss:$0x1], $0xffff;
	s20 =	simm.s32 $0x80  }
0x51: {  	s19 =	simm.s32 $0x4;
	s14 =	sor.u32 $0x8000, s14;
	[tilespmem:s18+$0x1450 ss:$0x41] =	vst.msk $0xffff, v11;
	v6 =	vld.idx.msk [tilespmem:v0+s16+$0x460 ss:$0x1], $0xffff;
	s24 =	sand.u32 $0x380, s20  }
.LBB1_3:
0x52: {  	p1 =	sne.s32 s22, $0xFC;
	[tilespmem:s18+$0x1860 ss:$0x41] =	vst.msk $0xffff, v8;
	v8 =	vld.idx.msk [tilespmem:v0+s16+$0x470 ss:$0x1], $0xffff;
	s16 =	sor.u32 s24, s23  }
0x53: {  	s23 =	sand.u32 $0x3B00, s16;
	v9 =	vld.idx.msk [tilespmem:v0+s16+$0x410 ss:$0x1], $0xffff;
	[tilespmem:s18+$0x1C70 ss:$0x41] =	vst.msk $0xffff, v7  }
0x54: {  	s24 =	sand.u32 $0x80, s20;
	s23 =	sadd.s32 s23, s15;
	v7 =	vld.idx.msk [tilespmem:v0+s16+$0x420 ss:$0x1], $0xffff;
	[tilespmem:s18+$0x2490 ss:$0x41] =	vst.msk $0xffff, v1  }
0x55: {  	s23 =	sadd.s32 s24, s23;
	v10 =	vld.idx.msk [tilespmem:v0+s16+$0x430 ss:$0x1], $0xffff;
	[tilespmem:s18+$0x28A0 ss:$0x41] =	vst.msk $0xffff, v2  }
0x56: {  	v11 =	vld [tilespmem:s23+$0x400];
	[tilespmem:s18+$0x2CB0 ss:$0x41] =	vst.msk $0xffff, v3  }
0x57: {  	v12 =	vld [tilespmem:s23+$0x0];
	[tilespmem:s18+$0x30C0 ss:$0x41] =	vst.msk $0xffff, v4  }
0x58: {  	v4 =	vld [tilespmem:s23+$0x10];
	[tilespmem:s18+$0x34D0 ss:$0x41] =	vst.msk $0xffff, v5  }
0x59: {  	s24 =	sshra.s32 s19, $0x2;
	s19 =	smov.u32 s22;
	v1 =	vmov v9;
	v5 =	vld [tilespmem:s23+$0x20];
	[tilespmem:s18+$0x38E0 ss:$0x41] =	vst.msk $0xffff, v6  }
0x5a: {  	v2 =	vmov v7;
	v6 =	vld [tilespmem:s23+$0x30];
	[tilespmem:s18+$0x3CF0 ss:$0x41] =	vst.msk $0xffff, v8;
	s18 =	sadd.s32 s24, s17  }
0x5b: {  	v3 =	vmov v10;
	v9 =	vld [tilespmem:s23+$0x40];
	[tilespmem:s18+$0x2080 ss:$0x41] =	vst.msk $0xffff, v11  }
0x5c: {  	[tilespmem:s18+$0x0 ss:$0x41] =	vst.msk $0xffff, v12;
	v10 =	vld [tilespmem:s23+$0x50]  }
.Ltmp3:
0x5d: {  	[tilespmem:s18+$0x410 ss:$0x41] =	vst.msk $0xffff, v4;
	v8 =	vld [tilespmem:s23+$0x60];
	(pc) =	sbr.rel @p1 .LBB1_3-.Ltmp3, $4  }
0x5e: {  	[tilespmem:s18+$0x820 ss:$0x41] =	vst.msk $0xffff, v5;
	v7 =	vld [tilespmem:s23+$0x70]  }
0x5f: {  	[tilespmem:s18+$0xC30 ss:$0x41] =	vst.msk $0xffff, v6;
	v4 =	vld.idx.msk [tilespmem:v0+s16+$0x440 ss:$0x1], $0xffff  }
0x60: {  	s20 =	sadd.s32 $0x80, s20;
	s21 =	sadd.s32 $0x100, s21;
	[tilespmem:s18+$0x1040 ss:$0x41] =	vst.msk $0xffff, v9;
	v5 =	vld.idx.msk [tilespmem:v0+s16+$0x450 ss:$0x1], $0xffff  }
0x61: {  	s22 =	sadd.s32 $0x4, s22;
	s24 =	sand.u32 $0x380, s20;
	s23 =	sand.u32 $0x3800, s21;
	[tilespmem:s18+$0x1450 ss:$0x41] =	vst.msk $0xffff, v10;
	v6 =	vld.idx.msk [tilespmem:v0+s16+$0x460 ss:$0x1], $0xffff  }
.Ltmp4:
0x62: {  	_ = 	snop;
	(pc) =	sbr.rel .LBB1_4-.Ltmp4, $1  }
0x63: {  	_ =	sdelay $0x3  }
.LBB1_6:
0x64: {  	_ =	sfence.sel $0x180000  }
0x65: {  	s2 =	simm.s32 $0x1;
	[bflag:$0x0] =	sbarrier.arrive $0xFFFF  }
0x66: {  	s31 =	simm.s32 $0x2;
	[sflag:s2] =	ssyncpa.u1 $0x1  }
0x67: {  	[sflag:s31] =	ssyncpa.u1 $0x1  }
0x68: {  	p0 =	sne.s32 s0, $0x0;
	_ =	strace $0x90000068  }
0x69: {  	s0 =	sadd.s32 @!p0 $0x100000, s1;
	[bflag:$0x2] =	sbarrier.arrive $0xFFFF  }
0x6a: {  	[sflag:s0] =	ssyncadd.tile.s32 @!p0 $0x1;
	_ =	shalt  }
.Lfunc_end1:
_tile_overlayer_lowered:
.L_overlay_start_2:
0x6b: {  	(tag) =	ssettag $0x2  }
0x6c: {  	s0 =	rddreg [dreg:$0x0];
	s2 =	stileid.u32  }
0x6d: {  	s1 =	rddreg [dreg:$0x1];
	p0 =	sne.s32 s2, $0x0  }
0x6e: {  	s3 =	rddreg [dreg:$0x2];
	[bflag:$0x3] =	sbarrier.arrive $0xFFFF;
	s2 =	simm.s32 @!p0 $0x1C01  }
0x6f: {  	[timem:s3], [sflag:s2] =	dma.local @!p0 [hbm:s0], s1  }
0x70: {  	s0 =	simm.s32 @!p0 $0x1  }
0x71: {  	_ =	swait.ge @!p0 [sflag:s0], s1  }
0x72: {  	s1 =	ssub.s32 @!p0 $0x0, s1;
	[sflag:s0] =	ssyncset.done @!p0 $0x0  }
0x73: {  	[sflag:s0] =	ssyncadd.s32 @!p0 s1  }
0x74: {  	[bflag:$0x3] =	sbarrier.arrive $0xFFFF  }
0x75: {  	_ =	shalt  }

// kernel: sparse-core-data-format-call.2.cloned.1.call-start
scs
called_computation.2_lowered:
.L_overlay_start_0:
0x0: {  	s1 =	sld [smem:$0x3FD9]  }
0x1: {  	s2 =	sld [smem:$0x3FFE];
	_ =	sdelay $0x1  }
0x2: {  	s3 =	srdreg.scid  }
0x3: {  	s0 =	sand.u32 $0x1, s3  }
0x4: {  	s17 =	sshll.u32 s0, $0xA;
	s1 =	sadd.s32 s2, s1  }
0x5: {  	s1 =	sadd.s32 s1, s17  }
0x6: {  	[smem:$0x3FB0] =	sst s1  }
0x7: {  	_ = 	snop  }
0x8: {  	(tm) =	ssettm $0x1  }
0x9: {  	s18 =	sld [smem:$0x3FFB];
	_ =	sdelay $0x3  }
0xa: {  	_ =	strace s18  }
0xb: {  	s1 =	sld [smem:$0x3FFC];
	_ =	sdelay $0x3  }
0xc: {  	_ =	strace s1  }
0xd: {  	s1 =	sld [smem:$0x3FFD];
	_ =	sdelay $0x3  }
0xe: {  	_ =	strace s1  }
0xf: {  	_ =	strace $0x8FFFFFFF  }
0x10: {  	s19 =	sld [smem:$0x3FDB];
	_ =	sdelay $0x1  }
0x11: {  	s20 =	simm.s32 $_scs_section_size  }
0x12: {  	s4 =	simm.s32 $_size__tile_overlayer_lowered;
	s5 =	simm.s32 $_tile_overlayer_lowered  }
0x13: {  	s23 =	simm.s32 $0x1BFF;
	s22 =	sshll.u32 s5, $0x1;
	s1 =	sadd.s32 s20, s19  }
0x14: {  	s6 =	simm.s32 $0x0;
	s21 =	sshll.u32 s4, $0x1;
	s4 =	sadd.s32 s22, s1  }
0x15: {  	[timem:s6], [sflag:s23] =	dma.local [hbm:s4], s21  }
0x16: {  	_ =	swait.ge [sflag:s23], s21  }
0x17: {  	s2 =	ssub.s32 $0x0, s21;
	[sflag:s23] =	ssyncset.done $0x0  }
0x18: {  	[sflag:s23] =	ssyncadd.s32 s2;
	_ =	sdelay $0x1  }
0x19: {  	s24 =	simm.s32 $0x1B8B  }
0x1a: {  	_ =	swait.ge [sflag:s24], $0x1  }
0x1b: {  	[sflag:s24] =	ssyncset.done $0x0  }
0x1c: {  	s26 =	simm.s32 $0x1B8E;
	s25 =	sld [smem:$0x3FFE];
	[sflag:s24] =	ssyncadd.s32 $0xFFFFFFFF  }
0x1d: {  	s27 =	simm.s32 $execute0_lowered;
	[smem:$0x3FD2] =	sst s26  }
0x1e: {  	s4 =	sshll.u32 s27, $0x1;
	_ =	strace $0x80000061;
	[dreg:$0x1] =	wrdreg $0xFFFFFFFF  }
0x1f: {  	s28 =	simm.s32 $_size_execute0_lowered;
	s1 =	sadd.s32 s1, s4;
	[dreg:$0x0] =	wrdreg $0x0  }
0x20: {  	s4 =	sshll.u32 s28, $0x1;
	[dreg:$0x2] =	wrdreg s1  }
0x21: {  	[dreg:$0x3] =	wrdreg s4  }
0x22: {  	[dreg:$0x4] =	wrdreg $0xC0  }
0x23: {  	_ =	task [dreg:s6], $0x5FFFF  }
0x24: {  	[dreg:$0x1] =	wrdreg $0xFFFFFFFF  }
0x25: {  	[dreg:$0x0] =	wrdreg $0x60  }
0x26: {  	[dreg:$0x2] =	wrdreg s25  }
0x27: {  	[dreg:$0x3] =	wrdreg $0x9  }
0x28: {  	_ =	task.clear_ibuf [dreg:s6], $0x4FFFF;
	_ =	strace $0x90000061  }
0x29: {  	s29 =	simm.s32 $0x9;
	_ =	strace $0x80000063  }
0x2a: {  	_ =	swait.ge [sflag:s29], $0x1  }
0x2b: {  	[sflag:s29] =	ssyncadd.s32 $0xFFFFFFFF  }
0x2c: {  	_ =	strace $0x90000063  }
0x2d: {  	_ =	sfence  }
0x2e: {  	s30 =	sld [smem:$0x0];
	_ =	sdelay $0x2  }
0x2f: {  	s31 =	sshll.u32 s3, $0xD;
	s3 =	sshrl.u32 s3, $0x2  }
0x30: {  	s2 =	sand.u32 $0x4000, s31;
	s1 =	sadd.s32 s3, s30  }
0x31: {  	s0 =	sor.u32 s2, s0;
	s1 =	sshll.u32 s1, $0x11  }
0x32: {  	s0 =	sor.u32 s1, s0  }
0x33: {  	s0 =	sadd.s32 $0x8F2B, s0  }
0x34: {  	[sflag:s0] =	ssyncadd.remote.s32 $0x1  }
0x35: {  	_ =	sfence.sel $0xFFFF  }
0x36: {  	[dreg:$0x0] =	wrdreg $0xFFFFFFFF;
	(pc) =	sbr.abs _section_cstart, $3  }
0x37: {  	[dreg:$0x1] =	wrdreg $0xFFFFFFFF  }
0x38: {  	_ =	task.clear_ibuf [dreg:s6], $0x2FFFF;
	_ =	strace $0x9FFFFFFF  }
0x39: {  	(tm) =	ssettm $0x7FFFFFFF  }
tec
execute0_lowered:
.L_overlay_start_1:
0x0: {  	(tag) =	ssettag $0x1  }
0x1: {  	s0 =	srdreg.scid  }
0x2: {  	s6 =	rddreg [dreg:$0x0];
	s7 =	simm.s32 $0x1;
	s1 =	sshll.u32 s0, $0x4  }
0x3: {  	s8 =	simm.s32 $0x2;
	s0 =	stileid.u32;
	s1 =	sand.u32 $0x10, s1  }
0x4: {  	s13 =	simm.s32 $0x0;
	s12 =	simm.s32 $0x0;
	s1 =	sor.u32 s0, s1  }
0x5: {  	s10 =	simm.s32 $0x0;
	s11 =	simm.s32 $0x0;
	s2 =	sshll.u32 s1, $0x8  }
0x6: {  	s3 =	sadd.s32 $0x85000, s6;
	s6 =	sadd.s32 $0x246E00, s6;
	s5 =	ssub.s32 $0x20000, s2  }
.Ltmp0:
0x7: {  	s1 =	rddreg [dreg:$0x1];
	s4 =	sand.u32 $0x1F00, s5;
	(pc) =	sbr.rel .LBB1_1-.Ltmp0, $4  }
0x8: {  	_ =	strace $0x80000062;
	s9 =	smov.u32 s2;
	p0 =	sne.s32 s4, $0x0  }
0x9: {  	s5 =	sshrl.u32 s5, $0xD;
	s4 =	simm.s32 $0x1;
	s7 =	simm.s32 @!p0 $0x0  }
0xa: {  	[sflag:s4] =	ssyncpa.u1 $0x0;
	p0 =	por $0x0, $0x0;
	s5 =	sadd.s32 s7, s5  }
0xb: {  	[sflag:s8] =	ssyncpa.u1 $0x0;
	s8 =	simm.s32 $0x80;
	s7 =	sadd.s32 $0x1, s5  }
.LBB1_4:
0xc: {  	_ = 	snop  }
0xd: {  	[tilespmem:s18+$0x1860 ss:$0x41] =	vst.msk $0xffff, v8  }
0xe: {  	[tilespmem:s18+$0x1C70 ss:$0x41] =	vst.msk $0xffff, v7  }
0xf: {  	[tilespmem:s18+$0x2490 ss:$0x41] =	vst.msk $0xffff, v1  }
0x10: {  	s21 =	sor.u32 s24, s23;
	v47 =	vld.idx.msk [tilespmem:v0+s16+$0x470 ss:$0x1], $0xffff;
	[tilespmem:s18+$0x28A0 ss:$0x41] =	vst.msk $0xffff, v2  }
0x11: {  	[tilespmem:s18+$0x2CB0 ss:$0x41] =	vst.msk $0xffff, v3;
	v57 =	vld.idx.msk [tilespmem:v0+s21+$0x410 ss:$0x1], $0xffff  }
0x12: {  	[tilespmem:s18+$0x30C0 ss:$0x41] =	vst.msk $0xffff, v4;
	v58 =	vld.idx.msk [tilespmem:v0+s21+$0x420 ss:$0x1], $0xffff  }
0x13: {  	[tilespmem:s18+$0x34D0 ss:$0x41] =	vst.msk $0xffff, v5;
	v59 =	vld.idx.msk [tilespmem:v0+s21+$0x430 ss:$0x1], $0xffff  }
0x14: {  	s27 =	sshra.s32 s19, $0x2;
	[tilespmem:s18+$0x38E0 ss:$0x41] =	vst.msk $0xffff, v6;
	v60 =	vld.idx.msk [tilespmem:v0+s21+$0x440 ss:$0x1], $0xffff  }
0x15: {  	s22 =	sand.u32 $0x3B00, s21;
	s16 =	sadd.s32 s27, s17;
	v61 =	vld.idx.msk [tilespmem:v0+s21+$0x450 ss:$0x1], $0xffff;
	[tilespmem:s18+$0x3CF0 ss:$0x41] =	vst.msk $0xffff, v47  }
0x16: {  	s20 =	sand.u32 $0x80, s20;
	v62 =	vld.idx.msk [tilespmem:v0+s21+$0x460 ss:$0x1], $0xffff;
	s15 =	sadd.s32 s22, s15;
	[tilespmem:s16+$0x2490 ss:$0x41] =	vst.msk $0xffff, v57  }
0x17: {  	v63 =	vld.idx.msk [tilespmem:v0+s21+$0x470 ss:$0x1], $0xffff;
	s15 =	sadd.s32 s20, s15;
	[tilespmem:s16+$0x28A0 ss:$0x41] =	vst.msk $0xffff, v58  }
0x18: {  	v48 =	vld [tilespmem:s15+$0x400];
	[tilespmem:s16+$0x2CB0 ss:$0x41] =	vst.msk $0xffff, v59  }
0x19: {  	v49 =	vld [tilespmem:s15+$0x0];
	[tilespmem:s16+$0x30C0 ss:$0x41] =	vst.msk $0xffff, v60  }
0x1a: {  	v50 =	vld [tilespmem:s15+$0x10];
	[tilespmem:s16+$0x34D0 ss:$0x41] =	vst.msk $0xffff, v61  }
0x1b: {  	v51 =	vld [tilespmem:s15+$0x20];
	[tilespmem:s16+$0x38E0 ss:$0x41] =	vst.msk $0xffff, v62  }
0x1c: {  	v52 =	vld [tilespmem:s15+$0x30];
	[tilespmem:s16+$0x3CF0 ss:$0x41] =	vst.msk $0xffff, v63  }
0x1d: {  	v53 =	vld [tilespmem:s15+$0x40];
	[tilespmem:s16+$0x2080 ss:$0x41] =	vst.msk $0xffff, v48  }
0x1e: {  	v54 =	vld [tilespmem:s15+$0x50];
	[tilespmem:s16+$0x0 ss:$0x41] =	vst.msk $0xffff, v49  }
0x1f: {  	s13 =	sshll.u32 s13, $0x7;
	s28 =	sshll.u32 s12, $0x3;
	v55 =	vld [tilespmem:s15+$0x60];
	[tilespmem:s16+$0x410 ss:$0x41] =	vst.msk $0xffff, v50  }
0x20: {  	s29 =	sand.u32 $0xFFFC00, s13;
	v56 =	vld [tilespmem:s15+$0x70];
	s15 =	sand.u32 $0xFFFC00, s28;
	[tilespmem:s16+$0x820 ss:$0x41] =	vst.msk $0xffff, v51  }
0x21: {  	s13 =	sand.u32 $0x380, s13;
	s15 =	sadd.s32 s15, s29;
	[tilespmem:s16+$0xC30 ss:$0x41] =	vst.msk $0xffff, v52  }
0x22: {  	s30 =	sshrl.u32 s12, $0x3;
	s13 =	sor.u32 s13, s15;
	[tilespmem:s16+$0x1040 ss:$0x41] =	vst.msk $0xffff, v53  }
0x23: {  	s31 =	sand.u32 $0x7, s12;
	s15 =	sand.u32 $0xF, s30;
	s13 =	sshrl.u32 s13, $0x3;
	[tilespmem:s16+$0x1450 ss:$0x41] =	vst.msk $0xffff, v54  }
0x24: {  	s12 =	sshll.u32 s31, $0x12;
	s15 =	sadd.s32 s6, s15;
	s13 =	sand.u32 $0x1FFFF0, s13;
	[tilespmem:s16+$0x1860 ss:$0x41] =	vst.msk $0xffff, v55  }
0x25: {  	s12 =	sor.u32 $0x40, s12;
	[tilespmem:s16+$0x1C70 ss:$0x41] =	vst.msk $0xffff, v56;
	s13 =	sadd.s32 s13, s15  }
0x26: {  	[hbm4b:s13+s12] =	stream.strided.scatter [tilespmem:s14], [sflag:$0x2], $0x4000, s8, s12, $0x18;
	[tilespmem:$0x10200] =	vst v63  }
.LBB1_5:
0x27: {  	s14 =	sadd.s32 $0x2000, s9  }
0x28: {  	s12 =	sadd.s32 $0x40, s10;
	s16 =	smov.u32 s10;
	p2 =	sgt.s32 s14, $0x1FFFF  }
0x29: {  	s16 =	smov.u32 @p2 s12  }
0x2a: {  	s14 =	smov.u32 @p2 s2;
	p2 =	sgt.s32 s16, $0x3F  }
0x2b: {  	s16 =	simm.s32 @p2 $0x0;
	p2 =	sne.s32 s11, s7  }
.Ltmp1:
0x2c: {  	p1 =	slt.u32 s11, $0x2;
	(pc) =	sbr.rel @!p2 .LBB1_6-.Ltmp1, $4  }
0x2d: {  	s15 =	simm.s32 @!p1 $0x2  }
0x2e: {  	s13 =	smov.u32 s9;
	p0 =	por !p0, !p0;
	_ =	swait.ge @!p1 [sflag:s15], $0x4000  }
0x2f: {  	s12 =	smov.u32 s10;
	[sflag:s15] =	ssyncset.done @!p1 $0x0;
	s9 =	smov.u32 s14  }
0x30: {  	s11 =	sadd.s32 $0x1, s11;
	[sflag:s15] =	ssyncadd.s32 @!p1 $0xFFFFC000;
	s10 =	smov.u32 s16  }
.LBB1_1:
0x31: {  	p1 =	sge.u32 s11, s5;
	s31 =	sadd.s32 $0xFFFFFFFF, s11  }
0x32: {  	s14 =	sand.u32 @!p1 $0x78, s9;
	s15 =	sshll.u32 @!p1 s10, $0x11;
	s16 =	sshll.u32 @!p1 s10, $0x7  }
0x33: {  	s17 =	sshll.u32 @!p1 s9, $0x3;
	s15 =	sand.u32 @!p1 $0x700000, s15;
	s16 =	sand.u32 @!p1 $0x380, s16  }
0x34: {  	s15 =	sadd.s32 @!p1 s15, s17;
	s17 =	sand.u32 @!p1 $0x1FC00, s17;
	s14 =	sor.u32 @!p1 s16, s14  }
0x35: {  	s16 =	sxor.u32 @!p1 $0xFFFFFFFF, s11;
	s15 =	sand.u32 @!p1 $0x7E0000, s15;
	s14 =	sor.u32 @!p1 s17, s14  }
0x36: {  	s16 =	sshll.u32 @!p1 s16, $0xE;
	s14 =	sor.u32 @!p1 s15, s14;
	s15 =	sand.u32 @!p1 $0x7, s9  }
0x37: {  	s17 =	simm.s32 @!p1 $0x100000;
	s14 =	sshrl.u32 @!p1 s14, $0x3;
	s15 =	sshll.u32 @!p1 s15, $0x12  }
0x38: {  	s16 =	sand.u32 @!p1 $0x4000, s16;
	s14 =	sadd.s32 @!p1 s3, s14;
	s15 =	sor.u32 @!p1 $0x800, s15  }
0x39: {  	[tilespmem:s16], [sflag:$0x1] =	stream.strided.gather @!p1 [hbm4b:s14+s15], $0x4000, s17, s15, $0x38;
	[tilespmem:$0x10200] =	vst v63  }
0x3a: {  	p1 =	sge.u32 s31, s5  }
.Ltmp2:
0x3b: {  	_ = 	snop;
	(pc) =	sbr.rel @p1 .LBB1_5-.Ltmp2, $1  }
0x3c: {  	_ =	sdelay $0x3  }
0x3d: {  	s17 =	simm.s32 $0x0  }
0x3e: {  	s16 =	sand.u32 $0x3800, s17;
	s18 =	sand.u32 $0x380, s17  }
0x3f: {  	s14 =	sand.u32 $0x1, s11;
	s16 =	sor.u32 s18, s16  }
0x40: {  	_ =	swait.ge [sflag:s4], $0x4000;
	s15 =	sshll.u32 s14, $0xE;
	s18 =	sand.u32 $0x3B00, s16  }
0x41: {  	[sflag:s4] =	ssyncset.done $0x0;
	s17 =	sand.u32 $0x80, s17;
	s18 =	sadd.s32 s18, s15  }
0x42: {  	[sflag:s4] =	ssyncadd.s32 $0xFFFFC000;
	s20 =	sadd.s32 s17, s18  }
0x43: {  	v4 =	vld [tilespmem:s20+$0x400]  }
0x44: {  	s19 =	simm.s32 $0x1;
	v5 =	vld [tilespmem:s20+$0x0]  }
0x45: {  	s19 =	simm.s32 @!p0 $0x0;
	v6 =	vld [tilespmem:s20+$0x10]  }
0x46: {  	v0 =	vmov s15;
	s31 =	smul.u32 $0x10400, s19;
	v7 =	vld [tilespmem:s20+$0x20]  }
0x47: {  	v9 =	vld [tilespmem:s20+$0x30]  }
0x48: {  	s17 =	sshrl.u32 s31, $0x2;
	v10 =	vld [tilespmem:s20+$0x40]  }
0x49: {  	s17 =	sor.u32 $0x8000, s17;
	v11 =	vld [tilespmem:s20+$0x50]  }
0x4a: {  	v8 =	vld [tilespmem:s20+$0x60];
	s18 =	sadd.s32 $0x0, s17  }
0x4b: {  	v1 =	vld.idx.msk [tilespmem:v0+s16+$0x410 ss:$0x1], $0xffff;
	[tilespmem:s18+$0x2080 ss:$0x41] =	vst.msk $0xffff, v4  }
0x4c: {  	v2 =	vld.idx.msk [tilespmem:v0+s16+$0x420 ss:$0x1], $0xffff;
	[tilespmem:s18+$0x0 ss:$0x41] =	vst.msk $0xffff, v5  }
0x4d: {  	v3 =	vld.idx.msk [tilespmem:v0+s16+$0x430 ss:$0x1], $0xffff;
	[tilespmem:s18+$0x410 ss:$0x41] =	vst.msk $0xffff, v6  }
0x4e: {  	s14 =	smul.u32 $0x10400, s14;
	[tilespmem:s18+$0x820 ss:$0x41] =	vst.msk $0xffff, v7;
	v7 =	vld [tilespmem:s20+$0x70]  }
0x4f: {  	s21 =	simm.s32 $0x100;
	s22 =	simm.s32 $0x8;
	[tilespmem:s18+$0xC30 ss:$0x41] =	vst.msk $0xffff, v9;
	v4 =	vld.idx.msk [tilespmem:v0+s16+$0x440 ss:$0x1], $0xffff  }
0x50: {  	s23 =	sand.u32 $0x3800, s21;
	s14 =	sshrl.u32 s14, $0x2;
	[tilespmem:s18+$0x1040 ss:$0x41] =	vst.msk $0xffff, v10;
	v5 =	vld.idx.msk [tilespmem:v0+s16+$0x450 ss:$0x1], $0xffff;
	s20 =	simm.s32 $0x80  }
0x51: {  	s19 =	simm.s32 $0x4;
	s14 =	sor.u32 $0x8000, s14;
	[tilespmem:s18+$0x1450 ss:$0x41] =	vst.msk $0xffff, v11;
	v6 =	vld.idx.msk [tilespmem:v0+s16+$0x460 ss:$0x1], $0xffff;
	s24 =	sand.u32 $0x380, s20  }
.LBB1_3:
0x52: {  	p1 =	sne.s32 s22, $0xFC;
	[tilespmem:s18+$0x1860 ss:$0x41] =	vst.msk $0xffff, v8;
	v8 =	vld.idx.msk [tilespmem:v0+s16+$0x470 ss:$0x1], $0xffff;
	s16 =	sor.u32 s24, s23  }
0x53: {  	s23 =	sand.u32 $0x3B00, s16;
	v9 =	vld.idx.msk [tilespmem:v0+s16+$0x410 ss:$0x1], $0xffff;
	[tilespmem:s18+$0x1C70 ss:$0x41] =	vst.msk $0xffff, v7  }
0x54: {  	s24 =	sand.u32 $0x80, s20;
	s23 =	sadd.s32 s23, s15;
	v7 =	vld.idx.msk [tilespmem:v0+s16+$0x420 ss:$0x1], $0xffff;
	[tilespmem:s18+$0x2490 ss:$0x41] =	vst.msk $0xffff, v1  }
0x55: {  	s23 =	sadd.s32 s24, s23;
	v10 =	vld.idx.msk [tilespmem:v0+s16+$0x430 ss:$0x1], $0xffff;
	[tilespmem:s18+$0x28A0 ss:$0x41] =	vst.msk $0xffff, v2  }
0x56: {  	v11 =	vld [tilespmem:s23+$0x400];
	[tilespmem:s18+$0x2CB0 ss:$0x41] =	vst.msk $0xffff, v3  }
0x57: {  	v12 =	vld [tilespmem:s23+$0x0];
	[tilespmem:s18+$0x30C0 ss:$0x41] =	vst.msk $0xffff, v4  }
0x58: {  	v4 =	vld [tilespmem:s23+$0x10];
	[tilespmem:s18+$0x34D0 ss:$0x41] =	vst.msk $0xffff, v5  }
0x59: {  	s24 =	sshra.s32 s19, $0x2;
	s19 =	smov.u32 s22;
	v1 =	vmov v9;
	v5 =	vld [tilespmem:s23+$0x20];
	[tilespmem:s18+$0x38E0 ss:$0x41] =	vst.msk $0xffff, v6  }
0x5a: {  	v2 =	vmov v7;
	v6 =	vld [tilespmem:s23+$0x30];
	[tilespmem:s18+$0x3CF0 ss:$0x41] =	vst.msk $0xffff, v8;
	s18 =	sadd.s32 s24, s17  }
0x5b: {  	v3 =	vmov v10;
	v9 =	vld [tilespmem:s23+$0x40];
	[tilespmem:s18+$0x2080 ss:$0x41] =	vst.msk $0xffff, v11  }
0x5c: {  	[tilespmem:s18+$0x0 ss:$0x41] =	vst.msk $0xffff, v12;
	v10 =	vld [tilespmem:s23+$0x50]  }
.Ltmp3:
0x5d: {  	[tilespmem:s18+$0x410 ss:$0x41] =	vst.msk $0xffff, v4;
	v8 =	vld [tilespmem:s23+$0x60];
	(pc) =	sbr.rel @p1 .LBB1_3-.Ltmp3, $4  }
0x5e: {  	[tilespmem:s18+$0x820 ss:$0x41] =	vst.msk $0xffff, v5;
	v7 =	vld [tilespmem:s23+$0x70]  }
0x5f: {  	[tilespmem:s18+$0xC30 ss:$0x41] =	vst.msk $0xffff, v6;
	v4 =	vld.idx.msk [tilespmem:v0+s16+$0x440 ss:$0x1], $0xffff  }
0x60: {  	s20 =	sadd.s32 $0x80, s20;
	s21 =	sadd.s32 $0x100, s21;
	[tilespmem:s18+$0x1040 ss:$0x41] =	vst.msk $0xffff, v9;
	v5 =	vld.idx.msk [tilespmem:v0+s16+$0x450 ss:$0x1], $0xffff  }
0x61: {  	s22 =	sadd.s32 $0x4, s22;
	s24 =	sand.u32 $0x380, s20;
	s23 =	sand.u32 $0x3800, s21;
	[tilespmem:s18+$0x1450 ss:$0x41] =	vst.msk $0xffff, v10;
	v6 =	vld.idx.msk [tilespmem:v0+s16+$0x460 ss:$0x1], $0xffff  }
.Ltmp4:
0x62: {  	_ = 	snop;
	(pc) =	sbr.rel .LBB1_4-.Ltmp4, $1  }
0x63: {  	_ =	sdelay $0x3  }
.LBB1_6:
0x64: {  	_ =	sfence.sel $0x180000  }
0x65: {  	s2 =	simm.s32 $0x1;
	[bflag:$0x0] =	sbarrier.arrive $0xFFFF  }
0x66: {  	s31 =	simm.s32 $0x2;
	[sflag:s2] =	ssyncpa.u1 $0x1  }
0x67: {  	[sflag:s31] =	ssyncpa.u1 $0x1  }
0x68: {  	p0 =	sne.s32 s0, $0x0;
	_ =	strace $0x90000062  }
0x69: {  	s0 =	sadd.s32 @!p0 $0x100000, s1;
	[bflag:$0x2] =	sbarrier.arrive $0xFFFF  }
0x6a: {  	[sflag:s0] =	ssyncadd.tile.s32 @!p0 $0x1;
	_ =	shalt  }
.Lfunc_end1:
_tile_overlayer_lowered:
.L_overlay_start_2:
0x6b: {  	(tag) =	ssettag $0x2  }
0x6c: {  	s0 =	rddreg [dreg:$0x0];
	s2 =	stileid.u32  }
0x6d: {  	s1 =	rddreg [dreg:$0x1];
	p0 =	sne.s32 s2, $0x0  }
0x6e: {  	s3 =	rddreg [dreg:$0x2];
	[bflag:$0x3] =	sbarrier.arrive $0xFFFF;
	s2 =	simm.s32 @!p0 $0x1C01  }
0x6f: {  	[timem:s3], [sflag:s2] =	dma.local @!p0 [hbm:s0], s1  }
0x70: {  	s0 =	simm.s32 @!p0 $0x1  }
0x71: {  	_ =	swait.ge @!p0 [sflag:s0], s1  }
0x72: {  	s1 =	ssub.s32 @!p0 $0x0, s1;
	[sflag:s0] =	ssyncset.done @!p0 $0x0  }
0x73: {  	[sflag:s0] =	ssyncadd.s32 @!p0 s1  }
0x74: {  	[bflag:$0x3] =	sbarrier.arrive $0xFFFF  }
0x75: {  	_ =	shalt  }

// kernel: sparse-core-data-format-call.3.cloned.1.call-start
scs
called_computation.3_lowered:
.L_overlay_start_0:
0x0: {  	s1 =	sld [smem:$0x3FD9]  }
0x1: {  	s2 =	sld [smem:$0x3FFE];
	_ =	sdelay $0x1  }
0x2: {  	s3 =	srdreg.scid  }
0x3: {  	s0 =	sand.u32 $0x1, s3  }
0x4: {  	s17 =	sshll.u32 s0, $0xA;
	s1 =	sadd.s32 s2, s1  }
0x5: {  	s1 =	sadd.s32 s1, s17  }
0x6: {  	[smem:$0x3FB0] =	sst s1  }
0x7: {  	_ = 	snop  }
0x8: {  	(tm) =	ssettm $0x1  }
0x9: {  	s18 =	sld [smem:$0x3FFB];
	_ =	sdelay $0x3  }
0xa: {  	_ =	strace s18  }
0xb: {  	s1 =	sld [smem:$0x3FFC];
	_ =	sdelay $0x3  }
0xc: {  	_ =	strace s1  }
0xd: {  	s1 =	sld [smem:$0x3FFD];
	_ =	sdelay $0x3  }
0xe: {  	_ =	strace s1  }
0xf: {  	_ =	strace $0x8FFFFFFF  }
0x10: {  	s19 =	sld [smem:$0x3FDB];
	_ =	sdelay $0x1  }
0x11: {  	s20 =	simm.s32 $_scs_section_size  }
0x12: {  	s4 =	simm.s32 $_size__tile_overlayer_lowered;
	s5 =	simm.s32 $_tile_overlayer_lowered  }
0x13: {  	s23 =	simm.s32 $0x1BFF;
	s22 =	sshll.u32 s5, $0x1;
	s1 =	sadd.s32 s20, s19  }
0x14: {  	s6 =	simm.s32 $0x0;
	s21 =	sshll.u32 s4, $0x1;
	s4 =	sadd.s32 s22, s1  }
0x15: {  	[timem:s6], [sflag:s23] =	dma.local [hbm:s4], s21  }
0x16: {  	_ =	swait.ge [sflag:s23], s21  }
0x17: {  	s2 =	ssub.s32 $0x0, s21;
	[sflag:s23] =	ssyncset.done $0x0  }
0x18: {  	[sflag:s23] =	ssyncadd.s32 s2;
	_ =	sdelay $0x1  }
0x19: {  	s24 =	simm.s32 $0x1B8B  }
0x1a: {  	_ =	swait.ge [sflag:s24], $0x1  }
0x1b: {  	[sflag:s24] =	ssyncset.done $0x0  }
0x1c: {  	s26 =	simm.s32 $0x1B8E;
	s25 =	sld [smem:$0x3FFE];
	[sflag:s24] =	ssyncadd.s32 $0xFFFFFFFF  }
0x1d: {  	s27 =	simm.s32 $execute0_lowered;
	[smem:$0x3FD2] =	sst s26  }
0x1e: {  	s4 =	sshll.u32 s27, $0x1;
	_ =	strace $0x8000005B;
	[dreg:$0x1] =	wrdreg $0xFFFFFFFF  }
0x1f: {  	s28 =	simm.s32 $_size_execute0_lowered;
	s1 =	sadd.s32 s1, s4;
	[dreg:$0x0] =	wrdreg $0x0  }
0x20: {  	s4 =	sshll.u32 s28, $0x1;
	[dreg:$0x2] =	wrdreg s1  }
0x21: {  	[dreg:$0x3] =	wrdreg s4  }
0x22: {  	[dreg:$0x4] =	wrdreg $0xC0  }
0x23: {  	_ =	task [dreg:s6], $0x5FFFF  }
0x24: {  	[dreg:$0x1] =	wrdreg $0xFFFFFFFF  }
0x25: {  	[dreg:$0x0] =	wrdreg $0x60  }
0x26: {  	[dreg:$0x2] =	wrdreg s25  }
0x27: {  	[dreg:$0x3] =	wrdreg $0x9  }
0x28: {  	_ =	task.clear_ibuf [dreg:s6], $0x4FFFF;
	_ =	strace $0x9000005B  }
0x29: {  	s29 =	simm.s32 $0x9;
	_ =	strace $0x8000005D  }
0x2a: {  	_ =	swait.ge [sflag:s29], $0x1  }
0x2b: {  	[sflag:s29] =	ssyncadd.s32 $0xFFFFFFFF  }
0x2c: {  	_ =	strace $0x9000005D  }
0x2d: {  	_ =	sfence  }
0x2e: {  	s30 =	sld [smem:$0x0];
	_ =	sdelay $0x2  }
0x2f: {  	s31 =	sshll.u32 s3, $0xD;
	s3 =	sshrl.u32 s3, $0x2  }
0x30: {  	s2 =	sand.u32 $0x4000, s31;
	s1 =	sadd.s32 s3, s30  }
0x31: {  	s0 =	sor.u32 s2, s0;
	s1 =	sshll.u32 s1, $0x11  }
0x32: {  	s0 =	sor.u32 s1, s0  }
0x33: {  	s0 =	sadd.s32 $0x8F2B, s0  }
0x34: {  	[sflag:s0] =	ssyncadd.remote.s32 $0x1  }
0x35: {  	_ =	sfence.sel $0xFFFF  }
0x36: {  	[dreg:$0x0] =	wrdreg $0xFFFFFFFF;
	(pc) =	sbr.abs _section_cstart, $3  }
0x37: {  	[dreg:$0x1] =	wrdreg $0xFFFFFFFF  }
0x38: {  	_ =	task.clear_ibuf [dreg:s6], $0x2FFFF;
	_ =	strace $0x9FFFFFFF  }
0x39: {  	(tm) =	ssettm $0x7FFFFFFF  }
tec
execute0_lowered:
.L_overlay_start_1:
0x0: {  	(tag) =	ssettag $0x1  }
0x1: {  	s0 =	srdreg.scid  }
0x2: {  	s6 =	rddreg [dreg:$0x0];
	s7 =	simm.s32 $0x1;
	s1 =	sshll.u32 s0, $0x4  }
0x3: {  	s8 =	simm.s32 $0x2;
	s0 =	stileid.u32;
	s1 =	sand.u32 $0x10, s1  }
0x4: {  	s13 =	simm.s32 $0x0;
	s12 =	simm.s32 $0x0;
	s1 =	sor.u32 s0, s1  }
0x5: {  	s10 =	simm.s32 $0x0;
	s11 =	simm.s32 $0x0;
	s2 =	sshll.u32 s1, $0x8  }
0x6: {  	s3 =	sadd.s32 $0x65000, s6;
	s6 =	sadd.s32 $0x246E00, s6;
	s5 =	ssub.s32 $0x20000, s2  }
.Ltmp0:
0x7: {  	s1 =	rddreg [dreg:$0x1];
	s4 =	sand.u32 $0x1F00, s5;
	(pc) =	sbr.rel .LBB1_1-.Ltmp0, $4  }
0x8: {  	_ =	strace $0x8000005C;
	s9 =	smov.u32 s2;
	p0 =	sne.s32 s4, $0x0  }
0x9: {  	s5 =	sshrl.u32 s5, $0xD;
	s4 =	simm.s32 $0x1;
	s7 =	simm.s32 @!p0 $0x0  }
0xa: {  	[sflag:s4] =	ssyncpa.u1 $0x0;
	p0 =	por $0x0, $0x0;
	s5 =	sadd.s32 s7, s5  }
0xb: {  	[sflag:s8] =	ssyncpa.u1 $0x0;
	s8 =	simm.s32 $0x80;
	s7 =	sadd.s32 $0x1, s5  }
.LBB1_4:
0xc: {  	_ = 	snop  }
0xd: {  	[tilespmem:s18+$0x1860 ss:$0x41] =	vst.msk $0xffff, v8  }
0xe: {  	[tilespmem:s18+$0x1C70 ss:$0x41] =	vst.msk $0xffff, v7  }
0xf: {  	[tilespmem:s18+$0x2490 ss:$0x41] =	vst.msk $0xffff, v1  }
0x10: {  	s21 =	sor.u32 s24, s23;
	v47 =	vld.idx.msk [tilespmem:v0+s16+$0x470 ss:$0x1], $0xffff;
	[tilespmem:s18+$0x28A0 ss:$0x41] =	vst.msk $0xffff, v2  }
0x11: {  	[tilespmem:s18+$0x2CB0 ss:$0x41] =	vst.msk $0xffff, v3;
	v57 =	vld.idx.msk [tilespmem:v0+s21+$0x410 ss:$0x1], $0xffff  }
0x12: {  	[tilespmem:s18+$0x30C0 ss:$0x41] =	vst.msk $0xffff, v4;
	v58 =	vld.idx.msk [tilespmem:v0+s21+$0x420 ss:$0x1], $0xffff  }
0x13: {  	[tilespmem:s18+$0x34D0 ss:$0x41] =	vst.msk $0xffff, v5;
	v59 =	vld.idx.msk [tilespmem:v0+s21+$0x430 ss:$0x1], $0xffff  }
0x14: {  	s27 =	sshra.s32 s19, $0x2;
	[tilespmem:s18+$0x38E0 ss:$0x41] =	vst.msk $0xffff, v6;
	v60 =	vld.idx.msk [tilespmem:v0+s21+$0x440 ss:$0x1], $0xffff  }
0x15: {  	s22 =	sand.u32 $0x3B00, s21;
	s16 =	sadd.s32 s27, s17;
	v61 =	vld.idx.msk [tilespmem:v0+s21+$0x450 ss:$0x1], $0xffff;
	[tilespmem:s18+$0x3CF0 ss:$0x41] =	vst.msk $0xffff, v47  }
0x16: {  	s20 =	sand.u32 $0x80, s20;
	v62 =	vld.idx.msk [tilespmem:v0+s21+$0x460 ss:$0x1], $0xffff;
	s15 =	sadd.s32 s22, s15;
	[tilespmem:s16+$0x2490 ss:$0x41] =	vst.msk $0xffff, v57  }
0x17: {  	v63 =	vld.idx.msk [tilespmem:v0+s21+$0x470 ss:$0x1], $0xffff;
	s15 =	sadd.s32 s20, s15;
	[tilespmem:s16+$0x28A0 ss:$0x41] =	vst.msk $0xffff, v58  }
0x18: {  	v48 =	vld [tilespmem:s15+$0x400];
	[tilespmem:s16+$0x2CB0 ss:$0x41] =	vst.msk $0xffff, v59  }
0x19: {  	v49 =	vld [tilespmem:s15+$0x0];
	[tilespmem:s16+$0x30C0 ss:$0x41] =	vst.msk $0xffff, v60  }
0x1a: {  	v50 =	vld [tilespmem:s15+$0x10];
	[tilespmem:s16+$0x34D0 ss:$0x41] =	vst.msk $0xffff, v61  }
0x1b: {  	v51 =	vld [tilespmem:s15+$0x20];
	[tilespmem:s16+$0x38E0 ss:$0x41] =	vst.msk $0xffff, v62  }
0x1c: {  	v52 =	vld [tilespmem:s15+$0x30];
	[tilespmem:s16+$0x3CF0 ss:$0x41] =	vst.msk $0xffff, v63  }
0x1d: {  	v53 =	vld [tilespmem:s15+$0x40];
	[tilespmem:s16+$0x2080 ss:$0x41] =	vst.msk $0xffff, v48  }
0x1e: {  	v54 =	vld [tilespmem:s15+$0x50];
	[tilespmem:s16+$0x0 ss:$0x41] =	vst.msk $0xffff, v49  }
0x1f: {  	s13 =	sshll.u32 s13, $0x7;
	s28 =	sshll.u32 s12, $0x3;
	v55 =	vld [tilespmem:s15+$0x60];
	[tilespmem:s16+$0x410 ss:$0x41] =	vst.msk $0xffff, v50  }
0x20: {  	s29 =	sand.u32 $0xFFFC00, s13;
	v56 =	vld [tilespmem:s15+$0x70];
	s15 =	sand.u32 $0xFFFC00, s28;
	[tilespmem:s16+$0x820 ss:$0x41] =	vst.msk $0xffff, v51  }
0x21: {  	s13 =	sand.u32 $0x380, s13;
	s15 =	sadd.s32 s15, s29;
	[tilespmem:s16+$0xC30 ss:$0x41] =	vst.msk $0xffff, v52  }
0x22: {  	s30 =	sshrl.u32 s12, $0x3;
	s13 =	sor.u32 s13, s15;
	[tilespmem:s16+$0x1040 ss:$0x41] =	vst.msk $0xffff, v53  }
0x23: {  	s31 =	sand.u32 $0x7, s12;
	s15 =	sand.u32 $0xF, s30;
	s13 =	sshrl.u32 s13, $0x3;
	[tilespmem:s16+$0x1450 ss:$0x41] =	vst.msk $0xffff, v54  }
0x24: {  	s12 =	sshll.u32 s31, $0x12;
	s15 =	sadd.s32 s6, s15;
	s13 =	sand.u32 $0x1FFFF0, s13;
	[tilespmem:s16+$0x1860 ss:$0x41] =	vst.msk $0xffff, v55  }
0x25: {  	s12 =	sor.u32 $0x40, s12;
	[tilespmem:s16+$0x1C70 ss:$0x41] =	vst.msk $0xffff, v56;
	s13 =	sadd.s32 s13, s15  }
0x26: {  	[hbm4b:s13+s12] =	stream.strided.scatter [tilespmem:s14], [sflag:$0x2], $0x4000, s8, s12, $0x18;
	[tilespmem:$0x10200] =	vst v63  }
.LBB1_5:
0x27: {  	s14 =	sadd.s32 $0x2000, s9  }
0x28: {  	s12 =	sadd.s32 $0x40, s10;
	s16 =	smov.u32 s10;
	p2 =	sgt.s32 s14, $0x1FFFF  }
0x29: {  	s16 =	smov.u32 @p2 s12  }
0x2a: {  	s14 =	smov.u32 @p2 s2;
	p2 =	sgt.s32 s16, $0x3F  }
0x2b: {  	s16 =	simm.s32 @p2 $0x0;
	p2 =	sne.s32 s11, s7  }
.Ltmp1:
0x2c: {  	p1 =	slt.u32 s11, $0x2;
	(pc) =	sbr.rel @!p2 .LBB1_6-.Ltmp1, $4  }
0x2d: {  	s15 =	simm.s32 @!p1 $0x2  }
0x2e: {  	s13 =	smov.u32 s9;
	p0 =	por !p0, !p0;
	_ =	swait.ge @!p1 [sflag:s15], $0x4000  }
0x2f: {  	s12 =	smov.u32 s10;
	[sflag:s15] =	ssyncset.done @!p1 $0x0;
	s9 =	smov.u32 s14  }
0x30: {  	s11 =	sadd.s32 $0x1, s11;
	[sflag:s15] =	ssyncadd.s32 @!p1 $0xFFFFC000;
	s10 =	smov.u32 s16  }
.LBB1_1:
0x31: {  	p1 =	sge.u32 s11, s5;
	s31 =	sadd.s32 $0xFFFFFFFF, s11  }
0x32: {  	s14 =	sand.u32 @!p1 $0x78, s9;
	s15 =	sshll.u32 @!p1 s10, $0x11;
	s16 =	sshll.u32 @!p1 s10, $0x7  }
0x33: {  	s17 =	sshll.u32 @!p1 s9, $0x3;
	s15 =	sand.u32 @!p1 $0x700000, s15;
	s16 =	sand.u32 @!p1 $0x380, s16  }
0x34: {  	s15 =	sadd.s32 @!p1 s15, s17;
	s17 =	sand.u32 @!p1 $0x1FC00, s17;
	s14 =	sor.u32 @!p1 s16, s14  }
0x35: {  	s16 =	sxor.u32 @!p1 $0xFFFFFFFF, s11;
	s15 =	sand.u32 @!p1 $0x7E0000, s15;
	s14 =	sor.u32 @!p1 s17, s14  }
0x36: {  	s16 =	sshll.u32 @!p1 s16, $0xE;
	s14 =	sor.u32 @!p1 s15, s14;
	s15 =	sand.u32 @!p1 $0x7, s9  }
0x37: {  	s17 =	simm.s32 @!p1 $0x100000;
	s14 =	sshrl.u32 @!p1 s14, $0x3;
	s15 =	sshll.u32 @!p1 s15, $0x12  }
0x38: {  	s16 =	sand.u32 @!p1 $0x4000, s16;
	s14 =	sadd.s32 @!p1 s3, s14;
	s15 =	sor.u32 @!p1 $0x800, s15  }
0x39: {  	[tilespmem:s16], [sflag:$0x1] =	stream.strided.gather @!p1 [hbm4b:s14+s15], $0x4000, s17, s15, $0x38;
	[tilespmem:$0x10200] =	vst v63  }
0x3a: {  	p1 =	sge.u32 s31, s5  }
.Ltmp2:
0x3b: {  	_ = 	snop;
	(pc) =	sbr.rel @p1 .LBB1_5-.Ltmp2, $1  }
0x3c: {  	_ =	sdelay $0x3  }
0x3d: {  	s17 =	simm.s32 $0x0  }
0x3e: {  	s16 =	sand.u32 $0x3800, s17;
	s18 =	sand.u32 $0x380, s17  }
0x3f: {  	s14 =	sand.u32 $0x1, s11;
	s16 =	sor.u32 s18, s16  }
0x40: {  	_ =	swait.ge [sflag:s4], $0x4000;
	s15 =	sshll.u32 s14, $0xE;
	s18 =	sand.u32 $0x3B00, s16  }
0x41: {  	[sflag:s4] =	ssyncset.done $0x0;
	s17 =	sand.u32 $0x80, s17;
	s18 =	sadd.s32 s18, s15  }
0x42: {  	[sflag:s4] =	ssyncadd.s32 $0xFFFFC000;
	s20 =	sadd.s32 s17, s18  }
0x43: {  	v4 =	vld [tilespmem:s20+$0x400]  }
0x44: {  	s19 =	simm.s32 $0x1;
	v5 =	vld [tilespmem:s20+$0x0]  }
0x45: {  	s19 =	simm.s32 @!p0 $0x0;
	v6 =	vld [tilespmem:s20+$0x10]  }
0x46: {  	v0 =	vmov s15;
	s31 =	smul.u32 $0x10400, s19;
	v7 =	vld [tilespmem:s20+$0x20]  }
0x47: {  	v9 =	vld [tilespmem:s20+$0x30]  }
0x48: {  	s17 =	sshrl.u32 s31, $0x2;
	v10 =	vld [tilespmem:s20+$0x40]  }
0x49: {  	s17 =	sor.u32 $0x8000, s17;
	v11 =	vld [tilespmem:s20+$0x50]  }
0x4a: {  	v8 =	vld [tilespmem:s20+$0x60];
	s18 =	sadd.s32 $0x0, s17  }
0x4b: {  	v1 =	vld.idx.msk [tilespmem:v0+s16+$0x410 ss:$0x1], $0xffff;
	[tilespmem:s18+$0x2080 ss:$0x41] =	vst.msk $0xffff, v4  }
0x4c: {  	v2 =	vld.idx.msk [tilespmem:v0+s16+$0x420 ss:$0x1], $0xffff;
	[tilespmem:s18+$0x0 ss:$0x41] =	vst.msk $0xffff, v5  }
0x4d: {  	v3 =	vld.idx.msk [tilespmem:v0+s16+$0x430 ss:$0x1], $0xffff;
	[tilespmem:s18+$0x410 ss:$0x41] =	vst.msk $0xffff, v6  }
0x4e: {  	s14 =	smul.u32 $0x10400, s14;
	[tilespmem:s18+$0x820 ss:$0x41] =	vst.msk $0xffff, v7;
	v7 =	vld [tilespmem:s20+$0x70]  }
0x4f: {  	s21 =	simm.s32 $0x100;
	s22 =	simm.s32 $0x8;
	[tilespmem:s18+$0xC30 ss:$0x41] =	vst.msk $0xffff, v9;
	v4 =	vld.idx.msk [tilespmem:v0+s16+$0x440 ss:$0x1], $0xffff  }
0x50: {  	s23 =	sand.u32 $0x3800, s21;
	s14 =	sshrl.u32 s14, $0x2;
	[tilespmem:s18+$0x1040 ss:$0x41] =	vst.msk $0xffff, v10;
	v5 =	vld.idx.msk [tilespmem:v0+s16+$0x450 ss:$0x1], $0xffff;
	s20 =	simm.s32 $0x80  }
0x51: {  	s19 =	simm.s32 $0x4;
	s14 =	sor.u32 $0x8000, s14;
	[tilespmem:s18+$0x1450 ss:$0x41] =	vst.msk $0xffff, v11;
	v6 =	vld.idx.msk [tilespmem:v0+s16+$0x460 ss:$0x1], $0xffff;
	s24 =	sand.u32 $0x380, s20  }
.LBB1_3:
0x52: {  	p1 =	sne.s32 s22, $0xFC;
	[tilespmem:s18+$0x1860 ss:$0x41] =	vst.msk $0xffff, v8;
	v8 =	vld.idx.msk [tilespmem:v0+s16+$0x470 ss:$0x1], $0xffff;
	s16 =	sor.u32 s24, s23  }
0x53: {  	s23 =	sand.u32 $0x3B00, s16;
	v9 =	vld.idx.msk [tilespmem:v0+s16+$0x410 ss:$0x1], $0xffff;
	[tilespmem:s18+$0x1C70 ss:$0x41] =	vst.msk $0xffff, v7  }
0x54: {  	s24 =	sand.u32 $0x80, s20;
	s23 =	sadd.s32 s23, s15;
	v7 =	vld.idx.msk [tilespmem:v0+s16+$0x420 ss:$0x1], $0xffff;
	[tilespmem:s18+$0x2490 ss:$0x41] =	vst.msk $0xffff, v1  }
0x55: {  	s23 =	sadd.s32 s24, s23;
	v10 =	vld.idx.msk [tilespmem:v0+s16+$0x430 ss:$0x1], $0xffff;
	[tilespmem:s18+$0x28A0 ss:$0x41] =	vst.msk $0xffff, v2  }
0x56: {  	v11 =	vld [tilespmem:s23+$0x400];
	[tilespmem:s18+$0x2CB0 ss:$0x41] =	vst.msk $0xffff, v3  }
0x57: {  	v12 =	vld [tilespmem:s23+$0x0];
	[tilespmem:s18+$0x30C0 ss:$0x41] =	vst.msk $0xffff, v4  }
0x58: {  	v4 =	vld [tilespmem:s23+$0x10];
	[tilespmem:s18+$0x34D0 ss:$0x41] =	vst.msk $0xffff, v5  }
0x59: {  	s24 =	sshra.s32 s19, $0x2;
	s19 =	smov.u32 s22;
	v1 =	vmov v9;
	v5 =	vld [tilespmem:s23+$0x20];
	[tilespmem:s18+$0x38E0 ss:$0x41] =	vst.msk $0xffff, v6  }
0x5a: {  	v2 =	vmov v7;
	v6 =	vld [tilespmem:s23+$0x30];
	[tilespmem:s18+$0x3CF0 ss:$0x41] =	vst.msk $0xffff, v8;
	s18 =	sadd.s32 s24, s17  }
0x5b: {  	v3 =	vmov v10;
	v9 =	vld [tilespmem:s23+$0x40];
	[tilespmem:s18+$0x2080 ss:$0x41] =	vst.msk $0xffff, v11  }
0x5c: {  	[tilespmem:s18+$0x0 ss:$0x41] =	vst.msk $0xffff, v12;
	v10 =	vld [tilespmem:s23+$0x50]  }
.Ltmp3:
0x5d: {  	[tilespmem:s18+$0x410 ss:$0x41] =	vst.msk $0xffff, v4;
	v8 =	vld [tilespmem:s23+$0x60];
	(pc) =	sbr.rel @p1 .LBB1_3-.Ltmp3, $4  }
0x5e: {  	[tilespmem:s18+$0x820 ss:$0x41] =	vst.msk $0xffff, v5;
	v7 =	vld [tilespmem:s23+$0x70]  }
0x5f: {  	[tilespmem:s18+$0xC30 ss:$0x41] =	vst.msk $0xffff, v6;
	v4 =	vld.idx.msk [tilespmem:v0+s16+$0x440 ss:$0x1], $0xffff  }
0x60: {  	s20 =	sadd.s32 $0x80, s20;
	s21 =	sadd.s32 $0x100, s21;
	[tilespmem:s18+$0x1040 ss:$0x41] =	vst.msk $0xffff, v9;
	v5 =	vld.idx.msk [tilespmem:v0+s16+$0x450 ss:$0x1], $0xffff  }
0x61: {  	s22 =	sadd.s32 $0x4, s22;
	s24 =	sand.u32 $0x380, s20;
	s23 =	sand.u32 $0x3800, s21;
	[tilespmem:s18+$0x1450 ss:$0x41] =	vst.msk $0xffff, v10;
	v6 =	vld.idx.msk [tilespmem:v0+s16+$0x460 ss:$0x1], $0xffff  }
.Ltmp4:
0x62: {  	_ = 	snop;
	(pc) =	sbr.rel .LBB1_4-.Ltmp4, $1  }
0x63: {  	_ =	sdelay $0x3  }
.LBB1_6:
0x64: {  	_ =	sfence.sel $0x180000  }
0x65: {  	s2 =	simm.s32 $0x1;
	[bflag:$0x0] =	sbarrier.arrive $0xFFFF  }
0x66: {  	s31 =	simm.s32 $0x2;
	[sflag:s2] =	ssyncpa.u1 $0x1  }
0x67: {  	[sflag:s31] =	ssyncpa.u1 $0x1  }
0x68: {  	p0 =	sne.s32 s0, $0x0;
	_ =	strace $0x9000005C  }
0x69: {  	s0 =	sadd.s32 @!p0 $0x100000, s1;
	[bflag:$0x2] =	sbarrier.arrive $0xFFFF  }
0x6a: {  	[sflag:s0] =	ssyncadd.tile.s32 @!p0 $0x1;
	_ =	shalt  }
.Lfunc_end1:
_tile_overlayer_lowered:
.L_overlay_start_2:
0x6b: {  	(tag) =	ssettag $0x2  }
0x6c: {  	s0 =	rddreg [dreg:$0x0];
	s2 =	stileid.u32  }
0x6d: {  	s1 =	rddreg [dreg:$0x1];
	p0 =	sne.s32 s2, $0x0  }
0x6e: {  	s3 =	rddreg [dreg:$0x2];
	[bflag:$0x3] =	sbarrier.arrive $0xFFFF;
	s2 =	simm.s32 @!p0 $0x1C01  }
0x6f: {  	[timem:s3], [sflag:s2] =	dma.local @!p0 [hbm:s0], s1  }
0x70: {  	s0 =	simm.s32 @!p0 $0x1  }
0x71: {  	_ =	swait.ge @!p0 [sflag:s0], s1  }
0x72: {  	s1 =	ssub.s32 @!p0 $0x0, s1;
	[sflag:s0] =	ssyncset.done @!p0 $0x0  }
0x73: {  	[sflag:s0] =	ssyncadd.s32 @!p0 s1  }
0x74: {  	[bflag:$0x3] =	sbarrier.arrive $0xFFFF  }
0x75: {  	_ =	shalt  }

// kernel: sparse-core-data-format-call.4.cloned.1.call-start
scs
called_computation.4_lowered:
.L_overlay_start_0:
0x0: {  	s1 =	sld [smem:$0x3FD9]  }
0x1: {  	s2 =	sld [smem:$0x3FFE];
	_ =	sdelay $0x1  }
0x2: {  	s3 =	srdreg.scid  }
0x3: {  	s0 =	sand.u32 $0x1, s3  }
0x4: {  	s17 =	sshll.u32 s0, $0xA;
	s1 =	sadd.s32 s2, s1  }
0x5: {  	s1 =	sadd.s32 s1, s17  }
0x6: {  	[smem:$0x3FB0] =	sst s1  }
0x7: {  	_ = 	snop  }
0x8: {  	(tm) =	ssettm $0x1  }
0x9: {  	s18 =	sld [smem:$0x3FFB];
	_ =	sdelay $0x3  }
0xa: {  	_ =	strace s18  }
0xb: {  	s1 =	sld [smem:$0x3FFC];
	_ =	sdelay $0x3  }
0xc: {  	_ =	strace s1  }
0xd: {  	s1 =	sld [smem:$0x3FFD];
	_ =	sdelay $0x3  }
0xe: {  	_ =	strace s1  }
0xf: {  	_ =	strace $0x8FFFFFFF  }
0x10: {  	s19 =	sld [smem:$0x3FDB];
	_ =	sdelay $0x1  }
0x11: {  	s20 =	simm.s32 $_scs_section_size  }
0x12: {  	s4 =	simm.s32 $_size__tile_overlayer_lowered;
	s5 =	simm.s32 $_tile_overlayer_lowered  }
0x13: {  	s23 =	simm.s32 $0x1BFF;
	s22 =	sshll.u32 s5, $0x1;
	s1 =	sadd.s32 s20, s19  }
0x14: {  	s6 =	simm.s32 $0x0;
	s21 =	sshll.u32 s4, $0x1;
	s4 =	sadd.s32 s22, s1  }
0x15: {  	[timem:s6], [sflag:s23] =	dma.local [hbm:s4], s21  }
0x16: {  	_ =	swait.ge [sflag:s23], s21  }
0x17: {  	s2 =	ssub.s32 $0x0, s21;
	[sflag:s23] =	ssyncset.done $0x0  }
0x18: {  	[sflag:s23] =	ssyncadd.s32 s2;
	_ =	sdelay $0x1  }
0x19: {  	s24 =	simm.s32 $0x1B8B  }
0x1a: {  	_ =	swait.ge [sflag:s24], $0x1  }
0x1b: {  	[sflag:s24] =	ssyncset.done $0x0  }
0x1c: {  	s26 =	simm.s32 $0x1B8E;
	s25 =	sld [smem:$0x3FFE];
	[sflag:s24] =	ssyncadd.s32 $0xFFFFFFFF  }
0x1d: {  	s27 =	simm.s32 $execute0_lowered;
	[smem:$0x3FD2] =	sst s26  }
0x1e: {  	s4 =	sshll.u32 s27, $0x1;
	_ =	strace $0x80000055;
	[dreg:$0x1] =	wrdreg $0xFFFFFFFF  }
0x1f: {  	s28 =	simm.s32 $_size_execute0_lowered;
	s1 =	sadd.s32 s1, s4;
	[dreg:$0x0] =	wrdreg $0x0  }
0x20: {  	s4 =	sshll.u32 s28, $0x1;
	[dreg:$0x2] =	wrdreg s1  }
0x21: {  	[dreg:$0x3] =	wrdreg s4  }
0x22: {  	[dreg:$0x4] =	wrdreg $0xC0  }
0x23: {  	_ =	task [dreg:s6], $0x5FFFF  }
0x24: {  	[dreg:$0x1] =	wrdreg $0xFFFFFFFF  }
0x25: {  	[dreg:$0x0] =	wrdreg $0x60  }
0x26: {  	[dreg:$0x2] =	wrdreg s25  }
0x27: {  	[dreg:$0x3] =	wrdreg $0x9  }
0x28: {  	_ =	task.clear_ibuf [dreg:s6], $0x4FFFF;
	_ =	strace $0x90000055  }
0x29: {  	s29 =	simm.s32 $0x9;
	_ =	strace $0x80000057  }
0x2a: {  	_ =	swait.ge [sflag:s29], $0x1  }
0x2b: {  	[sflag:s29] =	ssyncadd.s32 $0xFFFFFFFF  }
0x2c: {  	_ =	strace $0x90000057  }
0x2d: {  	_ =	sfence  }
0x2e: {  	s30 =	sld [smem:$0x0];
	_ =	sdelay $0x2  }
0x2f: {  	s31 =	sshll.u32 s3, $0xD;
	s3 =	sshrl.u32 s3, $0x2  }
0x30: {  	s2 =	sand.u32 $0x4000, s31;
	s1 =	sadd.s32 s3, s30  }
0x31: {  	s0 =	sor.u32 s2, s0;
	s1 =	sshll.u32 s1, $0x11  }
0x32: {  	s0 =	sor.u32 s1, s0  }
0x33: {  	s0 =	sadd.s32 $0x8F2B, s0  }
0x34: {  	[sflag:s0] =	ssyncadd.remote.s32 $0x1  }
0x35: {  	_ =	sfence.sel $0xFFFF  }
0x36: {  	[dreg:$0x0] =	wrdreg $0xFFFFFFFF;
	(pc) =	sbr.abs _section_cstart, $3  }
0x37: {  	[dreg:$0x1] =	wrdreg $0xFFFFFFFF  }
0x38: {  	_ =	task.clear_ibuf [dreg:s6], $0x2FFFF;
	_ =	strace $0x9FFFFFFF  }
0x39: {  	(tm) =	ssettm $0x7FFFFFFF  }
tec
execute0_lowered:
.L_overlay_start_1:
0x0: {  	(tag) =	ssettag $0x1  }
0x1: {  	s0 =	srdreg.scid  }
0x2: {  	s6 =	rddreg [dreg:$0x0];
	s7 =	simm.s32 $0x1;
	s1 =	sshll.u32 s0, $0x4  }
0x3: {  	s8 =	simm.s32 $0x2;
	s0 =	stileid.u32;
	s1 =	sand.u32 $0x10, s1  }
0x4: {  	s13 =	simm.s32 $0x0;
	s12 =	simm.s32 $0x0;
	s1 =	sor.u32 s0, s1  }
0x5: {  	s10 =	simm.s32 $0x0;
	s11 =	simm.s32 $0x0;
	s2 =	sshll.u32 s1, $0x8  }
0x6: {  	s3 =	sadd.s32 $0x45000, s6;
	s6 =	sadd.s32 $0x246E00, s6;
	s5 =	ssub.s32 $0x20000, s2  }
.Ltmp0:
0x7: {  	s1 =	rddreg [dreg:$0x1];
	s4 =	sand.u32 $0x1F00, s5;
	(pc) =	sbr.rel .LBB1_1-.Ltmp0, $4  }
0x8: {  	_ =	strace $0x80000056;
	s9 =	smov.u32 s2;
	p0 =	sne.s32 s4, $0x0  }
0x9: {  	s5 =	sshrl.u32 s5, $0xD;
	s4 =	simm.s32 $0x1;
	s7 =	simm.s32 @!p0 $0x0  }
0xa: {  	[sflag:s4] =	ssyncpa.u1 $0x0;
	p0 =	por $0x0, $0x0;
	s5 =	sadd.s32 s7, s5  }
0xb: {  	[sflag:s8] =	ssyncpa.u1 $0x0;
	s8 =	simm.s32 $0x80;
	s7 =	sadd.s32 $0x1, s5  }
.LBB1_4:
0xc: {  	_ = 	snop  }
0xd: {  	[tilespmem:s18+$0x1860 ss:$0x41] =	vst.msk $0xffff, v8  }
0xe: {  	[tilespmem:s18+$0x1C70 ss:$0x41] =	vst.msk $0xffff, v7  }
0xf: {  	[tilespmem:s18+$0x2490 ss:$0x41] =	vst.msk $0xffff, v1  }
0x10: {  	s21 =	sor.u32 s24, s23;
	v47 =	vld.idx.msk [tilespmem:v0+s16+$0x470 ss:$0x1], $0xffff;
	[tilespmem:s18+$0x28A0 ss:$0x41] =	vst.msk $0xffff, v2  }
0x11: {  	[tilespmem:s18+$0x2CB0 ss:$0x41] =	vst.msk $0xffff, v3;
	v57 =	vld.idx.msk [tilespmem:v0+s21+$0x410 ss:$0x1], $0xffff  }
0x12: {  	[tilespmem:s18+$0x30C0 ss:$0x41] =	vst.msk $0xffff, v4;
	v58 =	vld.idx.msk [tilespmem:v0+s21+$0x420 ss:$0x1], $0xffff  }
0x13: {  	[tilespmem:s18+$0x34D0 ss:$0x41] =	vst.msk $0xffff, v5;
	v59 =	vld.idx.msk [tilespmem:v0+s21+$0x430 ss:$0x1], $0xffff  }
0x14: {  	s27 =	sshra.s32 s19, $0x2;
	[tilespmem:s18+$0x38E0 ss:$0x41] =	vst.msk $0xffff, v6;
	v60 =	vld.idx.msk [tilespmem:v0+s21+$0x440 ss:$0x1], $0xffff  }
0x15: {  	s22 =	sand.u32 $0x3B00, s21;
	s16 =	sadd.s32 s27, s17;
	v61 =	vld.idx.msk [tilespmem:v0+s21+$0x450 ss:$0x1], $0xffff;
	[tilespmem:s18+$0x3CF0 ss:$0x41] =	vst.msk $0xffff, v47  }
0x16: {  	s20 =	sand.u32 $0x80, s20;
	v62 =	vld.idx.msk [tilespmem:v0+s21+$0x460 ss:$0x1], $0xffff;
	s15 =	sadd.s32 s22, s15;
	[tilespmem:s16+$0x2490 ss:$0x41] =	vst.msk $0xffff, v57  }
0x17: {  	v63 =	vld.idx.msk [tilespmem:v0+s21+$0x470 ss:$0x1], $0xffff;
	s15 =	sadd.s32 s20, s15;
	[tilespmem:s16+$0x28A0 ss:$0x41] =	vst.msk $0xffff, v58  }
0x18: {  	v48 =	vld [tilespmem:s15+$0x400];
	[tilespmem:s16+$0x2CB0 ss:$0x41] =	vst.msk $0xffff, v59  }
0x19: {  	v49 =	vld [tilespmem:s15+$0x0];
	[tilespmem:s16+$0x30C0 ss:$0x41] =	vst.msk $0xffff, v60  }
0x1a: {  	v50 =	vld [tilespmem:s15+$0x10];
	[tilespmem:s16+$0x34D0 ss:$0x41] =	vst.msk $0xffff, v61  }
0x1b: {  	v51 =	vld [tilespmem:s15+$0x20];
	[tilespmem:s16+$0x38E0 ss:$0x41] =	vst.msk $0xffff, v62  }
0x1c: {  	v52 =	vld [tilespmem:s15+$0x30];
	[tilespmem:s16+$0x3CF0 ss:$0x41] =	vst.msk $0xffff, v63  }
0x1d: {  	v53 =	vld [tilespmem:s15+$0x40];
	[tilespmem:s16+$0x2080 ss:$0x41] =	vst.msk $0xffff, v48  }
0x1e: {  	v54 =	vld [tilespmem:s15+$0x50];
	[tilespmem:s16+$0x0 ss:$0x41] =	vst.msk $0xffff, v49  }
0x1f: {  	s13 =	sshll.u32 s13, $0x7;
	s28 =	sshll.u32 s12, $0x3;
	v55 =	vld [tilespmem:s15+$0x60];
	[tilespmem:s16+$0x410 ss:$0x41] =	vst.msk $0xffff, v50  }
0x20: {  	s29 =	sand.u32 $0xFFFC00, s13;
	v56 =	vld [tilespmem:s15+$0x70];
	s15 =	sand.u32 $0xFFFC00, s28;
	[tilespmem:s16+$0x820 ss:$0x41] =	vst.msk $0xffff, v51  }
0x21: {  	s13 =	sand.u32 $0x380, s13;
	s15 =	sadd.s32 s15, s29;
	[tilespmem:s16+$0xC30 ss:$0x41] =	vst.msk $0xffff, v52  }
0x22: {  	s30 =	sshrl.u32 s12, $0x3;
	s13 =	sor.u32 s13, s15;
	[tilespmem:s16+$0x1040 ss:$0x41] =	vst.msk $0xffff, v53  }
0x23: {  	s31 =	sand.u32 $0x7, s12;
	s15 =	sand.u32 $0xF, s30;
	s13 =	sshrl.u32 s13, $0x3;
	[tilespmem:s16+$0x1450 ss:$0x41] =	vst.msk $0xffff, v54  }
0x24: {  	s12 =	sshll.u32 s31, $0x12;
	s15 =	sadd.s32 s6, s15;
	s13 =	sand.u32 $0x1FFFF0, s13;
	[tilespmem:s16+$0x1860 ss:$0x41] =	vst.msk $0xffff, v55  }
0x25: {  	s12 =	sor.u32 $0x40, s12;
	[tilespmem:s16+$0x1C70 ss:$0x41] =	vst.msk $0xffff, v56;
	s13 =	sadd.s32 s13, s15  }
0x26: {  	[hbm4b:s13+s12] =	stream.strided.scatter [tilespmem:s14], [sflag:$0x2], $0x4000, s8, s12, $0x18;
	[tilespmem:$0x10200] =	vst v63  }
.LBB1_5:
0x27: {  	s14 =	sadd.s32 $0x2000, s9  }
0x28: {  	s12 =	sadd.s32 $0x40, s10;
	s16 =	smov.u32 s10;
	p2 =	sgt.s32 s14, $0x1FFFF  }
0x29: {  	s16 =	smov.u32 @p2 s12  }
0x2a: {  	s14 =	smov.u32 @p2 s2;
	p2 =	sgt.s32 s16, $0x3F  }
0x2b: {  	s16 =	simm.s32 @p2 $0x0;
	p2 =	sne.s32 s11, s7  }
.Ltmp1:
0x2c: {  	p1 =	slt.u32 s11, $0x2;
	(pc) =	sbr.rel @!p2 .LBB1_6-.Ltmp1, $4  }
0x2d: {  	s15 =	simm.s32 @!p1 $0x2  }
0x2e: {  	s13 =	smov.u32 s9;
	p0 =	por !p0, !p0;
	_ =	swait.ge @!p1 [sflag:s15], $0x4000  }
0x2f: {  	s12 =	smov.u32 s10;
	[sflag:s15] =	ssyncset.done @!p1 $0x0;
	s9 =	smov.u32 s14  }
0x30: {  	s11 =	sadd.s32 $0x1, s11;
	[sflag:s15] =	ssyncadd.s32 @!p1 $0xFFFFC000;
	s10 =	smov.u32 s16  }
.LBB1_1:
0x31: {  	p1 =	sge.u32 s11, s5;
	s31 =	sadd.s32 $0xFFFFFFFF, s11  }
0x32: {  	s14 =	sand.u32 @!p1 $0x78, s9;
	s15 =	sshll.u32 @!p1 s10, $0x11;
	s16 =	sshll.u32 @!p1 s10, $0x7  }
0x33: {  	s17 =	sshll.u32 @!p1 s9, $0x3;
	s15 =	sand.u32 @!p1 $0x700000, s15;
	s16 =	sand.u32 @!p1 $0x380, s16  }
0x34: {  	s15 =	sadd.s32 @!p1 s15, s17;
	s17 =	sand.u32 @!p1 $0x1FC00, s17;
	s14 =	sor.u32 @!p1 s16, s14  }
0x35: {  	s16 =	sxor.u32 @!p1 $0xFFFFFFFF, s11;
	s15 =	sand.u32 @!p1 $0x7E0000, s15;
	s14 =	sor.u32 @!p1 s17, s14  }
0x36: {  	s16 =	sshll.u32 @!p1 s16, $0xE;
	s14 =	sor.u32 @!p1 s15, s14;
	s15 =	sand.u32 @!p1 $0x7, s9  }
0x37: {  	s17 =	simm.s32 @!p1 $0x100000;
	s14 =	sshrl.u32 @!p1 s14, $0x3;
	s15 =	sshll.u32 @!p1 s15, $0x12  }
0x38: {  	s16 =	sand.u32 @!p1 $0x4000, s16;
	s14 =	sadd.s32 @!p1 s3, s14;
	s15 =	sor.u32 @!p1 $0x800, s15  }
0x39: {  	[tilespmem:s16], [sflag:$0x1] =	stream.strided.gather @!p1 [hbm4b:s14+s15], $0x4000, s17, s15, $0x38;
	[tilespmem:$0x10200] =	vst v63  }
0x3a: {  	p1 =	sge.u32 s31, s5  }
.Ltmp2:
0x3b: {  	_ = 	snop;
	(pc) =	sbr.rel @p1 .LBB1_5-.Ltmp2, $1  }
0x3c: {  	_ =	sdelay $0x3  }
0x3d: {  	s17 =	simm.s32 $0x0  }
0x3e: {  	s16 =	sand.u32 $0x3800, s17;
	s18 =	sand.u32 $0x380, s17  }
0x3f: {  	s14 =	sand.u32 $0x1, s11;
	s16 =	sor.u32 s18, s16  }
0x40: {  	_ =	swait.ge [sflag:s4], $0x4000;
	s15 =	sshll.u32 s14, $0xE;
	s18 =	sand.u32 $0x3B00, s16  }
0x41: {  	[sflag:s4] =	ssyncset.done $0x0;
	s17 =	sand.u32 $0x80, s17;
	s18 =	sadd.s32 s18, s15  }
0x42: {  	[sflag:s4] =	ssyncadd.s32 $0xFFFFC000;
	s20 =	sadd.s32 s17, s18  }
0x43: {  	v4 =	vld [tilespmem:s20+$0x400]  }
0x44: {  	s19 =	simm.s32 $0x1;
	v5 =	vld [tilespmem:s20+$0x0]  }
0x45: {  	s19 =	simm.s32 @!p0 $0x0;
	v6 =	vld [tilespmem:s20+$0x10]  }
0x46: {  	v0 =	vmov s15;
	s31 =	smul.u32 $0x10400, s19;
	v7 =	vld [tilespmem:s20+$0x20]  }
0x47: {  	v9 =	vld [tilespmem:s20+$0x30]  }
0x48: {  	s17 =	sshrl.u32 s31, $0x2;
	v10 =	vld [tilespmem:s20+$0x40]  }
0x49: {  	s17 =	sor.u32 $0x8000, s17;
	v11 =	vld [tilespmem:s20+$0x50]  }
0x4a: {  	v8 =	vld [tilespmem:s20+$0x60];
	s18 =	sadd.s32 $0x0, s17  }
0x4b: {  	v1 =	vld.idx.msk [tilespmem:v0+s16+$0x410 ss:$0x1], $0xffff;
	[tilespmem:s18+$0x2080 ss:$0x41] =	vst.msk $0xffff, v4  }
0x4c: {  	v2 =	vld.idx.msk [tilespmem:v0+s16+$0x420 ss:$0x1], $0xffff;
	[tilespmem:s18+$0x0 ss:$0x41] =	vst.msk $0xffff, v5  }
0x4d: {  	v3 =	vld.idx.msk [tilespmem:v0+s16+$0x430 ss:$0x1], $0xffff;
	[tilespmem:s18+$0x410 ss:$0x41] =	vst.msk $0xffff, v6  }
0x4e: {  	s14 =	smul.u32 $0x10400, s14;
	[tilespmem:s18+$0x820 ss:$0x41] =	vst.msk $0xffff, v7;
	v7 =	vld [tilespmem:s20+$0x70]  }
0x4f: {  	s21 =	simm.s32 $0x100;
	s22 =	simm.s32 $0x8;
	[tilespmem:s18+$0xC30 ss:$0x41] =	vst.msk $0xffff, v9;
	v4 =	vld.idx.msk [tilespmem:v0+s16+$0x440 ss:$0x1], $0xffff  }
0x50: {  	s23 =	sand.u32 $0x3800, s21;
	s14 =	sshrl.u32 s14, $0x2;
	[tilespmem:s18+$0x1040 ss:$0x41] =	vst.msk $0xffff, v10;
	v5 =	vld.idx.msk [tilespmem:v0+s16+$0x450 ss:$0x1], $0xffff;
	s20 =	simm.s32 $0x80  }
0x51: {  	s19 =	simm.s32 $0x4;
	s14 =	sor.u32 $0x8000, s14;
	[tilespmem:s18+$0x1450 ss:$0x41] =	vst.msk $0xffff, v11;
	v6 =	vld.idx.msk [tilespmem:v0+s16+$0x460 ss:$0x1], $0xffff;
	s24 =	sand.u32 $0x380, s20  }
.LBB1_3:
0x52: {  	p1 =	sne.s32 s22, $0xFC;
	[tilespmem:s18+$0x1860 ss:$0x41] =	vst.msk $0xffff, v8;
	v8 =	vld.idx.msk [tilespmem:v0+s16+$0x470 ss:$0x1], $0xffff;
	s16 =	sor.u32 s24, s23  }
0x53: {  	s23 =	sand.u32 $0x3B00, s16;
	v9 =	vld.idx.msk [tilespmem:v0+s16+$0x410 ss:$0x1], $0xffff;
	[tilespmem:s18+$0x1C70 ss:$0x41] =	vst.msk $0xffff, v7  }
0x54: {  	s24 =	sand.u32 $0x80, s20;
	s23 =	sadd.s32 s23, s15;
	v7 =	vld.idx.msk [tilespmem:v0+s16+$0x420 ss:$0x1], $0xffff;
	[tilespmem:s18+$0x2490 ss:$0x41] =	vst.msk $0xffff, v1  }
0x55: {  	s23 =	sadd.s32 s24, s23;
	v10 =	vld.idx.msk [tilespmem:v0+s16+$0x430 ss:$0x1], $0xffff;
	[tilespmem:s18+$0x28A0 ss:$0x41] =	vst.msk $0xffff, v2  }
0x56: {  	v11 =	vld [tilespmem:s23+$0x400];
	[tilespmem:s18+$0x2CB0 ss:$0x41] =	vst.msk $0xffff, v3  }
0x57: {  	v12 =	vld [tilespmem:s23+$0x0];
	[tilespmem:s18+$0x30C0 ss:$0x41] =	vst.msk $0xffff, v4  }
0x58: {  	v4 =	vld [tilespmem:s23+$0x10];
	[tilespmem:s18+$0x34D0 ss:$0x41] =	vst.msk $0xffff, v5  }
0x59: {  	s24 =	sshra.s32 s19, $0x2;
	s19 =	smov.u32 s22;
	v1 =	vmov v9;
	v5 =	vld [tilespmem:s23+$0x20];
	[tilespmem:s18+$0x38E0 ss:$0x41] =	vst.msk $0xffff, v6  }
0x5a: {  	v2 =	vmov v7;
	v6 =	vld [tilespmem:s23+$0x30];
	[tilespmem:s18+$0x3CF0 ss:$0x41] =	vst.msk $0xffff, v8;
	s18 =	sadd.s32 s24, s17  }
0x5b: {  	v3 =	vmov v10;
	v9 =	vld [tilespmem:s23+$0x40];
	[tilespmem:s18+$0x2080 ss:$0x41] =	vst.msk $0xffff, v11  }
0x5c: {  	[tilespmem:s18+$0x0 ss:$0x41] =	vst.msk $0xffff, v12;
	v10 =	vld [tilespmem:s23+$0x50]  }
.Ltmp3:
0x5d: {  	[tilespmem:s18+$0x410 ss:$0x41] =	vst.msk $0xffff, v4;
	v8 =	vld [tilespmem:s23+$0x60];
	(pc) =	sbr.rel @p1 .LBB1_3-.Ltmp3, $4  }
0x5e: {  	[tilespmem:s18+$0x820 ss:$0x41] =	vst.msk $0xffff, v5;
	v7 =	vld [tilespmem:s23+$0x70]  }
0x5f: {  	[tilespmem:s18+$0xC30 ss:$0x41] =	vst.msk $0xffff, v6;
	v4 =	vld.idx.msk [tilespmem:v0+s16+$0x440 ss:$0x1], $0xffff  }
0x60: {  	s20 =	sadd.s32 $0x80, s20;
	s21 =	sadd.s32 $0x100, s21;
	[tilespmem:s18+$0x1040 ss:$0x41] =	vst.msk $0xffff, v9;
	v5 =	vld.idx.msk [tilespmem:v0+s16+$0x450 ss:$0x1], $0xffff  }
0x61: {  	s22 =	sadd.s32 $0x4, s22;
	s24 =	sand.u32 $0x380, s20;
	s23 =	sand.u32 $0x3800, s21;
	[tilespmem:s18+$0x1450 ss:$0x41] =	vst.msk $0xffff, v10;
	v6 =	vld.idx.msk [tilespmem:v0+s16+$0x460 ss:$0x1], $0xffff  }
.Ltmp4:
0x62: {  	_ = 	snop;
	(pc) =	sbr.rel .LBB1_4-.Ltmp4, $1  }
0x63: {  	_ =	sdelay $0x3  }
.LBB1_6:
0x64: {  	_ =	sfence.sel $0x180000  }
0x65: {  	s2 =	simm.s32 $0x1;
	[bflag:$0x0] =	sbarrier.arrive $0xFFFF  }
0x66: {  	s31 =	simm.s32 $0x2;
	[sflag:s2] =	ssyncpa.u1 $0x1  }
0x67: {  	[sflag:s31] =	ssyncpa.u1 $0x1  }
0x68: {  	p0 =	sne.s32 s0, $0x0;
	_ =	strace $0x90000056  }
0x69: {  	s0 =	sadd.s32 @!p0 $0x100000, s1;
	[bflag:$0x2] =	sbarrier.arrive $0xFFFF  }
0x6a: {  	[sflag:s0] =	ssyncadd.tile.s32 @!p0 $0x1;
	_ =	shalt  }
.Lfunc_end1:
_tile_overlayer_lowered:
.L_overlay_start_2:
0x6b: {  	(tag) =	ssettag $0x2  }
0x6c: {  	s0 =	rddreg [dreg:$0x0];
	s2 =	stileid.u32  }
0x6d: {  	s1 =	rddreg [dreg:$0x1];
	p0 =	sne.s32 s2, $0x0  }
0x6e: {  	s3 =	rddreg [dreg:$0x2];
	[bflag:$0x3] =	sbarrier.arrive $0xFFFF;
	s2 =	simm.s32 @!p0 $0x1C01  }
0x6f: {  	[timem:s3], [sflag:s2] =	dma.local @!p0 [hbm:s0], s1  }
0x70: {  	s0 =	simm.s32 @!p0 $0x1  }
0x71: {  	_ =	swait.ge @!p0 [sflag:s0], s1  }
0x72: {  	s1 =	ssub.s32 @!p0 $0x0, s1;
	[sflag:s0] =	ssyncset.done @!p0 $0x0  }
0x73: {  	[sflag:s0] =	ssyncadd.s32 @!p0 s1  }
0x74: {  	[bflag:$0x3] =	sbarrier.arrive $0xFFFF  }
0x75: {  	_ =	shalt  }

// kernel: sparse-core-data-format-call.5.cloned.1.call-start
scs
called_computation.5_lowered:
.L_overlay_start_0:
0x0: {  	s1 =	sld [smem:$0x3FD9]  }
0x1: {  	s2 =	sld [smem:$0x3FFE];
	_ =	sdelay $0x1  }
0x2: {  	s3 =	srdreg.scid  }
0x3: {  	s0 =	sand.u32 $0x1, s3  }
0x4: {  	s17 =	sshll.u32 s0, $0xA;
	s1 =	sadd.s32 s2, s1  }
0x5: {  	s1 =	sadd.s32 s1, s17  }
0x6: {  	[smem:$0x3FB0] =	sst s1  }
0x7: {  	_ = 	snop  }
0x8: {  	(tm) =	ssettm $0x1  }
0x9: {  	s18 =	sld [smem:$0x3FFB];
	_ =	sdelay $0x3  }
0xa: {  	_ =	strace s18  }
0xb: {  	s1 =	sld [smem:$0x3FFC];
	_ =	sdelay $0x3  }
0xc: {  	_ =	strace s1  }
0xd: {  	s1 =	sld [smem:$0x3FFD];
	_ =	sdelay $0x3  }
0xe: {  	_ =	strace s1  }
0xf: {  	_ =	strace $0x8FFFFFFF  }
0x10: {  	s19 =	sld [smem:$0x3FDB];
	_ =	sdelay $0x1  }
0x11: {  	s20 =	simm.s32 $_scs_section_size  }
0x12: {  	s4 =	simm.s32 $_size__tile_overlayer_lowered;
	s5 =	simm.s32 $_tile_overlayer_lowered  }
0x13: {  	s23 =	simm.s32 $0x1BFF;
	s22 =	sshll.u32 s5, $0x1;
	s1 =	sadd.s32 s20, s19  }
0x14: {  	s6 =	simm.s32 $0x0;
	s21 =	sshll.u32 s4, $0x1;
	s4 =	sadd.s32 s22, s1  }
0x15: {  	[timem:s6], [sflag:s23] =	dma.local [hbm:s4], s21  }
0x16: {  	_ =	swait.ge [sflag:s23], s21  }
0x17: {  	s2 =	ssub.s32 $0x0, s21;
	[sflag:s23] =	ssyncset.done $0x0  }
0x18: {  	[sflag:s23] =	ssyncadd.s32 s2;
	_ =	sdelay $0x1  }
0x19: {  	s24 =	simm.s32 $0x1B8B  }
0x1a: {  	_ =	swait.ge [sflag:s24], $0x1  }
0x1b: {  	[sflag:s24] =	ssyncset.done $0x0  }
0x1c: {  	s26 =	simm.s32 $0x1B8E;
	s25 =	sld [smem:$0x3FFE];
	[sflag:s24] =	ssyncadd.s32 $0xFFFFFFFF  }
0x1d: {  	s27 =	simm.s32 $execute0_lowered;
	[smem:$0x3FD2] =	sst s26  }
0x1e: {  	s4 =	sshll.u32 s27, $0x1;
	_ =	strace $0x8000004F;
	[dreg:$0x1] =	wrdreg $0xFFFFFFFF  }
0x1f: {  	s28 =	simm.s32 $_size_execute0_lowered;
	s1 =	sadd.s32 s1, s4;
	[dreg:$0x0] =	wrdreg $0x0  }
0x20: {  	s4 =	sshll.u32 s28, $0x1;
	[dreg:$0x2] =	wrdreg s1  }
0x21: {  	[dreg:$0x3] =	wrdreg s4  }
0x22: {  	[dreg:$0x4] =	wrdreg $0xC0  }
0x23: {  	_ =	task [dreg:s6], $0x5FFFF  }
0x24: {  	[dreg:$0x1] =	wrdreg $0xFFFFFFFF  }
0x25: {  	[dreg:$0x0] =	wrdreg $0x60  }
0x26: {  	[dreg:$0x2] =	wrdreg s25  }
0x27: {  	[dreg:$0x3] =	wrdreg $0x9  }
0x28: {  	_ =	task.clear_ibuf [dreg:s6], $0x4FFFF;
	_ =	strace $0x9000004F  }
0x29: {  	s29 =	simm.s32 $0x9;
	_ =	strace $0x80000051  }
0x2a: {  	_ =	swait.ge [sflag:s29], $0x1  }
0x2b: {  	[sflag:s29] =	ssyncadd.s32 $0xFFFFFFFF  }
0x2c: {  	_ =	strace $0x90000051  }
0x2d: {  	_ =	sfence  }
0x2e: {  	s30 =	sld [smem:$0x0];
	_ =	sdelay $0x2  }
0x2f: {  	s31 =	sshll.u32 s3, $0xD;
	s3 =	sshrl.u32 s3, $0x2  }
0x30: {  	s2 =	sand.u32 $0x4000, s31;
	s1 =	sadd.s32 s3, s30  }
0x31: {  	s0 =	sor.u32 s2, s0;
	s1 =	sshll.u32 s1, $0x11  }
0x32: {  	s0 =	sor.u32 s1, s0  }
0x33: {  	s0 =	sadd.s32 $0x8F2B, s0  }
0x34: {  	[sflag:s0] =	ssyncadd.remote.s32 $0x1  }
0x35: {  	_ =	sfence.sel $0xFFFF  }
0x36: {  	[dreg:$0x0] =	wrdreg $0xFFFFFFFF;
	(pc) =	sbr.abs _section_cstart, $3  }
0x37: {  	[dreg:$0x1] =	wrdreg $0xFFFFFFFF  }
0x38: {  	_ =	task.clear_ibuf [dreg:s6], $0x2FFFF;
	_ =	strace $0x9FFFFFFF  }
0x39: {  	(tm) =	ssettm $0x7FFFFFFF  }
tec
execute0_lowered:
.L_overlay_start_1:
0x0: {  	(tag) =	ssettag $0x1  }
0x1: {  	s0 =	srdreg.scid  }
0x2: {  	s6 =	rddreg [dreg:$0x0];
	s7 =	simm.s32 $0x1;
	s1 =	sshll.u32 s0, $0x4  }
0x3: {  	s8 =	simm.s32 $0x2;
	s0 =	stileid.u32;
	s1 =	sand.u32 $0x10, s1  }
0x4: {  	s13 =	simm.s32 $0x0;
	s12 =	simm.s32 $0x0;
	s1 =	sor.u32 s0, s1  }
0x5: {  	s10 =	simm.s32 $0x0;
	s11 =	simm.s32 $0x0;
	s2 =	sshll.u32 s1, $0x8  }
0x6: {  	s3 =	sadd.s32 $0x25000, s6;
	s6 =	sadd.s32 $0x246E00, s6;
	s5 =	ssub.s32 $0x20000, s2  }
.Ltmp0:
0x7: {  	s1 =	rddreg [dreg:$0x1];
	s4 =	sand.u32 $0x1F00, s5;
	(pc) =	sbr.rel .LBB1_1-.Ltmp0, $4  }
0x8: {  	_ =	strace $0x80000050;
	s9 =	smov.u32 s2;
	p0 =	sne.s32 s4, $0x0  }
0x9: {  	s5 =	sshrl.u32 s5, $0xD;
	s4 =	simm.s32 $0x1;
	s7 =	simm.s32 @!p0 $0x0  }
0xa: {  	[sflag:s4] =	ssyncpa.u1 $0x0;
	p0 =	por $0x0, $0x0;
	s5 =	sadd.s32 s7, s5  }
0xb: {  	[sflag:s8] =	ssyncpa.u1 $0x0;
	s8 =	simm.s32 $0x80;
	s7 =	sadd.s32 $0x1, s5  }
.LBB1_4:
0xc: {  	_ = 	snop  }
0xd: {  	[tilespmem:s18+$0x1860 ss:$0x41] =	vst.msk $0xffff, v8  }
0xe: {  	[tilespmem:s18+$0x1C70 ss:$0x41] =	vst.msk $0xffff, v7  }
0xf: {  	[tilespmem:s18+$0x2490 ss:$0x41] =	vst.msk $0xffff, v1  }
0x10: {  	s21 =	sor.u32 s24, s23;
	v47 =	vld.idx.msk [tilespmem:v0+s16+$0x470 ss:$0x1], $0xffff;
	[tilespmem:s18+$0x28A0 ss:$0x41] =	vst.msk $0xffff, v2  }
0x11: {  	[tilespmem:s18+$0x2CB0 ss:$0x41] =	vst.msk $0xffff, v3;
	v57 =	vld.idx.msk [tilespmem:v0+s21+$0x410 ss:$0x1], $0xffff  }
0x12: {  	[tilespmem:s18+$0x30C0 ss:$0x41] =	vst.msk $0xffff, v4;
	v58 =	vld.idx.msk [tilespmem:v0+s21+$0x420 ss:$0x1], $0xffff  }
0x13: {  	[tilespmem:s18+$0x34D0 ss:$0x41] =	vst.msk $0xffff, v5;
	v59 =	vld.idx.msk [tilespmem:v0+s21+$0x430 ss:$0x1], $0xffff  }
0x14: {  	s27 =	sshra.s32 s19, $0x2;
	[tilespmem:s18+$0x38E0 ss:$0x41] =	vst.msk $0xffff, v6;
	v60 =	vld.idx.msk [tilespmem:v0+s21+$0x440 ss:$0x1], $0xffff  }
0x15: {  	s22 =	sand.u32 $0x3B00, s21;
	s16 =	sadd.s32 s27, s17;
	v61 =	vld.idx.msk [tilespmem:v0+s21+$0x450 ss:$0x1], $0xffff;
	[tilespmem:s18+$0x3CF0 ss:$0x41] =	vst.msk $0xffff, v47  }
0x16: {  	s20 =	sand.u32 $0x80, s20;
	v62 =	vld.idx.msk [tilespmem:v0+s21+$0x460 ss:$0x1], $0xffff;
	s15 =	sadd.s32 s22, s15;
	[tilespmem:s16+$0x2490 ss:$0x41] =	vst.msk $0xffff, v57  }
0x17: {  	v63 =	vld.idx.msk [tilespmem:v0+s21+$0x470 ss:$0x1], $0xffff;
	s15 =	sadd.s32 s20, s15;
	[tilespmem:s16+$0x28A0 ss:$0x41] =	vst.msk $0xffff, v58  }
0x18: {  	v48 =	vld [tilespmem:s15+$0x400];
	[tilespmem:s16+$0x2CB0 ss:$0x41] =	vst.msk $0xffff, v59  }
0x19: {  	v49 =	vld [tilespmem:s15+$0x0];
	[tilespmem:s16+$0x30C0 ss:$0x41] =	vst.msk $0xffff, v60  }
0x1a: {  	v50 =	vld [tilespmem:s15+$0x10];
	[tilespmem:s16+$0x34D0 ss:$0x41] =	vst.msk $0xffff, v61  }
0x1b: {  	v51 =	vld [tilespmem:s15+$0x20];
	[tilespmem:s16+$0x38E0 ss:$0x41] =	vst.msk $0xffff, v62  }
0x1c: {  	v52 =	vld [tilespmem:s15+$0x30];
	[tilespmem:s16+$0x3CF0 ss:$0x41] =	vst.msk $0xffff, v63  }
0x1d: {  	v53 =	vld [tilespmem:s15+$0x40];
	[tilespmem:s16+$0x2080 ss:$0x41] =	vst.msk $0xffff, v48  }
0x1e: {  	v54 =	vld [tilespmem:s15+$0x50];
	[tilespmem:s16+$0x0 ss:$0x41] =	vst.msk $0xffff, v49  }
0x1f: {  	s13 =	sshll.u32 s13, $0x7;
	s28 =	sshll.u32 s12, $0x3;
	v55 =	vld [tilespmem:s15+$0x60];
	[tilespmem:s16+$0x410 ss:$0x41] =	vst.msk $0xffff, v50  }
0x20: {  	s29 =	sand.u32 $0xFFFC00, s13;
	v56 =	vld [tilespmem:s15+$0x70];
	s15 =	sand.u32 $0xFFFC00, s28;
	[tilespmem:s16+$0x820 ss:$0x41] =	vst.msk $0xffff, v51  }
0x21: {  	s13 =	sand.u32 $0x380, s13;
	s15 =	sadd.s32 s15, s29;
	[tilespmem:s16+$0xC30 ss:$0x41] =	vst.msk $0xffff, v52  }
0x22: {  	s30 =	sshrl.u32 s12, $0x3;
	s13 =	sor.u32 s13, s15;
	[tilespmem:s16+$0x1040 ss:$0x41] =	vst.msk $0xffff, v53  }
0x23: {  	s31 =	sand.u32 $0x7, s12;
	s15 =	sand.u32 $0xF, s30;
	s13 =	sshrl.u32 s13, $0x3;
	[tilespmem:s16+$0x1450 ss:$0x41] =	vst.msk $0xffff, v54  }
0x24: {  	s12 =	sshll.u32 s31, $0x12;
	s15 =	sadd.s32 s6, s15;
	s13 =	sand.u32 $0x1FFFF0, s13;
	[tilespmem:s16+$0x1860 ss:$0x41] =	vst.msk $0xffff, v55  }
0x25: {  	s12 =	sor.u32 $0x40, s12;
	[tilespmem:s16+$0x1C70 ss:$0x41] =	vst.msk $0xffff, v56;
	s13 =	sadd.s32 s13, s15  }
0x26: {  	[hbm4b:s13+s12] =	stream.strided.scatter [tilespmem:s14], [sflag:$0x2], $0x4000, s8, s12, $0x18;
	[tilespmem:$0x10200] =	vst v63  }
.LBB1_5:
0x27: {  	s14 =	sadd.s32 $0x2000, s9  }
0x28: {  	s12 =	sadd.s32 $0x40, s10;
	s16 =	smov.u32 s10;
	p2 =	sgt.s32 s14, $0x1FFFF  }
0x29: {  	s16 =	smov.u32 @p2 s12  }
0x2a: {  	s14 =	smov.u32 @p2 s2;
	p2 =	sgt.s32 s16, $0x3F  }
0x2b: {  	s16 =	simm.s32 @p2 $0x0;
	p2 =	sne.s32 s11, s7  }
.Ltmp1:
0x2c: {  	p1 =	slt.u32 s11, $0x2;
	(pc) =	sbr.rel @!p2 .LBB1_6-.Ltmp1, $4  }
0x2d: {  	s15 =	simm.s32 @!p1 $0x2  }
0x2e: {  	s13 =	smov.u32 s9;
	p0 =	por !p0, !p0;
	_ =	swait.ge @!p1 [sflag:s15], $0x4000  }
0x2f: {  	s12 =	smov.u32 s10;
	[sflag:s15] =	ssyncset.done @!p1 $0x0;
	s9 =	smov.u32 s14  }
0x30: {  	s11 =	sadd.s32 $0x1, s11;
	[sflag:s15] =	ssyncadd.s32 @!p1 $0xFFFFC000;
	s10 =	smov.u32 s16  }
.LBB1_1:
0x31: {  	p1 =	sge.u32 s11, s5;
	s31 =	sadd.s32 $0xFFFFFFFF, s11  }
0x32: {  	s14 =	sand.u32 @!p1 $0x78, s9;
	s15 =	sshll.u32 @!p1 s10, $0x11;
	s16 =	sshll.u32 @!p1 s10, $0x7  }
0x33: {  	s17 =	sshll.u32 @!p1 s9, $0x3;
	s15 =	sand.u32 @!p1 $0x700000, s15;
	s16 =	sand.u32 @!p1 $0x380, s16  }
0x34: {  	s15 =	sadd.s32 @!p1 s15, s17;
	s17 =	sand.u32 @!p1 $0x1FC00, s17;
	s14 =	sor.u32 @!p1 s16, s14  }
0x35: {  	s16 =	sxor.u32 @!p1 $0xFFFFFFFF, s11;
	s15 =	sand.u32 @!p1 $0x7E0000, s15;
	s14 =	sor.u32 @!p1 s17, s14  }
0x36: {  	s16 =	sshll.u32 @!p1 s16, $0xE;
	s14 =	sor.u32 @!p1 s15, s14;
	s15 =	sand.u32 @!p1 $0x7, s9  }
0x37: {  	s17 =	simm.s32 @!p1 $0x100000;
	s14 =	sshrl.u32 @!p1 s14, $0x3;
	s15 =	sshll.u32 @!p1 s15, $0x12  }
0x38: {  	s16 =	sand.u32 @!p1 $0x4000, s16;
	s14 =	sadd.s32 @!p1 s3, s14;
	s15 =	sor.u32 @!p1 $0x800, s15  }
0x39: {  	[tilespmem:s16], [sflag:$0x1] =	stream.strided.gather @!p1 [hbm4b:s14+s15], $0x4000, s17, s15, $0x38;
	[tilespmem:$0x10200] =	vst v63  }
0x3a: {  	p1 =	sge.u32 s31, s5  }
.Ltmp2:
0x3b: {  	_ = 	snop;
	(pc) =	sbr.rel @p1 .LBB1_5-.Ltmp2, $1  }
0x3c: {  	_ =	sdelay $0x3  }
0x3d: {  	s17 =	simm.s32 $0x0  }
0x3e: {  	s16 =	sand.u32 $0x3800, s17;
	s18 =	sand.u32 $0x380, s17  }
0x3f: {  	s14 =	sand.u32 $0x1, s11;
	s16 =	sor.u32 s18, s16  }
0x40: {  	_ =	swait.ge [sflag:s4], $0x4000;
	s15 =	sshll.u32 s14, $0xE;
	s18 =	sand.u32 $0x3B00, s16  }
0x41: {  	[sflag:s4] =	ssyncset.done $0x0;
	s17 =	sand.u32 $0x80, s17;
	s18 =	sadd.s32 s18, s15  }
0x42: {  	[sflag:s4] =	ssyncadd.s32 $0xFFFFC000;
	s20 =	sadd.s32 s17, s18  }
0x43: {  	v4 =	vld [tilespmem:s20+$0x400]  }
0x44: {  	s19 =	simm.s32 $0x1;
	v5 =	vld [tilespmem:s20+$0x0]  }
0x45: {  	s19 =	simm.s32 @!p0 $0x0;
	v6 =	vld [tilespmem:s20+$0x10]  }
0x46: {  	v0 =	vmov s15;
	s31 =	smul.u32 $0x10400, s19;
	v7 =	vld [tilespmem:s20+$0x20]  }
0x47: {  	v9 =	vld [tilespmem:s20+$0x30]  }
0x48: {  	s17 =	sshrl.u32 s31, $0x2;
	v10 =	vld [tilespmem:s20+$0x40]  }
0x49: {  	s17 =	sor.u32 $0x8000, s17;
	v11 =	vld [tilespmem:s20+$0x50]  }
0x4a: {  	v8 =	vld [tilespmem:s20+$0x60];
	s18 =	sadd.s32 $0x0, s17  }
0x4b: {  	v1 =	vld.idx.msk [tilespmem:v0+s16+$0x410 ss:$0x1], $0xffff;
	[tilespmem:s18+$0x2080 ss:$0x41] =	vst.msk $0xffff, v4  }
0x4c: {  	v2 =	vld.idx.msk [tilespmem:v0+s16+$0x420 ss:$0x1], $0xffff;
	[tilespmem:s18+$0x0 ss:$0x41] =	vst.msk $0xffff, v5  }
0x4d: {  	v3 =	vld.idx.msk [tilespmem:v0+s16+$0x430 ss:$0x1], $0xffff;
	[tilespmem:s18+$0x410 ss:$0x41] =	vst.msk $0xffff, v6  }
0x4e: {  	s14 =	smul.u32 $0x10400, s14;
	[tilespmem:s18+$0x820 ss:$0x41] =	vst.msk $0xffff, v7;
	v7 =	vld [tilespmem:s20+$0x70]  }
0x4f: {  	s21 =	simm.s32 $0x100;
	s22 =	simm.s32 $0x8;
	[tilespmem:s18+$0xC30 ss:$0x41] =	vst.msk $0xffff, v9;
	v4 =	vld.idx.msk [tilespmem:v0+s16+$0x440 ss:$0x1], $0xffff  }
0x50: {  	s23 =	sand.u32 $0x3800, s21;
	s14 =	sshrl.u32 s14, $0x2;
	[tilespmem:s18+$0x1040 ss:$0x41] =	vst.msk $0xffff, v10;
	v5 =	vld.idx.msk [tilespmem:v0+s16+$0x450 ss:$0x1], $0xffff;
	s20 =	simm.s32 $0x80  }
0x51: {  	s19 =	simm.s32 $0x4;
	s14 =	sor.u32 $0x8000, s14;
	[tilespmem:s18+$0x1450 ss:$0x41] =	vst.msk $0xffff, v11;
	v6 =	vld.idx.msk [tilespmem:v0+s16+$0x460 ss:$0x1], $0xffff;
	s24 =	sand.u32 $0x380, s20  }
.LBB1_3:
0x52: {  	p1 =	sne.s32 s22, $0xFC;
	[tilespmem:s18+$0x1860 ss:$0x41] =	vst.msk $0xffff, v8;
	v8 =	vld.idx.msk [tilespmem:v0+s16+$0x470 ss:$0x1], $0xffff;
	s16 =	sor.u32 s24, s23  }
0x53: {  	s23 =	sand.u32 $0x3B00, s16;
	v9 =	vld.idx.msk [tilespmem:v0+s16+$0x410 ss:$0x1], $0xffff;
	[tilespmem:s18+$0x1C70 ss:$0x41] =	vst.msk $0xffff, v7  }
0x54: {  	s24 =	sand.u32 $0x80, s20;
	s23 =	sadd.s32 s23, s15;
	v7 =	vld.idx.msk [tilespmem:v0+s16+$0x420 ss:$0x1], $0xffff;
	[tilespmem:s18+$0x2490 ss:$0x41] =	vst.msk $0xffff, v1  }
0x55: {  	s23 =	sadd.s32 s24, s23;
	v10 =	vld.idx.msk [tilespmem:v0+s16+$0x430 ss:$0x1], $0xffff;
	[tilespmem:s18+$0x28A0 ss:$0x41] =	vst.msk $0xffff, v2  }
0x56: {  	v11 =	vld [tilespmem:s23+$0x400];
	[tilespmem:s18+$0x2CB0 ss:$0x41] =	vst.msk $0xffff, v3  }
0x57: {  	v12 =	vld [tilespmem:s23+$0x0];
	[tilespmem:s18+$0x30C0 ss:$0x41] =	vst.msk $0xffff, v4  }
0x58: {  	v4 =	vld [tilespmem:s23+$0x10];
	[tilespmem:s18+$0x34D0 ss:$0x41] =	vst.msk $0xffff, v5  }
0x59: {  	s24 =	sshra.s32 s19, $0x2;
	s19 =	smov.u32 s22;
	v1 =	vmov v9;
	v5 =	vld [tilespmem:s23+$0x20];
	[tilespmem:s18+$0x38E0 ss:$0x41] =	vst.msk $0xffff, v6  }
0x5a: {  	v2 =	vmov v7;
	v6 =	vld [tilespmem:s23+$0x30];
	[tilespmem:s18+$0x3CF0 ss:$0x41] =	vst.msk $0xffff, v8;
	s18 =	sadd.s32 s24, s17  }
0x5b: {  	v3 =	vmov v10;
	v9 =	vld [tilespmem:s23+$0x40];
	[tilespmem:s18+$0x2080 ss:$0x41] =	vst.msk $0xffff, v11  }
0x5c: {  	[tilespmem:s18+$0x0 ss:$0x41] =	vst.msk $0xffff, v12;
	v10 =	vld [tilespmem:s23+$0x50]  }
.Ltmp3:
0x5d: {  	[tilespmem:s18+$0x410 ss:$0x41] =	vst.msk $0xffff, v4;
	v8 =	vld [tilespmem:s23+$0x60];
	(pc) =	sbr.rel @p1 .LBB1_3-.Ltmp3, $4  }
0x5e: {  	[tilespmem:s18+$0x820 ss:$0x41] =	vst.msk $0xffff, v5;
	v7 =	vld [tilespmem:s23+$0x70]  }
0x5f: {  	[tilespmem:s18+$0xC30 ss:$0x41] =	vst.msk $0xffff, v6;
	v4 =	vld.idx.msk [tilespmem:v0+s16+$0x440 ss:$0x1], $0xffff  }
0x60: {  	s20 =	sadd.s32 $0x80, s20;
	s21 =	sadd.s32 $0x100, s21;
	[tilespmem:s18+$0x1040 ss:$0x41] =	vst.msk $0xffff, v9;
	v5 =	vld.idx.msk [tilespmem:v0+s16+$0x450 ss:$0x1], $0xffff  }
0x61: {  	s22 =	sadd.s32 $0x4, s22;
	s24 =	sand.u32 $0x380, s20;
	s23 =	sand.u32 $0x3800, s21;
	[tilespmem:s18+$0x1450 ss:$0x41] =	vst.msk $0xffff, v10;
	v6 =	vld.idx.msk [tilespmem:v0+s16+$0x460 ss:$0x1], $0xffff  }
.Ltmp4:
0x62: {  	_ = 	snop;
	(pc) =	sbr.rel .LBB1_4-.Ltmp4, $1  }
0x63: {  	_ =	sdelay $0x3  }
.LBB1_6:
0x64: {  	_ =	sfence.sel $0x180000  }
0x65: {  	s2 =	simm.s32 $0x1;
	[bflag:$0x0] =	sbarrier.arrive $0xFFFF  }
0x66: {  	s31 =	simm.s32 $0x2;
	[sflag:s2] =	ssyncpa.u1 $0x1  }
0x67: {  	[sflag:s31] =	ssyncpa.u1 $0x1  }
0x68: {  	p0 =	sne.s32 s0, $0x0;
	_ =	strace $0x90000050  }
0x69: {  	s0 =	sadd.s32 @!p0 $0x100000, s1;
	[bflag:$0x2] =	sbarrier.arrive $0xFFFF  }
0x6a: {  	[sflag:s0] =	ssyncadd.tile.s32 @!p0 $0x1;
	_ =	shalt  }
.Lfunc_end1:
_tile_overlayer_lowered:
.L_overlay_start_2:
0x6b: {  	(tag) =	ssettag $0x2  }
0x6c: {  	s0 =	rddreg [dreg:$0x0];
	s2 =	stileid.u32  }
0x6d: {  	s1 =	rddreg [dreg:$0x1];
	p0 =	sne.s32 s2, $0x0  }
0x6e: {  	s3 =	rddreg [dreg:$0x2];
	[bflag:$0x3] =	sbarrier.arrive $0xFFFF;
	s2 =	simm.s32 @!p0 $0x1C01  }
0x6f: {  	[timem:s3], [sflag:s2] =	dma.local @!p0 [hbm:s0], s1  }
0x70: {  	s0 =	simm.s32 @!p0 $0x1  }
0x71: {  	_ =	swait.ge @!p0 [sflag:s0], s1  }
0x72: {  	s1 =	ssub.s32 @!p0 $0x0, s1;
	[sflag:s0] =	ssyncset.done @!p0 $0x0  }
0x73: {  	[sflag:s0] =	ssyncadd.s32 @!p0 s1  }
0x74: {  	[bflag:$0x3] =	sbarrier.arrive $0xFFFF  }
0x75: {  	_ =	shalt  }

// kernel: sparse-core-data-format-call.6.cloned.1.call-start
scs
called_computation.6_lowered:
.L_overlay_start_0:
0x0: {  	s1 =	sld [smem:$0x3FD9]  }
0x1: {  	s2 =	sld [smem:$0x3FFE];
	_ =	sdelay $0x1  }
0x2: {  	s3 =	srdreg.scid  }
0x3: {  	s0 =	sand.u32 $0x1, s3  }
0x4: {  	s17 =	sshll.u32 s0, $0xA;
	s1 =	sadd.s32 s2, s1  }
0x5: {  	s1 =	sadd.s32 s1, s17  }
0x6: {  	[smem:$0x3FB0] =	sst s1  }
0x7: {  	_ = 	snop  }
0x8: {  	(tm) =	ssettm $0x1  }
0x9: {  	s18 =	sld [smem:$0x3FFB];
	_ =	sdelay $0x3  }
0xa: {  	_ =	strace s18  }
0xb: {  	s1 =	sld [smem:$0x3FFC];
	_ =	sdelay $0x3  }
0xc: {  	_ =	strace s1  }
0xd: {  	s1 =	sld [smem:$0x3FFD];
	_ =	sdelay $0x3  }
0xe: {  	_ =	strace s1  }
0xf: {  	_ =	strace $0x8FFFFFFF  }
0x10: {  	s19 =	sld [smem:$0x3FDB];
	_ =	sdelay $0x1  }
0x11: {  	s20 =	simm.s32 $_scs_section_size  }
0x12: {  	s4 =	simm.s32 $_size__tile_overlayer_lowered;
	s5 =	simm.s32 $_tile_overlayer_lowered  }
0x13: {  	s23 =	simm.s32 $0x1BFF;
	s22 =	sshll.u32 s5, $0x1;
	s1 =	sadd.s32 s20, s19  }
0x14: {  	s6 =	simm.s32 $0x0;
	s21 =	sshll.u32 s4, $0x1;
	s4 =	sadd.s32 s22, s1  }
0x15: {  	[timem:s6], [sflag:s23] =	dma.local [hbm:s4], s21  }
0x16: {  	_ =	swait.ge [sflag:s23], s21  }
0x17: {  	s2 =	ssub.s32 $0x0, s21;
	[sflag:s23] =	ssyncset.done $0x0  }
0x18: {  	[sflag:s23] =	ssyncadd.s32 s2;
	_ =	sdelay $0x1  }
0x19: {  	s24 =	simm.s32 $0x1B8B  }
0x1a: {  	_ =	swait.ge [sflag:s24], $0x1  }
0x1b: {  	[sflag:s24] =	ssyncset.done $0x0  }
0x1c: {  	s26 =	simm.s32 $0x1B8E;
	s25 =	sld [smem:$0x3FFE];
	[sflag:s24] =	ssyncadd.s32 $0xFFFFFFFF  }
0x1d: {  	s27 =	simm.s32 $execute0_lowered;
	[smem:$0x3FD2] =	sst s26  }
0x1e: {  	s4 =	sshll.u32 s27, $0x1;
	_ =	strace $0x80000049;
	[dreg:$0x1] =	wrdreg $0xFFFFFFFF  }
0x1f: {  	s28 =	simm.s32 $_size_execute0_lowered;
	s1 =	sadd.s32 s1, s4;
	[dreg:$0x0] =	wrdreg $0x0  }
0x20: {  	s4 =	sshll.u32 s28, $0x1;
	[dreg:$0x2] =	wrdreg s1  }
0x21: {  	[dreg:$0x3] =	wrdreg s4  }
0x22: {  	[dreg:$0x4] =	wrdreg $0xC0  }
0x23: {  	_ =	task [dreg:s6], $0x5FFFF  }
0x24: {  	[dreg:$0x1] =	wrdreg $0xFFFFFFFF  }
0x25: {  	[dreg:$0x0] =	wrdreg $0x60  }
0x26: {  	[dreg:$0x2] =	wrdreg s25  }
0x27: {  	[dreg:$0x3] =	wrdreg $0x9  }
0x28: {  	_ =	task.clear_ibuf [dreg:s6], $0x4FFFF;
	_ =	strace $0x90000049  }
0x29: {  	s29 =	simm.s32 $0x9;
	_ =	strace $0x8000004B  }
0x2a: {  	_ =	swait.ge [sflag:s29], $0x1  }
0x2b: {  	[sflag:s29] =	ssyncadd.s32 $0xFFFFFFFF  }
0x2c: {  	_ =	strace $0x9000004B  }
0x2d: {  	_ =	sfence  }
0x2e: {  	s30 =	sld [smem:$0x0];
	_ =	sdelay $0x2  }
0x2f: {  	s31 =	sshll.u32 s3, $0xD;
	s3 =	sshrl.u32 s3, $0x2  }
0x30: {  	s2 =	sand.u32 $0x4000, s31;
	s1 =	sadd.s32 s3, s30  }
0x31: {  	s0 =	sor.u32 s2, s0;
	s1 =	sshll.u32 s1, $0x11  }
0x32: {  	s0 =	sor.u32 s1, s0  }
0x33: {  	s0 =	sadd.s32 $0x8F2B, s0  }
0x34: {  	[sflag:s0] =	ssyncadd.remote.s32 $0x1  }
0x35: {  	_ =	sfence.sel $0xFFFF  }
0x36: {  	[dreg:$0x0] =	wrdreg $0xFFFFFFFF;
	(pc) =	sbr.abs _section_cstart, $3  }
0x37: {  	[dreg:$0x1] =	wrdreg $0xFFFFFFFF  }
0x38: {  	_ =	task.clear_ibuf [dreg:s6], $0x2FFFF;
	_ =	strace $0x9FFFFFFF  }
0x39: {  	(tm) =	ssettm $0x7FFFFFFF  }
tec
execute0_lowered:
.L_overlay_start_1:
0x0: {  	(tag) =	ssettag $0x1  }
0x1: {  	s0 =	srdreg.scid  }
0x2: {  	s6 =	rddreg [dreg:$0x0];
	s7 =	simm.s32 $0x1;
	s1 =	sshll.u32 s0, $0x4  }
0x3: {  	s8 =	simm.s32 $0x2;
	s0 =	stileid.u32;
	s1 =	sand.u32 $0x10, s1  }
0x4: {  	s13 =	simm.s32 $0x0;
	s12 =	simm.s32 $0x0;
	s1 =	sor.u32 s0, s1  }
0x5: {  	s10 =	simm.s32 $0x0;
	s11 =	simm.s32 $0x0;
	s2 =	sshll.u32 s1, $0x8  }
0x6: {  	s3 =	sadd.s32 $0x5000, s6;
	s6 =	sadd.s32 $0x105000, s6;
	s5 =	ssub.s32 $0x20000, s2  }
.Ltmp0:
0x7: {  	s1 =	rddreg [dreg:$0x1];
	s4 =	sand.u32 $0x1F00, s5;
	(pc) =	sbr.rel .LBB1_1-.Ltmp0, $4  }
0x8: {  	_ =	strace $0x8000004A;
	s9 =	smov.u32 s2;
	p0 =	sne.s32 s4, $0x0  }
0x9: {  	s5 =	sshrl.u32 s5, $0xD;
	s4 =	simm.s32 $0x1;
	s7 =	simm.s32 @!p0 $0x0  }
0xa: {  	[sflag:s4] =	ssyncpa.u1 $0x0;
	p0 =	por $0x0, $0x0;
	s5 =	sadd.s32 s7, s5  }
0xb: {  	[sflag:s8] =	ssyncpa.u1 $0x0;
	s8 =	simm.s32 $0x80;
	s7 =	sadd.s32 $0x1, s5  }
.LBB1_4:
0xc: {  	_ = 	snop  }
0xd: {  	[tilespmem:s18+$0x1860 ss:$0x41] =	vst.msk $0xffff, v8  }
0xe: {  	[tilespmem:s18+$0x1C70 ss:$0x41] =	vst.msk $0xffff, v7  }
0xf: {  	[tilespmem:s18+$0x2490 ss:$0x41] =	vst.msk $0xffff, v1  }
0x10: {  	s21 =	sor.u32 s24, s23;
	v47 =	vld.idx.msk [tilespmem:v0+s16+$0x470 ss:$0x1], $0xffff;
	[tilespmem:s18+$0x28A0 ss:$0x41] =	vst.msk $0xffff, v2  }
0x11: {  	[tilespmem:s18+$0x2CB0 ss:$0x41] =	vst.msk $0xffff, v3;
	v57 =	vld.idx.msk [tilespmem:v0+s21+$0x410 ss:$0x1], $0xffff  }
0x12: {  	[tilespmem:s18+$0x30C0 ss:$0x41] =	vst.msk $0xffff, v4;
	v58 =	vld.idx.msk [tilespmem:v0+s21+$0x420 ss:$0x1], $0xffff  }
0x13: {  	[tilespmem:s18+$0x34D0 ss:$0x41] =	vst.msk $0xffff, v5;
	v59 =	vld.idx.msk [tilespmem:v0+s21+$0x430 ss:$0x1], $0xffff  }
0x14: {  	s27 =	sshra.s32 s19, $0x2;
	[tilespmem:s18+$0x38E0 ss:$0x41] =	vst.msk $0xffff, v6;
	v60 =	vld.idx.msk [tilespmem:v0+s21+$0x440 ss:$0x1], $0xffff  }
0x15: {  	s22 =	sand.u32 $0x3B00, s21;
	s16 =	sadd.s32 s27, s17;
	v61 =	vld.idx.msk [tilespmem:v0+s21+$0x450 ss:$0x1], $0xffff;
	[tilespmem:s18+$0x3CF0 ss:$0x41] =	vst.msk $0xffff, v47  }
0x16: {  	s20 =	sand.u32 $0x80, s20;
	v62 =	vld.idx.msk [tilespmem:v0+s21+$0x460 ss:$0x1], $0xffff;
	s15 =	sadd.s32 s22, s15;
	[tilespmem:s16+$0x2490 ss:$0x41] =	vst.msk $0xffff, v57  }
0x17: {  	v63 =	vld.idx.msk [tilespmem:v0+s21+$0x470 ss:$0x1], $0xffff;
	s15 =	sadd.s32 s20, s15;
	[tilespmem:s16+$0x28A0 ss:$0x41] =	vst.msk $0xffff, v58  }
0x18: {  	v48 =	vld [tilespmem:s15+$0x400];
	[tilespmem:s16+$0x2CB0 ss:$0x41] =	vst.msk $0xffff, v59  }
0x19: {  	v49 =	vld [tilespmem:s15+$0x0];
	[tilespmem:s16+$0x30C0 ss:$0x41] =	vst.msk $0xffff, v60  }
0x1a: {  	v50 =	vld [tilespmem:s15+$0x10];
	[tilespmem:s16+$0x34D0 ss:$0x41] =	vst.msk $0xffff, v61  }
0x1b: {  	v51 =	vld [tilespmem:s15+$0x20];
	[tilespmem:s16+$0x38E0 ss:$0x41] =	vst.msk $0xffff, v62  }
0x1c: {  	v52 =	vld [tilespmem:s15+$0x30];
	[tilespmem:s16+$0x3CF0 ss:$0x41] =	vst.msk $0xffff, v63  }
0x1d: {  	v53 =	vld [tilespmem:s15+$0x40];
	[tilespmem:s16+$0x2080 ss:$0x41] =	vst.msk $0xffff, v48  }
0x1e: {  	v54 =	vld [tilespmem:s15+$0x50];
	[tilespmem:s16+$0x0 ss:$0x41] =	vst.msk $0xffff, v49  }
0x1f: {  	s13 =	sshll.u32 s13, $0x7;
	s28 =	sshll.u32 s12, $0x3;
	v55 =	vld [tilespmem:s15+$0x60];
	[tilespmem:s16+$0x410 ss:$0x41] =	vst.msk $0xffff, v50  }
0x20: {  	s29 =	sand.u32 $0xFFFC00, s13;
	v56 =	vld [tilespmem:s15+$0x70];
	s15 =	sand.u32 $0xFFFC00, s28;
	[tilespmem:s16+$0x820 ss:$0x41] =	vst.msk $0xffff, v51  }
0x21: {  	s13 =	sand.u32 $0x380, s13;
	s15 =	sadd.s32 s15, s29;
	[tilespmem:s16+$0xC30 ss:$0x41] =	vst.msk $0xffff, v52  }
0x22: {  	s30 =	sshrl.u32 s12, $0x3;
	s13 =	sor.u32 s13, s15;
	[tilespmem:s16+$0x1040 ss:$0x41] =	vst.msk $0xffff, v53  }
0x23: {  	s31 =	sand.u32 $0x7, s12;
	s15 =	sand.u32 $0xF, s30;
	s13 =	sshrl.u32 s13, $0x3;
	[tilespmem:s16+$0x1450 ss:$0x41] =	vst.msk $0xffff, v54  }
0x24: {  	s12 =	sshll.u32 s31, $0x12;
	s15 =	sadd.s32 s6, s15;
	s13 =	sand.u32 $0x1FFFF0, s13;
	[tilespmem:s16+$0x1860 ss:$0x41] =	vst.msk $0xffff, v55  }
0x25: {  	s12 =	sor.u32 $0x40, s12;
	[tilespmem:s16+$0x1C70 ss:$0x41] =	vst.msk $0xffff, v56;
	s13 =	sadd.s32 s13, s15  }
0x26: {  	[hbm4b:s13+s12] =	stream.strided.scatter [tilespmem:s14], [sflag:$0x2], $0x4000, s8, s12, $0x18;
	[tilespmem:$0x10200] =	vst v63  }
.LBB1_5:
0x27: {  	s14 =	sadd.s32 $0x2000, s9  }
0x28: {  	s12 =	sadd.s32 $0x40, s10;
	s16 =	smov.u32 s10;
	p2 =	sgt.s32 s14, $0x1FFFF  }
0x29: {  	s16 =	smov.u32 @p2 s12  }
0x2a: {  	s14 =	smov.u32 @p2 s2;
	p2 =	sgt.s32 s16, $0x3F  }
0x2b: {  	s16 =	simm.s32 @p2 $0x0;
	p2 =	sne.s32 s11, s7  }
.Ltmp1:
0x2c: {  	p1 =	slt.u32 s11, $0x2;
	(pc) =	sbr.rel @!p2 .LBB1_6-.Ltmp1, $4  }
0x2d: {  	s15 =	simm.s32 @!p1 $0x2  }
0x2e: {  	s13 =	smov.u32 s9;
	p0 =	por !p0, !p0;
	_ =	swait.ge @!p1 [sflag:s15], $0x4000  }
0x2f: {  	s12 =	smov.u32 s10;
	[sflag:s15] =	ssyncset.done @!p1 $0x0;
	s9 =	smov.u32 s14  }
0x30: {  	s11 =	sadd.s32 $0x1, s11;
	[sflag:s15] =	ssyncadd.s32 @!p1 $0xFFFFC000;
	s10 =	smov.u32 s16  }
.LBB1_1:
0x31: {  	p1 =	sge.u32 s11, s5;
	s31 =	sadd.s32 $0xFFFFFFFF, s11  }
0x32: {  	s14 =	sand.u32 @!p1 $0x78, s9;
	s15 =	sshll.u32 @!p1 s10, $0x11;
	s16 =	sshll.u32 @!p1 s10, $0x7  }
0x33: {  	s17 =	sshll.u32 @!p1 s9, $0x3;
	s15 =	sand.u32 @!p1 $0x700000, s15;
	s16 =	sand.u32 @!p1 $0x380, s16  }
0x34: {  	s15 =	sadd.s32 @!p1 s15, s17;
	s17 =	sand.u32 @!p1 $0x1FC00, s17;
	s14 =	sor.u32 @!p1 s16, s14  }
0x35: {  	s16 =	sxor.u32 @!p1 $0xFFFFFFFF, s11;
	s15 =	sand.u32 @!p1 $0x7E0000, s15;
	s14 =	sor.u32 @!p1 s17, s14  }
0x36: {  	s16 =	sshll.u32 @!p1 s16, $0xE;
	s14 =	sor.u32 @!p1 s15, s14;
	s15 =	sand.u32 @!p1 $0x7, s9  }
0x37: {  	s17 =	simm.s32 @!p1 $0x100000;
	s14 =	sshrl.u32 @!p1 s14, $0x3;
	s15 =	sshll.u32 @!p1 s15, $0x12  }
0x38: {  	s16 =	sand.u32 @!p1 $0x4000, s16;
	s14 =	sadd.s32 @!p1 s3, s14;
	s15 =	sor.u32 @!p1 $0x800, s15  }
0x39: {  	[tilespmem:s16], [sflag:$0x1] =	stream.strided.gather @!p1 [hbm4b:s14+s15], $0x4000, s17, s15, $0x38;
	[tilespmem:$0x10200] =	vst v63  }
0x3a: {  	p1 =	sge.u32 s31, s5  }
.Ltmp2:
0x3b: {  	_ = 	snop;
	(pc) =	sbr.rel @p1 .LBB1_5-.Ltmp2, $1  }
0x3c: {  	_ =	sdelay $0x3  }
0x3d: {  	s17 =	simm.s32 $0x0  }
0x3e: {  	s16 =	sand.u32 $0x3800, s17;
	s18 =	sand.u32 $0x380, s17  }
0x3f: {  	s14 =	sand.u32 $0x1, s11;
	s16 =	sor.u32 s18, s16  }
0x40: {  	_ =	swait.ge [sflag:s4], $0x4000;
	s15 =	sshll.u32 s14, $0xE;
	s18 =	sand.u32 $0x3B00, s16  }
0x41: {  	[sflag:s4] =	ssyncset.done $0x0;
	s17 =	sand.u32 $0x80, s17;
	s18 =	sadd.s32 s18, s15  }
0x42: {  	[sflag:s4] =	ssyncadd.s32 $0xFFFFC000;
	s20 =	sadd.s32 s17, s18  }
0x43: {  	v4 =	vld [tilespmem:s20+$0x400]  }
0x44: {  	s19 =	simm.s32 $0x1;
	v5 =	vld [tilespmem:s20+$0x0]  }
0x45: {  	s19 =	simm.s32 @!p0 $0x0;
	v6 =	vld [tilespmem:s20+$0x10]  }
0x46: {  	v0 =	vmov s15;
	s31 =	smul.u32 $0x10400, s19;
	v7 =	vld [tilespmem:s20+$0x20]  }
0x47: {  	v9 =	vld [tilespmem:s20+$0x30]  }
0x48: {  	s17 =	sshrl.u32 s31, $0x2;
	v10 =	vld [tilespmem:s20+$0x40]  }
0x49: {  	s17 =	sor.u32 $0x8000, s17;
	v11 =	vld [tilespmem:s20+$0x50]  }
0x4a: {  	v8 =	vld [tilespmem:s20+$0x60];
	s18 =	sadd.s32 $0x0, s17  }
0x4b: {  	v1 =	vld.idx.msk [tilespmem:v0+s16+$0x410 ss:$0x1], $0xffff;
	[tilespmem:s18+$0x2080 ss:$0x41] =	vst.msk $0xffff, v4  }
0x4c: {  	v2 =	vld.idx.msk [tilespmem:v0+s16+$0x420 ss:$0x1], $0xffff;
	[tilespmem:s18+$0x0 ss:$0x41] =	vst.msk $0xffff, v5  }
0x4d: {  	v3 =	vld.idx.msk [tilespmem:v0+s16+$0x430 ss:$0x1], $0xffff;
	[tilespmem:s18+$0x410 ss:$0x41] =	vst.msk $0xffff, v6  }
0x4e: {  	s14 =	smul.u32 $0x10400, s14;
	[tilespmem:s18+$0x820 ss:$0x41] =	vst.msk $0xffff, v7;
	v7 =	vld [tilespmem:s20+$0x70]  }
0x4f: {  	s21 =	simm.s32 $0x100;
	s22 =	simm.s32 $0x8;
	[tilespmem:s18+$0xC30 ss:$0x41] =	vst.msk $0xffff, v9;
	v4 =	vld.idx.msk [tilespmem:v0+s16+$0x440 ss:$0x1], $0xffff  }
0x50: {  	s23 =	sand.u32 $0x3800, s21;
	s14 =	sshrl.u32 s14, $0x2;
	[tilespmem:s18+$0x1040 ss:$0x41] =	vst.msk $0xffff, v10;
	v5 =	vld.idx.msk [tilespmem:v0+s16+$0x450 ss:$0x1], $0xffff;
	s20 =	simm.s32 $0x80  }
0x51: {  	s19 =	simm.s32 $0x4;
	s14 =	sor.u32 $0x8000, s14;
	[tilespmem:s18+$0x1450 ss:$0x41] =	vst.msk $0xffff, v11;
	v6 =	vld.idx.msk [tilespmem:v0+s16+$0x460 ss:$0x1], $0xffff;
	s24 =	sand.u32 $0x380, s20  }
.LBB1_3:
0x52: {  	p1 =	sne.s32 s22, $0xFC;
	[tilespmem:s18+$0x1860 ss:$0x41] =	vst.msk $0xffff, v8;
	v8 =	vld.idx.msk [tilespmem:v0+s16+$0x470 ss:$0x1], $0xffff;
	s16 =	sor.u32 s24, s23  }
0x53: {  	s23 =	sand.u32 $0x3B00, s16;
	v9 =	vld.idx.msk [tilespmem:v0+s16+$0x410 ss:$0x1], $0xffff;
	[tilespmem:s18+$0x1C70 ss:$0x41] =	vst.msk $0xffff, v7  }
0x54: {  	s24 =	sand.u32 $0x80, s20;
	s23 =	sadd.s32 s23, s15;
	v7 =	vld.idx.msk [tilespmem:v0+s16+$0x420 ss:$0x1], $0xffff;
	[tilespmem:s18+$0x2490 ss:$0x41] =	vst.msk $0xffff, v1  }
0x55: {  	s23 =	sadd.s32 s24, s23;
	v10 =	vld.idx.msk [tilespmem:v0+s16+$0x430 ss:$0x1], $0xffff;
	[tilespmem:s18+$0x28A0 ss:$0x41] =	vst.msk $0xffff, v2  }
0x56: {  	v11 =	vld [tilespmem:s23+$0x400];
	[tilespmem:s18+$0x2CB0 ss:$0x41] =	vst.msk $0xffff, v3  }
0x57: {  	v12 =	vld [tilespmem:s23+$0x0];
	[tilespmem:s18+$0x30C0 ss:$0x41] =	vst.msk $0xffff, v4  }
0x58: {  	v4 =	vld [tilespmem:s23+$0x10];
	[tilespmem:s18+$0x34D0 ss:$0x41] =	vst.msk $0xffff, v5  }
0x59: {  	s24 =	sshra.s32 s19, $0x2;
	s19 =	smov.u32 s22;
	v1 =	vmov v9;
	v5 =	vld [tilespmem:s23+$0x20];
	[tilespmem:s18+$0x38E0 ss:$0x41] =	vst.msk $0xffff, v6  }
0x5a: {  	v2 =	vmov v7;
	v6 =	vld [tilespmem:s23+$0x30];
	[tilespmem:s18+$0x3CF0 ss:$0x41] =	vst.msk $0xffff, v8;
	s18 =	sadd.s32 s24, s17  }
0x5b: {  	v3 =	vmov v10;
	v9 =	vld [tilespmem:s23+$0x40];
	[tilespmem:s18+$0x2080 ss:$0x41] =	vst.msk $0xffff, v11  }
0x5c: {  	[tilespmem:s18+$0x0 ss:$0x41] =	vst.msk $0xffff, v12;
	v10 =	vld [tilespmem:s23+$0x50]  }
.Ltmp3:
0x5d: {  	[tilespmem:s18+$0x410 ss:$0x41] =	vst.msk $0xffff, v4;
	v8 =	vld [tilespmem:s23+$0x60];
	(pc) =	sbr.rel @p1 .LBB1_3-.Ltmp3, $4  }
0x5e: {  	[tilespmem:s18+$0x820 ss:$0x41] =	vst.msk $0xffff, v5;
	v7 =	vld [tilespmem:s23+$0x70]  }
0x5f: {  	[tilespmem:s18+$0xC30 ss:$0x41] =	vst.msk $0xffff, v6;
	v4 =	vld.idx.msk [tilespmem:v0+s16+$0x440 ss:$0x1], $0xffff  }
0x60: {  	s20 =	sadd.s32 $0x80, s20;
	s21 =	sadd.s32 $0x100, s21;
	[tilespmem:s18+$0x1040 ss:$0x41] =	vst.msk $0xffff, v9;
	v5 =	vld.idx.msk [tilespmem:v0+s16+$0x450 ss:$0x1], $0xffff  }
0x61: {  	s22 =	sadd.s32 $0x4, s22;
	s24 =	sand.u32 $0x380, s20;
	s23 =	sand.u32 $0x3800, s21;
	[tilespmem:s18+$0x1450 ss:$0x41] =	vst.msk $0xffff, v10;
	v6 =	vld.idx.msk [tilespmem:v0+s16+$0x460 ss:$0x1], $0xffff  }
.Ltmp4:
0x62: {  	_ = 	snop;
	(pc) =	sbr.rel .LBB1_4-.Ltmp4, $1  }
0x63: {  	_ =	sdelay $0x3  }
.LBB1_6:
0x64: {  	_ =	sfence.sel $0x180000  }
0x65: {  	s2 =	simm.s32 $0x1;
	[bflag:$0x0] =	sbarrier.arrive $0xFFFF  }
0x66: {  	s31 =	simm.s32 $0x2;
	[sflag:s2] =	ssyncpa.u1 $0x1  }
0x67: {  	[sflag:s31] =	ssyncpa.u1 $0x1  }
0x68: {  	p0 =	sne.s32 s0, $0x0;
	_ =	strace $0x9000004A  }
0x69: {  	s0 =	sadd.s32 @!p0 $0x100000, s1;
	[bflag:$0x2] =	sbarrier.arrive $0xFFFF  }
0x6a: {  	[sflag:s0] =	ssyncadd.tile.s32 @!p0 $0x1;
	_ =	shalt  }
.Lfunc_end1:
_tile_overlayer_lowered:
.L_overlay_start_2:
0x6b: {  	(tag) =	ssettag $0x2  }
0x6c: {  	s0 =	rddreg [dreg:$0x0];
	s2 =	stileid.u32  }
0x6d: {  	s1 =	rddreg [dreg:$0x1];
	p0 =	sne.s32 s2, $0x0  }
0x6e: {  	s3 =	rddreg [dreg:$0x2];
	[bflag:$0x3] =	sbarrier.arrive $0xFFFF;
	s2 =	simm.s32 @!p0 $0x1C01  }
0x6f: {  	[timem:s3], [sflag:s2] =	dma.local @!p0 [hbm:s0], s1  }
0x70: {  	s0 =	simm.s32 @!p0 $0x1  }
0x71: {  	_ =	swait.ge @!p0 [sflag:s0], s1  }
0x72: {  	s1 =	ssub.s32 @!p0 $0x0, s1;
	[sflag:s0] =	ssyncset.done @!p0 $0x0  }
0x73: {  	[sflag:s0] =	ssyncadd.s32 @!p0 s1  }
0x74: {  	[bflag:$0x3] =	sbarrier.arrive $0xFFFF  }
0x75: {  	_ =	shalt  }

// kernel: sparse-core-data-format-call.cloned.1.call-start
scs
called_computation_lowered:
.L_overlay_start_0:
0x0: {  	s1 =	sld [smem:$0x3FD9]  }
0x1: {  	s2 =	sld [smem:$0x3FFE];
	_ =	sdelay $0x1  }
0x2: {  	s3 =	srdreg.scid  }
0x3: {  	s0 =	sand.u32 $0x1, s3  }
0x4: {  	s17 =	sshll.u32 s0, $0xA;
	s1 =	sadd.s32 s2, s1  }
0x5: {  	s1 =	sadd.s32 s1, s17  }
0x6: {  	[smem:$0x3FB0] =	sst s1  }
0x7: {  	_ = 	snop  }
0x8: {  	(tm) =	ssettm $0x1  }
0x9: {  	s18 =	sld [smem:$0x3FFB];
	_ =	sdelay $0x3  }
0xa: {  	_ =	strace s18  }
0xb: {  	s1 =	sld [smem:$0x3FFC];
	_ =	sdelay $0x3  }
0xc: {  	_ =	strace s1  }
0xd: {  	s1 =	sld [smem:$0x3FFD];
	_ =	sdelay $0x3  }
0xe: {  	_ =	strace s1  }
0xf: {  	_ =	strace $0x8FFFFFFF  }
0x10: {  	s19 =	sld [smem:$0x3FDB];
	_ =	sdelay $0x1  }
0x11: {  	s20 =	simm.s32 $_scs_section_size  }
0x12: {  	s4 =	simm.s32 $_size__tile_overlayer_lowered;
	s5 =	simm.s32 $_tile_overlayer_lowered  }
0x13: {  	s23 =	simm.s32 $0x1BFF;
	s22 =	sshll.u32 s5, $0x1;
	s1 =	sadd.s32 s20, s19  }
0x14: {  	s6 =	simm.s32 $0x0;
	s21 =	sshll.u32 s4, $0x1;
	s4 =	sadd.s32 s22, s1  }
0x15: {  	[timem:s6], [sflag:s23] =	dma.local [hbm:s4], s21  }
0x16: {  	_ =	swait.ge [sflag:s23], s21  }
0x17: {  	s2 =	ssub.s32 $0x0, s21;
	[sflag:s23] =	ssyncset.done $0x0  }
0x18: {  	[sflag:s23] =	ssyncadd.s32 s2;
	_ =	sdelay $0x1  }
0x19: {  	s24 =	simm.s32 $0x1B8B  }
0x1a: {  	_ =	swait.ge [sflag:s24], $0x1  }
0x1b: {  	[sflag:s24] =	ssyncset.done $0x0  }
0x1c: {  	s26 =	simm.s32 $0x1B8E;
	s25 =	sld [smem:$0x3FFE];
	[sflag:s24] =	ssyncadd.s32 $0xFFFFFFFF  }
0x1d: {  	s27 =	simm.s32 $execute0_lowered;
	[smem:$0x3FD2] =	sst s26  }
0x1e: {  	s4 =	sshll.u32 s27, $0x1;
	_ =	strace $0x8000006D;
	[dreg:$0x1] =	wrdreg $0xFFFFFFFF  }
0x1f: {  	s28 =	simm.s32 $_size_execute0_lowered;
	s1 =	sadd.s32 s1, s4;
	[dreg:$0x0] =	wrdreg $0x0  }
0x20: {  	s4 =	sshll.u32 s28, $0x1;
	[dreg:$0x2] =	wrdreg s1  }
0x21: {  	[dreg:$0x3] =	wrdreg s4  }
0x22: {  	[dreg:$0x4] =	wrdreg $0xC0  }
0x23: {  	_ =	task [dreg:s6], $0x5FFFF  }
0x24: {  	[dreg:$0x1] =	wrdreg $0xFFFFFFFF  }
0x25: {  	[dreg:$0x0] =	wrdreg $0x60  }
0x26: {  	[dreg:$0x2] =	wrdreg s25  }
0x27: {  	[dreg:$0x3] =	wrdreg $0x9  }
0x28: {  	_ =	task.clear_ibuf [dreg:s6], $0x4FFFF;
	_ =	strace $0x9000006D  }
0x29: {  	s29 =	simm.s32 $0x9;
	_ =	strace $0x8000006F  }
0x2a: {  	_ =	swait.ge [sflag:s29], $0x1  }
0x2b: {  	[sflag:s29] =	ssyncadd.s32 $0xFFFFFFFF  }
0x2c: {  	_ =	strace $0x9000006F  }
0x2d: {  	_ =	sfence  }
0x2e: {  	s30 =	sld [smem:$0x0];
	_ =	sdelay $0x2  }
0x2f: {  	s31 =	sshll.u32 s3, $0xD;
	s3 =	sshrl.u32 s3, $0x2  }
0x30: {  	s2 =	sand.u32 $0x4000, s31;
	s1 =	sadd.s32 s3, s30  }
0x31: {  	s0 =	sor.u32 s2, s0;
	s1 =	sshll.u32 s1, $0x11  }
0x32: {  	s0 =	sor.u32 s1, s0  }
0x33: {  	s0 =	sadd.s32 $0x8F2B, s0  }
0x34: {  	[sflag:s0] =	ssyncadd.remote.s32 $0x1  }
0x35: {  	_ =	sfence.sel $0xFFFF  }
0x36: {  	[dreg:$0x0] =	wrdreg $0xFFFFFFFF;
	(pc) =	sbr.abs _section_cstart, $3  }
0x37: {  	[dreg:$0x1] =	wrdreg $0xFFFFFFFF  }
0x38: {  	_ =	task.clear_ibuf [dreg:s6], $0x2FFFF;
	_ =	strace $0x9FFFFFFF  }
0x39: {  	(tm) =	ssettm $0x7FFFFFFF  }
tec
execute0_lowered:
.L_overlay_start_1:
0x0: {  	(tag) =	ssettag $0x1  }
0x1: {  	s0 =	srdreg.scid  }
0x2: {  	s6 =	rddreg [dreg:$0x0];
	s7 =	simm.s32 $0x1;
	s1 =	sshll.u32 s0, $0x4  }
0x3: {  	s8 =	simm.s32 $0x2;
	s0 =	stileid.u32;
	s1 =	sand.u32 $0x10, s1  }
0x4: {  	s13 =	simm.s32 $0x0;
	s12 =	simm.s32 $0x0;
	s1 =	sor.u32 s0, s1  }
0x5: {  	s10 =	simm.s32 $0x0;
	s11 =	simm.s32 $0x0;
	s2 =	sshll.u32 s1, $0x8  }
0x6: {  	s3 =	sadd.s32 $0xC5000, s6;
	s6 =	sadd.s32 $0x1C5000, s6;
	s5 =	ssub.s32 $0x20000, s2  }
.Ltmp0:
0x7: {  	s1 =	rddreg [dreg:$0x1];
	s4 =	sand.u32 $0x1F00, s5;
	(pc) =	sbr.rel .LBB1_1-.Ltmp0, $4  }
0x8: {  	_ =	strace $0x8000006E;
	s9 =	smov.u32 s2;
	p0 =	sne.s32 s4, $0x0  }
0x9: {  	s5 =	sshrl.u32 s5, $0xD;
	s4 =	simm.s32 $0x1;
	s7 =	simm.s32 @!p0 $0x0  }
0xa: {  	[sflag:s4] =	ssyncpa.u1 $0x0;
	p0 =	por $0x0, $0x0;
	s5 =	sadd.s32 s7, s5  }
0xb: {  	[sflag:s8] =	ssyncpa.u1 $0x0;
	s8 =	simm.s32 $0x80;
	s7 =	sadd.s32 $0x1, s5  }
.LBB1_4:
0xc: {  	_ = 	snop  }
0xd: {  	[tilespmem:s18+$0x1860 ss:$0x41] =	vst.msk $0xffff, v8  }
0xe: {  	[tilespmem:s18+$0x1C70 ss:$0x41] =	vst.msk $0xffff, v7  }
0xf: {  	[tilespmem:s18+$0x2490 ss:$0x41] =	vst.msk $0xffff, v1  }
0x10: {  	s21 =	sor.u32 s24, s23;
	v47 =	vld.idx.msk [tilespmem:v0+s16+$0x470 ss:$0x1], $0xffff;
	[tilespmem:s18+$0x28A0 ss:$0x41] =	vst.msk $0xffff, v2  }
0x11: {  	[tilespmem:s18+$0x2CB0 ss:$0x41] =	vst.msk $0xffff, v3;
	v57 =	vld.idx.msk [tilespmem:v0+s21+$0x410 ss:$0x1], $0xffff  }
0x12: {  	[tilespmem:s18+$0x30C0 ss:$0x41] =	vst.msk $0xffff, v4;
	v58 =	vld.idx.msk [tilespmem:v0+s21+$0x420 ss:$0x1], $0xffff  }
0x13: {  	[tilespmem:s18+$0x34D0 ss:$0x41] =	vst.msk $0xffff, v5;
	v59 =	vld.idx.msk [tilespmem:v0+s21+$0x430 ss:$0x1], $0xffff  }
0x14: {  	s27 =	sshra.s32 s19, $0x2;
	[tilespmem:s18+$0x38E0 ss:$0x41] =	vst.msk $0xffff, v6;
	v60 =	vld.idx.msk [tilespmem:v0+s21+$0x440 ss:$0x1], $0xffff  }
0x15: {  	s22 =	sand.u32 $0x3B00, s21;
	s16 =	sadd.s32 s27, s17;
	v61 =	vld.idx.msk [tilespmem:v0+s21+$0x450 ss:$0x1], $0xffff;
	[tilespmem:s18+$0x3CF0 ss:$0x41] =	vst.msk $0xffff, v47  }
0x16: {  	s20 =	sand.u32 $0x80, s20;
	v62 =	vld.idx.msk [tilespmem:v0+s21+$0x460 ss:$0x1], $0xffff;
	s15 =	sadd.s32 s22, s15;
	[tilespmem:s16+$0x2490 ss:$0x41] =	vst.msk $0xffff, v57  }
0x17: {  	v63 =	vld.idx.msk [tilespmem:v0+s21+$0x470 ss:$0x1], $0xffff;
	s15 =	sadd.s32 s20, s15;
	[tilespmem:s16+$0x28A0 ss:$0x41] =	vst.msk $0xffff, v58  }
0x18: {  	v48 =	vld [tilespmem:s15+$0x400];
	[tilespmem:s16+$0x2CB0 ss:$0x41] =	vst.msk $0xffff, v59  }
0x19: {  	v49 =	vld [tilespmem:s15+$0x0];
	[tilespmem:s16+$0x30C0 ss:$0x41] =	vst.msk $0xffff, v60  }
0x1a: {  	v50 =	vld [tilespmem:s15+$0x10];
	[tilespmem:s16+$0x34D0 ss:$0x41] =	vst.msk $0xffff, v61  }
0x1b: {  	v51 =	vld [tilespmem:s15+$0x20];
	[tilespmem:s16+$0x38E0 ss:$0x41] =	vst.msk $0xffff, v62  }
0x1c: {  	v52 =	vld [tilespmem:s15+$0x30];
	[tilespmem:s16+$0x3CF0 ss:$0x41] =	vst.msk $0xffff, v63  }
0x1d: {  	v53 =	vld [tilespmem:s15+$0x40];
	[tilespmem:s16+$0x2080 ss:$0x41] =	vst.msk $0xffff, v48  }
0x1e: {  	v54 =	vld [tilespmem:s15+$0x50];
	[tilespmem:s16+$0x0 ss:$0x41] =	vst.msk $0xffff, v49  }
0x1f: {  	s13 =	sshll.u32 s13, $0x7;
	s28 =	sshll.u32 s12, $0x3;
	v55 =	vld [tilespmem:s15+$0x60];
	[tilespmem:s16+$0x410 ss:$0x41] =	vst.msk $0xffff, v50  }
0x20: {  	s29 =	sand.u32 $0xFFFC00, s13;
	v56 =	vld [tilespmem:s15+$0x70];
	s15 =	sand.u32 $0xFFFC00, s28;
	[tilespmem:s16+$0x820 ss:$0x41] =	vst.msk $0xffff, v51  }
0x21: {  	s13 =	sand.u32 $0x380, s13;
	s15 =	sadd.s32 s15, s29;
	[tilespmem:s16+$0xC30 ss:$0x41] =	vst.msk $0xffff, v52  }
0x22: {  	s30 =	sshrl.u32 s12, $0x3;
	s13 =	sor.u32 s13, s15;
	[tilespmem:s16+$0x1040 ss:$0x41] =	vst.msk $0xffff, v53  }
0x23: {  	s31 =	sand.u32 $0x7, s12;
	s15 =	sand.u32 $0xF, s30;
	s13 =	sshrl.u32 s13, $0x3;
	[tilespmem:s16+$0x1450 ss:$0x41] =	vst.msk $0xffff, v54  }
0x24: {  	s12 =	sshll.u32 s31, $0x12;
	s15 =	sadd.s32 s6, s15;
	s13 =	sand.u32 $0x1FFFF0, s13;
	[tilespmem:s16+$0x1860 ss:$0x41] =	vst.msk $0xffff, v55  }
0x25: {  	s12 =	sor.u32 $0x40, s12;
	[tilespmem:s16+$0x1C70 ss:$0x41] =	vst.msk $0xffff, v56;
	s13 =	sadd.s32 s13, s15  }
0x26: {  	[hbm4b:s13+s12] =	stream.strided.scatter [tilespmem:s14], [sflag:$0x2], $0x4000, s8, s12, $0x18;
	[tilespmem:$0x10200] =	vst v63  }
.LBB1_5:
0x27: {  	s14 =	sadd.s32 $0x2000, s9  }
0x28: {  	s12 =	sadd.s32 $0x40, s10;
	s16 =	smov.u32 s10;
	p2 =	sgt.s32 s14, $0x1FFFF  }
0x29: {  	s16 =	smov.u32 @p2 s12  }
0x2a: {  	s14 =	smov.u32 @p2 s2;
	p2 =	sgt.s32 s16, $0x3F  }
0x2b: {  	s16 =	simm.s32 @p2 $0x0;
	p2 =	sne.s32 s11, s7  }
.Ltmp1:
0x2c: {  	p1 =	slt.u32 s11, $0x2;
	(pc) =	sbr.rel @!p2 .LBB1_6-.Ltmp1, $4  }
0x2d: {  	s15 =	simm.s32 @!p1 $0x2  }
0x2e: {  	s13 =	smov.u32 s9;
	p0 =	por !p0, !p0;
	_ =	swait.ge @!p1 [sflag:s15], $0x4000  }
0x2f: {  	s12 =	smov.u32 s10;
	[sflag:s15] =	ssyncset.done @!p1 $0x0;
	s9 =	smov.u32 s14  }
0x30: {  	s11 =	sadd.s32 $0x1, s11;
	[sflag:s15] =	ssyncadd.s32 @!p1 $0xFFFFC000;
	s10 =	smov.u32 s16  }
.LBB1_1:
0x31: {  	p1 =	sge.u32 s11, s5;
	s31 =	sadd.s32 $0xFFFFFFFF, s11  }
0x32: {  	s14 =	sand.u32 @!p1 $0x78, s9;
	s15 =	sshll.u32 @!p1 s10, $0x11;
	s16 =	sshll.u32 @!p1 s10, $0x7  }
0x33: {  	s17 =	sshll.u32 @!p1 s9, $0x3;
	s15 =	sand.u32 @!p1 $0x700000, s15;
	s16 =	sand.u32 @!p1 $0x380, s16  }
0x34: {  	s15 =	sadd.s32 @!p1 s15, s17;
	s17 =	sand.u32 @!p1 $0x1FC00, s17;
	s14 =	sor.u32 @!p1 s16, s14  }
0x35: {  	s16 =	sxor.u32 @!p1 $0xFFFFFFFF, s11;
	s15 =	sand.u32 @!p1 $0x7E0000, s15;
	s14 =	sor.u32 @!p1 s17, s14  }
0x36: {  	s16 =	sshll.u32 @!p1 s16, $0xE;
	s14 =	sor.u32 @!p1 s15, s14;
	s15 =	sand.u32 @!p1 $0x7, s9  }
0x37: {  	s17 =	simm.s32 @!p1 $0x100000;
	s14 =	sshrl.u32 @!p1 s14, $0x3;
	s15 =	sshll.u32 @!p1 s15, $0x12  }
0x38: {  	s16 =	sand.u32 @!p1 $0x4000, s16;
	s14 =	sadd.s32 @!p1 s3, s14;
	s15 =	sor.u32 @!p1 $0x800, s15  }
0x39: {  	[tilespmem:s16], [sflag:$0x1] =	stream.strided.gather @!p1 [hbm4b:s14+s15], $0x4000, s17, s15, $0x38;
	[tilespmem:$0x10200] =	vst v63  }
0x3a: {  	p1 =	sge.u32 s31, s5  }
.Ltmp2:
0x3b: {  	_ = 	snop;
	(pc) =	sbr.rel @p1 .LBB1_5-.Ltmp2, $1  }
0x3c: {  	_ =	sdelay $0x3  }
0x3d: {  	s17 =	simm.s32 $0x0  }
0x3e: {  	s16 =	sand.u32 $0x3800, s17;
	s18 =	sand.u32 $0x380, s17  }
0x3f: {  	s14 =	sand.u32 $0x1, s11;
	s16 =	sor.u32 s18, s16  }
0x40: {  	_ =	swait.ge [sflag:s4], $0x4000;
	s15 =	sshll.u32 s14, $0xE;
	s18 =	sand.u32 $0x3B00, s16  }
0x41: {  	[sflag:s4] =	ssyncset.done $0x0;
	s17 =	sand.u32 $0x80, s17;
	s18 =	sadd.s32 s18, s15  }
0x42: {  	[sflag:s4] =	ssyncadd.s32 $0xFFFFC000;
	s20 =	sadd.s32 s17, s18  }
0x43: {  	v4 =	vld [tilespmem:s20+$0x400]  }
0x44: {  	s19 =	simm.s32 $0x1;
	v5 =	vld [tilespmem:s20+$0x0]  }
0x45: {  	s19 =	simm.s32 @!p0 $0x0;
	v6 =	vld [tilespmem:s20+$0x10]  }
0x46: {  	v0 =	vmov s15;
	s31 =	smul.u32 $0x10400, s19;
	v7 =	vld [tilespmem:s20+$0x20]  }
0x47: {  	v9 =	vld [tilespmem:s20+$0x30]  }
0x48: {  	s17 =	sshrl.u32 s31, $0x2;
	v10 =	vld [tilespmem:s20+$0x40]  }
0x49: {  	s17 =	sor.u32 $0x8000, s17;
	v11 =	vld [tilespmem:s20+$0x50]  }
0x4a: {  	v8 =	vld [tilespmem:s20+$0x60];
	s18 =	sadd.s32 $0x0, s17  }
0x4b: {  	v1 =	vld.idx.msk [tilespmem:v0+s16+$0x410 ss:$0x1], $0xffff;
	[tilespmem:s18+$0x2080 ss:$0x41] =	vst.msk $0xffff, v4  }
0x4c: {  	v2 =	vld.idx.msk [tilespmem:v0+s16+$0x420 ss:$0x1], $0xffff;
	[tilespmem:s18+$0x0 ss:$0x41] =	vst.msk $0xffff, v5  }
0x4d: {  	v3 =	vld.idx.msk [tilespmem:v0+s16+$0x430 ss:$0x1], $0xffff;
	[tilespmem:s18+$0x410 ss:$0x41] =	vst.msk $0xffff, v6  }
0x4e: {  	s14 =	smul.u32 $0x10400, s14;
	[tilespmem:s18+$0x820 ss:$0x41] =	vst.msk $0xffff, v7;
	v7 =	vld [tilespmem:s20+$0x70]  }
0x4f: {  	s21 =	simm.s32 $0x100;
	s22 =	simm.s32 $0x8;
	[tilespmem:s18+$0xC30 ss:$0x41] =	vst.msk $0xffff, v9;
	v4 =	vld.idx.msk [tilespmem:v0+s16+$0x440 ss:$0x1], $0xffff  }
0x50: {  	s23 =	sand.u32 $0x3800, s21;
	s14 =	sshrl.u32 s14, $0x2;
	[tilespmem:s18+$0x1040 ss:$0x41] =	vst.msk $0xffff, v10;
	v5 =	vld.idx.msk [tilespmem:v0+s16+$0x450 ss:$0x1], $0xffff;
	s20 =	simm.s32 $0x80  }
0x51: {  	s19 =	simm.s32 $0x4;
	s14 =	sor.u32 $0x8000, s14;
	[tilespmem:s18+$0x1450 ss:$0x41] =	vst.msk $0xffff, v11;
	v6 =	vld.idx.msk [tilespmem:v0+s16+$0x460 ss:$0x1], $0xffff;
	s24 =	sand.u32 $0x380, s20  }
.LBB1_3:
0x52: {  	p1 =	sne.s32 s22, $0xFC;
	[tilespmem:s18+$0x1860 ss:$0x41] =	vst.msk $0xffff, v8;
	v8 =	vld.idx.msk [tilespmem:v0+s16+$0x470 ss:$0x1], $0xffff;
	s16 =	sor.u32 s24, s23  }
0x53: {  	s23 =	sand.u32 $0x3B00, s16;
	v9 =	vld.idx.msk [tilespmem:v0+s16+$0x410 ss:$0x1], $0xffff;
	[tilespmem:s18+$0x1C70 ss:$0x41] =	vst.msk $0xffff, v7  }
0x54: {  	s24 =	sand.u32 $0x80, s20;
	s23 =	sadd.s32 s23, s15;
	v7 =	vld.idx.msk [tilespmem:v0+s16+$0x420 ss:$0x1], $0xffff;
	[tilespmem:s18+$0x2490 ss:$0x41] =	vst.msk $0xffff, v1  }
0x55: {  	s23 =	sadd.s32 s24, s23;
	v10 =	vld.idx.msk [tilespmem:v0+s16+$0x430 ss:$0x1], $0xffff;
	[tilespmem:s18+$0x28A0 ss:$0x41] =	vst.msk $0xffff, v2  }
0x56: {  	v11 =	vld [tilespmem:s23+$0x400];
	[tilespmem:s18+$0x2CB0 ss:$0x41] =	vst.msk $0xffff, v3  }
0x57: {  	v12 =	vld [tilespmem:s23+$0x0];
	[tilespmem:s18+$0x30C0 ss:$0x41] =	vst.msk $0xffff, v4  }
0x58: {  	v4 =	vld [tilespmem:s23+$0x10];
	[tilespmem:s18+$0x34D0 ss:$0x41] =	vst.msk $0xffff, v5  }
0x59: {  	s24 =	sshra.s32 s19, $0x2;
	s19 =	smov.u32 s22;
	v1 =	vmov v9;
	v5 =	vld [tilespmem:s23+$0x20];
	[tilespmem:s18+$0x38E0 ss:$0x41] =	vst.msk $0xffff, v6  }
0x5a: {  	v2 =	vmov v7;
	v6 =	vld [tilespmem:s23+$0x30];
	[tilespmem:s18+$0x3CF0 ss:$0x41] =	vst.msk $0xffff, v8;
	s18 =	sadd.s32 s24, s17  }
0x5b: {  	v3 =	vmov v10;
	v9 =	vld [tilespmem:s23+$0x40];
	[tilespmem:s18+$0x2080 ss:$0x41] =	vst.msk $0xffff, v11  }
0x5c: {  	[tilespmem:s18+$0x0 ss:$0x41] =	vst.msk $0xffff, v12;
	v10 =	vld [tilespmem:s23+$0x50]  }
.Ltmp3:
0x5d: {  	[tilespmem:s18+$0x410 ss:$0x41] =	vst.msk $0xffff, v4;
	v8 =	vld [tilespmem:s23+$0x60];
	(pc) =	sbr.rel @p1 .LBB1_3-.Ltmp3, $4  }
0x5e: {  	[tilespmem:s18+$0x820 ss:$0x41] =	vst.msk $0xffff, v5;
	v7 =	vld [tilespmem:s23+$0x70]  }
0x5f: {  	[tilespmem:s18+$0xC30 ss:$0x41] =	vst.msk $0xffff, v6;
	v4 =	vld.idx.msk [tilespmem:v0+s16+$0x440 ss:$0x1], $0xffff  }
0x60: {  	s20 =	sadd.s32 $0x80, s20;
	s21 =	sadd.s32 $0x100, s21;
	[tilespmem:s18+$0x1040 ss:$0x41] =	vst.msk $0xffff, v9;
	v5 =	vld.idx.msk [tilespmem:v0+s16+$0x450 ss:$0x1], $0xffff  }
0x61: {  	s22 =	sadd.s32 $0x4, s22;
	s24 =	sand.u32 $0x380, s20;
	s23 =	sand.u32 $0x3800, s21;
	[tilespmem:s18+$0x1450 ss:$0x41] =	vst.msk $0xffff, v10;
	v6 =	vld.idx.msk [tilespmem:v0+s16+$0x460 ss:$0x1], $0xffff  }
.Ltmp4:
0x62: {  	_ = 	snop;
	(pc) =	sbr.rel .LBB1_4-.Ltmp4, $1  }
0x63: {  	_ =	sdelay $0x3  }
.LBB1_6:
0x64: {  	_ =	sfence.sel $0x180000  }
0x65: {  	s2 =	simm.s32 $0x1;
	[bflag:$0x0] =	sbarrier.arrive $0xFFFF  }
0x66: {  	s31 =	simm.s32 $0x2;
	[sflag:s2] =	ssyncpa.u1 $0x1  }
0x67: {  	[sflag:s31] =	ssyncpa.u1 $0x1  }
0x68: {  	p0 =	sne.s32 s0, $0x0;
	_ =	strace $0x9000006E  }
0x69: {  	s0 =	sadd.s32 @!p0 $0x100000, s1;
	[bflag:$0x2] =	sbarrier.arrive $0xFFFF  }
0x6a: {  	[sflag:s0] =	ssyncadd.tile.s32 @!p0 $0x1;
	_ =	shalt  }
.Lfunc_end1:
_tile_overlayer_lowered:
.L_overlay_start_2:
0x6b: {  	(tag) =	ssettag $0x2  }
0x6c: {  	s0 =	rddreg [dreg:$0x0];
	s2 =	stileid.u32  }
0x6d: {  	s1 =	rddreg [dreg:$0x1];
	p0 =	sne.s32 s2, $0x0  }
0x6e: {  	s3 =	rddreg [dreg:$0x2];
	[bflag:$0x3] =	sbarrier.arrive $0xFFFF;
	s2 =	simm.s32 @!p0 $0x1C01  }
0x6f: {  	[timem:s3], [sflag:s2] =	dma.local @!p0 [hbm:s0], s1  }
0x70: {  	s0 =	simm.s32 @!p0 $0x1  }
0x71: {  	_ =	swait.ge @!p0 [sflag:s0], s1  }
0x72: {  	s1 =	ssub.s32 @!p0 $0x0, s1;
	[sflag:s0] =	ssyncset.done @!p0 $0x0  }
0x73: {  	[sflag:s0] =	ssyncadd.s32 @!p0 s1  }
0x74: {  	[bflag:$0x3] =	sbarrier.arrive $0xFFFF  }
0x75: {  	_ =	shalt  }

</sc_bundles>
